<compile_context>
chip_gen: v7x
topology: tpu7x:2x2x1
jax: 0.10.2.dev20260603
libtpu: 0.0.44.dev20260713+nightly
codegen_flags: <defaults>
</compile_context>

<pallas_src>
import functools

import jax
import jax.numpy as jnp
from jax import lax
from jax.experimental import pallas as pl
from jax.experimental.pallas import tpu as pltpu
from jax.experimental.pallas import tpu_sc as plsc

D_MODEL = 128
PE_ROWS = 1000
CHUNK = 128
LANES = 16
NBUF = 5


def _pe_lookup_body(boxes_hbm, pe_hbm, out_hbm, *scr, rows_per_worker):
    rx = scr[0:NBUF]
    bv = scr[NBUF:2 * NBUF]
    xidx = scr[2 * NBUF:3 * NBUF]
    yidx = scr[3 * NBUF:4 * NBUF]
    pe_sh = scr[4 * NBUF]
    semx = scr[4 * NBUF + 1:5 * NBUF + 1]
    semy = scr[5 * NBUF + 1:6 * NBUF + 1]
    semo = scr[6 * NBUF + 1:7 * NBUF + 1]
    semb = scr[7 * NBUF + 1:8 * NBUF + 1]

    nc = 2
    sid = lax.axis_index("s")
    wid = sid * nc + lax.axis_index("c")
    chunks = rows_per_worker // CHUNK
    row0 = wid * rows_per_worker

    @pl.when(sid == 0)
    def _stage_pe():
        pltpu.sync_copy(pe_hbm, pe_sh)

    plsc.subcore_barrier()

    max_idx = jnp.float32(PE_ROWS - 1)
    lo = jnp.zeros((LANES,), jnp.int32)
    hi = jnp.full((LANES,), PE_ROWS - 1, jnp.int32)

    def start_boxes(t, j):
        return pltpu.async_copy(
            boxes_hbm.at[:, pl.ds(row0 + t * CHUNK, CHUNK)], bv[j], semb[j])

    def wait_boxes(j):
        pltpu.make_async_copy(
            boxes_hbm.at[:, pl.ds(0, CHUNK)], bv[j], semb[j]).wait()

    def compute_idx(j):
        for i in range(CHUNK // LANES):
            sl = pl.ds(i * LANES, LANES)
            b0 = bv[j][0, sl]
            b1 = bv[j][1, sl]
            b2 = bv[j][2, sl]
            b3 = bv[j][3, sl]
            ix = (((b0 + b2) * jnp.float32(0.5)) * max_idx).astype(jnp.int32)
            iy = (((b1 + b3) * jnp.float32(0.5)) * max_idx).astype(jnp.int32)
            xidx[j][sl] = jnp.minimum(jnp.maximum(ix, lo), hi)
            yidx[j][sl] = jnp.minimum(jnp.maximum(iy, lo), hi)

    def start_gather_x(j):
        return pltpu.async_copy(pe_sh.at[xidx[j]], rx[j], semx[j])

    def wait_gather_x(j):
        pltpu.make_async_copy(pe_sh.at[xidx[j]], rx[j], semx[j]).wait()

    for k in range(4):
        start_boxes(k, k)
    wait_boxes(0)
    compute_idx(0)
    wait_boxes(1)
    compute_idx(1)
    start_gather_x(0)

    def outer(g, carry):
        for j in range(NBUF):
            t = g * NBUF + j

            wait_gather_x(j)
            cy = pltpu.async_copy(pe_sh.at[yidx[j]], rx[j], semy[j], add=True)

            jn = (j + 1) % NBUF

            @pl.when(t + 1 < chunks)
            def _next_x():
                @pl.when(t + 1 >= NBUF)
                def _free():
                    pltpu.make_async_copy(
                        rx[jn], out_hbm.at[pl.ds(0, CHUNK)], semo[jn]).wait()
                start_gather_x(jn)

            j2 = (j + 2) % NBUF
            j4 = (j + 4) % NBUF

            @pl.when(t + 2 < chunks)
            def _ahead():
                wait_boxes(j2)
                compute_idx(j2)

                @pl.when(t + 4 < chunks)
                def _pref():
                    start_boxes(t + 4, j4)

            cy.wait()
            pltpu.async_copy(
                rx[j], out_hbm.at[pl.ds(row0 + t * CHUNK, CHUNK)], semo[j])
        return carry

    lax.fori_loop(0, chunks // NBUF, outer, 0)

    for j in range(NBUF):
        pltpu.make_async_copy(
            rx[j], out_hbm.at[pl.ds(0, CHUNK)], semo[j]).wait()


def kernel(boxes, pe):
    bsz, seq, _ = boxes.shape
    n = bsz * seq
    num_workers = 32
    rows_per_worker = n // num_workers
    chunks = rows_per_worker // CHUNK
    assert n == num_workers * rows_per_worker
    assert chunks % NBUF == 0 and chunks >= 2 * NBUF

    boxes_planes = boxes.transpose(2, 0, 1).reshape(4, n)
    mesh = plsc.VectorSubcoreMesh(core_axis_name="c", subcore_axis_name="s")
    k = pl.kernel(
        functools.partial(_pe_lookup_body, rows_per_worker=rows_per_worker),
        out_type=jax.ShapeDtypeStruct((n, D_MODEL), jnp.float32),
        mesh=mesh,
        scratch_types=(
            [pltpu.VMEM((CHUNK, D_MODEL), jnp.float32)] * NBUF
            + [pltpu.VMEM((4, CHUNK), jnp.float32)] * NBUF
            + [pltpu.VMEM((CHUNK,), jnp.int32)] * NBUF
            + [pltpu.VMEM((CHUNK,), jnp.int32)] * NBUF
            + [pltpu.VMEM_SHARED((PE_ROWS, D_MODEL), jnp.float32)]
            + [pltpu.SemaphoreType.DMA] * (4 * NBUF)
        ),
    )
    out = k(boxes_planes, pe)
    return out.reshape(bsz, seq, D_MODEL)

# --- scband reference (transcript-rebuilt; emitter-appended) ---
"""Pipeline reference for scband-positional-encoding2-d-10033043604185 (READ-ONLY COPY).

The authoritative reference and input builder live on the scoring server;
editing this copy changes nothing except your own understanding.
"""

import jax, jax.numpy as jnp
import numpy as np

D_MODEL = 128
MAX_LEN = 1000

def _build_pe(max_len, d_model):
    position = jnp.arange(0, max_len, dtype=jnp.float32)[:, None]
    div_term = jnp.exp(jnp.arange(0, d_model, 2, dtype=jnp.float32) * (-np.log(10000.0) / d_model))
    pe = jnp.zeros((max_len, d_model), dtype=jnp.float32)
    pe = pe.at[:, 0::2].set(jnp.sin(position * div_term))
    pe = pe.at[:, 1::2].set(jnp.cos(position * div_term))
    return pe

def setup_inputs(seed: int = 0) -> dict:
    key = jax.random.key(seed)
    boxes = jax.random.uniform(key, (1024, 200, 4), dtype=jnp.float32)
    pe = _build_pe(MAX_LEN, D_MODEL)
    return {"boxes": boxes, "pe": pe}

def reference(boxes, pe):
    x_center = (boxes[:, :, 0] + boxes[:, :, 2]) / 2
    y_center = (boxes[:, :, 1] + boxes[:, :, 3]) / 2
    max_idx = pe.shape[0] - 1
    x_pos = (x_center * max_idx).astype(jnp.int32)
    y_pos = (y_center * max_idx).astype(jnp.int32)
    x_emb = jnp.take(pe, x_pos, axis=0)
    y_emb = jnp.take(pe, y_pos, axis=0)
    pos_emb = x_emb + y_emb
    return pos_emb

if __name__ == "__main__":
    import jax
    _d = setup_inputs()
    print(jax.jit(kernel)(*tuple(_d.values())))

</pallas_src>

<mosaic_0001>
#map = affine_map<(d0, d1) -> (0, 0)>
module attributes {stable_mosaic.version = 14 : i64} {
  func.func @_pe_lookup_body(%arg0: i32, %arg1: i32, %arg2: memref<4x204800xf32, #tpu.memory_space<hbm>>, %arg3: memref<1000x128xf32, #tpu.memory_space<hbm>>, %arg4: memref<204800x128xf32, #tpu.memory_space<hbm>>, %arg5: memref<128x128xf32, #tpu.memory_space<vmem>>, %arg6: memref<128x128xf32, #tpu.memory_space<vmem>>, %arg7: memref<128x128xf32, #tpu.memory_space<vmem>>, %arg8: memref<128x128xf32, #tpu.memory_space<vmem>>, %arg9: memref<128x128xf32, #tpu.memory_space<vmem>>, %arg10: memref<4x128xf32, #tpu.memory_space<vmem>>, %arg11: memref<4x128xf32, #tpu.memory_space<vmem>>, %arg12: memref<4x128xf32, #tpu.memory_space<vmem>>, %arg13: memref<4x128xf32, #tpu.memory_space<vmem>>, %arg14: memref<4x128xf32, #tpu.memory_space<vmem>>, %arg15: memref<128xi32, #tpu.memory_space<vmem>>, %arg16: memref<128xi32, #tpu.memory_space<vmem>>, %arg17: memref<128xi32, #tpu.memory_space<vmem>>, %arg18: memref<128xi32, #tpu.memory_space<vmem>>, %arg19: memref<128xi32, #tpu.memory_space<vmem>>, %arg20: memref<128xi32, #tpu.memory_space<vmem>>, %arg21: memref<128xi32, #tpu.memory_space<vmem>>, %arg22: memref<128xi32, #tpu.memory_space<vmem>>, %arg23: memref<128xi32, #tpu.memory_space<vmem>>, %arg24: memref<128xi32, #tpu.memory_space<vmem>>, %arg25: memref<1000x128xf32, #tpu.memory_space<vmem_shared>>, %arg26: memref<!tpu.dma_semaphore, #tpu.memory_space<semaphore_mem>>, %arg27: memref<!tpu.dma_semaphore, #tpu.memory_space<semaphore_mem>>, %arg28: memref<!tpu.dma_semaphore, #tpu.memory_space<semaphore_mem>>, %arg29: memref<!tpu.dma_semaphore, #tpu.memory_space<semaphore_mem>>, %arg30: memref<!tpu.dma_semaphore, #tpu.memory_space<semaphore_mem>>, %arg31: memref<!tpu.dma_semaphore, #tpu.memory_space<semaphore_mem>>, %arg32: memref<!tpu.dma_semaphore, #tpu.memory_space<semaphore_mem>>, %arg33: memref<!tpu.dma_semaphore, #tpu.memory_space<semaphore_mem>>, %arg34: memref<!tpu.dma_semaphore, #tpu.memory_space<semaphore_mem>>, %arg35: memref<!tpu.dma_semaphore, #tpu.memory_space<semaphore_mem>>, %arg36: memref<!tpu.dma_semaphore, #tpu.memory_space<semaphore_mem>>, %arg37: memref<!tpu.dma_semaphore, #tpu.memory_space<semaphore_mem>>, %arg38: memref<!tpu.dma_semaphore, #tpu.memory_space<semaphore_mem>>, %arg39: memref<!tpu.dma_semaphore, #tpu.memory_space<semaphore_mem>>, %arg40: memref<!tpu.dma_semaphore, #tpu.memory_space<semaphore_mem>>, %arg41: memref<!tpu.dma_semaphore, #tpu.memory_space<semaphore_mem>>, %arg42: memref<!tpu.dma_semaphore, #tpu.memory_space<semaphore_mem>>, %arg43: memref<!tpu.dma_semaphore, #tpu.memory_space<semaphore_mem>>, %arg44: memref<!tpu.dma_semaphore, #tpu.memory_space<semaphore_mem>>, %arg45: memref<!tpu.dma_semaphore, #tpu.memory_space<semaphore_mem>>) attributes {dimension_semantics = [#tpu.dimension_semantics<core_parallel>, #tpu.dimension_semantics<subcore_parallel>], iteration_bounds = array<i64: 2, 16>, scalar_prefetch = 0 : i64, scratch_operands = 41 : i64, tpu.core_type = #tpu.core_type<sc_vector_subcore>, window_params = [{transform_indices = #map}, {transform_indices = #map}, {transform_indices = #map}]} {
    %mul3A = arith.constant 2 : i32
    %mul3A_0 = arith.muli %arg1, %mul3A : i32
    %add3A = arith.addi %mul3A_0, %arg0 : i32
    %mul3A_1 = arith.constant 6400 : i32
    %mul3A_2 = arith.muli %add3A, %mul3A_1 : i32
    %eq3A = arith.constant 0 : i32
    %eq3A_3 = arith.cmpi eq, %arg1, %eq3A : i32
    %convert_element_type3A = arith.extui %eq3A_3 : i1 to i32
    %cond3A = arith.constant 0 : i32
    %cond3A_4 = arith.cmpi ne, %convert_element_type3A, %cond3A : i32
    scf.if %cond3A_4 {
      "tpu.region"() ({
        %run_scoped3A = tpu.sem_alloc : memref<!tpu.dma_semaphore, #tpu.memory_space<semaphore_mem>>
        tpu.enqueue_dma source(%arg3 : memref<1000x128xf32, #tpu.memory_space<hbm>>) target(%arg25 : memref<1000x128xf32, #tpu.memory_space<vmem_shared>>) target_semaphore(%run_scoped3A : memref<!tpu.dma_semaphore, #tpu.memory_space<semaphore_mem>>)
        tpu.wait_dma2 semaphore(%run_scoped3A : memref<!tpu.dma_semaphore, #tpu.memory_space<semaphore_mem>>) src(%arg3 : memref<1000x128xf32, #tpu.memory_space<hbm>>) dst(%arg25 : memref<1000x128xf32, #tpu.memory_space<vmem_shared>>)
        tpu.yield
      }) : () -> ()
    } else {
    }
    %barrier3A = arith.constant 0 : index
    tpu.barrier barrier_id(%barrier3A)
    %broadcast_in_dim3A = arith.constant 0 : i32
    %broadcast_in_dim3A_5 = vector.broadcast %broadcast_in_dim3A : i32 to vector<16xi32>
    %broadcast_in_dim3A_6 = arith.constant 999 : i32
    %broadcast_in_dim3A_7 = vector.broadcast %broadcast_in_dim3A_6 : i32 to vector<16xi32>
    %add3A_8 = arith.constant 0 : i32
    %add3A_9 = arith.addi %mul3A_2, %add3A_8 : i32
    %dma_start3A = arith.constant 0 : i32
    %dma_start3A_10 = tpu.memref_slice %arg2[%dma_start3A, %add3A_9] : memref<4x204800xf32, #tpu.memory_space<hbm>> -> memref<4x128xf32, #tpu.memory_space<hbm>>
    %dma_start3A_11 = arith.constant 0 : i32
    %dma_start3A_12 = tpu.memref_slice %arg2[%dma_start3A_11, %add3A_9] : memref<4x204800xf32, #tpu.memory_space<hbm>> -> memref<4x128xf32, #tpu.memory_space<hbm>>
    tpu.enqueue_dma source(%dma_start3A_12 : memref<4x128xf32, #tpu.memory_space<hbm>>) target(%arg10 : memref<4x128xf32, #tpu.memory_space<vmem>>) target_semaphore(%arg41 : memref<!tpu.dma_semaphore, #tpu.memory_space<semaphore_mem>>)
    %add3A_13 = arith.constant 128 : i32
    %add3A_14 = arith.addi %mul3A_2, %add3A_13 : i32
    %dma_start3A_15 = arith.constant 0 : i32
    %dma_start3A_16 = tpu.memref_slice %arg2[%dma_start3A_15, %add3A_14] : memref<4x204800xf32, #tpu.memory_space<hbm>> -> memref<4x128xf32, #tpu.memory_space<hbm>>
    %dma_start3A_17 = arith.constant 0 : i32
    %dma_start3A_18 = tpu.memref_slice %arg2[%dma_start3A_17, %add3A_14] : memref<4x204800xf32, #tpu.memory_space<hbm>> -> memref<4x128xf32, #tpu.memory_space<hbm>>
    tpu.enqueue_dma source(%dma_start3A_18 : memref<4x128xf32, #tpu.memory_space<hbm>>) target(%arg11 : memref<4x128xf32, #tpu.memory_space<vmem>>) target_semaphore(%arg42 : memref<!tpu.dma_semaphore, #tpu.memory_space<semaphore_mem>>)
    %add3A_19 = arith.constant 256 : i32
    %add3A_20 = arith.addi %mul3A_2, %add3A_19 : i32
    %dma_start3A_21 = arith.constant 0 : i32
    %dma_start3A_22 = tpu.memref_slice %arg2[%dma_start3A_21, %add3A_20] : memref<4x204800xf32, #tpu.memory_space<hbm>> -> memref<4x128xf32, #tpu.memory_space<hbm>>
    %dma_start3A_23 = arith.constant 0 : i32
    %dma_start3A_24 = tpu.memref_slice %arg2[%dma_start3A_23, %add3A_20] : memref<4x204800xf32, #tpu.memory_space<hbm>> -> memref<4x128xf32, #tpu.memory_space<hbm>>
    tpu.enqueue_dma source(%dma_start3A_24 : memref<4x128xf32, #tpu.memory_space<hbm>>) target(%arg12 : memref<4x128xf32, #tpu.memory_space<vmem>>) target_semaphore(%arg43 : memref<!tpu.dma_semaphore, #tpu.memory_space<semaphore_mem>>)
    %add3A_25 = arith.constant 384 : i32
    %add3A_26 = arith.addi %mul3A_2, %add3A_25 : i32
    %dma_start3A_27 = arith.constant 0 : i32
    %dma_start3A_28 = tpu.memref_slice %arg2[%dma_start3A_27, %add3A_26] : memref<4x204800xf32, #tpu.memory_space<hbm>> -> memref<4x128xf32, #tpu.memory_space<hbm>>
    %dma_start3A_29 = arith.constant 0 : i32
    %dma_start3A_30 = tpu.memref_slice %arg2[%dma_start3A_29, %add3A_26] : memref<4x204800xf32, #tpu.memory_space<hbm>> -> memref<4x128xf32, #tpu.memory_space<hbm>>
    tpu.enqueue_dma source(%dma_start3A_30 : memref<4x128xf32, #tpu.memory_space<hbm>>) target(%arg13 : memref<4x128xf32, #tpu.memory_space<vmem>>) target_semaphore(%arg44 : memref<!tpu.dma_semaphore, #tpu.memory_space<semaphore_mem>>)
    %dma_wait3A = arith.constant 0 : i32
    %dma_wait3A_31 = arith.constant 0 : i32
    %dma_wait3A_32 = tpu.memref_slice %arg2[%dma_wait3A, %dma_wait3A_31] : memref<4x204800xf32, #tpu.memory_space<hbm>> -> memref<4x128xf32, #tpu.memory_space<hbm>>
    %dma_wait3A_33 = arith.constant 0 : i32
    %dma_wait3A_34 = arith.constant 0 : i32
    %dma_wait3A_35 = tpu.memref_slice %arg2[%dma_wait3A_33, %dma_wait3A_34] : memref<4x204800xf32, #tpu.memory_space<hbm>> -> memref<4x128xf32, #tpu.memory_space<hbm>>
    tpu.wait_dma2 semaphore(%arg41 : memref<!tpu.dma_semaphore, #tpu.memory_space<semaphore_mem>>) src(%dma_wait3A_35 : memref<4x128xf32, #tpu.memory_space<hbm>>) dst(%arg10 : memref<4x128xf32, #tpu.memory_space<vmem>>)
    %get3A = arith.constant 0 : i32
    %get3A_36 = arith.index_cast %get3A : i32 to index
    %get3A_37 = arith.constant 0 : index
    %get3A_38 = tpu.vector_load %arg10[%get3A_36, %get3A_37] {strides = array<i32>} : memref<4x128xf32, #tpu.memory_space<vmem>>, vector<1x16xf32>,
    %get3A_39 = vector.shape_cast %get3A_38 : vector<1x16xf32> to vector<16xf32>
    %get3A_40 = arith.constant 1 : i32
    %get3A_41 = arith.index_cast %get3A_40 : i32 to index
    %get3A_42 = arith.constant 0 : index
    %get3A_43 = tpu.vector_load %arg10[%get3A_41, %get3A_42] {strides = array<i32>} : memref<4x128xf32, #tpu.memory_space<vmem>>, vector<1x16xf32>,
    %get3A_44 = vector.shape_cast %get3A_43 : vector<1x16xf32> to vector<16xf32>
    %get3A_45 = arith.constant 2 : i32
    %get3A_46 = arith.index_cast %get3A_45 : i32 to index
    %get3A_47 = arith.constant 0 : index
    %get3A_48 = tpu.vector_load %arg10[%get3A_46, %get3A_47] {strides = array<i32>} : memref<4x128xf32, #tpu.memory_space<vmem>>, vector<1x16xf32>,
    %get3A_49 = vector.shape_cast %get3A_48 : vector<1x16xf32> to vector<16xf32>
    %get3A_50 = arith.constant 3 : i32
    %get3A_51 = arith.index_cast %get3A_50 : i32 to index
    %get3A_52 = arith.constant 0 : index
    %get3A_53 = tpu.vector_load %arg10[%get3A_51, %get3A_52] {strides = array<i32>} : memref<4x128xf32, #tpu.memory_space<vmem>>, vector<1x16xf32>,
    %get3A_54 = vector.shape_cast %get3A_53 : vector<1x16xf32> to vector<16xf32>
    %add3A_55 = arith.addf %get3A_39, %get3A_49 : vector<16xf32>
    %mul3A_56 = arith.constant 5.000000e-01 : f32
    %mul3A_57 = vector.broadcast %mul3A_56 : f32 to vector<16xf32>
    %mul3A_58 = arith.mulf %add3A_55, %mul3A_57 : vector<16xf32>
    %mul3A_59 = arith.constant 9.990000e+02 : f32
    %mul3A_60 = vector.broadcast %mul3A_59 : f32 to vector<16xf32>
    %mul3A_61 = arith.mulf %mul3A_58, %mul3A_60 : vector<16xf32>
    %convert_element_type3A_62 = arith.fptosi %mul3A_61 : vector<16xf32> to vector<16xi32>
    %add3A_63 = arith.addf %get3A_44, %get3A_54 : vector<16xf32>
    %mul3A_64 = arith.constant 5.000000e-01 : f32
    %mul3A_65 = vector.broadcast %mul3A_64 : f32 to vector<16xf32>
    %mul3A_66 = arith.mulf %add3A_63, %mul3A_65 : vector<16xf32>
    %mul3A_67 = arith.constant 9.990000e+02 : f32
    %mul3A_68 = vector.broadcast %mul3A_67 : f32 to vector<16xf32>
    %mul3A_69 = arith.mulf %mul3A_66, %mul3A_68 : vector<16xf32>
    %convert_element_type3A_70 = arith.fptosi %mul3A_69 : vector<16xf32> to vector<16xi32>
    %max3A = arith.maxsi %convert_element_type3A_62, %broadcast_in_dim3A_5 : vector<16xi32>
    %min3A = arith.minsi %max3A, %broadcast_in_dim3A_7 : vector<16xi32>
    %swap3A = arith.constant 0 : index
    %swap3A_71 = tpu.vector_load %arg15[%swap3A] {strides = array<i32>} : memref<128xi32, #tpu.memory_space<vmem>>, vector<16xi32>,
    %swap3A_72 = vector.shape_cast %swap3A_71 : vector<16xi32> to vector<16xi32>
    %swap3A_73 = vector.shape_cast %min3A : vector<16xi32> to vector<16xi32>
    tpu.vector_store %arg15[%swap3A], %swap3A_73 {strides = array<i32>} : memref<128xi32, #tpu.memory_space<vmem>>, vector<16xi32>,
    %max3A_74 = arith.maxsi %convert_element_type3A_70, %broadcast_in_dim3A_5 : vector<16xi32>
    %min3A_75 = arith.minsi %max3A_74, %broadcast_in_dim3A_7 : vector<16xi32>
    %swap3A_76 = arith.constant 0 : index
    %swap3A_77 = tpu.vector_load %arg20[%swap3A_76] {strides = array<i32>} : memref<128xi32, #tpu.memory_space<vmem>>, vector<16xi32>,
    %swap3A_78 = vector.shape_cast %swap3A_77 : vector<16xi32> to vector<16xi32>
    %swap3A_79 = vector.shape_cast %min3A_75 : vector<16xi32> to vector<16xi32>
    tpu.vector_store %arg20[%swap3A_76], %swap3A_79 {strides = array<i32>} : memref<128xi32, #tpu.memory_space<vmem>>, vector<16xi32>,
    %get3A_80 = arith.constant 0 : i32
    %get3A_81 = arith.index_cast %get3A_80 : i32 to index
    %get3A_82 = arith.constant 16 : index
    %get3A_83 = tpu.vector_load %arg10[%get3A_81, %get3A_82] {strides = array<i32>} : memref<4x128xf32, #tpu.memory_space<vmem>>, vector<1x16xf32>,
    %get3A_84 = vector.shape_cast %get3A_83 : vector<1x16xf32> to vector<16xf32>
    %get3A_85 = arith.constant 1 : i32
    %get3A_86 = arith.index_cast %get3A_85 : i32 to index
    %get3A_87 = arith.constant 16 : index
    %get3A_88 = tpu.vector_load %arg10[%get3A_86, %get3A_87] {strides = array<i32>} : memref<4x128xf32, #tpu.memory_space<vmem>>, vector<1x16xf32>,
    %get3A_89 = vector.shape_cast %get3A_88 : vector<1x16xf32> to vector<16xf32>
    %get3A_90 = arith.constant 2 : i32
    %get3A_91 = arith.index_cast %get3A_90 : i32 to index
    %get3A_92 = arith.constant 16 : index
    %get3A_93 = tpu.vector_load %arg10[%get3A_91, %get3A_92] {strides = array<i32>} : memref<4x128xf32, #tpu.memory_space<vmem>>, vector<1x16xf32>,
    %get3A_94 = vector.shape_cast %get3A_93 : vector<1x16xf32> to vector<16xf32>
    %get3A_95 = arith.constant 3 : i32
    %get3A_96 = arith.index_cast %get3A_95 : i32 to index
    %get3A_97 = arith.constant 16 : index
    %get3A_98 = tpu.vector_load %arg10[%get3A_96, %get3A_97] {strides = array<i32>} : memref<4x128xf32, #tpu.memory_space<vmem>>, vector<1x16xf32>,
    %get3A_99 = vector.shape_cast %get3A_98 : vector<1x16xf32> to vector<16xf32>
    %add3A_100 = arith.addf %get3A_84, %get3A_94 : vector<16xf32>
    %mul3A_101 = arith.constant 5.000000e-01 : f32
    %mul3A_102 = vector.broadcast %mul3A_101 : f32 to vector<16xf32>
    %mul3A_103 = arith.mulf %add3A_100, %mul3A_102 : vector<16xf32>
    %mul3A_104 = arith.constant 9.990000e+02 : f32
    %mul3A_105 = vector.broadcast %mul3A_104 : f32 to vector<16xf32>
    %mul3A_106 = arith.mulf %mul3A_103, %mul3A_105 : vector<16xf32>
    %convert_element_type3A_107 = arith.fptosi %mul3A_106 : vector<16xf32> to vector<16xi32>
    %add3A_108 = arith.addf %get3A_89, %get3A_99 : vector<16xf32>
    %mul3A_109 = arith.constant 5.000000e-01 : f32
    %mul3A_110 = vector.broadcast %mul3A_109 : f32 to vector<16xf32>
    %mul3A_111 = arith.mulf %add3A_108, %mul3A_110 : vector<16xf32>
    %mul3A_112 = arith.constant 9.990000e+02 : f32
    %mul3A_113 = vector.broadcast %mul3A_112 : f32 to vector<16xf32>
    %mul3A_114 = arith.mulf %mul3A_111, %mul3A_113 : vector<16xf32>
    %convert_element_type3A_115 = arith.fptosi %mul3A_114 : vector<16xf32> to vector<16xi32>
    %max3A_116 = arith.maxsi %convert_element_type3A_107, %broadcast_in_dim3A_5 : vector<16xi32>
    %min3A_117 = arith.minsi %max3A_116, %broadcast_in_dim3A_7 : vector<16xi32>
    %swap3A_118 = arith.constant 16 : index
    %swap3A_119 = tpu.vector_load %arg15[%swap3A_118] {strides = array<i32>} : memref<128xi32, #tpu.memory_space<vmem>>, vector<16xi32>,
    %swap3A_120 = vector.shape_cast %swap3A_119 : vector<16xi32> to vector<16xi32>
    %swap3A_121 = vector.shape_cast %min3A_117 : vector<16xi32> to vector<16xi32>
    tpu.vector_store %arg15[%swap3A_118], %swap3A_121 {strides = array<i32>} : memref<128xi32, #tpu.memory_space<vmem>>, vector<16xi32>,
    %max3A_122 = arith.maxsi %convert_element_type3A_115, %broadcast_in_dim3A_5 : vector<16xi32>
    %min3A_123 = arith.minsi %max3A_122, %broadcast_in_dim3A_7 : vector<16xi32>
    %swap3A_124 = arith.constant 16 : index
    %swap3A_125 = tpu.vector_load %arg20[%swap3A_124] {strides = array<i32>} : memref<128xi32, #tpu.memory_space<vmem>>, vector<16xi32>,
    %swap3A_126 = vector.shape_cast %swap3A_125 : vector<16xi32> to vector<16xi32>
    %swap3A_127 = vector.shape_cast %min3A_123 : vector<16xi32> to vector<16xi32>
    tpu.vector_store %arg20[%swap3A_124], %swap3A_127 {strides = array<i32>} : memref<128xi32, #tpu.memory_space<vmem>>, vector<16xi32>,
    %get3A_128 = arith.constant 0 : i32
    %get3A_129 = arith.index_cast %get3A_128 : i32 to index
    %get3A_130 = arith.constant 32 : index
    %get3A_131 = tpu.vector_load %arg10[%get3A_129, %get3A_130] {strides = array<i32>} : memref<4x128xf32, #tpu.memory_space<vmem>>, vector<1x16xf32>,
    %get3A_132 = vector.shape_cast %get3A_131 : vector<1x16xf32> to vector<16xf32>
    %get3A_133 = arith.constant 1 : i32
    %get3A_134 = arith.index_cast %get3A_133 : i32 to index
    %get3A_135 = arith.constant 32 : index
    %get3A_136 = tpu.vector_load %arg10[%get3A_134, %get3A_135] {strides = array<i32>} : memref<4x128xf32, #tpu.memory_space<vmem>>, vector<1x16xf32>,
    %get3A_137 = vector.shape_cast %get3A_136 : vector<1x16xf32> to vector<16xf32>
    %get3A_138 = arith.constant 2 : i32
    %get3A_139 = arith.index_cast %get3A_138 : i32 to index
    %get3A_140 = arith.constant 32 : index
    %get3A_141 = tpu.vector_load %arg10[%get3A_139, %get3A_140] {strides = array<i32>} : memref<4x128xf32, #tpu.memory_space<vmem>>, vector<1x16xf32>,
    %get3A_142 = vector.shape_cast %get3A_141 : vector<1x16xf32> to vector<16xf32>
    %get3A_143 = arith.constant 3 : i32
    %get3A_144 = arith.index_cast %get3A_143 : i32 to index
    %get3A_145 = arith.constant 32 : index
    %get3A_146 = tpu.vector_load %arg10[%get3A_144, %get3A_145] {strides = array<i32>} : memref<4x128xf32, #tpu.memory_space<vmem>>, vector<1x16xf32>,
    %get3A_147 = vector.shape_cast %get3A_146 : vector<1x16xf32> to vector<16xf32>
    %add3A_148 = arith.addf %get3A_132, %get3A_142 : vector<16xf32>
    %mul3A_149 = arith.constant 5.000000e-01 : f32
    %mul3A_150 = vector.broadcast %mul3A_149 : f32 to vector<16xf32>
    %mul3A_151 = arith.mulf %add3A_148, %mul3A_150 : vector<16xf32>
    %mul3A_152 = arith.constant 9.990000e+02 : f32
    %mul3A_153 = vector.broadcast %mul3A_152 : f32 to vector<16xf32>
    %mul3A_154 = arith.mulf %mul3A_151, %mul3A_153 : vector<16xf32>
    %convert_element_type3A_155 = arith.fptosi %mul3A_154 : vector<16xf32> to vector<16xi32>
    %add3A_156 = arith.addf %get3A_137, %get3A_147 : vector<16xf32>
    %mul3A_157 = arith.constant 5.000000e-01 : f32
    %mul3A_158 = vector.broadcast %mul3A_157 : f32 to vector<16xf32>
    %mul3A_159 = arith.mulf %add3A_156, %mul3A_158 : vector<16xf32>
    %mul3A_160 = arith.constant 9.990000e+02 : f32
    %mul3A_161 = vector.broadcast %mul3A_160 : f32 to vector<16xf32>
    %mul3A_162 = arith.mulf %mul3A_159, %mul3A_161 : vector<16xf32>
    %convert_element_type3A_163 = arith.fptosi %mul3A_162 : vector<16xf32> to vector<16xi32>
    %max3A_164 = arith.maxsi %convert_element_type3A_155, %broadcast_in_dim3A_5 : vector<16xi32>
    %min3A_165 = arith.minsi %max3A_164, %broadcast_in_dim3A_7 : vector<16xi32>
    %swap3A_166 = arith.constant 32 : index
    %swap3A_167 = tpu.vector_load %arg15[%swap3A_166] {strides = array<i32>} : memref<128xi32, #tpu.memory_space<vmem>>, vector<16xi32>,
    %swap3A_168 = vector.shape_cast %swap3A_167 : vector<16xi32> to vector<16xi32>
    %swap3A_169 = vector.shape_cast %min3A_165 : vector<16xi32> to vector<16xi32>
    tpu.vector_store %arg15[%swap3A_166], %swap3A_169 {strides = array<i32>} : memref<128xi32, #tpu.memory_space<vmem>>, vector<16xi32>,
    %max3A_170 = arith.maxsi %convert_element_type3A_163, %broadcast_in_dim3A_5 : vector<16xi32>
    %min3A_171 = arith.minsi %max3A_170, %broadcast_in_dim3A_7 : vector<16xi32>
    %swap3A_172 = arith.constant 32 : index
    %swap3A_173 = tpu.vector_load %arg20[%swap3A_172] {strides = array<i32>} : memref<128xi32, #tpu.memory_space<vmem>>, vector<16xi32>,
    %swap3A_174 = vector.shape_cast %swap3A_173 : vector<16xi32> to vector<16xi32>
    %swap3A_175 = vector.shape_cast %min3A_171 : vector<16xi32> to vector<16xi32>
    tpu.vector_store %arg20[%swap3A_172], %swap3A_175 {strides = array<i32>} : memref<128xi32, #tpu.memory_space<vmem>>, vector<16xi32>,
    %get3A_176 = arith.constant 0 : i32
    %get3A_177 = arith.index_cast %get3A_176 : i32 to index
    %get3A_178 = arith.constant 48 : index
    %get3A_179 = tpu.vector_load %arg10[%get3A_177, %get3A_178] {strides = array<i32>} : memref<4x128xf32, #tpu.memory_space<vmem>>, vector<1x16xf32>,
    %get3A_180 = vector.shape_cast %get3A_179 : vector<1x16xf32> to vector<16xf32>
    %get3A_181 = arith.constant 1 : i32
    %get3A_182 = arith.index_cast %get3A_181 : i32 to index
    %get3A_183 = arith.constant 48 : index
    %get3A_184 = tpu.vector_load %arg10[%get3A_182, %get3A_183] {strides = array<i32>} : memref<4x128xf32, #tpu.memory_space<vmem>>, vector<1x16xf32>,
    %get3A_185 = vector.shape_cast %get3A_184 : vector<1x16xf32> to vector<16xf32>
    %get3A_186 = arith.constant 2 : i32
    %get3A_187 = arith.index_cast %get3A_186 : i32 to index
    %get3A_188 = arith.constant 48 : index
    %get3A_189 = tpu.vector_load %arg10[%get3A_187, %get3A_188] {strides = array<i32>} : memref<4x128xf32, #tpu.memory_space<vmem>>, vector<1x16xf32>,
    %get3A_190 = vector.shape_cast %get3A_189 : vector<1x16xf32> to vector<16xf32>
    %get3A_191 = arith.constant 3 : i32
    %get3A_192 = arith.index_cast %get3A_191 : i32 to index
    %get3A_193 = arith.constant 48 : index
    %get3A_194 = tpu.vector_load %arg10[%get3A_192, %get3A_193] {strides = array<i32>} : memref<4x128xf32, #tpu.memory_space<vmem>>, vector<1x16xf32>,
    %get3A_195 = vector.shape_cast %get3A_194 : vector<1x16xf32> to vector<16xf32>
    %add3A_196 = arith.addf %get3A_180, %get3A_190 : vector<16xf32>
    %mul3A_197 = arith.constant 5.000000e-01 : f32
    %mul3A_198 = vector.broadcast %mul3A_197 : f32 to vector<16xf32>
    %mul3A_199 = arith.mulf %add3A_196, %mul3A_198 : vector<16xf32>
    %mul3A_200 = arith.constant 9.990000e+02 : f32
    %mul3A_201 = vector.broadcast %mul3A_200 : f32 to vector<16xf32>
    %mul3A_202 = arith.mulf %mul3A_199, %mul3A_201 : vector<16xf32>
    %convert_element_type3A_203 = arith.fptosi %mul3A_202 : vector<16xf32> to vector<16xi32>
    %add3A_204 = arith.addf %get3A_185, %get3A_195 : vector<16xf32>
    %mul3A_205 = arith.constant 5.000000e-01 : f32
    %mul3A_206 = vector.broadcast %mul3A_205 : f32 to vector<16xf32>
    %mul3A_207 = arith.mulf %add3A_204, %mul3A_206 : vector<16xf32>
    %mul3A_208 = arith.constant 9.990000e+02 : f32
    %mul3A_209 = vector.broadcast %mul3A_208 : f32 to vector<16xf32>
    %mul3A_210 = arith.mulf %mul3A_207, %mul3A_209 : vector<16xf32>
    %convert_element_type3A_211 = arith.fptosi %mul3A_210 : vector<16xf32> to vector<16xi32>
    %max3A_212 = arith.maxsi %convert_element_type3A_203, %broadcast_in_dim3A_5 : vector<16xi32>
    %min3A_213 = arith.minsi %max3A_212, %broadcast_in_dim3A_7 : vector<16xi32>
    %swap3A_214 = arith.constant 48 : index
    %swap3A_215 = tpu.vector_load %arg15[%swap3A_214] {strides = array<i32>} : memref<128xi32, #tpu.memory_space<vmem>>, vector<16xi32>,
    %swap3A_216 = vector.shape_cast %swap3A_215 : vector<16xi32> to vector<16xi32>
    %swap3A_217 = vector.shape_cast %min3A_213 : vector<16xi32> to vector<16xi32>
    tpu.vector_store %arg15[%swap3A_214], %swap3A_217 {strides = array<i32>} : memref<128xi32, #tpu.memory_space<vmem>>, vector<16xi32>,
    %max3A_218 = arith.maxsi %convert_element_type3A_211, %broadcast_in_dim3A_5 : vector<16xi32>
    %min3A_219 = arith.minsi %max3A_218, %broadcast_in_dim3A_7 : vector<16xi32>
    %swap3A_220 = arith.constant 48 : index
    %swap3A_221 = tpu.vector_load %arg20[%swap3A_220] {strides = array<i32>} : memref<128xi32, #tpu.memory_space<vmem>>, vector<16xi32>,
    %swap3A_222 = vector.shape_cast %swap3A_221 : vector<16xi32> to vector<16xi32>
    %swap3A_223 = vector.shape_cast %min3A_219 : vector<16xi32> to vector<16xi32>
    tpu.vector_store %arg20[%swap3A_220], %swap3A_223 {strides = array<i32>} : memref<128xi32, #tpu.memory_space<vmem>>, vector<16xi32>,
    %get3A_224 = arith.constant 0 : i32
    %get3A_225 = arith.index_cast %get3A_224 : i32 to index
    %get3A_226 = arith.constant 64 : index
    %get3A_227 = tpu.vector_load %arg10[%get3A_225, %get3A_226] {strides = array<i32>} : memref<4x128xf32, #tpu.memory_space<vmem>>, vector<1x16xf32>,
    %get3A_228 = vector.shape_cast %get3A_227 : vector<1x16xf32> to vector<16xf32>
    %get3A_229 = arith.constant 1 : i32
    %get3A_230 = arith.index_cast %get3A_229 : i32 to index
    %get3A_231 = arith.constant 64 : index
    %get3A_232 = tpu.vector_load %arg10[%get3A_230, %get3A_231] {strides = array<i32>} : memref<4x128xf32, #tpu.memory_space<vmem>>, vector<1x16xf32>,
    %get3A_233 = vector.shape_cast %get3A_232 : vector<1x16xf32> to vector<16xf32>
    %get3A_234 = arith.constant 2 : i32
    %get3A_235 = arith.index_cast %get3A_234 : i32 to index
    %get3A_236 = arith.constant 64 : index
    %get3A_237 = tpu.vector_load %arg10[%get3A_235, %get3A_236] {strides = array<i32>} : memref<4x128xf32, #tpu.memory_space<vmem>>, vector<1x16xf32>,
    %get3A_238 = vector.shape_cast %get3A_237 : vector<1x16xf32> to vector<16xf32>
    %get3A_239 = arith.constant 3 : i32
    %get3A_240 = arith.index_cast %get3A_239 : i32 to index
    %get3A_241 = arith.constant 64 : index
    %get3A_242 = tpu.vector_load %arg10[%get3A_240, %get3A_241] {strides = array<i32>} : memref<4x128xf32, #tpu.memory_space<vmem>>, vector<1x16xf32>,
    %get3A_243 = vector.shape_cast %get3A_242 : vector<1x16xf32> to vector<16xf32>
    %add3A_244 = arith.addf %get3A_228, %get3A_238 : vector<16xf32>
    %mul3A_245 = arith.constant 5.000000e-01 : f32
    %mul3A_246 = vector.broadcast %mul3A_245 : f32 to vector<16xf32>
    %mul3A_247 = arith.mulf %add3A_244, %mul3A_246 : vector<16xf32>
    %mul3A_248 = arith.constant 9.990000e+02 : f32
    %mul3A_249 = vector.broadcast %mul3A_248 : f32 to vector<16xf32>
    %mul3A_250 = arith.mulf %mul3A_247, %mul3A_249 : vector<16xf32>
    %convert_element_type3A_251 = arith.fptosi %mul3A_250 : vector<16xf32> to vector<16xi32>
    %add3A_252 = arith.addf %get3A_233, %get3A_243 : vector<16xf32>
    %mul3A_253 = arith.constant 5.000000e-01 : f32
    %mul3A_254 = vector.broadcast %mul3A_253 : f32 to vector<16xf32>
    %mul3A_255 = arith.mulf %add3A_252, %mul3A_254 : vector<16xf32>
    %mul3A_256 = arith.constant 9.990000e+02 : f32
    %mul3A_257 = vector.broadcast %mul3A_256 : f32 to vector<16xf32>
    %mul3A_258 = arith.mulf %mul3A_255, %mul3A_257 : vector<16xf32>
    %convert_element_type3A_259 = arith.fptosi %mul3A_258 : vector<16xf32> to vector<16xi32>
    %max3A_260 = arith.maxsi %convert_element_type3A_251, %broadcast_in_dim3A_5 : vector<16xi32>
    %min3A_261 = arith.minsi %max3A_260, %broadcast_in_dim3A_7 : vector<16xi32>
    %swap3A_262 = arith.constant 64 : index
    %swap3A_263 = tpu.vector_load %arg15[%swap3A_262] {strides = array<i32>} : memref<128xi32, #tpu.memory_space<vmem>>, vector<16xi32>,
    %swap3A_264 = vector.shape_cast %swap3A_263 : vector<16xi32> to vector<16xi32>
    %swap3A_265 = vector.shape_cast %min3A_261 : vector<16xi32> to vector<16xi32>
    tpu.vector_store %arg15[%swap3A_262], %swap3A_265 {strides = array<i32>} : memref<128xi32, #tpu.memory_space<vmem>>, vector<16xi32>,
    %max3A_266 = arith.maxsi %convert_element_type3A_259, %broadcast_in_dim3A_5 : vector<16xi32>
    %min3A_267 = arith.minsi %max3A_266, %broadcast_in_dim3A_7 : vector<16xi32>
    %swap3A_268 = arith.constant 64 : index
    %swap3A_269 = tpu.vector_load %arg20[%swap3A_268] {strides = array<i32>} : memref<128xi32, #tpu.memory_space<vmem>>, vector<16xi32>,
    %swap3A_270 = vector.shape_cast %swap3A_269 : vector<16xi32> to vector<16xi32>
    %swap3A_271 = vector.shape_cast %min3A_267 : vector<16xi32> to vector<16xi32>
    tpu.vector_store %arg20[%swap3A_268], %swap3A_271 {strides = array<i32>} : memref<128xi32, #tpu.memory_space<vmem>>, vector<16xi32>,
    %get3A_272 = arith.constant 0 : i32
    %get3A_273 = arith.index_cast %get3A_272 : i32 to index
    %get3A_274 = arith.constant 80 : index
    %get3A_275 = tpu.vector_load %arg10[%get3A_273, %get3A_274] {strides = array<i32>} : memref<4x128xf32, #tpu.memory_space<vmem>>, vector<1x16xf32>,
    %get3A_276 = vector.shape_cast %get3A_275 : vector<1x16xf32> to vector<16xf32>
    %get3A_277 = arith.constant 1 : i32
    %get3A_278 = arith.index_cast %get3A_277 : i32 to index
    %get3A_279 = arith.constant 80 : index
    %get3A_280 = tpu.vector_load %arg10[%get3A_278, %get3A_279] {strides = array<i32>} : memref<4x128xf32, #tpu.memory_space<vmem>>, vector<1x16xf32>,
    %get3A_281 = vector.shape_cast %get3A_280 : vector<1x16xf32> to vector<16xf32>
    %get3A_282 = arith.constant 2 : i32
    %get3A_283 = arith.index_cast %get3A_282 : i32 to index
    %get3A_284 = arith.constant 80 : index
    %get3A_285 = tpu.vector_load %arg10[%get3A_283, %get3A_284] {strides = array<i32>} : memref<4x128xf32, #tpu.memory_space<vmem>>, vector<1x16xf32>,
    %get3A_286 = vector.shape_cast %get3A_285 : vector<1x16xf32> to vector<16xf32>
    %get3A_287 = arith.constant 3 : i32
    %get3A_288 = arith.index_cast %get3A_287 : i32 to index
    %get3A_289 = arith.constant 80 : index
    %get3A_290 = tpu.vector_load %arg10[%get3A_288, %get3A_289] {strides = array<i32>} : memref<4x128xf32, #tpu.memory_space<vmem>>, vector<1x16xf32>,
    %get3A_291 = vector.shape_cast %get3A_290 : vector<1x16xf32> to vector<16xf32>
    %add3A_292 = arith.addf %get3A_276, %get3A_286 : vector<16xf32>
    %mul3A_293 = arith.constant 5.000000e-01 : f32
    %mul3A_294 = vector.broadcast %mul3A_293 : f32 to vector<16xf32>
    %mul3A_295 = arith.mulf %add3A_292, %mul3A_294 : vector<16xf32>
    %mul3A_296 = arith.constant 9.990000e+02 : f32
    %mul3A_297 = vector.broadcast %mul3A_296 : f32 to vector<16xf32>
    %mul3A_298 = arith.mulf %mul3A_295, %mul3A_297 : vector<16xf32>
    %convert_element_type3A_299 = arith.fptosi %mul3A_298 : vector<16xf32> to vector<16xi32>
    %add3A_300 = arith.addf %get3A_281, %get3A_291 : vector<16xf32>
    %mul3A_301 = arith.constant 5.000000e-01 : f32
    %mul3A_302 = vector.broadcast %mul3A_301 : f32 to vector<16xf32>
    %mul3A_303 = arith.mulf %add3A_300, %mul3A_302 : vector<16xf32>
    %mul3A_304 = arith.constant 9.990000e+02 : f32
    %mul3A_305 = vector.broadcast %mul3A_304 : f32 to vector<16xf32>
    %mul3A_306 = arith.mulf %mul3A_303, %mul3A_305 : vector<16xf32>
    %convert_element_type3A_307 = arith.fptosi %mul3A_306 : vector<16xf32> to vector<16xi32>
    %max3A_308 = arith.maxsi %convert_element_type3A_299, %broadcast_in_dim3A_5 : vector<16xi32>
    %min3A_309 = arith.minsi %max3A_308, %broadcast_in_dim3A_7 : vector<16xi32>
    %swap3A_310 = arith.constant 80 : index
    %swap3A_311 = tpu.vector_load %arg15[%swap3A_310] {strides = array<i32>} : memref<128xi32, #tpu.memory_space<vmem>>, vector<16xi32>,
    %swap3A_312 = vector.shape_cast %swap3A_311 : vector<16xi32> to vector<16xi32>
    %swap3A_313 = vector.shape_cast %min3A_309 : vector<16xi32> to vector<16xi32>
    tpu.vector_store %arg15[%swap3A_310], %swap3A_313 {strides = array<i32>} : memref<128xi32, #tpu.memory_space<vmem>>, vector<16xi32>,
    %max3A_314 = arith.maxsi %convert_element_type3A_307, %broadcast_in_dim3A_5 : vector<16xi32>
    %min3A_315 = arith.minsi %max3A_314, %broadcast_in_dim3A_7 : vector<16xi32>
    %swap3A_316 = arith.constant 80 : index
    %swap3A_317 = tpu.vector_load %arg20[%swap3A_316] {strides = array<i32>} : memref<128xi32, #tpu.memory_space<vmem>>, vector<16xi32>,
    %swap3A_318 = vector.shape_cast %swap3A_317 : vector<16xi32> to vector<16xi32>
    %swap3A_319 = vector.shape_cast %min3A_315 : vector<16xi32> to vector<16xi32>
    tpu.vector_store %arg20[%swap3A_316], %swap3A_319 {strides = array<i32>} : memref<128xi32, #tpu.memory_space<vmem>>, vector<16xi32>,
    %get3A_320 = arith.constant 0 : i32
    %get3A_321 = arith.index_cast %get3A_320 : i32 to index
    %get3A_322 = arith.constant 96 : index
    %get3A_323 = tpu.vector_load %arg10[%get3A_321, %get3A_322] {strides = array<i32>} : memref<4x128xf32, #tpu.memory_space<vmem>>, vector<1x16xf32>,
    %get3A_324 = vector.shape_cast %get3A_323 : vector<1x16xf32> to vector<16xf32>
    %get3A_325 = arith.constant 1 : i32
    %get3A_326 = arith.index_cast %get3A_325 : i32 to index
    %get3A_327 = arith.constant 96 : index
    %get3A_328 = tpu.vector_load %arg10[%get3A_326, %get3A_327] {strides = array<i32>} : memref<4x128xf32, #tpu.memory_space<vmem>>, vector<1x16xf32>,
    %get3A_329 = vector.shape_cast %get3A_328 : vector<1x16xf32> to vector<16xf32>
    %get3A_330 = arith.constant 2 : i32
    %get3A_331 = arith.index_cast %get3A_330 : i32 to index
    %get3A_332 = arith.constant 96 : index
    %get3A_333 = tpu.vector_load %arg10[%get3A_331, %get3A_332] {strides = array<i32>} : memref<4x128xf32, #tpu.memory_space<vmem>>, vector<1x16xf32>,
    %get3A_334 = vector.shape_cast %get3A_333 : vector<1x16xf32> to vector<16xf32>
    %get3A_335 = arith.constant 3 : i32
    %get3A_336 = arith.index_cast %get3A_335 : i32 to index
    %get3A_337 = arith.constant 96 : index
    %get3A_338 = tpu.vector_load %arg10[%get3A_336, %get3A_337] {strides = array<i32>} : memref<4x128xf32, #tpu.memory_space<vmem>>, vector<1x16xf32>,
    %get3A_339 = vector.shape_cast %get3A_338 : vector<1x16xf32> to vector<16xf32>
    %add3A_340 = arith.addf %get3A_324, %get3A_334 : vector<16xf32>
    %mul3A_341 = arith.constant 5.000000e-01 : f32
    %mul3A_342 = vector.broadcast %mul3A_341 : f32 to vector<16xf32>
    %mul3A_343 = arith.mulf %add3A_340, %mul3A_342 : vector<16xf32>
    %mul3A_344 = arith.constant 9.990000e+02 : f32
    %mul3A_345 = vector.broadcast %mul3A_344 : f32 to vector<16xf32>
    %mul3A_346 = arith.mulf %mul3A_343, %mul3A_345 : vector<16xf32>
    %convert_element_type3A_347 = arith.fptosi %mul3A_346 : vector<16xf32> to vector<16xi32>
    %add3A_348 = arith.addf %get3A_329, %get3A_339 : vector<16xf32>
    %mul3A_349 = arith.constant 5.000000e-01 : f32
    %mul3A_350 = vector.broadcast %mul3A_349 : f32 to vector<16xf32>
    %mul3A_351 = arith.mulf %add3A_348, %mul3A_350 : vector<16xf32>
    %mul3A_352 = arith.constant 9.990000e+02 : f32
    %mul3A_353 = vector.broadcast %mul3A_352 : f32 to vector<16xf32>
    %mul3A_354 = arith.mulf %mul3A_351, %mul3A_353 : vector<16xf32>
    %convert_element_type3A_355 = arith.fptosi %mul3A_354 : vector<16xf32> to vector<16xi32>
    %max3A_356 = arith.maxsi %convert_element_type3A_347, %broadcast_in_dim3A_5 : vector<16xi32>
    %min3A_357 = arith.minsi %max3A_356, %broadcast_in_dim3A_7 : vector<16xi32>
    %swap3A_358 = arith.constant 96 : index
    %swap3A_359 = tpu.vector_load %arg15[%swap3A_358] {strides = array<i32>} : memref<128xi32, #tpu.memory_space<vmem>>, vector<16xi32>,
    %swap3A_360 = vector.shape_cast %swap3A_359 : vector<16xi32> to vector<16xi32>
    %swap3A_361 = vector.shape_cast %min3A_357 : vector<16xi32> to vector<16xi32>
    tpu.vector_store %arg15[%swap3A_358], %swap3A_361 {strides = array<i32>} : memref<128xi32, #tpu.memory_space<vmem>>, vector<16xi32>,
    %max3A_362 = arith.maxsi %convert_element_type3A_355, %broadcast_in_dim3A_5 : vector<16xi32>
    %min3A_363 = arith.minsi %max3A_362, %broadcast_in_dim3A_7 : vector<16xi32>
    %swap3A_364 = arith.constant 96 : index
    %swap3A_365 = tpu.vector_load %arg20[%swap3A_364] {strides = array<i32>} : memref<128xi32, #tpu.memory_space<vmem>>, vector<16xi32>,
    %swap3A_366 = vector.shape_cast %swap3A_365 : vector<16xi32> to vector<16xi32>
    %swap3A_367 = vector.shape_cast %min3A_363 : vector<16xi32> to vector<16xi32>
    tpu.vector_store %arg20[%swap3A_364], %swap3A_367 {strides = array<i32>} : memref<128xi32, #tpu.memory_space<vmem>>, vector<16xi32>,
    %get3A_368 = arith.constant 0 : i32
    %get3A_369 = arith.index_cast %get3A_368 : i32 to index
    %get3A_370 = arith.constant 112 : index
    %get3A_371 = tpu.vector_load %arg10[%get3A_369, %get3A_370] {strides = array<i32>} : memref<4x128xf32, #tpu.memory_space<vmem>>, vector<1x16xf32>,
    %get3A_372 = vector.shape_cast %get3A_371 : vector<1x16xf32> to vector<16xf32>
    %get3A_373 = arith.constant 1 : i32
    %get3A_374 = arith.index_cast %get3A_373 : i32 to index
    %get3A_375 = arith.constant 112 : index
    %get3A_376 = tpu.vector_load %arg10[%get3A_374, %get3A_375] {strides = array<i32>} : memref<4x128xf32, #tpu.memory_space<vmem>>, vector<1x16xf32>,
    %get3A_377 = vector.shape_cast %get3A_376 : vector<1x16xf32> to vector<16xf32>
    %get3A_378 = arith.constant 2 : i32
    %get3A_379 = arith.index_cast %get3A_378 : i32 to index
    %get3A_380 = arith.constant 112 : index
    %get3A_381 = tpu.vector_load %arg10[%get3A_379, %get3A_380] {strides = array<i32>} : memref<4x128xf32, #tpu.memory_space<vmem>>, vector<1x16xf32>,
    %get3A_382 = vector.shape_cast %get3A_381 : vector<1x16xf32> to vector<16xf32>
    %get3A_383 = arith.constant 3 : i32
    %get3A_384 = arith.index_cast %get3A_383 : i32 to index
    %get3A_385 = arith.constant 112 : index
    %get3A_386 = tpu.vector_load %arg10[%get3A_384, %get3A_385] {strides = array<i32>} : memref<4x128xf32, #tpu.memory_space<vmem>>, vector<1x16xf32>,
    %get3A_387 = vector.shape_cast %get3A_386 : vector<1x16xf32> to vector<16xf32>
    %add3A_388 = arith.addf %get3A_372, %get3A_382 : vector<16xf32>
    %mul3A_389 = arith.constant 5.000000e-01 : f32
    %mul3A_390 = vector.broadcast %mul3A_389 : f32 to vector<16xf32>
    %mul3A_391 = arith.mulf %add3A_388, %mul3A_390 : vector<16xf32>
    %mul3A_392 = arith.constant 9.990000e+02 : f32
    %mul3A_393 = vector.broadcast %mul3A_392 : f32 to vector<16xf32>
    %mul3A_394 = arith.mulf %mul3A_391, %mul3A_393 : vector<16xf32>
    %convert_element_type3A_395 = arith.fptosi %mul3A_394 : vector<16xf32> to vector<16xi32>
    %add3A_396 = arith.addf %get3A_377, %get3A_387 : vector<16xf32>
    %mul3A_397 = arith.constant 5.000000e-01 : f32
    %mul3A_398 = vector.broadcast %mul3A_397 : f32 to vector<16xf32>
    %mul3A_399 = arith.mulf %add3A_396, %mul3A_398 : vector<16xf32>
    %mul3A_400 = arith.constant 9.990000e+02 : f32
    %mul3A_401 = vector.broadcast %mul3A_400 : f32 to vector<16xf32>
    %mul3A_402 = arith.mulf %mul3A_399, %mul3A_401 : vector<16xf32>
    %convert_element_type3A_403 = arith.fptosi %mul3A_402 : vector<16xf32> to vector<16xi32>
    %max3A_404 = arith.maxsi %convert_element_type3A_395, %broadcast_in_dim3A_5 : vector<16xi32>
    %min3A_405 = arith.minsi %max3A_404, %broadcast_in_dim3A_7 : vector<16xi32>
    %swap3A_406 = arith.constant 112 : index
    %swap3A_407 = tpu.vector_load %arg15[%swap3A_406] {strides = array<i32>} : memref<128xi32, #tpu.memory_space<vmem>>, vector<16xi32>,
    %swap3A_408 = vector.shape_cast %swap3A_407 : vector<16xi32> to vector<16xi32>
    %swap3A_409 = vector.shape_cast %min3A_405 : vector<16xi32> to vector<16xi32>
    tpu.vector_store %arg15[%swap3A_406], %swap3A_409 {strides = array<i32>} : memref<128xi32, #tpu.memory_space<vmem>>, vector<16xi32>,
    %max3A_410 = arith.maxsi %convert_element_type3A_403, %broadcast_in_dim3A_5 : vector<16xi32>
    %min3A_411 = arith.minsi %max3A_410, %broadcast_in_dim3A_7 : vector<16xi32>
    %swap3A_412 = arith.constant 112 : index
    %swap3A_413 = tpu.vector_load %arg20[%swap3A_412] {strides = array<i32>} : memref<128xi32, #tpu.memory_space<vmem>>, vector<16xi32>,
    %swap3A_414 = vector.shape_cast %swap3A_413 : vector<16xi32> to vector<16xi32>
    %swap3A_415 = vector.shape_cast %min3A_411 : vector<16xi32> to vector<16xi32>
    tpu.vector_store %arg20[%swap3A_412], %swap3A_415 {strides = array<i32>} : memref<128xi32, #tpu.memory_space<vmem>>, vector<16xi32>,
    %dma_wait3A_416 = arith.constant 0 : i32
    %dma_wait3A_417 = arith.constant 0 : i32
    %dma_wait3A_418 = tpu.memref_slice %arg2[%dma_wait3A_416, %dma_wait3A_417] : memref<4x204800xf32, #tpu.memory_space<hbm>> -> memref<4x128xf32, #tpu.memory_space<hbm>>
    %dma_wait3A_419 = arith.constant 0 : i32
    %dma_wait3A_420 = arith.constant 0 : i32
    %dma_wait3A_421 = tpu.memref_slice %arg2[%dma_wait3A_419, %dma_wait3A_420] : memref<4x204800xf32, #tpu.memory_space<hbm>> -> memref<4x128xf32, #tpu.memory_space<hbm>>
    tpu.wait_dma2 semaphore(%arg42 : memref<!tpu.dma_semaphore, #tpu.memory_space<semaphore_mem>>) src(%dma_wait3A_421 : memref<4x128xf32, #tpu.memory_space<hbm>>) dst(%arg11 : memref<4x128xf32, #tpu.memory_space<vmem>>)
    %get3A_422 = arith.constant 0 : i32
    %get3A_423 = arith.index_cast %get3A_422 : i32 to index
    %get3A_424 = arith.constant 0 : index
    %get3A_425 = tpu.vector_load %arg11[%get3A_423, %get3A_424] {strides = array<i32>} : memref<4x128xf32, #tpu.memory_space<vmem>>, vector<1x16xf32>,
    %get3A_426 = vector.shape_cast %get3A_425 : vector<1x16xf32> to vector<16xf32>
    %get3A_427 = arith.constant 1 : i32
    %get3A_428 = arith.index_cast %get3A_427 : i32 to index
    %get3A_429 = arith.constant 0 : index
    %get3A_430 = tpu.vector_load %arg11[%get3A_428, %get3A_429] {strides = array<i32>} : memref<4x128xf32, #tpu.memory_space<vmem>>, vector<1x16xf32>,
    %get3A_431 = vector.shape_cast %get3A_430 : vector<1x16xf32> to vector<16xf32>
    %get3A_432 = arith.constant 2 : i32
    %get3A_433 = arith.index_cast %get3A_432 : i32 to index
    %get3A_434 = arith.constant 0 : index
    %get3A_435 = tpu.vector_load %arg11[%get3A_433, %get3A_434] {strides = array<i32>} : memref<4x128xf32, #tpu.memory_space<vmem>>, vector<1x16xf32>,
    %get3A_436 = vector.shape_cast %get3A_435 : vector<1x16xf32> to vector<16xf32>
    %get3A_437 = arith.constant 3 : i32
    %get3A_438 = arith.index_cast %get3A_437 : i32 to index
    %get3A_439 = arith.constant 0 : index
    %get3A_440 = tpu.vector_load %arg11[%get3A_438, %get3A_439] {strides = array<i32>} : memref<4x128xf32, #tpu.memory_space<vmem>>, vector<1x16xf32>,
    %get3A_441 = vector.shape_cast %get3A_440 : vector<1x16xf32> to vector<16xf32>
    %add3A_442 = arith.addf %get3A_426, %get3A_436 : vector<16xf32>
    %mul3A_443 = arith.constant 5.000000e-01 : f32
    %mul3A_444 = vector.broadcast %mul3A_443 : f32 to vector<16xf32>
    %mul3A_445 = arith.mulf %add3A_442, %mul3A_444 : vector<16xf32>
    %mul3A_446 = arith.constant 9.990000e+02 : f32
    %mul3A_447 = vector.broadcast %mul3A_446 : f32 to vector<16xf32>
    %mul3A_448 = arith.mulf %mul3A_445, %mul3A_447 : vector<16xf32>
    %convert_element_type3A_449 = arith.fptosi %mul3A_448 : vector<16xf32> to vector<16xi32>
    %add3A_450 = arith.addf %get3A_431, %get3A_441 : vector<16xf32>
    %mul3A_451 = arith.constant 5.000000e-01 : f32
    %mul3A_452 = vector.broadcast %mul3A_451 : f32 to vector<16xf32>
    %mul3A_453 = arith.mulf %add3A_450, %mul3A_452 : vector<16xf32>
    %mul3A_454 = arith.constant 9.990000e+02 : f32
    %mul3A_455 = vector.broadcast %mul3A_454 : f32 to vector<16xf32>
    %mul3A_456 = arith.mulf %mul3A_453, %mul3A_455 : vector<16xf32>
    %convert_element_type3A_457 = arith.fptosi %mul3A_456 : vector<16xf32> to vector<16xi32>
    %max3A_458 = arith.maxsi %convert_element_type3A_449, %broadcast_in_dim3A_5 : vector<16xi32>
    %min3A_459 = arith.minsi %max3A_458, %broadcast_in_dim3A_7 : vector<16xi32>
    %swap3A_460 = arith.constant 0 : index
    %swap3A_461 = tpu.vector_load %arg16[%swap3A_460] {strides = array<i32>} : memref<128xi32, #tpu.memory_space<vmem>>, vector<16xi32>,
    %swap3A_462 = vector.shape_cast %swap3A_461 : vector<16xi32> to vector<16xi32>
    %swap3A_463 = vector.shape_cast %min3A_459 : vector<16xi32> to vector<16xi32>
    tpu.vector_store %arg16[%swap3A_460], %swap3A_463 {strides = array<i32>} : memref<128xi32, #tpu.memory_space<vmem>>, vector<16xi32>,
    %max3A_464 = arith.maxsi %convert_element_type3A_457, %broadcast_in_dim3A_5 : vector<16xi32>
    %min3A_465 = arith.minsi %max3A_464, %broadcast_in_dim3A_7 : vector<16xi32>
    %swap3A_466 = arith.constant 0 : index
    %swap3A_467 = tpu.vector_load %arg21[%swap3A_466] {strides = array<i32>} : memref<128xi32, #tpu.memory_space<vmem>>, vector<16xi32>,
    %swap3A_468 = vector.shape_cast %swap3A_467 : vector<16xi32> to vector<16xi32>
    %swap3A_469 = vector.shape_cast %min3A_465 : vector<16xi32> to vector<16xi32>
    tpu.vector_store %arg21[%swap3A_466], %swap3A_469 {strides = array<i32>} : memref<128xi32, #tpu.memory_space<vmem>>, vector<16xi32>,
    %get3A_470 = arith.constant 0 : i32
    %get3A_471 = arith.index_cast %get3A_470 : i32 to index
    %get3A_472 = arith.constant 16 : index
    %get3A_473 = tpu.vector_load %arg11[%get3A_471, %get3A_472] {strides = array<i32>} : memref<4x128xf32, #tpu.memory_space<vmem>>, vector<1x16xf32>,
    %get3A_474 = vector.shape_cast %get3A_473 : vector<1x16xf32> to vector<16xf32>
    %get3A_475 = arith.constant 1 : i32
    %get3A_476 = arith.index_cast %get3A_475 : i32 to index
    %get3A_477 = arith.constant 16 : index
    %get3A_478 = tpu.vector_load %arg11[%get3A_476, %get3A_477] {strides = array<i32>} : memref<4x128xf32, #tpu.memory_space<vmem>>, vector<1x16xf32>,
    %get3A_479 = vector.shape_cast %get3A_478 : vector<1x16xf32> to vector<16xf32>
    %get3A_480 = arith.constant 2 : i32
    %get3A_481 = arith.index_cast %get3A_480 : i32 to index
    %get3A_482 = arith.constant 16 : index
    %get3A_483 = tpu.vector_load %arg11[%get3A_481, %get3A_482] {strides = array<i32>} : memref<4x128xf32, #tpu.memory_space<vmem>>, vector<1x16xf32>,
    %get3A_484 = vector.shape_cast %get3A_483 : vector<1x16xf32> to vector<16xf32>
    %get3A_485 = arith.constant 3 : i32
    %get3A_486 = arith.index_cast %get3A_485 : i32 to index
    %get3A_487 = arith.constant 16 : index
    %get3A_488 = tpu.vector_load %arg11[%get3A_486, %get3A_487] {strides = array<i32>} : memref<4x128xf32, #tpu.memory_space<vmem>>, vector<1x16xf32>,
    %get3A_489 = vector.shape_cast %get3A_488 : vector<1x16xf32> to vector<16xf32>
    %add3A_490 = arith.addf %get3A_474, %get3A_484 : vector<16xf32>
    %mul3A_491 = arith.constant 5.000000e-01 : f32
    %mul3A_492 = vector.broadcast %mul3A_491 : f32 to vector<16xf32>
    %mul3A_493 = arith.mulf %add3A_490, %mul3A_492 : vector<16xf32>
    %mul3A_494 = arith.constant 9.990000e+02 : f32
    %mul3A_495 = vector.broadcast %mul3A_494 : f32 to vector<16xf32>
    %mul3A_496 = arith.mulf %mul3A_493, %mul3A_495 : vector<16xf32>
    %convert_element_type3A_497 = arith.fptosi %mul3A_496 : vector<16xf32> to vector<16xi32>
    %add3A_498 = arith.addf %get3A_479, %get3A_489 : vector<16xf32>
    %mul3A_499 = arith.constant 5.000000e-01 : f32
    %mul3A_500 = vector.broadcast %mul3A_499 : f32 to vector<16xf32>
    %mul3A_501 = arith.mulf %add3A_498, %mul3A_500 : vector<16xf32>
    %mul3A_502 = arith.constant 9.990000e+02 : f32
    %mul3A_503 = vector.broadcast %mul3A_502 : f32 to vector<16xf32>
    %mul3A_504 = arith.mulf %mul3A_501, %mul3A_503 : vector<16xf32>
    %convert_element_type3A_505 = arith.fptosi %mul3A_504 : vector<16xf32> to vector<16xi32>
    %max3A_506 = arith.maxsi %convert_element_type3A_497, %broadcast_in_dim3A_5 : vector<16xi32>
    %min3A_507 = arith.minsi %max3A_506, %broadcast_in_dim3A_7 : vector<16xi32>
    %swap3A_508 = arith.constant 16 : index
    %swap3A_509 = tpu.vector_load %arg16[%swap3A_508] {strides = array<i32>} : memref<128xi32, #tpu.memory_space<vmem>>, vector<16xi32>,
    %swap3A_510 = vector.shape_cast %swap3A_509 : vector<16xi32> to vector<16xi32>
    %swap3A_511 = vector.shape_cast %min3A_507 : vector<16xi32> to vector<16xi32>
    tpu.vector_store %arg16[%swap3A_508], %swap3A_511 {strides = array<i32>} : memref<128xi32, #tpu.memory_space<vmem>>, vector<16xi32>,
    %max3A_512 = arith.maxsi %convert_element_type3A_505, %broadcast_in_dim3A_5 : vector<16xi32>
    %min3A_513 = arith.minsi %max3A_512, %broadcast_in_dim3A_7 : vector<16xi32>
    %swap3A_514 = arith.constant 16 : index
    %swap3A_515 = tpu.vector_load %arg21[%swap3A_514] {strides = array<i32>} : memref<128xi32, #tpu.memory_space<vmem>>, vector<16xi32>,
    %swap3A_516 = vector.shape_cast %swap3A_515 : vector<16xi32> to vector<16xi32>
    %swap3A_517 = vector.shape_cast %min3A_513 : vector<16xi32> to vector<16xi32>
    tpu.vector_store %arg21[%swap3A_514], %swap3A_517 {strides = array<i32>} : memref<128xi32, #tpu.memory_space<vmem>>, vector<16xi32>,
    %get3A_518 = arith.constant 0 : i32
    %get3A_519 = arith.index_cast %get3A_518 : i32 to index
    %get3A_520 = arith.constant 32 : index
    %get3A_521 = tpu.vector_load %arg11[%get3A_519, %get3A_520] {strides = array<i32>} : memref<4x128xf32, #tpu.memory_space<vmem>>, vector<1x16xf32>,
    %get3A_522 = vector.shape_cast %get3A_521 : vector<1x16xf32> to vector<16xf32>
    %get3A_523 = arith.constant 1 : i32
    %get3A_524 = arith.index_cast %get3A_523 : i32 to index
    %get3A_525 = arith.constant 32 : index
    %get3A_526 = tpu.vector_load %arg11[%get3A_524, %get3A_525] {strides = array<i32>} : memref<4x128xf32, #tpu.memory_space<vmem>>, vector<1x16xf32>,
    %get3A_527 = vector.shape_cast %get3A_526 : vector<1x16xf32> to vector<16xf32>
    %get3A_528 = arith.constant 2 : i32
    %get3A_529 = arith.index_cast %get3A_528 : i32 to index
    %get3A_530 = arith.constant 32 : index
    %get3A_531 = tpu.vector_load %arg11[%get3A_529, %get3A_530] {strides = array<i32>} : memref<4x128xf32, #tpu.memory_space<vmem>>, vector<1x16xf32>,
    %get3A_532 = vector.shape_cast %get3A_531 : vector<1x16xf32> to vector<16xf32>
    %get3A_533 = arith.constant 3 : i32
    %get3A_534 = arith.index_cast %get3A_533 : i32 to index
    %get3A_535 = arith.constant 32 : index
    %get3A_536 = tpu.vector_load %arg11[%get3A_534, %get3A_535] {strides = array<i32>} : memref<4x128xf32, #tpu.memory_space<vmem>>, vector<1x16xf32>,
    %get3A_537 = vector.shape_cast %get3A_536 : vector<1x16xf32> to vector<16xf32>
    %add3A_538 = arith.addf %get3A_522, %get3A_532 : vector<16xf32>
    %mul3A_539 = arith.constant 5.000000e-01 : f32
    %mul3A_540 = vector.broadcast %mul3A_539 : f32 to vector<16xf32>
    %mul3A_541 = arith.mulf %add3A_538, %mul3A_540 : vector<16xf32>
    %mul3A_542 = arith.constant 9.990000e+02 : f32
    %mul3A_543 = vector.broadcast %mul3A_542 : f32 to vector<16xf32>
    %mul3A_544 = arith.mulf %mul3A_541, %mul3A_543 : vector<16xf32>
    %convert_element_type3A_545 = arith.fptosi %mul3A_544 : vector<16xf32> to vector<16xi32>
    %add3A_546 = arith.addf %get3A_527, %get3A_537 : vector<16xf32>
    %mul3A_547 = arith.constant 5.000000e-01 : f32
    %mul3A_548 = vector.broadcast %mul3A_547 : f32 to vector<16xf32>
    %mul3A_549 = arith.mulf %add3A_546, %mul3A_548 : vector<16xf32>
    %mul3A_550 = arith.constant 9.990000e+02 : f32
    %mul3A_551 = vector.broadcast %mul3A_550 : f32 to vector<16xf32>
    %mul3A_552 = arith.mulf %mul3A_549, %mul3A_551 : vector<16xf32>
    %convert_element_type3A_553 = arith.fptosi %mul3A_552 : vector<16xf32> to vector<16xi32>
    %max3A_554 = arith.maxsi %convert_element_type3A_545, %broadcast_in_dim3A_5 : vector<16xi32>
    %min3A_555 = arith.minsi %max3A_554, %broadcast_in_dim3A_7 : vector<16xi32>
    %swap3A_556 = arith.constant 32 : index
    %swap3A_557 = tpu.vector_load %arg16[%swap3A_556] {strides = array<i32>} : memref<128xi32, #tpu.memory_space<vmem>>, vector<16xi32>,
    %swap3A_558 = vector.shape_cast %swap3A_557 : vector<16xi32> to vector<16xi32>
    %swap3A_559 = vector.shape_cast %min3A_555 : vector<16xi32> to vector<16xi32>
    tpu.vector_store %arg16[%swap3A_556], %swap3A_559 {strides = array<i32>} : memref<128xi32, #tpu.memory_space<vmem>>, vector<16xi32>,
    %max3A_560 = arith.maxsi %convert_element_type3A_553, %broadcast_in_dim3A_5 : vector<16xi32>
    %min3A_561 = arith.minsi %max3A_560, %broadcast_in_dim3A_7 : vector<16xi32>
    %swap3A_562 = arith.constant 32 : index
    %swap3A_563 = tpu.vector_load %arg21[%swap3A_562] {strides = array<i32>} : memref<128xi32, #tpu.memory_space<vmem>>, vector<16xi32>,
    %swap3A_564 = vector.shape_cast %swap3A_563 : vector<16xi32> to vector<16xi32>
    %swap3A_565 = vector.shape_cast %min3A_561 : vector<16xi32> to vector<16xi32>
    tpu.vector_store %arg21[%swap3A_562], %swap3A_565 {strides = array<i32>} : memref<128xi32, #tpu.memory_space<vmem>>, vector<16xi32>,
    %get3A_566 = arith.constant 0 : i32
    %get3A_567 = arith.index_cast %get3A_566 : i32 to index
    %get3A_568 = arith.constant 48 : index
    %get3A_569 = tpu.vector_load %arg11[%get3A_567, %get3A_568] {strides = array<i32>} : memref<4x128xf32, #tpu.memory_space<vmem>>, vector<1x16xf32>,
    %get3A_570 = vector.shape_cast %get3A_569 : vector<1x16xf32> to vector<16xf32>
    %get3A_571 = arith.constant 1 : i32
    %get3A_572 = arith.index_cast %get3A_571 : i32 to index
    %get3A_573 = arith.constant 48 : index
    %get3A_574 = tpu.vector_load %arg11[%get3A_572, %get3A_573] {strides = array<i32>} : memref<4x128xf32, #tpu.memory_space<vmem>>, vector<1x16xf32>,
    %get3A_575 = vector.shape_cast %get3A_574 : vector<1x16xf32> to vector<16xf32>
    %get3A_576 = arith.constant 2 : i32
    %get3A_577 = arith.index_cast %get3A_576 : i32 to index
    %get3A_578 = arith.constant 48 : index
    %get3A_579 = tpu.vector_load %arg11[%get3A_577, %get3A_578] {strides = array<i32>} : memref<4x128xf32, #tpu.memory_space<vmem>>, vector<1x16xf32>,
    %get3A_580 = vector.shape_cast %get3A_579 : vector<1x16xf32> to vector<16xf32>
    %get3A_581 = arith.constant 3 : i32
    %get3A_582 = arith.index_cast %get3A_581 : i32 to index
    %get3A_583 = arith.constant 48 : index
    %get3A_584 = tpu.vector_load %arg11[%get3A_582, %get3A_583] {strides = array<i32>} : memref<4x128xf32, #tpu.memory_space<vmem>>, vector<1x16xf32>,
    %get3A_585 = vector.shape_cast %get3A_584 : vector<1x16xf32> to vector<16xf32>
    %add3A_586 = arith.addf %get3A_570, %get3A_580 : vector<16xf32>
    %mul3A_587 = arith.constant 5.000000e-01 : f32
    %mul3A_588 = vector.broadcast %mul3A_587 : f32 to vector<16xf32>
    %mul3A_589 = arith.mulf %add3A_586, %mul3A_588 : vector<16xf32>
    %mul3A_590 = arith.constant 9.990000e+02 : f32
    %mul3A_591 = vector.broadcast %mul3A_590 : f32 to vector<16xf32>
    %mul3A_592 = arith.mulf %mul3A_589, %mul3A_591 : vector<16xf32>
    %convert_element_type3A_593 = arith.fptosi %mul3A_592 : vector<16xf32> to vector<16xi32>
    %add3A_594 = arith.addf %get3A_575, %get3A_585 : vector<16xf32>
    %mul3A_595 = arith.constant 5.000000e-01 : f32
    %mul3A_596 = vector.broadcast %mul3A_595 : f32 to vector<16xf32>
    %mul3A_597 = arith.mulf %add3A_594, %mul3A_596 : vector<16xf32>
    %mul3A_598 = arith.constant 9.990000e+02 : f32
    %mul3A_599 = vector.broadcast %mul3A_598 : f32 to vector<16xf32>
    %mul3A_600 = arith.mulf %mul3A_597, %mul3A_599 : vector<16xf32>
    %convert_element_type3A_601 = arith.fptosi %mul3A_600 : vector<16xf32> to vector<16xi32>
    %max3A_602 = arith.maxsi %convert_element_type3A_593, %broadcast_in_dim3A_5 : vector<16xi32>
    %min3A_603 = arith.minsi %max3A_602, %broadcast_in_dim3A_7 : vector<16xi32>
    %swap3A_604 = arith.constant 48 : index
    %swap3A_605 = tpu.vector_load %arg16[%swap3A_604] {strides = array<i32>} : memref<128xi32, #tpu.memory_space<vmem>>, vector<16xi32>,
    %swap3A_606 = vector.shape_cast %swap3A_605 : vector<16xi32> to vector<16xi32>
    %swap3A_607 = vector.shape_cast %min3A_603 : vector<16xi32> to vector<16xi32>
    tpu.vector_store %arg16[%swap3A_604], %swap3A_607 {strides = array<i32>} : memref<128xi32, #tpu.memory_space<vmem>>, vector<16xi32>,
    %max3A_608 = arith.maxsi %convert_element_type3A_601, %broadcast_in_dim3A_5 : vector<16xi32>
    %min3A_609 = arith.minsi %max3A_608, %broadcast_in_dim3A_7 : vector<16xi32>
    %swap3A_610 = arith.constant 48 : index
    %swap3A_611 = tpu.vector_load %arg21[%swap3A_610] {strides = array<i32>} : memref<128xi32, #tpu.memory_space<vmem>>, vector<16xi32>,
    %swap3A_612 = vector.shape_cast %swap3A_611 : vector<16xi32> to vector<16xi32>
    %swap3A_613 = vector.shape_cast %min3A_609 : vector<16xi32> to vector<16xi32>
    tpu.vector_store %arg21[%swap3A_610], %swap3A_613 {strides = array<i32>} : memref<128xi32, #tpu.memory_space<vmem>>, vector<16xi32>,
    %get3A_614 = arith.constant 0 : i32
    %get3A_615 = arith.index_cast %get3A_614 : i32 to index
    %get3A_616 = arith.constant 64 : index
    %get3A_617 = tpu.vector_load %arg11[%get3A_615, %get3A_616] {strides = array<i32>} : memref<4x128xf32, #tpu.memory_space<vmem>>, vector<1x16xf32>,
    %get3A_618 = vector.shape_cast %get3A_617 : vector<1x16xf32> to vector<16xf32>
    %get3A_619 = arith.constant 1 : i32
    %get3A_620 = arith.index_cast %get3A_619 : i32 to index
    %get3A_621 = arith.constant 64 : index
    %get3A_622 = tpu.vector_load %arg11[%get3A_620, %get3A_621] {strides = array<i32>} : memref<4x128xf32, #tpu.memory_space<vmem>>, vector<1x16xf32>,
    %get3A_623 = vector.shape_cast %get3A_622 : vector<1x16xf32> to vector<16xf32>
    %get3A_624 = arith.constant 2 : i32
    %get3A_625 = arith.index_cast %get3A_624 : i32 to index
    %get3A_626 = arith.constant 64 : index
    %get3A_627 = tpu.vector_load %arg11[%get3A_625, %get3A_626] {strides = array<i32>} : memref<4x128xf32, #tpu.memory_space<vmem>>, vector<1x16xf32>,
    %get3A_628 = vector.shape_cast %get3A_627 : vector<1x16xf32> to vector<16xf32>
    %get3A_629 = arith.constant 3 : i32
    %get3A_630 = arith.index_cast %get3A_629 : i32 to index
    %get3A_631 = arith.constant 64 : index
    %get3A_632 = tpu.vector_load %arg11[%get3A_630, %get3A_631] {strides = array<i32>} : memref<4x128xf32, #tpu.memory_space<vmem>>, vector<1x16xf32>,
    %get3A_633 = vector.shape_cast %get3A_632 : vector<1x16xf32> to vector<16xf32>
    %add3A_634 = arith.addf %get3A_618, %get3A_628 : vector<16xf32>
    %mul3A_635 = arith.constant 5.000000e-01 : f32
    %mul3A_636 = vector.broadcast %mul3A_635 : f32 to vector<16xf32>
    %mul3A_637 = arith.mulf %add3A_634, %mul3A_636 : vector<16xf32>
    %mul3A_638 = arith.constant 9.990000e+02 : f32
    %mul3A_639 = vector.broadcast %mul3A_638 : f32 to vector<16xf32>
    %mul3A_640 = arith.mulf %mul3A_637, %mul3A_639 : vector<16xf32>
    %convert_element_type3A_641 = arith.fptosi %mul3A_640 : vector<16xf32> to vector<16xi32>
    %add3A_642 = arith.addf %get3A_623, %get3A_633 : vector<16xf32>
    %mul3A_643 = arith.constant 5.000000e-01 : f32
    %mul3A_644 = vector.broadcast %mul3A_643 : f32 to vector<16xf32>
    %mul3A_645 = arith.mulf %add3A_642, %mul3A_644 : vector<16xf32>
    %mul3A_646 = arith.constant 9.990000e+02 : f32
    %mul3A_647 = vector.broadcast %mul3A_646 : f32 to vector<16xf32>
    %mul3A_648 = arith.mulf %mul3A_645, %mul3A_647 : vector<16xf32>
    %convert_element_type3A_649 = arith.fptosi %mul3A_648 : vector<16xf32> to vector<16xi32>
    %max3A_650 = arith.maxsi %convert_element_type3A_641, %broadcast_in_dim3A_5 : vector<16xi32>
    %min3A_651 = arith.minsi %max3A_650, %broadcast_in_dim3A_7 : vector<16xi32>
    %swap3A_652 = arith.constant 64 : index
    %swap3A_653 = tpu.vector_load %arg16[%swap3A_652] {strides = array<i32>} : memref<128xi32, #tpu.memory_space<vmem>>, vector<16xi32>,
    %swap3A_654 = vector.shape_cast %swap3A_653 : vector<16xi32> to vector<16xi32>
    %swap3A_655 = vector.shape_cast %min3A_651 : vector<16xi32> to vector<16xi32>
    tpu.vector_store %arg16[%swap3A_652], %swap3A_655 {strides = array<i32>} : memref<128xi32, #tpu.memory_space<vmem>>, vector<16xi32>,
    %max3A_656 = arith.maxsi %convert_element_type3A_649, %broadcast_in_dim3A_5 : vector<16xi32>
    %min3A_657 = arith.minsi %max3A_656, %broadcast_in_dim3A_7 : vector<16xi32>
    %swap3A_658 = arith.constant 64 : index
    %swap3A_659 = tpu.vector_load %arg21[%swap3A_658] {strides = array<i32>} : memref<128xi32, #tpu.memory_space<vmem>>, vector<16xi32>,
    %swap3A_660 = vector.shape_cast %swap3A_659 : vector<16xi32> to vector<16xi32>
    %swap3A_661 = vector.shape_cast %min3A_657 : vector<16xi32> to vector<16xi32>
    tpu.vector_store %arg21[%swap3A_658], %swap3A_661 {strides = array<i32>} : memref<128xi32, #tpu.memory_space<vmem>>, vector<16xi32>,
    %get3A_662 = arith.constant 0 : i32
    %get3A_663 = arith.index_cast %get3A_662 : i32 to index
    %get3A_664 = arith.constant 80 : index
    %get3A_665 = tpu.vector_load %arg11[%get3A_663, %get3A_664] {strides = array<i32>} : memref<4x128xf32, #tpu.memory_space<vmem>>, vector<1x16xf32>,
    %get3A_666 = vector.shape_cast %get3A_665 : vector<1x16xf32> to vector<16xf32>
    %get3A_667 = arith.constant 1 : i32
    %get3A_668 = arith.index_cast %get3A_667 : i32 to index
    %get3A_669 = arith.constant 80 : index
    %get3A_670 = tpu.vector_load %arg11[%get3A_668, %get3A_669] {strides = array<i32>} : memref<4x128xf32, #tpu.memory_space<vmem>>, vector<1x16xf32>,
    %get3A_671 = vector.shape_cast %get3A_670 : vector<1x16xf32> to vector<16xf32>
    %get3A_672 = arith.constant 2 : i32
    %get3A_673 = arith.index_cast %get3A_672 : i32 to index
    %get3A_674 = arith.constant 80 : index
    %get3A_675 = tpu.vector_load %arg11[%get3A_673, %get3A_674] {strides = array<i32>} : memref<4x128xf32, #tpu.memory_space<vmem>>, vector<1x16xf32>,
    %get3A_676 = vector.shape_cast %get3A_675 : vector<1x16xf32> to vector<16xf32>
    %get3A_677 = arith.constant 3 : i32
    %get3A_678 = arith.index_cast %get3A_677 : i32 to index
    %get3A_679 = arith.constant 80 : index
    %get3A_680 = tpu.vector_load %arg11[%get3A_678, %get3A_679] {strides = array<i32>} : memref<4x128xf32, #tpu.memory_space<vmem>>, vector<1x16xf32>,
    %get3A_681 = vector.shape_cast %get3A_680 : vector<1x16xf32> to vector<16xf32>
    %add3A_682 = arith.addf %get3A_666, %get3A_676 : vector<16xf32>
    %mul3A_683 = arith.constant 5.000000e-01 : f32
    %mul3A_684 = vector.broadcast %mul3A_683 : f32 to vector<16xf32>
    %mul3A_685 = arith.mulf %add3A_682, %mul3A_684 : vector<16xf32>
    %mul3A_686 = arith.constant 9.990000e+02 : f32
    %mul3A_687 = vector.broadcast %mul3A_686 : f32 to vector<16xf32>
    %mul3A_688 = arith.mulf %mul3A_685, %mul3A_687 : vector<16xf32>
    %convert_element_type3A_689 = arith.fptosi %mul3A_688 : vector<16xf32> to vector<16xi32>
    %add3A_690 = arith.addf %get3A_671, %get3A_681 : vector<16xf32>
    %mul3A_691 = arith.constant 5.000000e-01 : f32
    %mul3A_692 = vector.broadcast %mul3A_691 : f32 to vector<16xf32>
    %mul3A_693 = arith.mulf %add3A_690, %mul3A_692 : vector<16xf32>
    %mul3A_694 = arith.constant 9.990000e+02 : f32
    %mul3A_695 = vector.broadcast %mul3A_694 : f32 to vector<16xf32>
    %mul3A_696 = arith.mulf %mul3A_693, %mul3A_695 : vector<16xf32>
    %convert_element_type3A_697 = arith.fptosi %mul3A_696 : vector<16xf32> to vector<16xi32>
    %max3A_698 = arith.maxsi %convert_element_type3A_689, %broadcast_in_dim3A_5 : vector<16xi32>
    %min3A_699 = arith.minsi %max3A_698, %broadcast_in_dim3A_7 : vector<16xi32>
    %swap3A_700 = arith.constant 80 : index
    %swap3A_701 = tpu.vector_load %arg16[%swap3A_700] {strides = array<i32>} : memref<128xi32, #tpu.memory_space<vmem>>, vector<16xi32>,
    %swap3A_702 = vector.shape_cast %swap3A_701 : vector<16xi32> to vector<16xi32>
    %swap3A_703 = vector.shape_cast %min3A_699 : vector<16xi32> to vector<16xi32>
    tpu.vector_store %arg16[%swap3A_700], %swap3A_703 {strides = array<i32>} : memref<128xi32, #tpu.memory_space<vmem>>, vector<16xi32>,
    %max3A_704 = arith.maxsi %convert_element_type3A_697, %broadcast_in_dim3A_5 : vector<16xi32>
    %min3A_705 = arith.minsi %max3A_704, %broadcast_in_dim3A_7 : vector<16xi32>
    %swap3A_706 = arith.constant 80 : index
    %swap3A_707 = tpu.vector_load %arg21[%swap3A_706] {strides = array<i32>} : memref<128xi32, #tpu.memory_space<vmem>>, vector<16xi32>,
    %swap3A_708 = vector.shape_cast %swap3A_707 : vector<16xi32> to vector<16xi32>
    %swap3A_709 = vector.shape_cast %min3A_705 : vector<16xi32> to vector<16xi32>
    tpu.vector_store %arg21[%swap3A_706], %swap3A_709 {strides = array<i32>} : memref<128xi32, #tpu.memory_space<vmem>>, vector<16xi32>,
    %get3A_710 = arith.constant 0 : i32
    %get3A_711 = arith.index_cast %get3A_710 : i32 to index
    %get3A_712 = arith.constant 96 : index
    %get3A_713 = tpu.vector_load %arg11[%get3A_711, %get3A_712] {strides = array<i32>} : memref<4x128xf32, #tpu.memory_space<vmem>>, vector<1x16xf32>,
    %get3A_714 = vector.shape_cast %get3A_713 : vector<1x16xf32> to vector<16xf32>
    %get3A_715 = arith.constant 1 : i32
    %get3A_716 = arith.index_cast %get3A_715 : i32 to index
    %get3A_717 = arith.constant 96 : index
    %get3A_718 = tpu.vector_load %arg11[%get3A_716, %get3A_717] {strides = array<i32>} : memref<4x128xf32, #tpu.memory_space<vmem>>, vector<1x16xf32>,
    %get3A_719 = vector.shape_cast %get3A_718 : vector<1x16xf32> to vector<16xf32>
    %get3A_720 = arith.constant 2 : i32
    %get3A_721 = arith.index_cast %get3A_720 : i32 to index
    %get3A_722 = arith.constant 96 : index
    %get3A_723 = tpu.vector_load %arg11[%get3A_721, %get3A_722] {strides = array<i32>} : memref<4x128xf32, #tpu.memory_space<vmem>>, vector<1x16xf32>,
    %get3A_724 = vector.shape_cast %get3A_723 : vector<1x16xf32> to vector<16xf32>
    %get3A_725 = arith.constant 3 : i32
    %get3A_726 = arith.index_cast %get3A_725 : i32 to index
    %get3A_727 = arith.constant 96 : index
    %get3A_728 = tpu.vector_load %arg11[%get3A_726, %get3A_727] {strides = array<i32>} : memref<4x128xf32, #tpu.memory_space<vmem>>, vector<1x16xf32>,
    %get3A_729 = vector.shape_cast %get3A_728 : vector<1x16xf32> to vector<16xf32>
    %add3A_730 = arith.addf %get3A_714, %get3A_724 : vector<16xf32>
    %mul3A_731 = arith.constant 5.000000e-01 : f32
    %mul3A_732 = vector.broadcast %mul3A_731 : f32 to vector<16xf32>
    %mul3A_733 = arith.mulf %add3A_730, %mul3A_732 : vector<16xf32>
    %mul3A_734 = arith.constant 9.990000e+02 : f32
    %mul3A_735 = vector.broadcast %mul3A_734 : f32 to vector<16xf32>
    %mul3A_736 = arith.mulf %mul3A_733, %mul3A_735 : vector<16xf32>
    %convert_element_type3A_737 = arith.fptosi %mul3A_736 : vector<16xf32> to vector<16xi32>
    %add3A_738 = arith.addf %get3A_719, %get3A_729 : vector<16xf32>
    %mul3A_739 = arith.constant 5.000000e-01 : f32
    %mul3A_740 = vector.broadcast %mul3A_739 : f32 to vector<16xf32>
    %mul3A_741 = arith.mulf %add3A_738, %mul3A_740 : vector<16xf32>
    %mul3A_742 = arith.constant 9.990000e+02 : f32
    %mul3A_743 = vector.broadcast %mul3A_742 : f32 to vector<16xf32>
    %mul3A_744 = arith.mulf %mul3A_741, %mul3A_743 : vector<16xf32>
    %convert_element_type3A_745 = arith.fptosi %mul3A_744 : vector<16xf32> to vector<16xi32>
    %max3A_746 = arith.maxsi %convert_element_type3A_737, %broadcast_in_dim3A_5 : vector<16xi32>
    %min3A_747 = arith.minsi %max3A_746, %broadcast_in_dim3A_7 : vector<16xi32>
    %swap3A_748 = arith.constant 96 : index
    %swap3A_749 = tpu.vector_load %arg16[%swap3A_748] {strides = array<i32>} : memref<128xi32, #tpu.memory_space<vmem>>, vector<16xi32>,
    %swap3A_750 = vector.shape_cast %swap3A_749 : vector<16xi32> to vector<16xi32>
    %swap3A_751 = vector.shape_cast %min3A_747 : vector<16xi32> to vector<16xi32>
    tpu.vector_store %arg16[%swap3A_748], %swap3A_751 {strides = array<i32>} : memref<128xi32, #tpu.memory_space<vmem>>, vector<16xi32>,
    %max3A_752 = arith.maxsi %convert_element_type3A_745, %broadcast_in_dim3A_5 : vector<16xi32>
    %min3A_753 = arith.minsi %max3A_752, %broadcast_in_dim3A_7 : vector<16xi32>
    %swap3A_754 = arith.constant 96 : index
    %swap3A_755 = tpu.vector_load %arg21[%swap3A_754] {strides = array<i32>} : memref<128xi32, #tpu.memory_space<vmem>>, vector<16xi32>,
    %swap3A_756 = vector.shape_cast %swap3A_755 : vector<16xi32> to vector<16xi32>
    %swap3A_757 = vector.shape_cast %min3A_753 : vector<16xi32> to vector<16xi32>
    tpu.vector_store %arg21[%swap3A_754], %swap3A_757 {strides = array<i32>} : memref<128xi32, #tpu.memory_space<vmem>>, vector<16xi32>,
    %get3A_758 = arith.constant 0 : i32
    %get3A_759 = arith.index_cast %get3A_758 : i32 to index
    %get3A_760 = arith.constant 112 : index
    %get3A_761 = tpu.vector_load %arg11[%get3A_759, %get3A_760] {strides = array<i32>} : memref<4x128xf32, #tpu.memory_space<vmem>>, vector<1x16xf32>,
    %get3A_762 = vector.shape_cast %get3A_761 : vector<1x16xf32> to vector<16xf32>
    %get3A_763 = arith.constant 1 : i32
    %get3A_764 = arith.index_cast %get3A_763 : i32 to index
    %get3A_765 = arith.constant 112 : index
    %get3A_766 = tpu.vector_load %arg11[%get3A_764, %get3A_765] {strides = array<i32>} : memref<4x128xf32, #tpu.memory_space<vmem>>, vector<1x16xf32>,
    %get3A_767 = vector.shape_cast %get3A_766 : vector<1x16xf32> to vector<16xf32>
    %get3A_768 = arith.constant 2 : i32
    %get3A_769 = arith.index_cast %get3A_768 : i32 to index
    %get3A_770 = arith.constant 112 : index
    %get3A_771 = tpu.vector_load %arg11[%get3A_769, %get3A_770] {strides = array<i32>} : memref<4x128xf32, #tpu.memory_space<vmem>>, vector<1x16xf32>,
    %get3A_772 = vector.shape_cast %get3A_771 : vector<1x16xf32> to vector<16xf32>
    %get3A_773 = arith.constant 3 : i32
    %get3A_774 = arith.index_cast %get3A_773 : i32 to index
    %get3A_775 = arith.constant 112 : index
    %get3A_776 = tpu.vector_load %arg11[%get3A_774, %get3A_775] {strides = array<i32>} : memref<4x128xf32, #tpu.memory_space<vmem>>, vector<1x16xf32>,
    %get3A_777 = vector.shape_cast %get3A_776 : vector<1x16xf32> to vector<16xf32>
    %add3A_778 = arith.addf %get3A_762, %get3A_772 : vector<16xf32>
    %mul3A_779 = arith.constant 5.000000e-01 : f32
    %mul3A_780 = vector.broadcast %mul3A_779 : f32 to vector<16xf32>
    %mul3A_781 = arith.mulf %add3A_778, %mul3A_780 : vector<16xf32>
    %mul3A_782 = arith.constant 9.990000e+02 : f32
    %mul3A_783 = vector.broadcast %mul3A_782 : f32 to vector<16xf32>
    %mul3A_784 = arith.mulf %mul3A_781, %mul3A_783 : vector<16xf32>
    %convert_element_type3A_785 = arith.fptosi %mul3A_784 : vector<16xf32> to vector<16xi32>
    %add3A_786 = arith.addf %get3A_767, %get3A_777 : vector<16xf32>
    %mul3A_787 = arith.constant 5.000000e-01 : f32
    %mul3A_788 = vector.broadcast %mul3A_787 : f32 to vector<16xf32>
    %mul3A_789 = arith.mulf %add3A_786, %mul3A_788 : vector<16xf32>
    %mul3A_790 = arith.constant 9.990000e+02 : f32
    %mul3A_791 = vector.broadcast %mul3A_790 : f32 to vector<16xf32>
    %mul3A_792 = arith.mulf %mul3A_789, %mul3A_791 : vector<16xf32>
    %convert_element_type3A_793 = arith.fptosi %mul3A_792 : vector<16xf32> to vector<16xi32>
    %max3A_794 = arith.maxsi %convert_element_type3A_785, %broadcast_in_dim3A_5 : vector<16xi32>
    %min3A_795 = arith.minsi %max3A_794, %broadcast_in_dim3A_7 : vector<16xi32>
    %swap3A_796 = arith.constant 112 : index
    %swap3A_797 = tpu.vector_load %arg16[%swap3A_796] {strides = array<i32>} : memref<128xi32, #tpu.memory_space<vmem>>, vector<16xi32>,
    %swap3A_798 = vector.shape_cast %swap3A_797 : vector<16xi32> to vector<16xi32>
    %swap3A_799 = vector.shape_cast %min3A_795 : vector<16xi32> to vector<16xi32>
    tpu.vector_store %arg16[%swap3A_796], %swap3A_799 {strides = array<i32>} : memref<128xi32, #tpu.memory_space<vmem>>, vector<16xi32>,
    %max3A_800 = arith.maxsi %convert_element_type3A_793, %broadcast_in_dim3A_5 : vector<16xi32>
    %min3A_801 = arith.minsi %max3A_800, %broadcast_in_dim3A_7 : vector<16xi32>
    %swap3A_802 = arith.constant 112 : index
    %swap3A_803 = tpu.vector_load %arg21[%swap3A_802] {strides = array<i32>} : memref<128xi32, #tpu.memory_space<vmem>>, vector<16xi32>,
    %swap3A_804 = vector.shape_cast %swap3A_803 : vector<16xi32> to vector<16xi32>
    %swap3A_805 = vector.shape_cast %min3A_801 : vector<16xi32> to vector<16xi32>
    tpu.vector_store %arg21[%swap3A_802], %swap3A_805 {strides = array<i32>} : memref<128xi32, #tpu.memory_space<vmem>>, vector<16xi32>,
    %dma_start3A_806 = arith.constant 0 : i32
    %dma_start3A_807 = arith.constant 0 : i32
    %dma_start3A_808 = tpu.memref_slice %arg25[%dma_start3A_806, %dma_start3A_807] : memref<1000x128xf32, #tpu.memory_space<vmem_shared>> -> memref<1000x128xf32, #tpu.memory_space<vmem_shared>>
    tpu.enqueue_indirect_dma source(%dma_start3A_808 : memref<1000x128xf32, #tpu.memory_space<vmem_shared>>) target(%arg5 : memref<128x128xf32, #tpu.memory_space<vmem>>) offsets(%arg15 : memref<128xi32, #tpu.memory_space<vmem>>) semaphore(%arg26 : memref<!tpu.dma_semaphore, #tpu.memory_space<semaphore_mem>>)
    %scan3A = arith.constant 0 : i32
    %scan3A_809 = arith.constant 9.990000e+02 : f32
    %scan3A_810 = arith.constant 0 : i32
    %scan3A_811 = arith.constant 10 : i32
    %scan3A_812 = arith.addi %scan3A_810, %scan3A_811 : i32
    %scan3A_813 = arith.constant 1 : i32
    scf.for %scan3A_845 = %scan3A_810 to %scan3A_812 step %scan3A_813  : i32 {
      %mul3A_846 = arith.constant 5 : i32
      %mul3A_847 = arith.muli %scan3A_845, %mul3A_846 : i32
      %add3A_848 = arith.constant 0 : i32
      %add3A_849 = arith.addi %mul3A_847, %add3A_848 : i32
      %dma_wait3A_850 = arith.constant 0 : i32
      %dma_wait3A_851 = arith.constant 0 : i32
      %dma_wait3A_852 = tpu.memref_slice %arg25[%dma_wait3A_850, %dma_wait3A_851] : memref<1000x128xf32, #tpu.memory_space<vmem_shared>> -> memref<1000x128xf32, #tpu.memory_space<vmem_shared>>
      tpu.wait_indirect_dma semaphore(%arg26 : memref<!tpu.dma_semaphore, #tpu.memory_space<semaphore_mem>>) src(%dma_wait3A_852 : memref<1000x128xf32, #tpu.memory_space<vmem_shared>>) dst(%arg5 : memref<128x128xf32, #tpu.memory_space<vmem>>)
      %dma_start3A_853 = arith.constant 0 : i32
      %dma_start3A_854 = arith.constant 0 : i32
      %dma_start3A_855 = tpu.memref_slice %arg25[%dma_start3A_853, %dma_start3A_854] : memref<1000x128xf32, #tpu.memory_space<vmem_shared>> -> memref<1000x128xf32, #tpu.memory_space<vmem_shared>>
      tpu.enqueue_indirect_dma source(%dma_start3A_855 : memref<1000x128xf32, #tpu.memory_space<vmem_shared>>) target(%arg5 : memref<128x128xf32, #tpu.memory_space<vmem>>) offsets(%arg20 : memref<128xi32, #tpu.memory_space<vmem>>) semaphore(%arg31 : memref<!tpu.dma_semaphore, #tpu.memory_space<semaphore_mem>>) {add = true}
      %add3A_856 = arith.constant 1 : i32
      %add3A_857 = arith.addi %add3A_849, %add3A_856 : i32
      %lt3A = arith.constant 50 : i32
      %lt3A_858 = arith.cmpi slt, %add3A_857, %lt3A : i32
      %convert_element_type3A_859 = arith.extui %lt3A_858 : i1 to i32
      %cond3A_860 = arith.constant 0 : i32
      %cond3A_861 = arith.cmpi ne, %convert_element_type3A_859, %cond3A_860 : i32
      scf.if %cond3A_861 {
        %add3A_1015 = arith.constant 1 : i32
        %add3A_1016 = arith.addi %add3A_849, %add3A_1015 : i32
        %ge3A = arith.constant 5 : i32
        %ge3A_1017 = arith.cmpi sge, %add3A_1016, %ge3A : i32
        %convert_element_type3A_1018 = arith.extui %ge3A_1017 : i1 to i32
        %cond3A_1019 = arith.constant 0 : i32
        %cond3A_1020 = arith.cmpi ne, %convert_element_type3A_1018, %cond3A_1019 : i32
        scf.if %cond3A_1020 {
          %dma_wait3A_1024 = arith.constant 0 : i32
          %dma_wait3A_1025 = arith.constant 0 : i32
          %dma_wait3A_1026 = tpu.memref_slice %arg4[%dma_wait3A_1024, %dma_wait3A_1025] : memref<204800x128xf32, #tpu.memory_space<hbm>> -> memref<128x128xf32, #tpu.memory_space<hbm>>
          %dma_wait3A_1027 = arith.constant 0 : i32
          %dma_wait3A_1028 = arith.constant 0 : i32
          %dma_wait3A_1029 = tpu.memref_slice %arg4[%dma_wait3A_1027, %dma_wait3A_1028] : memref<204800x128xf32, #tpu.memory_space<hbm>> -> memref<128x128xf32, #tpu.memory_space<hbm>>
          tpu.wait_dma2 semaphore(%arg37 : memref<!tpu.dma_semaphore, #tpu.memory_space<semaphore_mem>>) src(%arg6 : memref<128x128xf32, #tpu.memory_space<vmem>>) dst(%dma_wait3A_1029 : memref<128x128xf32, #tpu.memory_space<hbm>>)
        } else {
        }
        %dma_start3A_1021 = arith.constant 0 : i32
        %dma_start3A_1022 = arith.constant 0 : i32
        %dma_start3A_1023 = tpu.memref_slice %arg25[%dma_start3A_1021, %dma_start3A_1022] : memref<1000x128xf32, #tpu.memory_space<vmem_shared>> -> memref<1000x128xf32, #tpu.memory_space<vmem_shared>>
        tpu.enqueue_indirect_dma source(%dma_start3A_1023 : memref<1000x128xf32, #tpu.memory_space<vmem_shared>>) target(%arg6 : memref<128x128xf32, #tpu.memory_space<vmem>>) offsets(%arg16 : memref<128xi32, #tpu.memory_space<vmem>>) semaphore(%arg27 : memref<!tpu.dma_semaphore, #tpu.memory_space<semaphore_mem>>)
      } else {
      }
      %add3A_862 = arith.constant 2 : i32
      %add3A_863 = arith.addi %add3A_849, %add3A_862 : i32
      %lt3A_864 = arith.constant 50 : i32
      %lt3A_865 = arith.cmpi slt, %add3A_863, %lt3A_864 : i32
      %convert_element_type3A_866 = arith.extui %lt3A_865 : i1 to i32
      %cond3A_867 = arith.constant 0 : i32
      %cond3A_868 = arith.cmpi ne, %convert_element_type3A_866, %cond3A_867 : i32
      scf.if %cond3A_868 {
        %dma_wait3A_1015 = arith.constant 0 : i32
        %dma_wait3A_1016 = arith.constant 0 : i32
        %dma_wait3A_1017 = tpu.memref_slice %arg2[%dma_wait3A_1015, %dma_wait3A_1016] : memref<4x204800xf32, #tpu.memory_space<hbm>> -> memref<4x128xf32, #tpu.memory_space<hbm>>
        %dma_wait3A_1018 = arith.constant 0 : i32
        %dma_wait3A_1019 = arith.constant 0 : i32
        %dma_wait3A_1020 = tpu.memref_slice %arg2[%dma_wait3A_1018, %dma_wait3A_1019] : memref<4x204800xf32, #tpu.memory_space<hbm>> -> memref<4x128xf32, #tpu.memory_space<hbm>>
        tpu.wait_dma2 semaphore(%arg43 : memref<!tpu.dma_semaphore, #tpu.memory_space<semaphore_mem>>) src(%dma_wait3A_1020 : memref<4x128xf32, #tpu.memory_space<hbm>>) dst(%arg12 : memref<4x128xf32, #tpu.memory_space<vmem>>)
        %get3A_1021 = arith.constant 0 : i32
        %get3A_1022 = arith.index_cast %get3A_1021 : i32 to index
        %get3A_1023 = arith.constant 0 : index
        %get3A_1024 = tpu.vector_load %arg12[%get3A_1022, %get3A_1023] {strides = array<i32>} : memref<4x128xf32, #tpu.memory_space<vmem>>, vector<1x16xf32>,
        %get3A_1025 = vector.shape_cast %get3A_1024 : vector<1x16xf32> to vector<16xf32>
        %get3A_1026 = arith.constant 1 : i32
        %get3A_1027 = arith.index_cast %get3A_1026 : i32 to index
        %get3A_1028 = arith.constant 0 : index
        %get3A_1029 = tpu.vector_load %arg12[%get3A_1027, %get3A_1028] {strides = array<i32>} : memref<4x128xf32, #tpu.memory_space<vmem>>, vector<1x16xf32>,
        %get3A_1030 = vector.shape_cast %get3A_1029 : vector<1x16xf32> to vector<16xf32>
        %get3A_1031 = arith.constant 2 : i32
        %get3A_1032 = arith.index_cast %get3A_1031 : i32 to index
        %get3A_1033 = arith.constant 0 : index
        %get3A_1034 = tpu.vector_load %arg12[%get3A_1032, %get3A_1033] {strides = array<i32>} : memref<4x128xf32, #tpu.memory_space<vmem>>, vector<1x16xf32>,
        %get3A_1035 = vector.shape_cast %get3A_1034 : vector<1x16xf32> to vector<16xf32>
        %get3A_1036 = arith.constant 3 : i32
        %get3A_1037 = arith.index_cast %get3A_1036 : i32 to index
        %get3A_1038 = arith.constant 0 : index
        %get3A_1039 = tpu.vector_load %arg12[%get3A_1037, %get3A_1038] {strides = array<i32>} : memref<4x128xf32, #tpu.memory_space<vmem>>, vector<1x16xf32>,
        %get3A_1040 = vector.shape_cast %get3A_1039 : vector<1x16xf32> to vector<16xf32>
        %add3A_1041 = arith.addf %get3A_1025, %get3A_1035 : vector<16xf32>
        %mul3A_1042 = arith.constant 5.000000e-01 : f32
        %mul3A_1043 = vector.broadcast %mul3A_1042 : f32 to vector<16xf32>
        %mul3A_1044 = arith.mulf %add3A_1041, %mul3A_1043 : vector<16xf32>
        %mul3A_1045 = vector.broadcast %scan3A_809 : f32 to vector<16xf32>
        %mul3A_1046 = arith.mulf %mul3A_1044, %mul3A_1045 : vector<16xf32>
        %convert_element_type3A_1047 = arith.fptosi %mul3A_1046 : vector<16xf32> to vector<16xi32>
        %add3A_1048 = arith.addf %get3A_1030, %get3A_1040 : vector<16xf32>
        %mul3A_1049 = arith.constant 5.000000e-01 : f32
        %mul3A_1050 = vector.broadcast %mul3A_1049 : f32 to vector<16xf32>
        %mul3A_1051 = arith.mulf %add3A_1048, %mul3A_1050 : vector<16xf32>
        %mul3A_1052 = vector.broadcast %scan3A_809 : f32 to vector<16xf32>
        %mul3A_1053 = arith.mulf %mul3A_1051, %mul3A_1052 : vector<16xf32>
        %convert_element_type3A_1054 = arith.fptosi %mul3A_1053 : vector<16xf32> to vector<16xi32>
        %max3A_1055 = arith.maxsi %convert_element_type3A_1047, %broadcast_in_dim3A_5 : vector<16xi32>
        %min3A_1056 = arith.minsi %max3A_1055, %broadcast_in_dim3A_7 : vector<16xi32>
        %swap3A_1057 = arith.constant 0 : index
        %swap3A_1058 = tpu.vector_load %arg17[%swap3A_1057] {strides = array<i32>} : memref<128xi32, #tpu.memory_space<vmem>>, vector<16xi32>,
        %swap3A_1059 = vector.shape_cast %swap3A_1058 : vector<16xi32> to vector<16xi32>
        %swap3A_1060 = vector.shape_cast %min3A_1056 : vector<16xi32> to vector<16xi32>
        tpu.vector_store %arg17[%swap3A_1057], %swap3A_1060 {strides = array<i32>} : memref<128xi32, #tpu.memory_space<vmem>>, vector<16xi32>,
        %max3A_1061 = arith.maxsi %convert_element_type3A_1054, %broadcast_in_dim3A_5 : vector<16xi32>
        %min3A_1062 = arith.minsi %max3A_1061, %broadcast_in_dim3A_7 : vector<16xi32>
        %swap3A_1063 = arith.constant 0 : index
        %swap3A_1064 = tpu.vector_load %arg22[%swap3A_1063] {strides = array<i32>} : memref<128xi32, #tpu.memory_space<vmem>>, vector<16xi32>,
        %swap3A_1065 = vector.shape_cast %swap3A_1064 : vector<16xi32> to vector<16xi32>
        %swap3A_1066 = vector.shape_cast %min3A_1062 : vector<16xi32> to vector<16xi32>
        tpu.vector_store %arg22[%swap3A_1063], %swap3A_1066 {strides = array<i32>} : memref<128xi32, #tpu.memory_space<vmem>>, vector<16xi32>,
        %get3A_1067 = arith.constant 0 : i32
        %get3A_1068 = arith.index_cast %get3A_1067 : i32 to index
        %get3A_1069 = arith.constant 16 : index
        %get3A_1070 = tpu.vector_load %arg12[%get3A_1068, %get3A_1069] {strides = array<i32>} : memref<4x128xf32, #tpu.memory_space<vmem>>, vector<1x16xf32>,
        %get3A_1071 = vector.shape_cast %get3A_1070 : vector<1x16xf32> to vector<16xf32>
        %get3A_1072 = arith.constant 1 : i32
        %get3A_1073 = arith.index_cast %get3A_1072 : i32 to index
        %get3A_1074 = arith.constant 16 : index
        %get3A_1075 = tpu.vector_load %arg12[%get3A_1073, %get3A_1074] {strides = array<i32>} : memref<4x128xf32, #tpu.memory_space<vmem>>, vector<1x16xf32>,
        %get3A_1076 = vector.shape_cast %get3A_1075 : vector<1x16xf32> to vector<16xf32>
        %get3A_1077 = arith.constant 2 : i32
        %get3A_1078 = arith.index_cast %get3A_1077 : i32 to index
        %get3A_1079 = arith.constant 16 : index
        %get3A_1080 = tpu.vector_load %arg12[%get3A_1078, %get3A_1079] {strides = array<i32>} : memref<4x128xf32, #tpu.memory_space<vmem>>, vector<1x16xf32>,
        %get3A_1081 = vector.shape_cast %get3A_1080 : vector<1x16xf32> to vector<16xf32>
        %get3A_1082 = arith.constant 3 : i32
        %get3A_1083 = arith.index_cast %get3A_1082 : i32 to index
        %get3A_1084 = arith.constant 16 : index
        %get3A_1085 = tpu.vector_load %arg12[%get3A_1083, %get3A_1084] {strides = array<i32>} : memref<4x128xf32, #tpu.memory_space<vmem>>, vector<1x16xf32>,
        %get3A_1086 = vector.shape_cast %get3A_1085 : vector<1x16xf32> to vector<16xf32>
        %add3A_1087 = arith.addf %get3A_1071, %get3A_1081 : vector<16xf32>
        %mul3A_1088 = arith.constant 5.000000e-01 : f32
        %mul3A_1089 = vector.broadcast %mul3A_1088 : f32 to vector<16xf32>
        %mul3A_1090 = arith.mulf %add3A_1087, %mul3A_1089 : vector<16xf32>
        %mul3A_1091 = vector.broadcast %scan3A_809 : f32 to vector<16xf32>
        %mul3A_1092 = arith.mulf %mul3A_1090, %mul3A_1091 : vector<16xf32>
        %convert_element_type3A_1093 = arith.fptosi %mul3A_1092 : vector<16xf32> to vector<16xi32>
        %add3A_1094 = arith.addf %get3A_1076, %get3A_1086 : vector<16xf32>
        %mul3A_1095 = arith.constant 5.000000e-01 : f32
        %mul3A_1096 = vector.broadcast %mul3A_1095 : f32 to vector<16xf32>
        %mul3A_1097 = arith.mulf %add3A_1094, %mul3A_1096 : vector<16xf32>
        %mul3A_1098 = vector.broadcast %scan3A_809 : f32 to vector<16xf32>
        %mul3A_1099 = arith.mulf %mul3A_1097, %mul3A_1098 : vector<16xf32>
        %convert_element_type3A_1100 = arith.fptosi %mul3A_1099 : vector<16xf32> to vector<16xi32>
        %max3A_1101 = arith.maxsi %convert_element_type3A_1093, %broadcast_in_dim3A_5 : vector<16xi32>
        %min3A_1102 = arith.minsi %max3A_1101, %broadcast_in_dim3A_7 : vector<16xi32>
        %swap3A_1103 = arith.constant 16 : index
        %swap3A_1104 = tpu.vector_load %arg17[%swap3A_1103] {strides = array<i32>} : memref<128xi32, #tpu.memory_space<vmem>>, vector<16xi32>,
        %swap3A_1105 = vector.shape_cast %swap3A_1104 : vector<16xi32> to vector<16xi32>
        %swap3A_1106 = vector.shape_cast %min3A_1102 : vector<16xi32> to vector<16xi32>
        tpu.vector_store %arg17[%swap3A_1103], %swap3A_1106 {strides = array<i32>} : memref<128xi32, #tpu.memory_space<vmem>>, vector<16xi32>,
        %max3A_1107 = arith.maxsi %convert_element_type3A_1100, %broadcast_in_dim3A_5 : vector<16xi32>
        %min3A_1108 = arith.minsi %max3A_1107, %broadcast_in_dim3A_7 : vector<16xi32>
        %swap3A_1109 = arith.constant 16 : index
        %swap3A_1110 = tpu.vector_load %arg22[%swap3A_1109] {strides = array<i32>} : memref<128xi32, #tpu.memory_space<vmem>>, vector<16xi32>,
        %swap3A_1111 = vector.shape_cast %swap3A_1110 : vector<16xi32> to vector<16xi32>
        %swap3A_1112 = vector.shape_cast %min3A_1108 : vector<16xi32> to vector<16xi32>
        tpu.vector_store %arg22[%swap3A_1109], %swap3A_1112 {strides = array<i32>} : memref<128xi32, #tpu.memory_space<vmem>>, vector<16xi32>,
        %get3A_1113 = arith.constant 0 : i32
        %get3A_1114 = arith.index_cast %get3A_1113 : i32 to index
        %get3A_1115 = arith.constant 32 : index
        %get3A_1116 = tpu.vector_load %arg12[%get3A_1114, %get3A_1115] {strides = array<i32>} : memref<4x128xf32, #tpu.memory_space<vmem>>, vector<1x16xf32>,
        %get3A_1117 = vector.shape_cast %get3A_1116 : vector<1x16xf32> to vector<16xf32>
        %get3A_1118 = arith.constant 1 : i32
        %get3A_1119 = arith.index_cast %get3A_1118 : i32 to index
        %get3A_1120 = arith.constant 32 : index
        %get3A_1121 = tpu.vector_load %arg12[%get3A_1119, %get3A_1120] {strides = array<i32>} : memref<4x128xf32, #tpu.memory_space<vmem>>, vector<1x16xf32>,
        %get3A_1122 = vector.shape_cast %get3A_1121 : vector<1x16xf32> to vector<16xf32>
        %get3A_1123 = arith.constant 2 : i32
        %get3A_1124 = arith.index_cast %get3A_1123 : i32 to index
        %get3A_1125 = arith.constant 32 : index
        %get3A_1126 = tpu.vector_load %arg12[%get3A_1124, %get3A_1125] {strides = array<i32>} : memref<4x128xf32, #tpu.memory_space<vmem>>, vector<1x16xf32>,
        %get3A_1127 = vector.shape_cast %get3A_1126 : vector<1x16xf32> to vector<16xf32>
        %get3A_1128 = arith.constant 3 : i32
        %get3A_1129 = arith.index_cast %get3A_1128 : i32 to index
        %get3A_1130 = arith.constant 32 : index
        %get3A_1131 = tpu.vector_load %arg12[%get3A_1129, %get3A_1130] {strides = array<i32>} : memref<4x128xf32, #tpu.memory_space<vmem>>, vector<1x16xf32>,
        %get3A_1132 = vector.shape_cast %get3A_1131 : vector<1x16xf32> to vector<16xf32>
        %add3A_1133 = arith.addf %get3A_1117, %get3A_1127 : vector<16xf32>
        %mul3A_1134 = arith.constant 5.000000e-01 : f32
        %mul3A_1135 = vector.broadcast %mul3A_1134 : f32 to vector<16xf32>
        %mul3A_1136 = arith.mulf %add3A_1133, %mul3A_1135 : vector<16xf32>
        %mul3A_1137 = vector.broadcast %scan3A_809 : f32 to vector<16xf32>
        %mul3A_1138 = arith.mulf %mul3A_1136, %mul3A_1137 : vector<16xf32>
        %convert_element_type3A_1139 = arith.fptosi %mul3A_1138 : vector<16xf32> to vector<16xi32>
        %add3A_1140 = arith.addf %get3A_1122, %get3A_1132 : vector<16xf32>
        %mul3A_1141 = arith.constant 5.000000e-01 : f32
        %mul3A_1142 = vector.broadcast %mul3A_1141 : f32 to vector<16xf32>
        %mul3A_1143 = arith.mulf %add3A_1140, %mul3A_1142 : vector<16xf32>
        %mul3A_1144 = vector.broadcast %scan3A_809 : f32 to vector<16xf32>
        %mul3A_1145 = arith.mulf %mul3A_1143, %mul3A_1144 : vector<16xf32>
        %convert_element_type3A_1146 = arith.fptosi %mul3A_1145 : vector<16xf32> to vector<16xi32>
        %max3A_1147 = arith.maxsi %convert_element_type3A_1139, %broadcast_in_dim3A_5 : vector<16xi32>
        %min3A_1148 = arith.minsi %max3A_1147, %broadcast_in_dim3A_7 : vector<16xi32>
        %swap3A_1149 = arith.constant 32 : index
        %swap3A_1150 = tpu.vector_load %arg17[%swap3A_1149] {strides = array<i32>} : memref<128xi32, #tpu.memory_space<vmem>>, vector<16xi32>,
        %swap3A_1151 = vector.shape_cast %swap3A_1150 : vector<16xi32> to vector<16xi32>
        %swap3A_1152 = vector.shape_cast %min3A_1148 : vector<16xi32> to vector<16xi32>
        tpu.vector_store %arg17[%swap3A_1149], %swap3A_1152 {strides = array<i32>} : memref<128xi32, #tpu.memory_space<vmem>>, vector<16xi32>,
        %max3A_1153 = arith.maxsi %convert_element_type3A_1146, %broadcast_in_dim3A_5 : vector<16xi32>
        %min3A_1154 = arith.minsi %max3A_1153, %broadcast_in_dim3A_7 : vector<16xi32>
        %swap3A_1155 = arith.constant 32 : index
        %swap3A_1156 = tpu.vector_load %arg22[%swap3A_1155] {strides = array<i32>} : memref<128xi32, #tpu.memory_space<vmem>>, vector<16xi32>,
        %swap3A_1157 = vector.shape_cast %swap3A_1156 : vector<16xi32> to vector<16xi32>
        %swap3A_1158 = vector.shape_cast %min3A_1154 : vector<16xi32> to vector<16xi32>
        tpu.vector_store %arg22[%swap3A_1155], %swap3A_1158 {strides = array<i32>} : memref<128xi32, #tpu.memory_space<vmem>>, vector<16xi32>,
        %get3A_1159 = arith.constant 0 : i32
        %get3A_1160 = arith.index_cast %get3A_1159 : i32 to index
        %get3A_1161 = arith.constant 48 : index
        %get3A_1162 = tpu.vector_load %arg12[%get3A_1160, %get3A_1161] {strides = array<i32>} : memref<4x128xf32, #tpu.memory_space<vmem>>, vector<1x16xf32>,
        %get3A_1163 = vector.shape_cast %get3A_1162 : vector<1x16xf32> to vector<16xf32>
        %get3A_1164 = arith.constant 1 : i32
        %get3A_1165 = arith.index_cast %get3A_1164 : i32 to index
        %get3A_1166 = arith.constant 48 : index
        %get3A_1167 = tpu.vector_load %arg12[%get3A_1165, %get3A_1166] {strides = array<i32>} : memref<4x128xf32, #tpu.memory_space<vmem>>, vector<1x16xf32>,
        %get3A_1168 = vector.shape_cast %get3A_1167 : vector<1x16xf32> to vector<16xf32>
        %get3A_1169 = arith.constant 2 : i32
        %get3A_1170 = arith.index_cast %get3A_1169 : i32 to index
        %get3A_1171 = arith.constant 48 : index
        %get3A_1172 = tpu.vector_load %arg12[%get3A_1170, %get3A_1171] {strides = array<i32>} : memref<4x128xf32, #tpu.memory_space<vmem>>, vector<1x16xf32>,
        %get3A_1173 = vector.shape_cast %get3A_1172 : vector<1x16xf32> to vector<16xf32>
        %get3A_1174 = arith.constant 3 : i32
        %get3A_1175 = arith.index_cast %get3A_1174 : i32 to index
        %get3A_1176 = arith.constant 48 : index
        %get3A_1177 = tpu.vector_load %arg12[%get3A_1175, %get3A_1176] {strides = array<i32>} : memref<4x128xf32, #tpu.memory_space<vmem>>, vector<1x16xf32>,
        %get3A_1178 = vector.shape_cast %get3A_1177 : vector<1x16xf32> to vector<16xf32>
        %add3A_1179 = arith.addf %get3A_1163, %get3A_1173 : vector<16xf32>
        %mul3A_1180 = arith.constant 5.000000e-01 : f32
        %mul3A_1181 = vector.broadcast %mul3A_1180 : f32 to vector<16xf32>
        %mul3A_1182 = arith.mulf %add3A_1179, %mul3A_1181 : vector<16xf32>
        %mul3A_1183 = vector.broadcast %scan3A_809 : f32 to vector<16xf32>
        %mul3A_1184 = arith.mulf %mul3A_1182, %mul3A_1183 : vector<16xf32>
        %convert_element_type3A_1185 = arith.fptosi %mul3A_1184 : vector<16xf32> to vector<16xi32>
        %add3A_1186 = arith.addf %get3A_1168, %get3A_1178 : vector<16xf32>
        %mul3A_1187 = arith.constant 5.000000e-01 : f32
        %mul3A_1188 = vector.broadcast %mul3A_1187 : f32 to vector<16xf32>
        %mul3A_1189 = arith.mulf %add3A_1186, %mul3A_1188 : vector<16xf32>
        %mul3A_1190 = vector.broadcast %scan3A_809 : f32 to vector<16xf32>
        %mul3A_1191 = arith.mulf %mul3A_1189, %mul3A_1190 : vector<16xf32>
        %convert_element_type3A_1192 = arith.fptosi %mul3A_1191 : vector<16xf32> to vector<16xi32>
        %max3A_1193 = arith.maxsi %convert_element_type3A_1185, %broadcast_in_dim3A_5 : vector<16xi32>
        %min3A_1194 = arith.minsi %max3A_1193, %broadcast_in_dim3A_7 : vector<16xi32>
        %swap3A_1195 = arith.constant 48 : index
        %swap3A_1196 = tpu.vector_load %arg17[%swap3A_1195] {strides = array<i32>} : memref<128xi32, #tpu.memory_space<vmem>>, vector<16xi32>,
        %swap3A_1197 = vector.shape_cast %swap3A_1196 : vector<16xi32> to vector<16xi32>
        %swap3A_1198 = vector.shape_cast %min3A_1194 : vector<16xi32> to vector<16xi32>
        tpu.vector_store %arg17[%swap3A_1195], %swap3A_1198 {strides = array<i32>} : memref<128xi32, #tpu.memory_space<vmem>>, vector<16xi32>,
        %max3A_1199 = arith.maxsi %convert_element_type3A_1192, %broadcast_in_dim3A_5 : vector<16xi32>
        %min3A_1200 = arith.minsi %max3A_1199, %broadcast_in_dim3A_7 : vector<16xi32>
        %swap3A_1201 = arith.constant 48 : index
        %swap3A_1202 = tpu.vector_load %arg22[%swap3A_1201] {strides = array<i32>} : memref<128xi32, #tpu.memory_space<vmem>>, vector<16xi32>,
        %swap3A_1203 = vector.shape_cast %swap3A_1202 : vector<16xi32> to vector<16xi32>
        %swap3A_1204 = vector.shape_cast %min3A_1200 : vector<16xi32> to vector<16xi32>
        tpu.vector_store %arg22[%swap3A_1201], %swap3A_1204 {strides = array<i32>} : memref<128xi32, #tpu.memory_space<vmem>>, vector<16xi32>,
        %get3A_1205 = arith.constant 0 : i32
        %get3A_1206 = arith.index_cast %get3A_1205 : i32 to index
        %get3A_1207 = arith.constant 64 : index
        %get3A_1208 = tpu.vector_load %arg12[%get3A_1206, %get3A_1207] {strides = array<i32>} : memref<4x128xf32, #tpu.memory_space<vmem>>, vector<1x16xf32>,
        %get3A_1209 = vector.shape_cast %get3A_1208 : vector<1x16xf32> to vector<16xf32>
        %get3A_1210 = arith.constant 1 : i32
        %get3A_1211 = arith.index_cast %get3A_1210 : i32 to index
        %get3A_1212 = arith.constant 64 : index
        %get3A_1213 = tpu.vector_load %arg12[%get3A_1211, %get3A_1212] {strides = array<i32>} : memref<4x128xf32, #tpu.memory_space<vmem>>, vector<1x16xf32>,
        %get3A_1214 = vector.shape_cast %get3A_1213 : vector<1x16xf32> to vector<16xf32>
        %get3A_1215 = arith.constant 2 : i32
        %get3A_1216 = arith.index_cast %get3A_1215 : i32 to index
        %get3A_1217 = arith.constant 64 : index
        %get3A_1218 = tpu.vector_load %arg12[%get3A_1216, %get3A_1217] {strides = array<i32>} : memref<4x128xf32, #tpu.memory_space<vmem>>, vector<1x16xf32>,
        %get3A_1219 = vector.shape_cast %get3A_1218 : vector<1x16xf32> to vector<16xf32>
        %get3A_1220 = arith.constant 3 : i32
        %get3A_1221 = arith.index_cast %get3A_1220 : i32 to index
        %get3A_1222 = arith.constant 64 : index
        %get3A_1223 = tpu.vector_load %arg12[%get3A_1221, %get3A_1222] {strides = array<i32>} : memref<4x128xf32, #tpu.memory_space<vmem>>, vector<1x16xf32>,
        %get3A_1224 = vector.shape_cast %get3A_1223 : vector<1x16xf32> to vector<16xf32>
        %add3A_1225 = arith.addf %get3A_1209, %get3A_1219 : vector<16xf32>
        %mul3A_1226 = arith.constant 5.000000e-01 : f32
        %mul3A_1227 = vector.broadcast %mul3A_1226 : f32 to vector<16xf32>
        %mul3A_1228 = arith.mulf %add3A_1225, %mul3A_1227 : vector<16xf32>
        %mul3A_1229 = vector.broadcast %scan3A_809 : f32 to vector<16xf32>
        %mul3A_1230 = arith.mulf %mul3A_1228, %mul3A_1229 : vector<16xf32>
        %convert_element_type3A_1231 = arith.fptosi %mul3A_1230 : vector<16xf32> to vector<16xi32>
        %add3A_1232 = arith.addf %get3A_1214, %get3A_1224 : vector<16xf32>
        %mul3A_1233 = arith.constant 5.000000e-01 : f32
        %mul3A_1234 = vector.broadcast %mul3A_1233 : f32 to vector<16xf32>
        %mul3A_1235 = arith.mulf %add3A_1232, %mul3A_1234 : vector<16xf32>
        %mul3A_1236 = vector.broadcast %scan3A_809 : f32 to vector<16xf32>
        %mul3A_1237 = arith.mulf %mul3A_1235, %mul3A_1236 : vector<16xf32>
        %convert_element_type3A_1238 = arith.fptosi %mul3A_1237 : vector<16xf32> to vector<16xi32>
        %max3A_1239 = arith.maxsi %convert_element_type3A_1231, %broadcast_in_dim3A_5 : vector<16xi32>
        %min3A_1240 = arith.minsi %max3A_1239, %broadcast_in_dim3A_7 : vector<16xi32>
        %swap3A_1241 = arith.constant 64 : index
        %swap3A_1242 = tpu.vector_load %arg17[%swap3A_1241] {strides = array<i32>} : memref<128xi32, #tpu.memory_space<vmem>>, vector<16xi32>,
        %swap3A_1243 = vector.shape_cast %swap3A_1242 : vector<16xi32> to vector<16xi32>
        %swap3A_1244 = vector.shape_cast %min3A_1240 : vector<16xi32> to vector<16xi32>
        tpu.vector_store %arg17[%swap3A_1241], %swap3A_1244 {strides = array<i32>} : memref<128xi32, #tpu.memory_space<vmem>>, vector<16xi32>,
        %max3A_1245 = arith.maxsi %convert_element_type3A_1238, %broadcast_in_dim3A_5 : vector<16xi32>
        %min3A_1246 = arith.minsi %max3A_1245, %broadcast_in_dim3A_7 : vector<16xi32>
        %swap3A_1247 = arith.constant 64 : index
        %swap3A_1248 = tpu.vector_load %arg22[%swap3A_1247] {strides = array<i32>} : memref<128xi32, #tpu.memory_space<vmem>>, vector<16xi32>,
        %swap3A_1249 = vector.shape_cast %swap3A_1248 : vector<16xi32> to vector<16xi32>
        %swap3A_1250 = vector.shape_cast %min3A_1246 : vector<16xi32> to vector<16xi32>
        tpu.vector_store %arg22[%swap3A_1247], %swap3A_1250 {strides = array<i32>} : memref<128xi32, #tpu.memory_space<vmem>>, vector<16xi32>,
        %get3A_1251 = arith.constant 0 : i32
        %get3A_1252 = arith.index_cast %get3A_1251 : i32 to index
        %get3A_1253 = arith.constant 80 : index
        %get3A_1254 = tpu.vector_load %arg12[%get3A_1252, %get3A_1253] {strides = array<i32>} : memref<4x128xf32, #tpu.memory_space<vmem>>, vector<1x16xf32>,
        %get3A_1255 = vector.shape_cast %get3A_1254 : vector<1x16xf32> to vector<16xf32>
        %get3A_1256 = arith.constant 1 : i32
        %get3A_1257 = arith.index_cast %get3A_1256 : i32 to index
        %get3A_1258 = arith.constant 80 : index
        %get3A_1259 = tpu.vector_load %arg12[%get3A_1257, %get3A_1258] {strides = array<i32>} : memref<4x128xf32, #tpu.memory_space<vmem>>, vector<1x16xf32>,
        %get3A_1260 = vector.shape_cast %get3A_1259 : vector<1x16xf32> to vector<16xf32>
        %get3A_1261 = arith.constant 2 : i32
        %get3A_1262 = arith.index_cast %get3A_1261 : i32 to index
        %get3A_1263 = arith.constant 80 : index
        %get3A_1264 = tpu.vector_load %arg12[%get3A_1262, %get3A_1263] {strides = array<i32>} : memref<4x128xf32, #tpu.memory_space<vmem>>, vector<1x16xf32>,
        %get3A_1265 = vector.shape_cast %get3A_1264 : vector<1x16xf32> to vector<16xf32>
        %get3A_1266 = arith.constant 3 : i32
        %get3A_1267 = arith.index_cast %get3A_1266 : i32 to index
        %get3A_1268 = arith.constant 80 : index
        %get3A_1269 = tpu.vector_load %arg12[%get3A_1267, %get3A_1268] {strides = array<i32>} : memref<4x128xf32, #tpu.memory_space<vmem>>, vector<1x16xf32>,
        %get3A_1270 = vector.shape_cast %get3A_1269 : vector<1x16xf32> to vector<16xf32>
        %add3A_1271 = arith.addf %get3A_1255, %get3A_1265 : vector<16xf32>
        %mul3A_1272 = arith.constant 5.000000e-01 : f32
        %mul3A_1273 = vector.broadcast %mul3A_1272 : f32 to vector<16xf32>
        %mul3A_1274 = arith.mulf %add3A_1271, %mul3A_1273 : vector<16xf32>
        %mul3A_1275 = vector.broadcast %scan3A_809 : f32 to vector<16xf32>
        %mul3A_1276 = arith.mulf %mul3A_1274, %mul3A_1275 : vector<16xf32>
        %convert_element_type3A_1277 = arith.fptosi %mul3A_1276 : vector<16xf32> to vector<16xi32>
        %add3A_1278 = arith.addf %get3A_1260, %get3A_1270 : vector<16xf32>
        %mul3A_1279 = arith.constant 5.000000e-01 : f32
        %mul3A_1280 = vector.broadcast %mul3A_1279 : f32 to vector<16xf32>
        %mul3A_1281 = arith.mulf %add3A_1278, %mul3A_1280 : vector<16xf32>
        %mul3A_1282 = vector.broadcast %scan3A_809 : f32 to vector<16xf32>
        %mul3A_1283 = arith.mulf %mul3A_1281, %mul3A_1282 : vector<16xf32>
        %convert_element_type3A_1284 = arith.fptosi %mul3A_1283 : vector<16xf32> to vector<16xi32>
        %max3A_1285 = arith.maxsi %convert_element_type3A_1277, %broadcast_in_dim3A_5 : vector<16xi32>
        %min3A_1286 = arith.minsi %max3A_1285, %broadcast_in_dim3A_7 : vector<16xi32>
        %swap3A_1287 = arith.constant 80 : index
        %swap3A_1288 = tpu.vector_load %arg17[%swap3A_1287] {strides = array<i32>} : memref<128xi32, #tpu.memory_space<vmem>>, vector<16xi32>,
        %swap3A_1289 = vector.shape_cast %swap3A_1288 : vector<16xi32> to vector<16xi32>
        %swap3A_1290 = vector.shape_cast %min3A_1286 : vector<16xi32> to vector<16xi32>
        tpu.vector_store %arg17[%swap3A_1287], %swap3A_1290 {strides = array<i32>} : memref<128xi32, #tpu.memory_space<vmem>>, vector<16xi32>,
        %max3A_1291 = arith.maxsi %convert_element_type3A_1284, %broadcast_in_dim3A_5 : vector<16xi32>
        %min3A_1292 = arith.minsi %max3A_1291, %broadcast_in_dim3A_7 : vector<16xi32>
        %swap3A_1293 = arith.constant 80 : index
        %swap3A_1294 = tpu.vector_load %arg22[%swap3A_1293] {strides = array<i32>} : memref<128xi32, #tpu.memory_space<vmem>>, vector<16xi32>,
        %swap3A_1295 = vector.shape_cast %swap3A_1294 : vector<16xi32> to vector<16xi32>
        %swap3A_1296 = vector.shape_cast %min3A_1292 : vector<16xi32> to vector<16xi32>
        tpu.vector_store %arg22[%swap3A_1293], %swap3A_1296 {strides = array<i32>} : memref<128xi32, #tpu.memory_space<vmem>>, vector<16xi32>,
        %get3A_1297 = arith.constant 0 : i32
        %get3A_1298 = arith.index_cast %get3A_1297 : i32 to index
        %get3A_1299 = arith.constant 96 : index
        %get3A_1300 = tpu.vector_load %arg12[%get3A_1298, %get3A_1299] {strides = array<i32>} : memref<4x128xf32, #tpu.memory_space<vmem>>, vector<1x16xf32>,
        %get3A_1301 = vector.shape_cast %get3A_1300 : vector<1x16xf32> to vector<16xf32>
        %get3A_1302 = arith.constant 1 : i32
        %get3A_1303 = arith.index_cast %get3A_1302 : i32 to index
        %get3A_1304 = arith.constant 96 : index
        %get3A_1305 = tpu.vector_load %arg12[%get3A_1303, %get3A_1304] {strides = array<i32>} : memref<4x128xf32, #tpu.memory_space<vmem>>, vector<1x16xf32>,
        %get3A_1306 = vector.shape_cast %get3A_1305 : vector<1x16xf32> to vector<16xf32>
        %get3A_1307 = arith.constant 2 : i32
        %get3A_1308 = arith.index_cast %get3A_1307 : i32 to index
        %get3A_1309 = arith.constant 96 : index
        %get3A_1310 = tpu.vector_load %arg12[%get3A_1308, %get3A_1309] {strides = array<i32>} : memref<4x128xf32, #tpu.memory_space<vmem>>, vector<1x16xf32>,
        %get3A_1311 = vector.shape_cast %get3A_1310 : vector<1x16xf32> to vector<16xf32>
        %get3A_1312 = arith.constant 3 : i32
        %get3A_1313 = arith.index_cast %get3A_1312 : i32 to index
        %get3A_1314 = arith.constant 96 : index
        %get3A_1315 = tpu.vector_load %arg12[%get3A_1313, %get3A_1314] {strides = array<i32>} : memref<4x128xf32, #tpu.memory_space<vmem>>, vector<1x16xf32>,
        %get3A_1316 = vector.shape_cast %get3A_1315 : vector<1x16xf32> to vector<16xf32>
        %add3A_1317 = arith.addf %get3A_1301, %get3A_1311 : vector<16xf32>
        %mul3A_1318 = arith.constant 5.000000e-01 : f32
        %mul3A_1319 = vector.broadcast %mul3A_1318 : f32 to vector<16xf32>
        %mul3A_1320 = arith.mulf %add3A_1317, %mul3A_1319 : vector<16xf32>
        %mul3A_1321 = vector.broadcast %scan3A_809 : f32 to vector<16xf32>
        %mul3A_1322 = arith.mulf %mul3A_1320, %mul3A_1321 : vector<16xf32>
        %convert_element_type3A_1323 = arith.fptosi %mul3A_1322 : vector<16xf32> to vector<16xi32>
        %add3A_1324 = arith.addf %get3A_1306, %get3A_1316 : vector<16xf32>
        %mul3A_1325 = arith.constant 5.000000e-01 : f32
        %mul3A_1326 = vector.broadcast %mul3A_1325 : f32 to vector<16xf32>
        %mul3A_1327 = arith.mulf %add3A_1324, %mul3A_1326 : vector<16xf32>
        %mul3A_1328 = vector.broadcast %scan3A_809 : f32 to vector<16xf32>
        %mul3A_1329 = arith.mulf %mul3A_1327, %mul3A_1328 : vector<16xf32>
        %convert_element_type3A_1330 = arith.fptosi %mul3A_1329 : vector<16xf32> to vector<16xi32>
        %max3A_1331 = arith.maxsi %convert_element_type3A_1323, %broadcast_in_dim3A_5 : vector<16xi32>
        %min3A_1332 = arith.minsi %max3A_1331, %broadcast_in_dim3A_7 : vector<16xi32>
        %swap3A_1333 = arith.constant 96 : index
        %swap3A_1334 = tpu.vector_load %arg17[%swap3A_1333] {strides = array<i32>} : memref<128xi32, #tpu.memory_space<vmem>>, vector<16xi32>,
        %swap3A_1335 = vector.shape_cast %swap3A_1334 : vector<16xi32> to vector<16xi32>
        %swap3A_1336 = vector.shape_cast %min3A_1332 : vector<16xi32> to vector<16xi32>
        tpu.vector_store %arg17[%swap3A_1333], %swap3A_1336 {strides = array<i32>} : memref<128xi32, #tpu.memory_space<vmem>>, vector<16xi32>,
        %max3A_1337 = arith.maxsi %convert_element_type3A_1330, %broadcast_in_dim3A_5 : vector<16xi32>
        %min3A_1338 = arith.minsi %max3A_1337, %broadcast_in_dim3A_7 : vector<16xi32>
        %swap3A_1339 = arith.constant 96 : index
        %swap3A_1340 = tpu.vector_load %arg22[%swap3A_1339] {strides = array<i32>} : memref<128xi32, #tpu.memory_space<vmem>>, vector<16xi32>,
        %swap3A_1341 = vector.shape_cast %swap3A_1340 : vector<16xi32> to vector<16xi32>
        %swap3A_1342 = vector.shape_cast %min3A_1338 : vector<16xi32> to vector<16xi32>
        tpu.vector_store %arg22[%swap3A_1339], %swap3A_1342 {strides = array<i32>} : memref<128xi32, #tpu.memory_space<vmem>>, vector<16xi32>,
        %get3A_1343 = arith.constant 0 : i32
        %get3A_1344 = arith.index_cast %get3A_1343 : i32 to index
        %get3A_1345 = arith.constant 112 : index
        %get3A_1346 = tpu.vector_load %arg12[%get3A_1344, %get3A_1345] {strides = array<i32>} : memref<4x128xf32, #tpu.memory_space<vmem>>, vector<1x16xf32>,
        %get3A_1347 = vector.shape_cast %get3A_1346 : vector<1x16xf32> to vector<16xf32>
        %get3A_1348 = arith.constant 1 : i32
        %get3A_1349 = arith.index_cast %get3A_1348 : i32 to index
        %get3A_1350 = arith.constant 112 : index
        %get3A_1351 = tpu.vector_load %arg12[%get3A_1349, %get3A_1350] {strides = array<i32>} : memref<4x128xf32, #tpu.memory_space<vmem>>, vector<1x16xf32>,
        %get3A_1352 = vector.shape_cast %get3A_1351 : vector<1x16xf32> to vector<16xf32>
        %get3A_1353 = arith.constant 2 : i32
        %get3A_1354 = arith.index_cast %get3A_1353 : i32 to index
        %get3A_1355 = arith.constant 112 : index
        %get3A_1356 = tpu.vector_load %arg12[%get3A_1354, %get3A_1355] {strides = array<i32>} : memref<4x128xf32, #tpu.memory_space<vmem>>, vector<1x16xf32>,
        %get3A_1357 = vector.shape_cast %get3A_1356 : vector<1x16xf32> to vector<16xf32>
        %get3A_1358 = arith.constant 3 : i32
        %get3A_1359 = arith.index_cast %get3A_1358 : i32 to index
        %get3A_1360 = arith.constant 112 : index
        %get3A_1361 = tpu.vector_load %arg12[%get3A_1359, %get3A_1360] {strides = array<i32>} : memref<4x128xf32, #tpu.memory_space<vmem>>, vector<1x16xf32>,
        %get3A_1362 = vector.shape_cast %get3A_1361 : vector<1x16xf32> to vector<16xf32>
        %add3A_1363 = arith.addf %get3A_1347, %get3A_1357 : vector<16xf32>
        %mul3A_1364 = arith.constant 5.000000e-01 : f32
        %mul3A_1365 = vector.broadcast %mul3A_1364 : f32 to vector<16xf32>
        %mul3A_1366 = arith.mulf %add3A_1363, %mul3A_1365 : vector<16xf32>
        %mul3A_1367 = vector.broadcast %scan3A_809 : f32 to vector<16xf32>
        %mul3A_1368 = arith.mulf %mul3A_1366, %mul3A_1367 : vector<16xf32>
        %convert_element_type3A_1369 = arith.fptosi %mul3A_1368 : vector<16xf32> to vector<16xi32>
        %add3A_1370 = arith.addf %get3A_1352, %get3A_1362 : vector<16xf32>
        %mul3A_1371 = arith.constant 5.000000e-01 : f32
        %mul3A_1372 = vector.broadcast %mul3A_1371 : f32 to vector<16xf32>
        %mul3A_1373 = arith.mulf %add3A_1370, %mul3A_1372 : vector<16xf32>
        %mul3A_1374 = vector.broadcast %scan3A_809 : f32 to vector<16xf32>
        %mul3A_1375 = arith.mulf %mul3A_1373, %mul3A_1374 : vector<16xf32>
        %convert_element_type3A_1376 = arith.fptosi %mul3A_1375 : vector<16xf32> to vector<16xi32>
        %max3A_1377 = arith.maxsi %convert_element_type3A_1369, %broadcast_in_dim3A_5 : vector<16xi32>
        %min3A_1378 = arith.minsi %max3A_1377, %broadcast_in_dim3A_7 : vector<16xi32>
        %swap3A_1379 = arith.constant 112 : index
        %swap3A_1380 = tpu.vector_load %arg17[%swap3A_1379] {strides = array<i32>} : memref<128xi32, #tpu.memory_space<vmem>>, vector<16xi32>,
        %swap3A_1381 = vector.shape_cast %swap3A_1380 : vector<16xi32> to vector<16xi32>
        %swap3A_1382 = vector.shape_cast %min3A_1378 : vector<16xi32> to vector<16xi32>
        tpu.vector_store %arg17[%swap3A_1379], %swap3A_1382 {strides = array<i32>} : memref<128xi32, #tpu.memory_space<vmem>>, vector<16xi32>,
        %max3A_1383 = arith.maxsi %convert_element_type3A_1376, %broadcast_in_dim3A_5 : vector<16xi32>
        %min3A_1384 = arith.minsi %max3A_1383, %broadcast_in_dim3A_7 : vector<16xi32>
        %swap3A_1385 = arith.constant 112 : index
        %swap3A_1386 = tpu.vector_load %arg22[%swap3A_1385] {strides = array<i32>} : memref<128xi32, #tpu.memory_space<vmem>>, vector<16xi32>,
        %swap3A_1387 = vector.shape_cast %swap3A_1386 : vector<16xi32> to vector<16xi32>
        %swap3A_1388 = vector.shape_cast %min3A_1384 : vector<16xi32> to vector<16xi32>
        tpu.vector_store %arg22[%swap3A_1385], %swap3A_1388 {strides = array<i32>} : memref<128xi32, #tpu.memory_space<vmem>>, vector<16xi32>,
        %add3A_1389 = arith.constant 4 : i32
        %add3A_1390 = arith.addi %add3A_849, %add3A_1389 : i32
        %lt3A_1391 = arith.constant 50 : i32
        %lt3A_1392 = arith.cmpi slt, %add3A_1390, %lt3A_1391 : i32
        %convert_element_type3A_1393 = arith.extui %lt3A_1392 : i1 to i32
        %cond3A_1394 = arith.constant 0 : i32
        %cond3A_1395 = arith.cmpi ne, %convert_element_type3A_1393, %cond3A_1394 : i32
        scf.if %cond3A_1395 {
          %add3A_1396 = arith.constant 4 : i32
          %add3A_1397 = arith.addi %add3A_849, %add3A_1396 : i32
          %mul3A_1398 = arith.constant 128 : i32
          %mul3A_1399 = arith.muli %add3A_1397, %mul3A_1398 : i32
          %add3A_1400 = arith.addi %mul3A_2, %mul3A_1399 : i32
          %dma_start3A_1401 = arith.constant 0 : i32
          %dma_start3A_1402 = tpu.memref_slice %arg2[%dma_start3A_1401, %add3A_1400] : memref<4x204800xf32, #tpu.memory_space<hbm>> -> memref<4x128xf32, #tpu.memory_space<hbm>>
          %dma_start3A_1403 = arith.constant 0 : i32
          %dma_start3A_1404 = tpu.memref_slice %arg2[%dma_start3A_1403, %add3A_1400] : memref<4x204800xf32, #tpu.memory_space<hbm>> -> memref<4x128xf32, #tpu.memory_space<hbm>>
          tpu.enqueue_dma source(%dma_start3A_1404 : memref<4x128xf32, #tpu.memory_space<hbm>>) target(%arg14 : memref<4x128xf32, #tpu.memory_space<vmem>>) target_semaphore(%arg45 : memref<!tpu.dma_semaphore, #tpu.memory_space<semaphore_mem>>)
        } else {
        }
      } else {
      }
      %dma_wait3A_869 = arith.constant 0 : i32
      %dma_wait3A_870 = arith.constant 0 : i32
      %dma_wait3A_871 = tpu.memref_slice %arg25[%dma_wait3A_869, %dma_wait3A_870] : memref<1000x128xf32, #tpu.memory_space<vmem_shared>> -> memref<1000x128xf32, #tpu.memory_space<vmem_shared>>
      tpu.wait_indirect_dma semaphore(%arg31 : memref<!tpu.dma_semaphore, #tpu.memory_space<semaphore_mem>>) src(%dma_wait3A_871 : memref<1000x128xf32, #tpu.memory_space<vmem_shared>>) dst(%arg5 : memref<128x128xf32, #tpu.memory_space<vmem>>)
      %mul3A_872 = arith.constant 128 : i32
      %mul3A_873 = arith.muli %add3A_849, %mul3A_872 : i32
      %add3A_874 = arith.addi %mul3A_2, %mul3A_873 : i32
      %dma_start3A_875 = arith.constant 0 : i32
      %dma_start3A_876 = tpu.memref_slice %arg4[%add3A_874, %dma_start3A_875] : memref<204800x128xf32, #tpu.memory_space<hbm>> -> memref<128x128xf32, #tpu.memory_space<hbm>>
      %dma_start3A_877 = arith.constant 0 : i32
      %dma_start3A_878 = tpu.memref_slice %arg4[%add3A_874, %dma_start3A_877] : memref<204800x128xf32, #tpu.memory_space<hbm>> -> memref<128x128xf32, #tpu.memory_space<hbm>>
      tpu.enqueue_dma source(%arg5 : memref<128x128xf32, #tpu.memory_space<vmem>>) target(%dma_start3A_878 : memref<128x128xf32, #tpu.memory_space<hbm>>) target_semaphore(%arg36 : memref<!tpu.dma_semaphore, #tpu.memory_space<semaphore_mem>>)
      %mul3A_879 = arith.constant 5 : i32
      %mul3A_880 = arith.muli %scan3A_845, %mul3A_879 : i32
      %add3A_881 = arith.constant 1 : i32
      %add3A_882 = arith.addi %mul3A_880, %add3A_881 : i32
      %dma_wait3A_883 = arith.constant 0 : i32
      %dma_wait3A_884 = arith.constant 0 : i32
      %dma_wait3A_885 = tpu.memref_slice %arg25[%dma_wait3A_883, %dma_wait3A_884] : memref<1000x128xf32, #tpu.memory_space<vmem_shared>> -> memref<1000x128xf32, #tpu.memory_space<vmem_shared>>
      tpu.wait_indirect_dma semaphore(%arg27 : memref<!tpu.dma_semaphore, #tpu.memory_space<semaphore_mem>>) src(%dma_wait3A_885 : memref<1000x128xf32, #tpu.memory_space<vmem_shared>>) dst(%arg6 : memref<128x128xf32, #tpu.memory_space<vmem>>)
      %dma_start3A_886 = arith.constant 0 : i32
      %dma_start3A_887 = arith.constant 0 : i32
      %dma_start3A_888 = tpu.memref_slice %arg25[%dma_start3A_886, %dma_start3A_887] : memref<1000x128xf32, #tpu.memory_space<vmem_shared>> -> memref<1000x128xf32, #tpu.memory_space<vmem_shared>>
      tpu.enqueue_indirect_dma source(%dma_start3A_888 : memref<1000x128xf32, #tpu.memory_space<vmem_shared>>) target(%arg6 : memref<128x128xf32, #tpu.memory_space<vmem>>) offsets(%arg21 : memref<128xi32, #tpu.memory_space<vmem>>) semaphore(%arg32 : memref<!tpu.dma_semaphore, #tpu.memory_space<semaphore_mem>>) {add = true}
      %add3A_889 = arith.constant 1 : i32
      %add3A_890 = arith.addi %add3A_882, %add3A_889 : i32
      %lt3A_891 = arith.constant 50 : i32
      %lt3A_892 = arith.cmpi slt, %add3A_890, %lt3A_891 : i32
      %convert_element_type3A_893 = arith.extui %lt3A_892 : i1 to i32
      %cond3A_894 = arith.constant 0 : i32
      %cond3A_895 = arith.cmpi ne, %convert_element_type3A_893, %cond3A_894 : i32
      scf.if %cond3A_895 {
        %add3A_1015 = arith.constant 1 : i32
        %add3A_1016 = arith.addi %add3A_882, %add3A_1015 : i32
        %ge3A = arith.constant 5 : i32
        %ge3A_1017 = arith.cmpi sge, %add3A_1016, %ge3A : i32
        %convert_element_type3A_1018 = arith.extui %ge3A_1017 : i1 to i32
        %cond3A_1019 = arith.constant 0 : i32
        %cond3A_1020 = arith.cmpi ne, %convert_element_type3A_1018, %cond3A_1019 : i32
        scf.if %cond3A_1020 {
          %dma_wait3A_1024 = arith.constant 0 : i32
          %dma_wait3A_1025 = arith.constant 0 : i32
          %dma_wait3A_1026 = tpu.memref_slice %arg4[%dma_wait3A_1024, %dma_wait3A_1025] : memref<204800x128xf32, #tpu.memory_space<hbm>> -> memref<128x128xf32, #tpu.memory_space<hbm>>
          %dma_wait3A_1027 = arith.constant 0 : i32
          %dma_wait3A_1028 = arith.constant 0 : i32
          %dma_wait3A_1029 = tpu.memref_slice %arg4[%dma_wait3A_1027, %dma_wait3A_1028] : memref<204800x128xf32, #tpu.memory_space<hbm>> -> memref<128x128xf32, #tpu.memory_space<hbm>>
          tpu.wait_dma2 semaphore(%arg38 : memref<!tpu.dma_semaphore, #tpu.memory_space<semaphore_mem>>) src(%arg7 : memref<128x128xf32, #tpu.memory_space<vmem>>) dst(%dma_wait3A_1029 : memref<128x128xf32, #tpu.memory_space<hbm>>)
        } else {
        }
        %dma_start3A_1021 = arith.constant 0 : i32
        %dma_start3A_1022 = arith.constant 0 : i32
        %dma_start3A_1023 = tpu.memref_slice %arg25[%dma_start3A_1021, %dma_start3A_1022] : memref<1000x128xf32, #tpu.memory_space<vmem_shared>> -> memref<1000x128xf32, #tpu.memory_space<vmem_shared>>
        tpu.enqueue_indirect_dma source(%dma_start3A_1023 : memref<1000x128xf32, #tpu.memory_space<vmem_shared>>) target(%arg7 : memref<128x128xf32, #tpu.memory_space<vmem>>) offsets(%arg17 : memref<128xi32, #tpu.memory_space<vmem>>) semaphore(%arg28 : memref<!tpu.dma_semaphore, #tpu.memory_space<semaphore_mem>>)
      } else {
      }
      %add3A_896 = arith.constant 2 : i32
      %add3A_897 = arith.addi %add3A_882, %add3A_896 : i32
      %lt3A_898 = arith.constant 50 : i32
      %lt3A_899 = arith.cmpi slt, %add3A_897, %lt3A_898 : i32
      %convert_element_type3A_900 = arith.extui %lt3A_899 : i1 to i32
      %cond3A_901 = arith.constant 0 : i32
      %cond3A_902 = arith.cmpi ne, %convert_element_type3A_900, %cond3A_901 : i32
      scf.if %cond3A_902 {
        %dma_wait3A_1015 = arith.constant 0 : i32
        %dma_wait3A_1016 = arith.constant 0 : i32
        %dma_wait3A_1017 = tpu.memref_slice %arg2[%dma_wait3A_1015, %dma_wait3A_1016] : memref<4x204800xf32, #tpu.memory_space<hbm>> -> memref<4x128xf32, #tpu.memory_space<hbm>>
        %dma_wait3A_1018 = arith.constant 0 : i32
        %dma_wait3A_1019 = arith.constant 0 : i32
        %dma_wait3A_1020 = tpu.memref_slice %arg2[%dma_wait3A_1018, %dma_wait3A_1019] : memref<4x204800xf32, #tpu.memory_space<hbm>> -> memref<4x128xf32, #tpu.memory_space<hbm>>
        tpu.wait_dma2 semaphore(%arg44 : memref<!tpu.dma_semaphore, #tpu.memory_space<semaphore_mem>>) src(%dma_wait3A_1020 : memref<4x128xf32, #tpu.memory_space<hbm>>) dst(%arg13 : memref<4x128xf32, #tpu.memory_space<vmem>>)
        %get3A_1021 = arith.constant 0 : i32
        %get3A_1022 = arith.index_cast %get3A_1021 : i32 to index
        %get3A_1023 = arith.constant 0 : index
        %get3A_1024 = tpu.vector_load %arg13[%get3A_1022, %get3A_1023] {strides = array<i32>} : memref<4x128xf32, #tpu.memory_space<vmem>>, vector<1x16xf32>,
        %get3A_1025 = vector.shape_cast %get3A_1024 : vector<1x16xf32> to vector<16xf32>
        %get3A_1026 = arith.constant 1 : i32
        %get3A_1027 = arith.index_cast %get3A_1026 : i32 to index
        %get3A_1028 = arith.constant 0 : index
        %get3A_1029 = tpu.vector_load %arg13[%get3A_1027, %get3A_1028] {strides = array<i32>} : memref<4x128xf32, #tpu.memory_space<vmem>>, vector<1x16xf32>,
        %get3A_1030 = vector.shape_cast %get3A_1029 : vector<1x16xf32> to vector<16xf32>
        %get3A_1031 = arith.constant 2 : i32
        %get3A_1032 = arith.index_cast %get3A_1031 : i32 to index
        %get3A_1033 = arith.constant 0 : index
        %get3A_1034 = tpu.vector_load %arg13[%get3A_1032, %get3A_1033] {strides = array<i32>} : memref<4x128xf32, #tpu.memory_space<vmem>>, vector<1x16xf32>,
        %get3A_1035 = vector.shape_cast %get3A_1034 : vector<1x16xf32> to vector<16xf32>
        %get3A_1036 = arith.constant 3 : i32
        %get3A_1037 = arith.index_cast %get3A_1036 : i32 to index
        %get3A_1038 = arith.constant 0 : index
        %get3A_1039 = tpu.vector_load %arg13[%get3A_1037, %get3A_1038] {strides = array<i32>} : memref<4x128xf32, #tpu.memory_space<vmem>>, vector<1x16xf32>,
        %get3A_1040 = vector.shape_cast %get3A_1039 : vector<1x16xf32> to vector<16xf32>
        %add3A_1041 = arith.addf %get3A_1025, %get3A_1035 : vector<16xf32>
        %mul3A_1042 = arith.constant 5.000000e-01 : f32
        %mul3A_1043 = vector.broadcast %mul3A_1042 : f32 to vector<16xf32>
        %mul3A_1044 = arith.mulf %add3A_1041, %mul3A_1043 : vector<16xf32>
        %mul3A_1045 = vector.broadcast %scan3A_809 : f32 to vector<16xf32>
        %mul3A_1046 = arith.mulf %mul3A_1044, %mul3A_1045 : vector<16xf32>
        %convert_element_type3A_1047 = arith.fptosi %mul3A_1046 : vector<16xf32> to vector<16xi32>
        %add3A_1048 = arith.addf %get3A_1030, %get3A_1040 : vector<16xf32>
        %mul3A_1049 = arith.constant 5.000000e-01 : f32
        %mul3A_1050 = vector.broadcast %mul3A_1049 : f32 to vector<16xf32>
        %mul3A_1051 = arith.mulf %add3A_1048, %mul3A_1050 : vector<16xf32>
        %mul3A_1052 = vector.broadcast %scan3A_809 : f32 to vector<16xf32>
        %mul3A_1053 = arith.mulf %mul3A_1051, %mul3A_1052 : vector<16xf32>
        %convert_element_type3A_1054 = arith.fptosi %mul3A_1053 : vector<16xf32> to vector<16xi32>
        %max3A_1055 = arith.maxsi %convert_element_type3A_1047, %broadcast_in_dim3A_5 : vector<16xi32>
        %min3A_1056 = arith.minsi %max3A_1055, %broadcast_in_dim3A_7 : vector<16xi32>
        %swap3A_1057 = arith.constant 0 : index
        %swap3A_1058 = tpu.vector_load %arg18[%swap3A_1057] {strides = array<i32>} : memref<128xi32, #tpu.memory_space<vmem>>, vector<16xi32>,
        %swap3A_1059 = vector.shape_cast %swap3A_1058 : vector<16xi32> to vector<16xi32>
        %swap3A_1060 = vector.shape_cast %min3A_1056 : vector<16xi32> to vector<16xi32>
        tpu.vector_store %arg18[%swap3A_1057], %swap3A_1060 {strides = array<i32>} : memref<128xi32, #tpu.memory_space<vmem>>, vector<16xi32>,
        %max3A_1061 = arith.maxsi %convert_element_type3A_1054, %broadcast_in_dim3A_5 : vector<16xi32>
        %min3A_1062 = arith.minsi %max3A_1061, %broadcast_in_dim3A_7 : vector<16xi32>
        %swap3A_1063 = arith.constant 0 : index
        %swap3A_1064 = tpu.vector_load %arg23[%swap3A_1063] {strides = array<i32>} : memref<128xi32, #tpu.memory_space<vmem>>, vector<16xi32>,
        %swap3A_1065 = vector.shape_cast %swap3A_1064 : vector<16xi32> to vector<16xi32>
        %swap3A_1066 = vector.shape_cast %min3A_1062 : vector<16xi32> to vector<16xi32>
        tpu.vector_store %arg23[%swap3A_1063], %swap3A_1066 {strides = array<i32>} : memref<128xi32, #tpu.memory_space<vmem>>, vector<16xi32>,
        %get3A_1067 = arith.constant 0 : i32
        %get3A_1068 = arith.index_cast %get3A_1067 : i32 to index
        %get3A_1069 = arith.constant 16 : index
        %get3A_1070 = tpu.vector_load %arg13[%get3A_1068, %get3A_1069] {strides = array<i32>} : memref<4x128xf32, #tpu.memory_space<vmem>>, vector<1x16xf32>,
        %get3A_1071 = vector.shape_cast %get3A_1070 : vector<1x16xf32> to vector<16xf32>
        %get3A_1072 = arith.constant 1 : i32
        %get3A_1073 = arith.index_cast %get3A_1072 : i32 to index
        %get3A_1074 = arith.constant 16 : index
        %get3A_1075 = tpu.vector_load %arg13[%get3A_1073, %get3A_1074] {strides = array<i32>} : memref<4x128xf32, #tpu.memory_space<vmem>>, vector<1x16xf32>,
        %get3A_1076 = vector.shape_cast %get3A_1075 : vector<1x16xf32> to vector<16xf32>
        %get3A_1077 = arith.constant 2 : i32
        %get3A_1078 = arith.index_cast %get3A_1077 : i32 to index
        %get3A_1079 = arith.constant 16 : index
        %get3A_1080 = tpu.vector_load %arg13[%get3A_1078, %get3A_1079] {strides = array<i32>} : memref<4x128xf32, #tpu.memory_space<vmem>>, vector<1x16xf32>,
        %get3A_1081 = vector.shape_cast %get3A_1080 : vector<1x16xf32> to vector<16xf32>
        %get3A_1082 = arith.constant 3 : i32
        %get3A_1083 = arith.index_cast %get3A_1082 : i32 to index
        %get3A_1084 = arith.constant 16 : index
        %get3A_1085 = tpu.vector_load %arg13[%get3A_1083, %get3A_1084] {strides = array<i32>} : memref<4x128xf32, #tpu.memory_space<vmem>>, vector<1x16xf32>,
        %get3A_1086 = vector.shape_cast %get3A_1085 : vector<1x16xf32> to vector<16xf32>
        %add3A_1087 = arith.addf %get3A_1071, %get3A_1081 : vector<16xf32>
        %mul3A_1088 = arith.constant 5.000000e-01 : f32
        %mul3A_1089 = vector.broadcast %mul3A_1088 : f32 to vector<16xf32>
        %mul3A_1090 = arith.mulf %add3A_1087, %mul3A_1089 : vector<16xf32>
        %mul3A_1091 = vector.broadcast %scan3A_809 : f32 to vector<16xf32>
        %mul3A_1092 = arith.mulf %mul3A_1090, %mul3A_1091 : vector<16xf32>
        %convert_element_type3A_1093 = arith.fptosi %mul3A_1092 : vector<16xf32> to vector<16xi32>
        %add3A_1094 = arith.addf %get3A_1076, %get3A_1086 : vector<16xf32>
        %mul3A_1095 = arith.constant 5.000000e-01 : f32
        %mul3A_1096 = vector.broadcast %mul3A_1095 : f32 to vector<16xf32>
        %mul3A_1097 = arith.mulf %add3A_1094, %mul3A_1096 : vector<16xf32>
        %mul3A_1098 = vector.broadcast %scan3A_809 : f32 to vector<16xf32>
        %mul3A_1099 = arith.mulf %mul3A_1097, %mul3A_1098 : vector<16xf32>
        %convert_element_type3A_1100 = arith.fptosi %mul3A_1099 : vector<16xf32> to vector<16xi32>
        %max3A_1101 = arith.maxsi %convert_element_type3A_1093, %broadcast_in_dim3A_5 : vector<16xi32>
        %min3A_1102 = arith.minsi %max3A_1101, %broadcast_in_dim3A_7 : vector<16xi32>
        %swap3A_1103 = arith.constant 16 : index
        %swap3A_1104 = tpu.vector_load %arg18[%swap3A_1103] {strides = array<i32>} : memref<128xi32, #tpu.memory_space<vmem>>, vector<16xi32>,
        %swap3A_1105 = vector.shape_cast %swap3A_1104 : vector<16xi32> to vector<16xi32>
        %swap3A_1106 = vector.shape_cast %min3A_1102 : vector<16xi32> to vector<16xi32>
        tpu.vector_store %arg18[%swap3A_1103], %swap3A_1106 {strides = array<i32>} : memref<128xi32, #tpu.memory_space<vmem>>, vector<16xi32>,
        %max3A_1107 = arith.maxsi %convert_element_type3A_1100, %broadcast_in_dim3A_5 : vector<16xi32>
        %min3A_1108 = arith.minsi %max3A_1107, %broadcast_in_dim3A_7 : vector<16xi32>
        %swap3A_1109 = arith.constant 16 : index
        %swap3A_1110 = tpu.vector_load %arg23[%swap3A_1109] {strides = array<i32>} : memref<128xi32, #tpu.memory_space<vmem>>, vector<16xi32>,
        %swap3A_1111 = vector.shape_cast %swap3A_1110 : vector<16xi32> to vector<16xi32>
        %swap3A_1112 = vector.shape_cast %min3A_1108 : vector<16xi32> to vector<16xi32>
        tpu.vector_store %arg23[%swap3A_1109], %swap3A_1112 {strides = array<i32>} : memref<128xi32, #tpu.memory_space<vmem>>, vector<16xi32>,
        %get3A_1113 = arith.constant 0 : i32
        %get3A_1114 = arith.index_cast %get3A_1113 : i32 to index
        %get3A_1115 = arith.constant 32 : index
        %get3A_1116 = tpu.vector_load %arg13[%get3A_1114, %get3A_1115] {strides = array<i32>} : memref<4x128xf32, #tpu.memory_space<vmem>>, vector<1x16xf32>,
        %get3A_1117 = vector.shape_cast %get3A_1116 : vector<1x16xf32> to vector<16xf32>
        %get3A_1118 = arith.constant 1 : i32
        %get3A_1119 = arith.index_cast %get3A_1118 : i32 to index
        %get3A_1120 = arith.constant 32 : index
        %get3A_1121 = tpu.vector_load %arg13[%get3A_1119, %get3A_1120] {strides = array<i32>} : memref<4x128xf32, #tpu.memory_space<vmem>>, vector<1x16xf32>,
        %get3A_1122 = vector.shape_cast %get3A_1121 : vector<1x16xf32> to vector<16xf32>
        %get3A_1123 = arith.constant 2 : i32
        %get3A_1124 = arith.index_cast %get3A_1123 : i32 to index
        %get3A_1125 = arith.constant 32 : index
        %get3A_1126 = tpu.vector_load %arg13[%get3A_1124, %get3A_1125] {strides = array<i32>} : memref<4x128xf32, #tpu.memory_space<vmem>>, vector<1x16xf32>,
        %get3A_1127 = vector.shape_cast %get3A_1126 : vector<1x16xf32> to vector<16xf32>
        %get3A_1128 = arith.constant 3 : i32
        %get3A_1129 = arith.index_cast %get3A_1128 : i32 to index
        %get3A_1130 = arith.constant 32 : index
        %get3A_1131 = tpu.vector_load %arg13[%get3A_1129, %get3A_1130] {strides = array<i32>} : memref<4x128xf32, #tpu.memory_space<vmem>>, vector<1x16xf32>,
        %get3A_1132 = vector.shape_cast %get3A_1131 : vector<1x16xf32> to vector<16xf32>
        %add3A_1133 = arith.addf %get3A_1117, %get3A_1127 : vector<16xf32>
        %mul3A_1134 = arith.constant 5.000000e-01 : f32
        %mul3A_1135 = vector.broadcast %mul3A_1134 : f32 to vector<16xf32>
        %mul3A_1136 = arith.mulf %add3A_1133, %mul3A_1135 : vector<16xf32>
        %mul3A_1137 = vector.broadcast %scan3A_809 : f32 to vector<16xf32>
        %mul3A_1138 = arith.mulf %mul3A_1136, %mul3A_1137 : vector<16xf32>
        %convert_element_type3A_1139 = arith.fptosi %mul3A_1138 : vector<16xf32> to vector<16xi32>
        %add3A_1140 = arith.addf %get3A_1122, %get3A_1132 : vector<16xf32>
        %mul3A_1141 = arith.constant 5.000000e-01 : f32
        %mul3A_1142 = vector.broadcast %mul3A_1141 : f32 to vector<16xf32>
        %mul3A_1143 = arith.mulf %add3A_1140, %mul3A_1142 : vector<16xf32>
        %mul3A_1144 = vector.broadcast %scan3A_809 : f32 to vector<16xf32>
        %mul3A_1145 = arith.mulf %mul3A_1143, %mul3A_1144 : vector<16xf32>
        %convert_element_type3A_1146 = arith.fptosi %mul3A_1145 : vector<16xf32> to vector<16xi32>
        %max3A_1147 = arith.maxsi %convert_element_type3A_1139, %broadcast_in_dim3A_5 : vector<16xi32>
        %min3A_1148 = arith.minsi %max3A_1147, %broadcast_in_dim3A_7 : vector<16xi32>
        %swap3A_1149 = arith.constant 32 : index
        %swap3A_1150 = tpu.vector_load %arg18[%swap3A_1149] {strides = array<i32>} : memref<128xi32, #tpu.memory_space<vmem>>, vector<16xi32>,
        %swap3A_1151 = vector.shape_cast %swap3A_1150 : vector<16xi32> to vector<16xi32>
        %swap3A_1152 = vector.shape_cast %min3A_1148 : vector<16xi32> to vector<16xi32>
        tpu.vector_store %arg18[%swap3A_1149], %swap3A_1152 {strides = array<i32>} : memref<128xi32, #tpu.memory_space<vmem>>, vector<16xi32>,
        %max3A_1153 = arith.maxsi %convert_element_type3A_1146, %broadcast_in_dim3A_5 : vector<16xi32>
        %min3A_1154 = arith.minsi %max3A_1153, %broadcast_in_dim3A_7 : vector<16xi32>
        %swap3A_1155 = arith.constant 32 : index
        %swap3A_1156 = tpu.vector_load %arg23[%swap3A_1155] {strides = array<i32>} : memref<128xi32, #tpu.memory_space<vmem>>, vector<16xi32>,
        %swap3A_1157 = vector.shape_cast %swap3A_1156 : vector<16xi32> to vector<16xi32>
        %swap3A_1158 = vector.shape_cast %min3A_1154 : vector<16xi32> to vector<16xi32>
        tpu.vector_store %arg23[%swap3A_1155], %swap3A_1158 {strides = array<i32>} : memref<128xi32, #tpu.memory_space<vmem>>, vector<16xi32>,
        %get3A_1159 = arith.constant 0 : i32
        %get3A_1160 = arith.index_cast %get3A_1159 : i32 to index
        %get3A_1161 = arith.constant 48 : index
        %get3A_1162 = tpu.vector_load %arg13[%get3A_1160, %get3A_1161] {strides = array<i32>} : memref<4x128xf32, #tpu.memory_space<vmem>>, vector<1x16xf32>,
        %get3A_1163 = vector.shape_cast %get3A_1162 : vector<1x16xf32> to vector<16xf32>
        %get3A_1164 = arith.constant 1 : i32
        %get3A_1165 = arith.index_cast %get3A_1164 : i32 to index
        %get3A_1166 = arith.constant 48 : index
        %get3A_1167 = tpu.vector_load %arg13[%get3A_1165, %get3A_1166] {strides = array<i32>} : memref<4x128xf32, #tpu.memory_space<vmem>>, vector<1x16xf32>,
        %get3A_1168 = vector.shape_cast %get3A_1167 : vector<1x16xf32> to vector<16xf32>
        %get3A_1169 = arith.constant 2 : i32
        %get3A_1170 = arith.index_cast %get3A_1169 : i32 to index
        %get3A_1171 = arith.constant 48 : index
        %get3A_1172 = tpu.vector_load %arg13[%get3A_1170, %get3A_1171] {strides = array<i32>} : memref<4x128xf32, #tpu.memory_space<vmem>>, vector<1x16xf32>,
        %get3A_1173 = vector.shape_cast %get3A_1172 : vector<1x16xf32> to vector<16xf32>
        %get3A_1174 = arith.constant 3 : i32
        %get3A_1175 = arith.index_cast %get3A_1174 : i32 to index
        %get3A_1176 = arith.constant 48 : index
        %get3A_1177 = tpu.vector_load %arg13[%get3A_1175, %get3A_1176] {strides = array<i32>} : memref<4x128xf32, #tpu.memory_space<vmem>>, vector<1x16xf32>,
        %get3A_1178 = vector.shape_cast %get3A_1177 : vector<1x16xf32> to vector<16xf32>
        %add3A_1179 = arith.addf %get3A_1163, %get3A_1173 : vector<16xf32>
        %mul3A_1180 = arith.constant 5.000000e-01 : f32
        %mul3A_1181 = vector.broadcast %mul3A_1180 : f32 to vector<16xf32>
        %mul3A_1182 = arith.mulf %add3A_1179, %mul3A_1181 : vector<16xf32>
        %mul3A_1183 = vector.broadcast %scan3A_809 : f32 to vector<16xf32>
        %mul3A_1184 = arith.mulf %mul3A_1182, %mul3A_1183 : vector<16xf32>
        %convert_element_type3A_1185 = arith.fptosi %mul3A_1184 : vector<16xf32> to vector<16xi32>
        %add3A_1186 = arith.addf %get3A_1168, %get3A_1178 : vector<16xf32>
        %mul3A_1187 = arith.constant 5.000000e-01 : f32
        %mul3A_1188 = vector.broadcast %mul3A_1187 : f32 to vector<16xf32>
        %mul3A_1189 = arith.mulf %add3A_1186, %mul3A_1188 : vector<16xf32>
        %mul3A_1190 = vector.broadcast %scan3A_809 : f32 to vector<16xf32>
        %mul3A_1191 = arith.mulf %mul3A_1189, %mul3A_1190 : vector<16xf32>
        %convert_element_type3A_1192 = arith.fptosi %mul3A_1191 : vector<16xf32> to vector<16xi32>
        %max3A_1193 = arith.maxsi %convert_element_type3A_1185, %broadcast_in_dim3A_5 : vector<16xi32>
        %min3A_1194 = arith.minsi %max3A_1193, %broadcast_in_dim3A_7 : vector<16xi32>
        %swap3A_1195 = arith.constant 48 : index
        %swap3A_1196 = tpu.vector_load %arg18[%swap3A_1195] {strides = array<i32>} : memref<128xi32, #tpu.memory_space<vmem>>, vector<16xi32>,
        %swap3A_1197 = vector.shape_cast %swap3A_1196 : vector<16xi32> to vector<16xi32>
        %swap3A_1198 = vector.shape_cast %min3A_1194 : vector<16xi32> to vector<16xi32>
        tpu.vector_store %arg18[%swap3A_1195], %swap3A_1198 {strides = array<i32>} : memref<128xi32, #tpu.memory_space<vmem>>, vector<16xi32>,
        %max3A_1199 = arith.maxsi %convert_element_type3A_1192, %broadcast_in_dim3A_5 : vector<16xi32>
        %min3A_1200 = arith.minsi %max3A_1199, %broadcast_in_dim3A_7 : vector<16xi32>
        %swap3A_1201 = arith.constant 48 : index
        %swap3A_1202 = tpu.vector_load %arg23[%swap3A_1201] {strides = array<i32>} : memref<128xi32, #tpu.memory_space<vmem>>, vector<16xi32>,
        %swap3A_1203 = vector.shape_cast %swap3A_1202 : vector<16xi32> to vector<16xi32>
        %swap3A_1204 = vector.shape_cast %min3A_1200 : vector<16xi32> to vector<16xi32>
        tpu.vector_store %arg23[%swap3A_1201], %swap3A_1204 {strides = array<i32>} : memref<128xi32, #tpu.memory_space<vmem>>, vector<16xi32>,
        %get3A_1205 = arith.constant 0 : i32
        %get3A_1206 = arith.index_cast %get3A_1205 : i32 to index
        %get3A_1207 = arith.constant 64 : index
        %get3A_1208 = tpu.vector_load %arg13[%get3A_1206, %get3A_1207] {strides = array<i32>} : memref<4x128xf32, #tpu.memory_space<vmem>>, vector<1x16xf32>,
        %get3A_1209 = vector.shape_cast %get3A_1208 : vector<1x16xf32> to vector<16xf32>
        %get3A_1210 = arith.constant 1 : i32
        %get3A_1211 = arith.index_cast %get3A_1210 : i32 to index
        %get3A_1212 = arith.constant 64 : index
        %get3A_1213 = tpu.vector_load %arg13[%get3A_1211, %get3A_1212] {strides = array<i32>} : memref<4x128xf32, #tpu.memory_space<vmem>>, vector<1x16xf32>,
        %get3A_1214 = vector.shape_cast %get3A_1213 : vector<1x16xf32> to vector<16xf32>
        %get3A_1215 = arith.constant 2 : i32
        %get3A_1216 = arith.index_cast %get3A_1215 : i32 to index
        %get3A_1217 = arith.constant 64 : index
        %get3A_1218 = tpu.vector_load %arg13[%get3A_1216, %get3A_1217] {strides = array<i32>} : memref<4x128xf32, #tpu.memory_space<vmem>>, vector<1x16xf32>,
        %get3A_1219 = vector.shape_cast %get3A_1218 : vector<1x16xf32> to vector<16xf32>
        %get3A_1220 = arith.constant 3 : i32
        %get3A_1221 = arith.index_cast %get3A_1220 : i32 to index
        %get3A_1222 = arith.constant 64 : index
        %get3A_1223 = tpu.vector_load %arg13[%get3A_1221, %get3A_1222] {strides = array<i32>} : memref<4x128xf32, #tpu.memory_space<vmem>>, vector<1x16xf32>,
        %get3A_1224 = vector.shape_cast %get3A_1223 : vector<1x16xf32> to vector<16xf32>
        %add3A_1225 = arith.addf %get3A_1209, %get3A_1219 : vector<16xf32>
        %mul3A_1226 = arith.constant 5.000000e-01 : f32
        %mul3A_1227 = vector.broadcast %mul3A_1226 : f32 to vector<16xf32>
        %mul3A_1228 = arith.mulf %add3A_1225, %mul3A_1227 : vector<16xf32>
        %mul3A_1229 = vector.broadcast %scan3A_809 : f32 to vector<16xf32>
        %mul3A_1230 = arith.mulf %mul3A_1228, %mul3A_1229 : vector<16xf32>
        %convert_element_type3A_1231 = arith.fptosi %mul3A_1230 : vector<16xf32> to vector<16xi32>
        %add3A_1232 = arith.addf %get3A_1214, %get3A_1224 : vector<16xf32>
        %mul3A_1233 = arith.constant 5.000000e-01 : f32
        %mul3A_1234 = vector.broadcast %mul3A_1233 : f32 to vector<16xf32>
        %mul3A_1235 = arith.mulf %add3A_1232, %mul3A_1234 : vector<16xf32>
        %mul3A_1236 = vector.broadcast %scan3A_809 : f32 to vector<16xf32>
        %mul3A_1237 = arith.mulf %mul3A_1235, %mul3A_1236 : vector<16xf32>
        %convert_element_type3A_1238 = arith.fptosi %mul3A_1237 : vector<16xf32> to vector<16xi32>
        %max3A_1239 = arith.maxsi %convert_element_type3A_1231, %broadcast_in_dim3A_5 : vector<16xi32>
        %min3A_1240 = arith.minsi %max3A_1239, %broadcast_in_dim3A_7 : vector<16xi32>
        %swap3A_1241 = arith.constant 64 : index
        %swap3A_1242 = tpu.vector_load %arg18[%swap3A_1241] {strides = array<i32>} : memref<128xi32, #tpu.memory_space<vmem>>, vector<16xi32>,
        %swap3A_1243 = vector.shape_cast %swap3A_1242 : vector<16xi32> to vector<16xi32>
        %swap3A_1244 = vector.shape_cast %min3A_1240 : vector<16xi32> to vector<16xi32>
        tpu.vector_store %arg18[%swap3A_1241], %swap3A_1244 {strides = array<i32>} : memref<128xi32, #tpu.memory_space<vmem>>, vector<16xi32>,
        %max3A_1245 = arith.maxsi %convert_element_type3A_1238, %broadcast_in_dim3A_5 : vector<16xi32>
        %min3A_1246 = arith.minsi %max3A_1245, %broadcast_in_dim3A_7 : vector<16xi32>
        %swap3A_1247 = arith.constant 64 : index
        %swap3A_1248 = tpu.vector_load %arg23[%swap3A_1247] {strides = array<i32>} : memref<128xi32, #tpu.memory_space<vmem>>, vector<16xi32>,
        %swap3A_1249 = vector.shape_cast %swap3A_1248 : vector<16xi32> to vector<16xi32>
        %swap3A_1250 = vector.shape_cast %min3A_1246 : vector<16xi32> to vector<16xi32>
        tpu.vector_store %arg23[%swap3A_1247], %swap3A_1250 {strides = array<i32>} : memref<128xi32, #tpu.memory_space<vmem>>, vector<16xi32>,
        %get3A_1251 = arith.constant 0 : i32
        %get3A_1252 = arith.index_cast %get3A_1251 : i32 to index
        %get3A_1253 = arith.constant 80 : index
        %get3A_1254 = tpu.vector_load %arg13[%get3A_1252, %get3A_1253] {strides = array<i32>} : memref<4x128xf32, #tpu.memory_space<vmem>>, vector<1x16xf32>,
        %get3A_1255 = vector.shape_cast %get3A_1254 : vector<1x16xf32> to vector<16xf32>
        %get3A_1256 = arith.constant 1 : i32
        %get3A_1257 = arith.index_cast %get3A_1256 : i32 to index
        %get3A_1258 = arith.constant 80 : index
        %get3A_1259 = tpu.vector_load %arg13[%get3A_1257, %get3A_1258] {strides = array<i32>} : memref<4x128xf32, #tpu.memory_space<vmem>>, vector<1x16xf32>,
        %get3A_1260 = vector.shape_cast %get3A_1259 : vector<1x16xf32> to vector<16xf32>
        %get3A_1261 = arith.constant 2 : i32
        %get3A_1262 = arith.index_cast %get3A_1261 : i32 to index
        %get3A_1263 = arith.constant 80 : index
        %get3A_1264 = tpu.vector_load %arg13[%get3A_1262, %get3A_1263] {strides = array<i32>} : memref<4x128xf32, #tpu.memory_space<vmem>>, vector<1x16xf32>,
        %get3A_1265 = vector.shape_cast %get3A_1264 : vector<1x16xf32> to vector<16xf32>
        %get3A_1266 = arith.constant 3 : i32
        %get3A_1267 = arith.index_cast %get3A_1266 : i32 to index
        %get3A_1268 = arith.constant 80 : index
        %get3A_1269 = tpu.vector_load %arg13[%get3A_1267, %get3A_1268] {strides = array<i32>} : memref<4x128xf32, #tpu.memory_space<vmem>>, vector<1x16xf32>,
        %get3A_1270 = vector.shape_cast %get3A_1269 : vector<1x16xf32> to vector<16xf32>
        %add3A_1271 = arith.addf %get3A_1255, %get3A_1265 : vector<16xf32>
        %mul3A_1272 = arith.constant 5.000000e-01 : f32
        %mul3A_1273 = vector.broadcast %mul3A_1272 : f32 to vector<16xf32>
        %mul3A_1274 = arith.mulf %add3A_1271, %mul3A_1273 : vector<16xf32>
        %mul3A_1275 = vector.broadcast %scan3A_809 : f32 to vector<16xf32>
        %mul3A_1276 = arith.mulf %mul3A_1274, %mul3A_1275 : vector<16xf32>
        %convert_element_type3A_1277 = arith.fptosi %mul3A_1276 : vector<16xf32> to vector<16xi32>
        %add3A_1278 = arith.addf %get3A_1260, %get3A_1270 : vector<16xf32>
        %mul3A_1279 = arith.constant 5.000000e-01 : f32
        %mul3A_1280 = vector.broadcast %mul3A_1279 : f32 to vector<16xf32>
        %mul3A_1281 = arith.mulf %add3A_1278, %mul3A_1280 : vector<16xf32>
        %mul3A_1282 = vector.broadcast %scan3A_809 : f32 to vector<16xf32>
        %mul3A_1283 = arith.mulf %mul3A_1281, %mul3A_1282 : vector<16xf32>
        %convert_element_type3A_1284 = arith.fptosi %mul3A_1283 : vector<16xf32> to vector<16xi32>
        %max3A_1285 = arith.maxsi %convert_element_type3A_1277, %broadcast_in_dim3A_5 : vector<16xi32>
        %min3A_1286 = arith.minsi %max3A_1285, %broadcast_in_dim3A_7 : vector<16xi32>
        %swap3A_1287 = arith.constant 80 : index
        %swap3A_1288 = tpu.vector_load %arg18[%swap3A_1287] {strides = array<i32>} : memref<128xi32, #tpu.memory_space<vmem>>, vector<16xi32>,
        %swap3A_1289 = vector.shape_cast %swap3A_1288 : vector<16xi32> to vector<16xi32>
        %swap3A_1290 = vector.shape_cast %min3A_1286 : vector<16xi32> to vector<16xi32>
        tpu.vector_store %arg18[%swap3A_1287], %swap3A_1290 {strides = array<i32>} : memref<128xi32, #tpu.memory_space<vmem>>, vector<16xi32>,
        %max3A_1291 = arith.maxsi %convert_element_type3A_1284, %broadcast_in_dim3A_5 : vector<16xi32>
        %min3A_1292 = arith.minsi %max3A_1291, %broadcast_in_dim3A_7 : vector<16xi32>
        %swap3A_1293 = arith.constant 80 : index
        %swap3A_1294 = tpu.vector_load %arg23[%swap3A_1293] {strides = array<i32>} : memref<128xi32, #tpu.memory_space<vmem>>, vector<16xi32>,
        %swap3A_1295 = vector.shape_cast %swap3A_1294 : vector<16xi32> to vector<16xi32>
        %swap3A_1296 = vector.shape_cast %min3A_1292 : vector<16xi32> to vector<16xi32>
        tpu.vector_store %arg23[%swap3A_1293], %swap3A_1296 {strides = array<i32>} : memref<128xi32, #tpu.memory_space<vmem>>, vector<16xi32>,
        %get3A_1297 = arith.constant 0 : i32
        %get3A_1298 = arith.index_cast %get3A_1297 : i32 to index
        %get3A_1299 = arith.constant 96 : index
        %get3A_1300 = tpu.vector_load %arg13[%get3A_1298, %get3A_1299] {strides = array<i32>} : memref<4x128xf32, #tpu.memory_space<vmem>>, vector<1x16xf32>,
        %get3A_1301 = vector.shape_cast %get3A_1300 : vector<1x16xf32> to vector<16xf32>
        %get3A_1302 = arith.constant 1 : i32
        %get3A_1303 = arith.index_cast %get3A_1302 : i32 to index
        %get3A_1304 = arith.constant 96 : index
        %get3A_1305 = tpu.vector_load %arg13[%get3A_1303, %get3A_1304] {strides = array<i32>} : memref<4x128xf32, #tpu.memory_space<vmem>>, vector<1x16xf32>,
        %get3A_1306 = vector.shape_cast %get3A_1305 : vector<1x16xf32> to vector<16xf32>
        %get3A_1307 = arith.constant 2 : i32
        %get3A_1308 = arith.index_cast %get3A_1307 : i32 to index
        %get3A_1309 = arith.constant 96 : index
        %get3A_1310 = tpu.vector_load %arg13[%get3A_1308, %get3A_1309] {strides = array<i32>} : memref<4x128xf32, #tpu.memory_space<vmem>>, vector<1x16xf32>,
        %get3A_1311 = vector.shape_cast %get3A_1310 : vector<1x16xf32> to vector<16xf32>
        %get3A_1312 = arith.constant 3 : i32
        %get3A_1313 = arith.index_cast %get3A_1312 : i32 to index
        %get3A_1314 = arith.constant 96 : index
        %get3A_1315 = tpu.vector_load %arg13[%get3A_1313, %get3A_1314] {strides = array<i32>} : memref<4x128xf32, #tpu.memory_space<vmem>>, vector<1x16xf32>,
        %get3A_1316 = vector.shape_cast %get3A_1315 : vector<1x16xf32> to vector<16xf32>
        %add3A_1317 = arith.addf %get3A_1301, %get3A_1311 : vector<16xf32>
        %mul3A_1318 = arith.constant 5.000000e-01 : f32
        %mul3A_1319 = vector.broadcast %mul3A_1318 : f32 to vector<16xf32>
        %mul3A_1320 = arith.mulf %add3A_1317, %mul3A_1319 : vector<16xf32>
        %mul3A_1321 = vector.broadcast %scan3A_809 : f32 to vector<16xf32>
        %mul3A_1322 = arith.mulf %mul3A_1320, %mul3A_1321 : vector<16xf32>
        %convert_element_type3A_1323 = arith.fptosi %mul3A_1322 : vector<16xf32> to vector<16xi32>
        %add3A_1324 = arith.addf %get3A_1306, %get3A_1316 : vector<16xf32>
        %mul3A_1325 = arith.constant 5.000000e-01 : f32
        %mul3A_1326 = vector.broadcast %mul3A_1325 : f32 to vector<16xf32>
        %mul3A_1327 = arith.mulf %add3A_1324, %mul3A_1326 : vector<16xf32>
        %mul3A_1328 = vector.broadcast %scan3A_809 : f32 to vector<16xf32>
        %mul3A_1329 = arith.mulf %mul3A_1327, %mul3A_1328 : vector<16xf32>
        %convert_element_type3A_1330 = arith.fptosi %mul3A_1329 : vector<16xf32> to vector<16xi32>
        %max3A_1331 = arith.maxsi %convert_element_type3A_1323, %broadcast_in_dim3A_5 : vector<16xi32>
        %min3A_1332 = arith.minsi %max3A_1331, %broadcast_in_dim3A_7 : vector<16xi32>
        %swap3A_1333 = arith.constant 96 : index
        %swap3A_1334 = tpu.vector_load %arg18[%swap3A_1333] {strides = array<i32>} : memref<128xi32, #tpu.memory_space<vmem>>, vector<16xi32>,
        %swap3A_1335 = vector.shape_cast %swap3A_1334 : vector<16xi32> to vector<16xi32>
        %swap3A_1336 = vector.shape_cast %min3A_1332 : vector<16xi32> to vector<16xi32>
        tpu.vector_store %arg18[%swap3A_1333], %swap3A_1336 {strides = array<i32>} : memref<128xi32, #tpu.memory_space<vmem>>, vector<16xi32>,
        %max3A_1337 = arith.maxsi %convert_element_type3A_1330, %broadcast_in_dim3A_5 : vector<16xi32>
        %min3A_1338 = arith.minsi %max3A_1337, %broadcast_in_dim3A_7 : vector<16xi32>
        %swap3A_1339 = arith.constant 96 : index
        %swap3A_1340 = tpu.vector_load %arg23[%swap3A_1339] {strides = array<i32>} : memref<128xi32, #tpu.memory_space<vmem>>, vector<16xi32>,
        %swap3A_1341 = vector.shape_cast %swap3A_1340 : vector<16xi32> to vector<16xi32>
        %swap3A_1342 = vector.shape_cast %min3A_1338 : vector<16xi32> to vector<16xi32>
        tpu.vector_store %arg23[%swap3A_1339], %swap3A_1342 {strides = array<i32>} : memref<128xi32, #tpu.memory_space<vmem>>, vector<16xi32>,
        %get3A_1343 = arith.constant 0 : i32
        %get3A_1344 = arith.index_cast %get3A_1343 : i32 to index
        %get3A_1345 = arith.constant 112 : index
        %get3A_1346 = tpu.vector_load %arg13[%get3A_1344, %get3A_1345] {strides = array<i32>} : memref<4x128xf32, #tpu.memory_space<vmem>>, vector<1x16xf32>,
        %get3A_1347 = vector.shape_cast %get3A_1346 : vector<1x16xf32> to vector<16xf32>
        %get3A_1348 = arith.constant 1 : i32
        %get3A_1349 = arith.index_cast %get3A_1348 : i32 to index
        %get3A_1350 = arith.constant 112 : index
        %get3A_1351 = tpu.vector_load %arg13[%get3A_1349, %get3A_1350] {strides = array<i32>} : memref<4x128xf32, #tpu.memory_space<vmem>>, vector<1x16xf32>,
        %get3A_1352 = vector.shape_cast %get3A_1351 : vector<1x16xf32> to vector<16xf32>
        %get3A_1353 = arith.constant 2 : i32
        %get3A_1354 = arith.index_cast %get3A_1353 : i32 to index
        %get3A_1355 = arith.constant 112 : index
        %get3A_1356 = tpu.vector_load %arg13[%get3A_1354, %get3A_1355] {strides = array<i32>} : memref<4x128xf32, #tpu.memory_space<vmem>>, vector<1x16xf32>,
        %get3A_1357 = vector.shape_cast %get3A_1356 : vector<1x16xf32> to vector<16xf32>
        %get3A_1358 = arith.constant 3 : i32
        %get3A_1359 = arith.index_cast %get3A_1358 : i32 to index
        %get3A_1360 = arith.constant 112 : index
        %get3A_1361 = tpu.vector_load %arg13[%get3A_1359, %get3A_1360] {strides = array<i32>} : memref<4x128xf32, #tpu.memory_space<vmem>>, vector<1x16xf32>,
        %get3A_1362 = vector.shape_cast %get3A_1361 : vector<1x16xf32> to vector<16xf32>
        %add3A_1363 = arith.addf %get3A_1347, %get3A_1357 : vector<16xf32>
        %mul3A_1364 = arith.constant 5.000000e-01 : f32
        %mul3A_1365 = vector.broadcast %mul3A_1364 : f32 to vector<16xf32>
        %mul3A_1366 = arith.mulf %add3A_1363, %mul3A_1365 : vector<16xf32>
        %mul3A_1367 = vector.broadcast %scan3A_809 : f32 to vector<16xf32>
        %mul3A_1368 = arith.mulf %mul3A_1366, %mul3A_1367 : vector<16xf32>
        %convert_element_type3A_1369 = arith.fptosi %mul3A_1368 : vector<16xf32> to vector<16xi32>
        %add3A_1370 = arith.addf %get3A_1352, %get3A_1362 : vector<16xf32>
        %mul3A_1371 = arith.constant 5.000000e-01 : f32
        %mul3A_1372 = vector.broadcast %mul3A_1371 : f32 to vector<16xf32>
        %mul3A_1373 = arith.mulf %add3A_1370, %mul3A_1372 : vector<16xf32>
        %mul3A_1374 = vector.broadcast %scan3A_809 : f32 to vector<16xf32>
        %mul3A_1375 = arith.mulf %mul3A_1373, %mul3A_1374 : vector<16xf32>
        %convert_element_type3A_1376 = arith.fptosi %mul3A_1375 : vector<16xf32> to vector<16xi32>
        %max3A_1377 = arith.maxsi %convert_element_type3A_1369, %broadcast_in_dim3A_5 : vector<16xi32>
        %min3A_1378 = arith.minsi %max3A_1377, %broadcast_in_dim3A_7 : vector<16xi32>
        %swap3A_1379 = arith.constant 112 : index
        %swap3A_1380 = tpu.vector_load %arg18[%swap3A_1379] {strides = array<i32>} : memref<128xi32, #tpu.memory_space<vmem>>, vector<16xi32>,
        %swap3A_1381 = vector.shape_cast %swap3A_1380 : vector<16xi32> to vector<16xi32>
        %swap3A_1382 = vector.shape_cast %min3A_1378 : vector<16xi32> to vector<16xi32>
        tpu.vector_store %arg18[%swap3A_1379], %swap3A_1382 {strides = array<i32>} : memref<128xi32, #tpu.memory_space<vmem>>, vector<16xi32>,
        %max3A_1383 = arith.maxsi %convert_element_type3A_1376, %broadcast_in_dim3A_5 : vector<16xi32>
        %min3A_1384 = arith.minsi %max3A_1383, %broadcast_in_dim3A_7 : vector<16xi32>
        %swap3A_1385 = arith.constant 112 : index
        %swap3A_1386 = tpu.vector_load %arg23[%swap3A_1385] {strides = array<i32>} : memref<128xi32, #tpu.memory_space<vmem>>, vector<16xi32>,
        %swap3A_1387 = vector.shape_cast %swap3A_1386 : vector<16xi32> to vector<16xi32>
        %swap3A_1388 = vector.shape_cast %min3A_1384 : vector<16xi32> to vector<16xi32>
        tpu.vector_store %arg23[%swap3A_1385], %swap3A_1388 {strides = array<i32>} : memref<128xi32, #tpu.memory_space<vmem>>, vector<16xi32>,
        %add3A_1389 = arith.constant 4 : i32
        %add3A_1390 = arith.addi %add3A_882, %add3A_1389 : i32
        %lt3A_1391 = arith.constant 50 : i32
        %lt3A_1392 = arith.cmpi slt, %add3A_1390, %lt3A_1391 : i32
        %convert_element_type3A_1393 = arith.extui %lt3A_1392 : i1 to i32
        %cond3A_1394 = arith.constant 0 : i32
        %cond3A_1395 = arith.cmpi ne, %convert_element_type3A_1393, %cond3A_1394 : i32
        scf.if %cond3A_1395 {
          %add3A_1396 = arith.constant 4 : i32
          %add3A_1397 = arith.addi %add3A_882, %add3A_1396 : i32
          %mul3A_1398 = arith.constant 128 : i32
          %mul3A_1399 = arith.muli %add3A_1397, %mul3A_1398 : i32
          %add3A_1400 = arith.addi %mul3A_2, %mul3A_1399 : i32
          %dma_start3A_1401 = arith.constant 0 : i32
          %dma_start3A_1402 = tpu.memref_slice %arg2[%dma_start3A_1401, %add3A_1400] : memref<4x204800xf32, #tpu.memory_space<hbm>> -> memref<4x128xf32, #tpu.memory_space<hbm>>
          %dma_start3A_1403 = arith.constant 0 : i32
          %dma_start3A_1404 = tpu.memref_slice %arg2[%dma_start3A_1403, %add3A_1400] : memref<4x204800xf32, #tpu.memory_space<hbm>> -> memref<4x128xf32, #tpu.memory_space<hbm>>
          tpu.enqueue_dma source(%dma_start3A_1404 : memref<4x128xf32, #tpu.memory_space<hbm>>) target(%arg10 : memref<4x128xf32, #tpu.memory_space<vmem>>) target_semaphore(%arg41 : memref<!tpu.dma_semaphore, #tpu.memory_space<semaphore_mem>>)
        } else {
        }
      } else {
      }
      %dma_wait3A_903 = arith.constant 0 : i32
      %dma_wait3A_904 = arith.constant 0 : i32
      %dma_wait3A_905 = tpu.memref_slice %arg25[%dma_wait3A_903, %dma_wait3A_904] : memref<1000x128xf32, #tpu.memory_space<vmem_shared>> -> memref<1000x128xf32, #tpu.memory_space<vmem_shared>>
      tpu.wait_indirect_dma semaphore(%arg32 : memref<!tpu.dma_semaphore, #tpu.memory_space<semaphore_mem>>) src(%dma_wait3A_905 : memref<1000x128xf32, #tpu.memory_space<vmem_shared>>) dst(%arg6 : memref<128x128xf32, #tpu.memory_space<vmem>>)
      %mul3A_906 = arith.constant 128 : i32
      %mul3A_907 = arith.muli %add3A_882, %mul3A_906 : i32
      %add3A_908 = arith.addi %mul3A_2, %mul3A_907 : i32
      %dma_start3A_909 = arith.constant 0 : i32
      %dma_start3A_910 = tpu.memref_slice %arg4[%add3A_908, %dma_start3A_909] : memref<204800x128xf32, #tpu.memory_space<hbm>> -> memref<128x128xf32, #tpu.memory_space<hbm>>
      %dma_start3A_911 = arith.constant 0 : i32
      %dma_start3A_912 = tpu.memref_slice %arg4[%add3A_908, %dma_start3A_911] : memref<204800x128xf32, #tpu.memory_space<hbm>> -> memref<128x128xf32, #tpu.memory_space<hbm>>
      tpu.enqueue_dma source(%arg6 : memref<128x128xf32, #tpu.memory_space<vmem>>) target(%dma_start3A_912 : memref<128x128xf32, #tpu.memory_space<hbm>>) target_semaphore(%arg37 : memref<!tpu.dma_semaphore, #tpu.memory_space<semaphore_mem>>)
      %mul3A_913 = arith.constant 5 : i32
      %mul3A_914 = arith.muli %scan3A_845, %mul3A_913 : i32
      %add3A_915 = arith.constant 2 : i32
      %add3A_916 = arith.addi %mul3A_914, %add3A_915 : i32
      %dma_wait3A_917 = arith.constant 0 : i32
      %dma_wait3A_918 = arith.constant 0 : i32
      %dma_wait3A_919 = tpu.memref_slice %arg25[%dma_wait3A_917, %dma_wait3A_918] : memref<1000x128xf32, #tpu.memory_space<vmem_shared>> -> memref<1000x128xf32, #tpu.memory_space<vmem_shared>>
      tpu.wait_indirect_dma semaphore(%arg28 : memref<!tpu.dma_semaphore, #tpu.memory_space<semaphore_mem>>) src(%dma_wait3A_919 : memref<1000x128xf32, #tpu.memory_space<vmem_shared>>) dst(%arg7 : memref<128x128xf32, #tpu.memory_space<vmem>>)
      %dma_start3A_920 = arith.constant 0 : i32
      %dma_start3A_921 = arith.constant 0 : i32
      %dma_start3A_922 = tpu.memref_slice %arg25[%dma_start3A_920, %dma_start3A_921] : memref<1000x128xf32, #tpu.memory_space<vmem_shared>> -> memref<1000x128xf32, #tpu.memory_space<vmem_shared>>
      tpu.enqueue_indirect_dma source(%dma_start3A_922 : memref<1000x128xf32, #tpu.memory_space<vmem_shared>>) target(%arg7 : memref<128x128xf32, #tpu.memory_space<vmem>>) offsets(%arg22 : memref<128xi32, #tpu.memory_space<vmem>>) semaphore(%arg33 : memref<!tpu.dma_semaphore, #tpu.memory_space<semaphore_mem>>) {add = true}
      %add3A_923 = arith.constant 1 : i32
      %add3A_924 = arith.addi %add3A_916, %add3A_923 : i32
      %lt3A_925 = arith.constant 50 : i32
      %lt3A_926 = arith.cmpi slt, %add3A_924, %lt3A_925 : i32
      %convert_element_type3A_927 = arith.extui %lt3A_926 : i1 to i32
      %cond3A_928 = arith.constant 0 : i32
      %cond3A_929 = arith.cmpi ne, %convert_element_type3A_927, %cond3A_928 : i32
      scf.if %cond3A_929 {
        %add3A_1015 = arith.constant 1 : i32
        %add3A_1016 = arith.addi %add3A_916, %add3A_1015 : i32
        %ge3A = arith.constant 5 : i32
        %ge3A_1017 = arith.cmpi sge, %add3A_1016, %ge3A : i32
        %convert_element_type3A_1018 = arith.extui %ge3A_1017 : i1 to i32
        %cond3A_1019 = arith.constant 0 : i32
        %cond3A_1020 = arith.cmpi ne, %convert_element_type3A_1018, %cond3A_1019 : i32
        scf.if %cond3A_1020 {
          %dma_wait3A_1024 = arith.constant 0 : i32
          %dma_wait3A_1025 = arith.constant 0 : i32
          %dma_wait3A_1026 = tpu.memref_slice %arg4[%dma_wait3A_1024, %dma_wait3A_1025] : memref<204800x128xf32, #tpu.memory_space<hbm>> -> memref<128x128xf32, #tpu.memory_space<hbm>>
          %dma_wait3A_1027 = arith.constant 0 : i32
          %dma_wait3A_1028 = arith.constant 0 : i32
          %dma_wait3A_1029 = tpu.memref_slice %arg4[%dma_wait3A_1027, %dma_wait3A_1028] : memref<204800x128xf32, #tpu.memory_space<hbm>> -> memref<128x128xf32, #tpu.memory_space<hbm>>
          tpu.wait_dma2 semaphore(%arg39 : memref<!tpu.dma_semaphore, #tpu.memory_space<semaphore_mem>>) src(%arg8 : memref<128x128xf32, #tpu.memory_space<vmem>>) dst(%dma_wait3A_1029 : memref<128x128xf32, #tpu.memory_space<hbm>>)
        } else {
        }
        %dma_start3A_1021 = arith.constant 0 : i32
        %dma_start3A_1022 = arith.constant 0 : i32
        %dma_start3A_1023 = tpu.memref_slice %arg25[%dma_start3A_1021, %dma_start3A_1022] : memref<1000x128xf32, #tpu.memory_space<vmem_shared>> -> memref<1000x128xf32, #tpu.memory_space<vmem_shared>>
        tpu.enqueue_indirect_dma source(%dma_start3A_1023 : memref<1000x128xf32, #tpu.memory_space<vmem_shared>>) target(%arg8 : memref<128x128xf32, #tpu.memory_space<vmem>>) offsets(%arg18 : memref<128xi32, #tpu.memory_space<vmem>>) semaphore(%arg29 : memref<!tpu.dma_semaphore, #tpu.memory_space<semaphore_mem>>)
      } else {
      }
      %add3A_930 = arith.constant 2 : i32
      %add3A_931 = arith.addi %add3A_916, %add3A_930 : i32
      %lt3A_932 = arith.constant 50 : i32
      %lt3A_933 = arith.cmpi slt, %add3A_931, %lt3A_932 : i32
      %convert_element_type3A_934 = arith.extui %lt3A_933 : i1 to i32
      %cond3A_935 = arith.constant 0 : i32
      %cond3A_936 = arith.cmpi ne, %convert_element_type3A_934, %cond3A_935 : i32
      scf.if %cond3A_936 {
        %dma_wait3A_1015 = arith.constant 0 : i32
        %dma_wait3A_1016 = arith.constant 0 : i32
        %dma_wait3A_1017 = tpu.memref_slice %arg2[%dma_wait3A_1015, %dma_wait3A_1016] : memref<4x204800xf32, #tpu.memory_space<hbm>> -> memref<4x128xf32, #tpu.memory_space<hbm>>
        %dma_wait3A_1018 = arith.constant 0 : i32
        %dma_wait3A_1019 = arith.constant 0 : i32
        %dma_wait3A_1020 = tpu.memref_slice %arg2[%dma_wait3A_1018, %dma_wait3A_1019] : memref<4x204800xf32, #tpu.memory_space<hbm>> -> memref<4x128xf32, #tpu.memory_space<hbm>>
        tpu.wait_dma2 semaphore(%arg45 : memref<!tpu.dma_semaphore, #tpu.memory_space<semaphore_mem>>) src(%dma_wait3A_1020 : memref<4x128xf32, #tpu.memory_space<hbm>>) dst(%arg14 : memref<4x128xf32, #tpu.memory_space<vmem>>)
        %get3A_1021 = arith.constant 0 : i32
        %get3A_1022 = arith.index_cast %get3A_1021 : i32 to index
        %get3A_1023 = arith.constant 0 : index
        %get3A_1024 = tpu.vector_load %arg14[%get3A_1022, %get3A_1023] {strides = array<i32>} : memref<4x128xf32, #tpu.memory_space<vmem>>, vector<1x16xf32>,
        %get3A_1025 = vector.shape_cast %get3A_1024 : vector<1x16xf32> to vector<16xf32>
        %get3A_1026 = arith.constant 1 : i32
        %get3A_1027 = arith.index_cast %get3A_1026 : i32 to index
        %get3A_1028 = arith.constant 0 : index
        %get3A_1029 = tpu.vector_load %arg14[%get3A_1027, %get3A_1028] {strides = array<i32>} : memref<4x128xf32, #tpu.memory_space<vmem>>, vector<1x16xf32>,
        %get3A_1030 = vector.shape_cast %get3A_1029 : vector<1x16xf32> to vector<16xf32>
        %get3A_1031 = arith.constant 2 : i32
        %get3A_1032 = arith.index_cast %get3A_1031 : i32 to index
        %get3A_1033 = arith.constant 0 : index
        %get3A_1034 = tpu.vector_load %arg14[%get3A_1032, %get3A_1033] {strides = array<i32>} : memref<4x128xf32, #tpu.memory_space<vmem>>, vector<1x16xf32>,
        %get3A_1035 = vector.shape_cast %get3A_1034 : vector<1x16xf32> to vector<16xf32>
        %get3A_1036 = arith.constant 3 : i32
        %get3A_1037 = arith.index_cast %get3A_1036 : i32 to index
        %get3A_1038 = arith.constant 0 : index
        %get3A_1039 = tpu.vector_load %arg14[%get3A_1037, %get3A_1038] {strides = array<i32>} : memref<4x128xf32, #tpu.memory_space<vmem>>, vector<1x16xf32>,
        %get3A_1040 = vector.shape_cast %get3A_1039 : vector<1x16xf32> to vector<16xf32>
        %add3A_1041 = arith.addf %get3A_1025, %get3A_1035 : vector<16xf32>
        %mul3A_1042 = arith.constant 5.000000e-01 : f32
        %mul3A_1043 = vector.broadcast %mul3A_1042 : f32 to vector<16xf32>
        %mul3A_1044 = arith.mulf %add3A_1041, %mul3A_1043 : vector<16xf32>
        %mul3A_1045 = vector.broadcast %scan3A_809 : f32 to vector<16xf32>
        %mul3A_1046 = arith.mulf %mul3A_1044, %mul3A_1045 : vector<16xf32>
        %convert_element_type3A_1047 = arith.fptosi %mul3A_1046 : vector<16xf32> to vector<16xi32>
        %add3A_1048 = arith.addf %get3A_1030, %get3A_1040 : vector<16xf32>
        %mul3A_1049 = arith.constant 5.000000e-01 : f32
        %mul3A_1050 = vector.broadcast %mul3A_1049 : f32 to vector<16xf32>
        %mul3A_1051 = arith.mulf %add3A_1048, %mul3A_1050 : vector<16xf32>
        %mul3A_1052 = vector.broadcast %scan3A_809 : f32 to vector<16xf32>
        %mul3A_1053 = arith.mulf %mul3A_1051, %mul3A_1052 : vector<16xf32>
        %convert_element_type3A_1054 = arith.fptosi %mul3A_1053 : vector<16xf32> to vector<16xi32>
        %max3A_1055 = arith.maxsi %convert_element_type3A_1047, %broadcast_in_dim3A_5 : vector<16xi32>
        %min3A_1056 = arith.minsi %max3A_1055, %broadcast_in_dim3A_7 : vector<16xi32>
        %swap3A_1057 = arith.constant 0 : index
        %swap3A_1058 = tpu.vector_load %arg19[%swap3A_1057] {strides = array<i32>} : memref<128xi32, #tpu.memory_space<vmem>>, vector<16xi32>,
        %swap3A_1059 = vector.shape_cast %swap3A_1058 : vector<16xi32> to vector<16xi32>
        %swap3A_1060 = vector.shape_cast %min3A_1056 : vector<16xi32> to vector<16xi32>
        tpu.vector_store %arg19[%swap3A_1057], %swap3A_1060 {strides = array<i32>} : memref<128xi32, #tpu.memory_space<vmem>>, vector<16xi32>,
        %max3A_1061 = arith.maxsi %convert_element_type3A_1054, %broadcast_in_dim3A_5 : vector<16xi32>
        %min3A_1062 = arith.minsi %max3A_1061, %broadcast_in_dim3A_7 : vector<16xi32>
        %swap3A_1063 = arith.constant 0 : index
        %swap3A_1064 = tpu.vector_load %arg24[%swap3A_1063] {strides = array<i32>} : memref<128xi32, #tpu.memory_space<vmem>>, vector<16xi32>,
        %swap3A_1065 = vector.shape_cast %swap3A_1064 : vector<16xi32> to vector<16xi32>
        %swap3A_1066 = vector.shape_cast %min3A_1062 : vector<16xi32> to vector<16xi32>
        tpu.vector_store %arg24[%swap3A_1063], %swap3A_1066 {strides = array<i32>} : memref<128xi32, #tpu.memory_space<vmem>>, vector<16xi32>,
        %get3A_1067 = arith.constant 0 : i32
        %get3A_1068 = arith.index_cast %get3A_1067 : i32 to index
        %get3A_1069 = arith.constant 16 : index
        %get3A_1070 = tpu.vector_load %arg14[%get3A_1068, %get3A_1069] {strides = array<i32>} : memref<4x128xf32, #tpu.memory_space<vmem>>, vector<1x16xf32>,
        %get3A_1071 = vector.shape_cast %get3A_1070 : vector<1x16xf32> to vector<16xf32>
        %get3A_1072 = arith.constant 1 : i32
        %get3A_1073 = arith.index_cast %get3A_1072 : i32 to index
        %get3A_1074 = arith.constant 16 : index
        %get3A_1075 = tpu.vector_load %arg14[%get3A_1073, %get3A_1074] {strides = array<i32>} : memref<4x128xf32, #tpu.memory_space<vmem>>, vector<1x16xf32>,
        %get3A_1076 = vector.shape_cast %get3A_1075 : vector<1x16xf32> to vector<16xf32>
        %get3A_1077 = arith.constant 2 : i32
        %get3A_1078 = arith.index_cast %get3A_1077 : i32 to index
        %get3A_1079 = arith.constant 16 : index
        %get3A_1080 = tpu.vector_load %arg14[%get3A_1078, %get3A_1079] {strides = array<i32>} : memref<4x128xf32, #tpu.memory_space<vmem>>, vector<1x16xf32>,
        %get3A_1081 = vector.shape_cast %get3A_1080 : vector<1x16xf32> to vector<16xf32>
        %get3A_1082 = arith.constant 3 : i32
        %get3A_1083 = arith.index_cast %get3A_1082 : i32 to index
        %get3A_1084 = arith.constant 16 : index
        %get3A_1085 = tpu.vector_load %arg14[%get3A_1083, %get3A_1084] {strides = array<i32>} : memref<4x128xf32, #tpu.memory_space<vmem>>, vector<1x16xf32>,
        %get3A_1086 = vector.shape_cast %get3A_1085 : vector<1x16xf32> to vector<16xf32>
        %add3A_1087 = arith.addf %get3A_1071, %get3A_1081 : vector<16xf32>
        %mul3A_1088 = arith.constant 5.000000e-01 : f32
        %mul3A_1089 = vector.broadcast %mul3A_1088 : f32 to vector<16xf32>
        %mul3A_1090 = arith.mulf %add3A_1087, %mul3A_1089 : vector<16xf32>
        %mul3A_1091 = vector.broadcast %scan3A_809 : f32 to vector<16xf32>
        %mul3A_1092 = arith.mulf %mul3A_1090, %mul3A_1091 : vector<16xf32>
        %convert_element_type3A_1093 = arith.fptosi %mul3A_1092 : vector<16xf32> to vector<16xi32>
        %add3A_1094 = arith.addf %get3A_1076, %get3A_1086 : vector<16xf32>
        %mul3A_1095 = arith.constant 5.000000e-01 : f32
        %mul3A_1096 = vector.broadcast %mul3A_1095 : f32 to vector<16xf32>
        %mul3A_1097 = arith.mulf %add3A_1094, %mul3A_1096 : vector<16xf32>
        %mul3A_1098 = vector.broadcast %scan3A_809 : f32 to vector<16xf32>
        %mul3A_1099 = arith.mulf %mul3A_1097, %mul3A_1098 : vector<16xf32>
        %convert_element_type3A_1100 = arith.fptosi %mul3A_1099 : vector<16xf32> to vector<16xi32>
        %max3A_1101 = arith.maxsi %convert_element_type3A_1093, %broadcast_in_dim3A_5 : vector<16xi32>
        %min3A_1102 = arith.minsi %max3A_1101, %broadcast_in_dim3A_7 : vector<16xi32>
        %swap3A_1103 = arith.constant 16 : index
        %swap3A_1104 = tpu.vector_load %arg19[%swap3A_1103] {strides = array<i32>} : memref<128xi32, #tpu.memory_space<vmem>>, vector<16xi32>,
        %swap3A_1105 = vector.shape_cast %swap3A_1104 : vector<16xi32> to vector<16xi32>
        %swap3A_1106 = vector.shape_cast %min3A_1102 : vector<16xi32> to vector<16xi32>
        tpu.vector_store %arg19[%swap3A_1103], %swap3A_1106 {strides = array<i32>} : memref<128xi32, #tpu.memory_space<vmem>>, vector<16xi32>,
        %max3A_1107 = arith.maxsi %convert_element_type3A_1100, %broadcast_in_dim3A_5 : vector<16xi32>
        %min3A_1108 = arith.minsi %max3A_1107, %broadcast_in_dim3A_7 : vector<16xi32>
        %swap3A_1109 = arith.constant 16 : index
        %swap3A_1110 = tpu.vector_load %arg24[%swap3A_1109] {strides = array<i32>} : memref<128xi32, #tpu.memory_space<vmem>>, vector<16xi32>,
        %swap3A_1111 = vector.shape_cast %swap3A_1110 : vector<16xi32> to vector<16xi32>
        %swap3A_1112 = vector.shape_cast %min3A_1108 : vector<16xi32> to vector<16xi32>
        tpu.vector_store %arg24[%swap3A_1109], %swap3A_1112 {strides = array<i32>} : memref<128xi32, #tpu.memory_space<vmem>>, vector<16xi32>,
        %get3A_1113 = arith.constant 0 : i32
        %get3A_1114 = arith.index_cast %get3A_1113 : i32 to index
        %get3A_1115 = arith.constant 32 : index
        %get3A_1116 = tpu.vector_load %arg14[%get3A_1114, %get3A_1115] {strides = array<i32>} : memref<4x128xf32, #tpu.memory_space<vmem>>, vector<1x16xf32>,
        %get3A_1117 = vector.shape_cast %get3A_1116 : vector<1x16xf32> to vector<16xf32>
        %get3A_1118 = arith.constant 1 : i32
        %get3A_1119 = arith.index_cast %get3A_1118 : i32 to index
        %get3A_1120 = arith.constant 32 : index
        %get3A_1121 = tpu.vector_load %arg14[%get3A_1119, %get3A_1120] {strides = array<i32>} : memref<4x128xf32, #tpu.memory_space<vmem>>, vector<1x16xf32>,
        %get3A_1122 = vector.shape_cast %get3A_1121 : vector<1x16xf32> to vector<16xf32>
        %get3A_1123 = arith.constant 2 : i32
        %get3A_1124 = arith.index_cast %get3A_1123 : i32 to index
        %get3A_1125 = arith.constant 32 : index
        %get3A_1126 = tpu.vector_load %arg14[%get3A_1124, %get3A_1125] {strides = array<i32>} : memref<4x128xf32, #tpu.memory_space<vmem>>, vector<1x16xf32>,
        %get3A_1127 = vector.shape_cast %get3A_1126 : vector<1x16xf32> to vector<16xf32>
        %get3A_1128 = arith.constant 3 : i32
        %get3A_1129 = arith.index_cast %get3A_1128 : i32 to index
        %get3A_1130 = arith.constant 32 : index
        %get3A_1131 = tpu.vector_load %arg14[%get3A_1129, %get3A_1130] {strides = array<i32>} : memref<4x128xf32, #tpu.memory_space<vmem>>, vector<1x16xf32>,
        %get3A_1132 = vector.shape_cast %get3A_1131 : vector<1x16xf32> to vector<16xf32>
        %add3A_1133 = arith.addf %get3A_1117, %get3A_1127 : vector<16xf32>
        %mul3A_1134 = arith.constant 5.000000e-01 : f32
        %mul3A_1135 = vector.broadcast %mul3A_1134 : f32 to vector<16xf32>
        %mul3A_1136 = arith.mulf %add3A_1133, %mul3A_1135 : vector<16xf32>
        %mul3A_1137 = vector.broadcast %scan3A_809 : f32 to vector<16xf32>
        %mul3A_1138 = arith.mulf %mul3A_1136, %mul3A_1137 : vector<16xf32>
        %convert_element_type3A_1139 = arith.fptosi %mul3A_1138 : vector<16xf32> to vector<16xi32>
        %add3A_1140 = arith.addf %get3A_1122, %get3A_1132 : vector<16xf32>
        %mul3A_1141 = arith.constant 5.000000e-01 : f32
        %mul3A_1142 = vector.broadcast %mul3A_1141 : f32 to vector<16xf32>
        %mul3A_1143 = arith.mulf %add3A_1140, %mul3A_1142 : vector<16xf32>
        %mul3A_1144 = vector.broadcast %scan3A_809 : f32 to vector<16xf32>
        %mul3A_1145 = arith.mulf %mul3A_1143, %mul3A_1144 : vector<16xf32>
        %convert_element_type3A_1146 = arith.fptosi %mul3A_1145 : vector<16xf32> to vector<16xi32>
        %max3A_1147 = arith.maxsi %convert_element_type3A_1139, %broadcast_in_dim3A_5 : vector<16xi32>
        %min3A_1148 = arith.minsi %max3A_1147, %broadcast_in_dim3A_7 : vector<16xi32>
        %swap3A_1149 = arith.constant 32 : index
        %swap3A_1150 = tpu.vector_load %arg19[%swap3A_1149] {strides = array<i32>} : memref<128xi32, #tpu.memory_space<vmem>>, vector<16xi32>,
        %swap3A_1151 = vector.shape_cast %swap3A_1150 : vector<16xi32> to vector<16xi32>
        %swap3A_1152 = vector.shape_cast %min3A_1148 : vector<16xi32> to vector<16xi32>
        tpu.vector_store %arg19[%swap3A_1149], %swap3A_1152 {strides = array<i32>} : memref<128xi32, #tpu.memory_space<vmem>>, vector<16xi32>,
        %max3A_1153 = arith.maxsi %convert_element_type3A_1146, %broadcast_in_dim3A_5 : vector<16xi32>
        %min3A_1154 = arith.minsi %max3A_1153, %broadcast_in_dim3A_7 : vector<16xi32>
        %swap3A_1155 = arith.constant 32 : index
        %swap3A_1156 = tpu.vector_load %arg24[%swap3A_1155] {strides = array<i32>} : memref<128xi32, #tpu.memory_space<vmem>>, vector<16xi32>,
        %swap3A_1157 = vector.shape_cast %swap3A_1156 : vector<16xi32> to vector<16xi32>
        %swap3A_1158 = vector.shape_cast %min3A_1154 : vector<16xi32> to vector<16xi32>
        tpu.vector_store %arg24[%swap3A_1155], %swap3A_1158 {strides = array<i32>} : memref<128xi32, #tpu.memory_space<vmem>>, vector<16xi32>,
        %get3A_1159 = arith.constant 0 : i32
        %get3A_1160 = arith.index_cast %get3A_1159 : i32 to index
        %get3A_1161 = arith.constant 48 : index
        %get3A_1162 = tpu.vector_load %arg14[%get3A_1160, %get3A_1161] {strides = array<i32>} : memref<4x128xf32, #tpu.memory_space<vmem>>, vector<1x16xf32>,
        %get3A_1163 = vector.shape_cast %get3A_1162 : vector<1x16xf32> to vector<16xf32>
        %get3A_1164 = arith.constant 1 : i32
        %get3A_1165 = arith.index_cast %get3A_1164 : i32 to index
        %get3A_1166 = arith.constant 48 : index
        %get3A_1167 = tpu.vector_load %arg14[%get3A_1165, %get3A_1166] {strides = array<i32>} : memref<4x128xf32, #tpu.memory_space<vmem>>, vector<1x16xf32>,
        %get3A_1168 = vector.shape_cast %get3A_1167 : vector<1x16xf32> to vector<16xf32>
        %get3A_1169 = arith.constant 2 : i32
        %get3A_1170 = arith.index_cast %get3A_1169 : i32 to index
        %get3A_1171 = arith.constant 48 : index
        %get3A_1172 = tpu.vector_load %arg14[%get3A_1170, %get3A_1171] {strides = array<i32>} : memref<4x128xf32, #tpu.memory_space<vmem>>, vector<1x16xf32>,
        %get3A_1173 = vector.shape_cast %get3A_1172 : vector<1x16xf32> to vector<16xf32>
        %get3A_1174 = arith.constant 3 : i32
        %get3A_1175 = arith.index_cast %get3A_1174 : i32 to index
        %get3A_1176 = arith.constant 48 : index
        %get3A_1177 = tpu.vector_load %arg14[%get3A_1175, %get3A_1176] {strides = array<i32>} : memref<4x128xf32, #tpu.memory_space<vmem>>, vector<1x16xf32>,
        %get3A_1178 = vector.shape_cast %get3A_1177 : vector<1x16xf32> to vector<16xf32>
        %add3A_1179 = arith.addf %get3A_1163, %get3A_1173 : vector<16xf32>
        %mul3A_1180 = arith.constant 5.000000e-01 : f32
        %mul3A_1181 = vector.broadcast %mul3A_1180 : f32 to vector<16xf32>
        %mul3A_1182 = arith.mulf %add3A_1179, %mul3A_1181 : vector<16xf32>
        %mul3A_1183 = vector.broadcast %scan3A_809 : f32 to vector<16xf32>
        %mul3A_1184 = arith.mulf %mul3A_1182, %mul3A_1183 : vector<16xf32>
        %convert_element_type3A_1185 = arith.fptosi %mul3A_1184 : vector<16xf32> to vector<16xi32>
        %add3A_1186 = arith.addf %get3A_1168, %get3A_1178 : vector<16xf32>
        %mul3A_1187 = arith.constant 5.000000e-01 : f32
        %mul3A_1188 = vector.broadcast %mul3A_1187 : f32 to vector<16xf32>
        %mul3A_1189 = arith.mulf %add3A_1186, %mul3A_1188 : vector<16xf32>
        %mul3A_1190 = vector.broadcast %scan3A_809 : f32 to vector<16xf32>
        %mul3A_1191 = arith.mulf %mul3A_1189, %mul3A_1190 : vector<16xf32>
        %convert_element_type3A_1192 = arith.fptosi %mul3A_1191 : vector<16xf32> to vector<16xi32>
        %max3A_1193 = arith.maxsi %convert_element_type3A_1185, %broadcast_in_dim3A_5 : vector<16xi32>
        %min3A_1194 = arith.minsi %max3A_1193, %broadcast_in_dim3A_7 : vector<16xi32>
        %swap3A_1195 = arith.constant 48 : index
        %swap3A_1196 = tpu.vector_load %arg19[%swap3A_1195] {strides = array<i32>} : memref<128xi32, #tpu.memory_space<vmem>>, vector<16xi32>,
        %swap3A_1197 = vector.shape_cast %swap3A_1196 : vector<16xi32> to vector<16xi32>
        %swap3A_1198 = vector.shape_cast %min3A_1194 : vector<16xi32> to vector<16xi32>
        tpu.vector_store %arg19[%swap3A_1195], %swap3A_1198 {strides = array<i32>} : memref<128xi32, #tpu.memory_space<vmem>>, vector<16xi32>,
        %max3A_1199 = arith.maxsi %convert_element_type3A_1192, %broadcast_in_dim3A_5 : vector<16xi32>
        %min3A_1200 = arith.minsi %max3A_1199, %broadcast_in_dim3A_7 : vector<16xi32>
        %swap3A_1201 = arith.constant 48 : index
        %swap3A_1202 = tpu.vector_load %arg24[%swap3A_1201] {strides = array<i32>} : memref<128xi32, #tpu.memory_space<vmem>>, vector<16xi32>,
        %swap3A_1203 = vector.shape_cast %swap3A_1202 : vector<16xi32> to vector<16xi32>
        %swap3A_1204 = vector.shape_cast %min3A_1200 : vector<16xi32> to vector<16xi32>
        tpu.vector_store %arg24[%swap3A_1201], %swap3A_1204 {strides = array<i32>} : memref<128xi32, #tpu.memory_space<vmem>>, vector<16xi32>,
        %get3A_1205 = arith.constant 0 : i32
        %get3A_1206 = arith.index_cast %get3A_1205 : i32 to index
        %get3A_1207 = arith.constant 64 : index
        %get3A_1208 = tpu.vector_load %arg14[%get3A_1206, %get3A_1207] {strides = array<i32>} : memref<4x128xf32, #tpu.memory_space<vmem>>, vector<1x16xf32>,
        %get3A_1209 = vector.shape_cast %get3A_1208 : vector<1x16xf32> to vector<16xf32>
        %get3A_1210 = arith.constant 1 : i32
        %get3A_1211 = arith.index_cast %get3A_1210 : i32 to index
        %get3A_1212 = arith.constant 64 : index
        %get3A_1213 = tpu.vector_load %arg14[%get3A_1211, %get3A_1212] {strides = array<i32>} : memref<4x128xf32, #tpu.memory_space<vmem>>, vector<1x16xf32>,
        %get3A_1214 = vector.shape_cast %get3A_1213 : vector<1x16xf32> to vector<16xf32>
        %get3A_1215 = arith.constant 2 : i32
        %get3A_1216 = arith.index_cast %get3A_1215 : i32 to index
        %get3A_1217 = arith.constant 64 : index
        %get3A_1218 = tpu.vector_load %arg14[%get3A_1216, %get3A_1217] {strides = array<i32>} : memref<4x128xf32, #tpu.memory_space<vmem>>, vector<1x16xf32>,
        %get3A_1219 = vector.shape_cast %get3A_1218 : vector<1x16xf32> to vector<16xf32>
        %get3A_1220 = arith.constant 3 : i32
        %get3A_1221 = arith.index_cast %get3A_1220 : i32 to index
        %get3A_1222 = arith.constant 64 : index
        %get3A_1223 = tpu.vector_load %arg14[%get3A_1221, %get3A_1222] {strides = array<i32>} : memref<4x128xf32, #tpu.memory_space<vmem>>, vector<1x16xf32>,
        %get3A_1224 = vector.shape_cast %get3A_1223 : vector<1x16xf32> to vector<16xf32>
        %add3A_1225 = arith.addf %get3A_1209, %get3A_1219 : vector<16xf32>
        %mul3A_1226 = arith.constant 5.000000e-01 : f32
        %mul3A_1227 = vector.broadcast %mul3A_1226 : f32 to vector<16xf32>
        %mul3A_1228 = arith.mulf %add3A_1225, %mul3A_1227 : vector<16xf32>
        %mul3A_1229 = vector.broadcast %scan3A_809 : f32 to vector<16xf32>
        %mul3A_1230 = arith.mulf %mul3A_1228, %mul3A_1229 : vector<16xf32>
        %convert_element_type3A_1231 = arith.fptosi %mul3A_1230 : vector<16xf32> to vector<16xi32>
        %add3A_1232 = arith.addf %get3A_1214, %get3A_1224 : vector<16xf32>
        %mul3A_1233 = arith.constant 5.000000e-01 : f32
        %mul3A_1234 = vector.broadcast %mul3A_1233 : f32 to vector<16xf32>
        %mul3A_1235 = arith.mulf %add3A_1232, %mul3A_1234 : vector<16xf32>
        %mul3A_1236 = vector.broadcast %scan3A_809 : f32 to vector<16xf32>
        %mul3A_1237 = arith.mulf %mul3A_1235, %mul3A_1236 : vector<16xf32>
        %convert_element_type3A_1238 = arith.fptosi %mul3A_1237 : vector<16xf32> to vector<16xi32>
        %max3A_1239 = arith.maxsi %convert_element_type3A_1231, %broadcast_in_dim3A_5 : vector<16xi32>
        %min3A_1240 = arith.minsi %max3A_1239, %broadcast_in_dim3A_7 : vector<16xi32>
        %swap3A_1241 = arith.constant 64 : index
        %swap3A_1242 = tpu.vector_load %arg19[%swap3A_1241] {strides = array<i32>} : memref<128xi32, #tpu.memory_space<vmem>>, vector<16xi32>,
        %swap3A_1243 = vector.shape_cast %swap3A_1242 : vector<16xi32> to vector<16xi32>
        %swap3A_1244 = vector.shape_cast %min3A_1240 : vector<16xi32> to vector<16xi32>
        tpu.vector_store %arg19[%swap3A_1241], %swap3A_1244 {strides = array<i32>} : memref<128xi32, #tpu.memory_space<vmem>>, vector<16xi32>,
        %max3A_1245 = arith.maxsi %convert_element_type3A_1238, %broadcast_in_dim3A_5 : vector<16xi32>
        %min3A_1246 = arith.minsi %max3A_1245, %broadcast_in_dim3A_7 : vector<16xi32>
        %swap3A_1247 = arith.constant 64 : index
        %swap3A_1248 = tpu.vector_load %arg24[%swap3A_1247] {strides = array<i32>} : memref<128xi32, #tpu.memory_space<vmem>>, vector<16xi32>,
        %swap3A_1249 = vector.shape_cast %swap3A_1248 : vector<16xi32> to vector<16xi32>
        %swap3A_1250 = vector.shape_cast %min3A_1246 : vector<16xi32> to vector<16xi32>
        tpu.vector_store %arg24[%swap3A_1247], %swap3A_1250 {strides = array<i32>} : memref<128xi32, #tpu.memory_space<vmem>>, vector<16xi32>,
        %get3A_1251 = arith.constant 0 : i32
        %get3A_1252 = arith.index_cast %get3A_1251 : i32 to index
        %get3A_1253 = arith.constant 80 : index
        %get3A_1254 = tpu.vector_load %arg14[%get3A_1252, %get3A_1253] {strides = array<i32>} : memref<4x128xf32, #tpu.memory_space<vmem>>, vector<1x16xf32>,
        %get3A_1255 = vector.shape_cast %get3A_1254 : vector<1x16xf32> to vector<16xf32>
        %get3A_1256 = arith.constant 1 : i32
        %get3A_1257 = arith.index_cast %get3A_1256 : i32 to index
        %get3A_1258 = arith.constant 80 : index
        %get3A_1259 = tpu.vector_load %arg14[%get3A_1257, %get3A_1258] {strides = array<i32>} : memref<4x128xf32, #tpu.memory_space<vmem>>, vector<1x16xf32>,
        %get3A_1260 = vector.shape_cast %get3A_1259 : vector<1x16xf32> to vector<16xf32>
        %get3A_1261 = arith.constant 2 : i32
        %get3A_1262 = arith.index_cast %get3A_1261 : i32 to index
        %get3A_1263 = arith.constant 80 : index
        %get3A_1264 = tpu.vector_load %arg14[%get3A_1262, %get3A_1263] {strides = array<i32>} : memref<4x128xf32, #tpu.memory_space<vmem>>, vector<1x16xf32>,
        %get3A_1265 = vector.shape_cast %get3A_1264 : vector<1x16xf32> to vector<16xf32>
        %get3A_1266 = arith.constant 3 : i32
        %get3A_1267 = arith.index_cast %get3A_1266 : i32 to index
        %get3A_1268 = arith.constant 80 : index
        %get3A_1269 = tpu.vector_load %arg14[%get3A_1267, %get3A_1268] {strides = array<i32>} : memref<4x128xf32, #tpu.memory_space<vmem>>, vector<1x16xf32>,
        %get3A_1270 = vector.shape_cast %get3A_1269 : vector<1x16xf32> to vector<16xf32>
        %add3A_1271 = arith.addf %get3A_1255, %get3A_1265 : vector<16xf32>
        %mul3A_1272 = arith.constant 5.000000e-01 : f32
        %mul3A_1273 = vector.broadcast %mul3A_1272 : f32 to vector<16xf32>
        %mul3A_1274 = arith.mulf %add3A_1271, %mul3A_1273 : vector<16xf32>
        %mul3A_1275 = vector.broadcast %scan3A_809 : f32 to vector<16xf32>
        %mul3A_1276 = arith.mulf %mul3A_1274, %mul3A_1275 : vector<16xf32>
        %convert_element_type3A_1277 = arith.fptosi %mul3A_1276 : vector<16xf32> to vector<16xi32>
        %add3A_1278 = arith.addf %get3A_1260, %get3A_1270 : vector<16xf32>
        %mul3A_1279 = arith.constant 5.000000e-01 : f32
        %mul3A_1280 = vector.broadcast %mul3A_1279 : f32 to vector<16xf32>
        %mul3A_1281 = arith.mulf %add3A_1278, %mul3A_1280 : vector<16xf32>
        %mul3A_1282 = vector.broadcast %scan3A_809 : f32 to vector<16xf32>
        %mul3A_1283 = arith.mulf %mul3A_1281, %mul3A_1282 : vector<16xf32>
        %convert_element_type3A_1284 = arith.fptosi %mul3A_1283 : vector<16xf32> to vector<16xi32>
        %max3A_1285 = arith.maxsi %convert_element_type3A_1277, %broadcast_in_dim3A_5 : vector<16xi32>
        %min3A_1286 = arith.minsi %max3A_1285, %broadcast_in_dim3A_7 : vector<16xi32>
        %swap3A_1287 = arith.constant 80 : index
        %swap3A_1288 = tpu.vector_load %arg19[%swap3A_1287] {strides = array<i32>} : memref<128xi32, #tpu.memory_space<vmem>>, vector<16xi32>,
        %swap3A_1289 = vector.shape_cast %swap3A_1288 : vector<16xi32> to vector<16xi32>
        %swap3A_1290 = vector.shape_cast %min3A_1286 : vector<16xi32> to vector<16xi32>
        tpu.vector_store %arg19[%swap3A_1287], %swap3A_1290 {strides = array<i32>} : memref<128xi32, #tpu.memory_space<vmem>>, vector<16xi32>,
        %max3A_1291 = arith.maxsi %convert_element_type3A_1284, %broadcast_in_dim3A_5 : vector<16xi32>
        %min3A_1292 = arith.minsi %max3A_1291, %broadcast_in_dim3A_7 : vector<16xi32>
        %swap3A_1293 = arith.constant 80 : index
        %swap3A_1294 = tpu.vector_load %arg24[%swap3A_1293] {strides = array<i32>} : memref<128xi32, #tpu.memory_space<vmem>>, vector<16xi32>,
        %swap3A_1295 = vector.shape_cast %swap3A_1294 : vector<16xi32> to vector<16xi32>
        %swap3A_1296 = vector.shape_cast %min3A_1292 : vector<16xi32> to vector<16xi32>
        tpu.vector_store %arg24[%swap3A_1293], %swap3A_1296 {strides = array<i32>} : memref<128xi32, #tpu.memory_space<vmem>>, vector<16xi32>,
        %get3A_1297 = arith.constant 0 : i32
        %get3A_1298 = arith.index_cast %get3A_1297 : i32 to index
        %get3A_1299 = arith.constant 96 : index
        %get3A_1300 = tpu.vector_load %arg14[%get3A_1298, %get3A_1299] {strides = array<i32>} : memref<4x128xf32, #tpu.memory_space<vmem>>, vector<1x16xf32>,
        %get3A_1301 = vector.shape_cast %get3A_1300 : vector<1x16xf32> to vector<16xf32>
        %get3A_1302 = arith.constant 1 : i32
        %get3A_1303 = arith.index_cast %get3A_1302 : i32 to index
        %get3A_1304 = arith.constant 96 : index
        %get3A_1305 = tpu.vector_load %arg14[%get3A_1303, %get3A_1304] {strides = array<i32>} : memref<4x128xf32, #tpu.memory_space<vmem>>, vector<1x16xf32>,
        %get3A_1306 = vector.shape_cast %get3A_1305 : vector<1x16xf32> to vector<16xf32>
        %get3A_1307 = arith.constant 2 : i32
        %get3A_1308 = arith.index_cast %get3A_1307 : i32 to index
        %get3A_1309 = arith.constant 96 : index
        %get3A_1310 = tpu.vector_load %arg14[%get3A_1308, %get3A_1309] {strides = array<i32>} : memref<4x128xf32, #tpu.memory_space<vmem>>, vector<1x16xf32>,
        %get3A_1311 = vector.shape_cast %get3A_1310 : vector<1x16xf32> to vector<16xf32>
        %get3A_1312 = arith.constant 3 : i32
        %get3A_1313 = arith.index_cast %get3A_1312 : i32 to index
        %get3A_1314 = arith.constant 96 : index
        %get3A_1315 = tpu.vector_load %arg14[%get3A_1313, %get3A_1314] {strides = array<i32>} : memref<4x128xf32, #tpu.memory_space<vmem>>, vector<1x16xf32>,
        %get3A_1316 = vector.shape_cast %get3A_1315 : vector<1x16xf32> to vector<16xf32>
        %add3A_1317 = arith.addf %get3A_1301, %get3A_1311 : vector<16xf32>
        %mul3A_1318 = arith.constant 5.000000e-01 : f32
        %mul3A_1319 = vector.broadcast %mul3A_1318 : f32 to vector<16xf32>
        %mul3A_1320 = arith.mulf %add3A_1317, %mul3A_1319 : vector<16xf32>
        %mul3A_1321 = vector.broadcast %scan3A_809 : f32 to vector<16xf32>
        %mul3A_1322 = arith.mulf %mul3A_1320, %mul3A_1321 : vector<16xf32>
        %convert_element_type3A_1323 = arith.fptosi %mul3A_1322 : vector<16xf32> to vector<16xi32>
        %add3A_1324 = arith.addf %get3A_1306, %get3A_1316 : vector<16xf32>
        %mul3A_1325 = arith.constant 5.000000e-01 : f32
        %mul3A_1326 = vector.broadcast %mul3A_1325 : f32 to vector<16xf32>
        %mul3A_1327 = arith.mulf %add3A_1324, %mul3A_1326 : vector<16xf32>
        %mul3A_1328 = vector.broadcast %scan3A_809 : f32 to vector<16xf32>
        %mul3A_1329 = arith.mulf %mul3A_1327, %mul3A_1328 : vector<16xf32>
        %convert_element_type3A_1330 = arith.fptosi %mul3A_1329 : vector<16xf32> to vector<16xi32>
        %max3A_1331 = arith.maxsi %convert_element_type3A_1323, %broadcast_in_dim3A_5 : vector<16xi32>
        %min3A_1332 = arith.minsi %max3A_1331, %broadcast_in_dim3A_7 : vector<16xi32>
        %swap3A_1333 = arith.constant 96 : index
        %swap3A_1334 = tpu.vector_load %arg19[%swap3A_1333] {strides = array<i32>} : memref<128xi32, #tpu.memory_space<vmem>>, vector<16xi32>,
        %swap3A_1335 = vector.shape_cast %swap3A_1334 : vector<16xi32> to vector<16xi32>
        %swap3A_1336 = vector.shape_cast %min3A_1332 : vector<16xi32> to vector<16xi32>
        tpu.vector_store %arg19[%swap3A_1333], %swap3A_1336 {strides = array<i32>} : memref<128xi32, #tpu.memory_space<vmem>>, vector<16xi32>,
        %max3A_1337 = arith.maxsi %convert_element_type3A_1330, %broadcast_in_dim3A_5 : vector<16xi32>
        %min3A_1338 = arith.minsi %max3A_1337, %broadcast_in_dim3A_7 : vector<16xi32>
        %swap3A_1339 = arith.constant 96 : index
        %swap3A_1340 = tpu.vector_load %arg24[%swap3A_1339] {strides = array<i32>} : memref<128xi32, #tpu.memory_space<vmem>>, vector<16xi32>,
        %swap3A_1341 = vector.shape_cast %swap3A_1340 : vector<16xi32> to vector<16xi32>
        %swap3A_1342 = vector.shape_cast %min3A_1338 : vector<16xi32> to vector<16xi32>
        tpu.vector_store %arg24[%swap3A_1339], %swap3A_1342 {strides = array<i32>} : memref<128xi32, #tpu.memory_space<vmem>>, vector<16xi32>,
        %get3A_1343 = arith.constant 0 : i32
        %get3A_1344 = arith.index_cast %get3A_1343 : i32 to index
        %get3A_1345 = arith.constant 112 : index
        %get3A_1346 = tpu.vector_load %arg14[%get3A_1344, %get3A_1345] {strides = array<i32>} : memref<4x128xf32, #tpu.memory_space<vmem>>, vector<1x16xf32>,
        %get3A_1347 = vector.shape_cast %get3A_1346 : vector<1x16xf32> to vector<16xf32>
        %get3A_1348 = arith.constant 1 : i32
        %get3A_1349 = arith.index_cast %get3A_1348 : i32 to index
        %get3A_1350 = arith.constant 112 : index
        %get3A_1351 = tpu.vector_load %arg14[%get3A_1349, %get3A_1350] {strides = array<i32>} : memref<4x128xf32, #tpu.memory_space<vmem>>, vector<1x16xf32>,
        %get3A_1352 = vector.shape_cast %get3A_1351 : vector<1x16xf32> to vector<16xf32>
        %get3A_1353 = arith.constant 2 : i32
        %get3A_1354 = arith.index_cast %get3A_1353 : i32 to index
        %get3A_1355 = arith.constant 112 : index
        %get3A_1356 = tpu.vector_load %arg14[%get3A_1354, %get3A_1355] {strides = array<i32>} : memref<4x128xf32, #tpu.memory_space<vmem>>, vector<1x16xf32>,
        %get3A_1357 = vector.shape_cast %get3A_1356 : vector<1x16xf32> to vector<16xf32>
        %get3A_1358 = arith.constant 3 : i32
        %get3A_1359 = arith.index_cast %get3A_1358 : i32 to index
        %get3A_1360 = arith.constant 112 : index
        %get3A_1361 = tpu.vector_load %arg14[%get3A_1359, %get3A_1360] {strides = array<i32>} : memref<4x128xf32, #tpu.memory_space<vmem>>, vector<1x16xf32>,
        %get3A_1362 = vector.shape_cast %get3A_1361 : vector<1x16xf32> to vector<16xf32>
        %add3A_1363 = arith.addf %get3A_1347, %get3A_1357 : vector<16xf32>
        %mul3A_1364 = arith.constant 5.000000e-01 : f32
        %mul3A_1365 = vector.broadcast %mul3A_1364 : f32 to vector<16xf32>
        %mul3A_1366 = arith.mulf %add3A_1363, %mul3A_1365 : vector<16xf32>
        %mul3A_1367 = vector.broadcast %scan3A_809 : f32 to vector<16xf32>
        %mul3A_1368 = arith.mulf %mul3A_1366, %mul3A_1367 : vector<16xf32>
        %convert_element_type3A_1369 = arith.fptosi %mul3A_1368 : vector<16xf32> to vector<16xi32>
        %add3A_1370 = arith.addf %get3A_1352, %get3A_1362 : vector<16xf32>
        %mul3A_1371 = arith.constant 5.000000e-01 : f32
        %mul3A_1372 = vector.broadcast %mul3A_1371 : f32 to vector<16xf32>
        %mul3A_1373 = arith.mulf %add3A_1370, %mul3A_1372 : vector<16xf32>
        %mul3A_1374 = vector.broadcast %scan3A_809 : f32 to vector<16xf32>
        %mul3A_1375 = arith.mulf %mul3A_1373, %mul3A_1374 : vector<16xf32>
        %convert_element_type3A_1376 = arith.fptosi %mul3A_1375 : vector<16xf32> to vector<16xi32>
        %max3A_1377 = arith.maxsi %convert_element_type3A_1369, %broadcast_in_dim3A_5 : vector<16xi32>
        %min3A_1378 = arith.minsi %max3A_1377, %broadcast_in_dim3A_7 : vector<16xi32>
        %swap3A_1379 = arith.constant 112 : index
        %swap3A_1380 = tpu.vector_load %arg19[%swap3A_1379] {strides = array<i32>} : memref<128xi32, #tpu.memory_space<vmem>>, vector<16xi32>,
        %swap3A_1381 = vector.shape_cast %swap3A_1380 : vector<16xi32> to vector<16xi32>
        %swap3A_1382 = vector.shape_cast %min3A_1378 : vector<16xi32> to vector<16xi32>
        tpu.vector_store %arg19[%swap3A_1379], %swap3A_1382 {strides = array<i32>} : memref<128xi32, #tpu.memory_space<vmem>>, vector<16xi32>,
        %max3A_1383 = arith.maxsi %convert_element_type3A_1376, %broadcast_in_dim3A_5 : vector<16xi32>
        %min3A_1384 = arith.minsi %max3A_1383, %broadcast_in_dim3A_7 : vector<16xi32>
        %swap3A_1385 = arith.constant 112 : index
        %swap3A_1386 = tpu.vector_load %arg24[%swap3A_1385] {strides = array<i32>} : memref<128xi32, #tpu.memory_space<vmem>>, vector<16xi32>,
        %swap3A_1387 = vector.shape_cast %swap3A_1386 : vector<16xi32> to vector<16xi32>
        %swap3A_1388 = vector.shape_cast %min3A_1384 : vector<16xi32> to vector<16xi32>
        tpu.vector_store %arg24[%swap3A_1385], %swap3A_1388 {strides = array<i32>} : memref<128xi32, #tpu.memory_space<vmem>>, vector<16xi32>,
        %add3A_1389 = arith.constant 4 : i32
        %add3A_1390 = arith.addi %add3A_916, %add3A_1389 : i32
        %lt3A_1391 = arith.constant 50 : i32
        %lt3A_1392 = arith.cmpi slt, %add3A_1390, %lt3A_1391 : i32
        %convert_element_type3A_1393 = arith.extui %lt3A_1392 : i1 to i32
        %cond3A_1394 = arith.constant 0 : i32
        %cond3A_1395 = arith.cmpi ne, %convert_element_type3A_1393, %cond3A_1394 : i32
        scf.if %cond3A_1395 {
          %add3A_1396 = arith.constant 4 : i32
          %add3A_1397 = arith.addi %add3A_916, %add3A_1396 : i32
          %mul3A_1398 = arith.constant 128 : i32
          %mul3A_1399 = arith.muli %add3A_1397, %mul3A_1398 : i32
          %add3A_1400 = arith.addi %mul3A_2, %mul3A_1399 : i32
          %dma_start3A_1401 = arith.constant 0 : i32
          %dma_start3A_1402 = tpu.memref_slice %arg2[%dma_start3A_1401, %add3A_1400] : memref<4x204800xf32, #tpu.memory_space<hbm>> -> memref<4x128xf32, #tpu.memory_space<hbm>>
          %dma_start3A_1403 = arith.constant 0 : i32
          %dma_start3A_1404 = tpu.memref_slice %arg2[%dma_start3A_1403, %add3A_1400] : memref<4x204800xf32, #tpu.memory_space<hbm>> -> memref<4x128xf32, #tpu.memory_space<hbm>>
          tpu.enqueue_dma source(%dma_start3A_1404 : memref<4x128xf32, #tpu.memory_space<hbm>>) target(%arg11 : memref<4x128xf32, #tpu.memory_space<vmem>>) target_semaphore(%arg42 : memref<!tpu.dma_semaphore, #tpu.memory_space<semaphore_mem>>)
        } else {
        }
      } else {
      }
      %dma_wait3A_937 = arith.constant 0 : i32
      %dma_wait3A_938 = arith.constant 0 : i32
      %dma_wait3A_939 = tpu.memref_slice %arg25[%dma_wait3A_937, %dma_wait3A_938] : memref<1000x128xf32, #tpu.memory_space<vmem_shared>> -> memref<1000x128xf32, #tpu.memory_space<vmem_shared>>
      tpu.wait_indirect_dma semaphore(%arg33 : memref<!tpu.dma_semaphore, #tpu.memory_space<semaphore_mem>>) src(%dma_wait3A_939 : memref<1000x128xf32, #tpu.memory_space<vmem_shared>>) dst(%arg7 : memref<128x128xf32, #tpu.memory_space<vmem>>)
      %mul3A_940 = arith.constant 128 : i32
      %mul3A_941 = arith.muli %add3A_916, %mul3A_940 : i32
      %add3A_942 = arith.addi %mul3A_2, %mul3A_941 : i32
      %dma_start3A_943 = arith.constant 0 : i32
      %dma_start3A_944 = tpu.memref_slice %arg4[%add3A_942, %dma_start3A_943] : memref<204800x128xf32, #tpu.memory_space<hbm>> -> memref<128x128xf32, #tpu.memory_space<hbm>>
      %dma_start3A_945 = arith.constant 0 : i32
      %dma_start3A_946 = tpu.memref_slice %arg4[%add3A_942, %dma_start3A_945] : memref<204800x128xf32, #tpu.memory_space<hbm>> -> memref<128x128xf32, #tpu.memory_space<hbm>>
      tpu.enqueue_dma source(%arg7 : memref<128x128xf32, #tpu.memory_space<vmem>>) target(%dma_start3A_946 : memref<128x128xf32, #tpu.memory_space<hbm>>) target_semaphore(%arg38 : memref<!tpu.dma_semaphore, #tpu.memory_space<semaphore_mem>>)
      %mul3A_947 = arith.constant 5 : i32
      %mul3A_948 = arith.muli %scan3A_845, %mul3A_947 : i32
      %add3A_949 = arith.constant 3 : i32
      %add3A_950 = arith.addi %mul3A_948, %add3A_949 : i32
      %dma_wait3A_951 = arith.constant 0 : i32
      %dma_wait3A_952 = arith.constant 0 : i32
      %dma_wait3A_953 = tpu.memref_slice %arg25[%dma_wait3A_951, %dma_wait3A_952] : memref<1000x128xf32, #tpu.memory_space<vmem_shared>> -> memref<1000x128xf32, #tpu.memory_space<vmem_shared>>
      tpu.wait_indirect_dma semaphore(%arg29 : memref<!tpu.dma_semaphore, #tpu.memory_space<semaphore_mem>>) src(%dma_wait3A_953 : memref<1000x128xf32, #tpu.memory_space<vmem_shared>>) dst(%arg8 : memref<128x128xf32, #tpu.memory_space<vmem>>)
      %dma_start3A_954 = arith.constant 0 : i32
      %dma_start3A_955 = arith.constant 0 : i32
      %dma_start3A_956 = tpu.memref_slice %arg25[%dma_start3A_954, %dma_start3A_955] : memref<1000x128xf32, #tpu.memory_space<vmem_shared>> -> memref<1000x128xf32, #tpu.memory_space<vmem_shared>>
      tpu.enqueue_indirect_dma source(%dma_start3A_956 : memref<1000x128xf32, #tpu.memory_space<vmem_shared>>) target(%arg8 : memref<128x128xf32, #tpu.memory_space<vmem>>) offsets(%arg23 : memref<128xi32, #tpu.memory_space<vmem>>) semaphore(%arg34 : memref<!tpu.dma_semaphore, #tpu.memory_space<semaphore_mem>>) {add = true}
      %add3A_957 = arith.constant 1 : i32
      %add3A_958 = arith.addi %add3A_950, %add3A_957 : i32
      %lt3A_959 = arith.constant 50 : i32
      %lt3A_960 = arith.cmpi slt, %add3A_958, %lt3A_959 : i32
      %convert_element_type3A_961 = arith.extui %lt3A_960 : i1 to i32
      %cond3A_962 = arith.constant 0 : i32
      %cond3A_963 = arith.cmpi ne, %convert_element_type3A_961, %cond3A_962 : i32
      scf.if %cond3A_963 {
        %add3A_1015 = arith.constant 1 : i32
        %add3A_1016 = arith.addi %add3A_950, %add3A_1015 : i32
        %ge3A = arith.constant 5 : i32
        %ge3A_1017 = arith.cmpi sge, %add3A_1016, %ge3A : i32
        %convert_element_type3A_1018 = arith.extui %ge3A_1017 : i1 to i32
        %cond3A_1019 = arith.constant 0 : i32
        %cond3A_1020 = arith.cmpi ne, %convert_element_type3A_1018, %cond3A_1019 : i32
        scf.if %cond3A_1020 {
          %dma_wait3A_1024 = arith.constant 0 : i32
          %dma_wait3A_1025 = arith.constant 0 : i32
          %dma_wait3A_1026 = tpu.memref_slice %arg4[%dma_wait3A_1024, %dma_wait3A_1025] : memref<204800x128xf32, #tpu.memory_space<hbm>> -> memref<128x128xf32, #tpu.memory_space<hbm>>
          %dma_wait3A_1027 = arith.constant 0 : i32
          %dma_wait3A_1028 = arith.constant 0 : i32
          %dma_wait3A_1029 = tpu.memref_slice %arg4[%dma_wait3A_1027, %dma_wait3A_1028] : memref<204800x128xf32, #tpu.memory_space<hbm>> -> memref<128x128xf32, #tpu.memory_space<hbm>>
          tpu.wait_dma2 semaphore(%arg40 : memref<!tpu.dma_semaphore, #tpu.memory_space<semaphore_mem>>) src(%arg9 : memref<128x128xf32, #tpu.memory_space<vmem>>) dst(%dma_wait3A_1029 : memref<128x128xf32, #tpu.memory_space<hbm>>)
        } else {
        }
        %dma_start3A_1021 = arith.constant 0 : i32
        %dma_start3A_1022 = arith.constant 0 : i32
        %dma_start3A_1023 = tpu.memref_slice %arg25[%dma_start3A_1021, %dma_start3A_1022] : memref<1000x128xf32, #tpu.memory_space<vmem_shared>> -> memref<1000x128xf32, #tpu.memory_space<vmem_shared>>
        tpu.enqueue_indirect_dma source(%dma_start3A_1023 : memref<1000x128xf32, #tpu.memory_space<vmem_shared>>) target(%arg9 : memref<128x128xf32, #tpu.memory_space<vmem>>) offsets(%arg19 : memref<128xi32, #tpu.memory_space<vmem>>) semaphore(%arg30 : memref<!tpu.dma_semaphore, #tpu.memory_space<semaphore_mem>>)
      } else {
      }
      %add3A_964 = arith.constant 2 : i32
      %add3A_965 = arith.addi %add3A_950, %add3A_964 : i32
      %lt3A_966 = arith.constant 50 : i32
      %lt3A_967 = arith.cmpi slt, %add3A_965, %lt3A_966 : i32
      %convert_element_type3A_968 = arith.extui %lt3A_967 : i1 to i32
      %cond3A_969 = arith.constant 0 : i32
      %cond3A_970 = arith.cmpi ne, %convert_element_type3A_968, %cond3A_969 : i32
      scf.if %cond3A_970 {
        %dma_wait3A_1015 = arith.constant 0 : i32
        %dma_wait3A_1016 = arith.constant 0 : i32
        %dma_wait3A_1017 = tpu.memref_slice %arg2[%dma_wait3A_1015, %dma_wait3A_1016] : memref<4x204800xf32, #tpu.memory_space<hbm>> -> memref<4x128xf32, #tpu.memory_space<hbm>>
        %dma_wait3A_1018 = arith.constant 0 : i32
        %dma_wait3A_1019 = arith.constant 0 : i32
        %dma_wait3A_1020 = tpu.memref_slice %arg2[%dma_wait3A_1018, %dma_wait3A_1019] : memref<4x204800xf32, #tpu.memory_space<hbm>> -> memref<4x128xf32, #tpu.memory_space<hbm>>
        tpu.wait_dma2 semaphore(%arg41 : memref<!tpu.dma_semaphore, #tpu.memory_space<semaphore_mem>>) src(%dma_wait3A_1020 : memref<4x128xf32, #tpu.memory_space<hbm>>) dst(%arg10 : memref<4x128xf32, #tpu.memory_space<vmem>>)
        %get3A_1021 = arith.constant 0 : i32
        %get3A_1022 = arith.index_cast %get3A_1021 : i32 to index
        %get3A_1023 = arith.constant 0 : index
        %get3A_1024 = tpu.vector_load %arg10[%get3A_1022, %get3A_1023] {strides = array<i32>} : memref<4x128xf32, #tpu.memory_space<vmem>>, vector<1x16xf32>,
        %get3A_1025 = vector.shape_cast %get3A_1024 : vector<1x16xf32> to vector<16xf32>
        %get3A_1026 = arith.constant 1 : i32
        %get3A_1027 = arith.index_cast %get3A_1026 : i32 to index
        %get3A_1028 = arith.constant 0 : index
        %get3A_1029 = tpu.vector_load %arg10[%get3A_1027, %get3A_1028] {strides = array<i32>} : memref<4x128xf32, #tpu.memory_space<vmem>>, vector<1x16xf32>,
        %get3A_1030 = vector.shape_cast %get3A_1029 : vector<1x16xf32> to vector<16xf32>
        %get3A_1031 = arith.constant 2 : i32
        %get3A_1032 = arith.index_cast %get3A_1031 : i32 to index
        %get3A_1033 = arith.constant 0 : index
        %get3A_1034 = tpu.vector_load %arg10[%get3A_1032, %get3A_1033] {strides = array<i32>} : memref<4x128xf32, #tpu.memory_space<vmem>>, vector<1x16xf32>,
        %get3A_1035 = vector.shape_cast %get3A_1034 : vector<1x16xf32> to vector<16xf32>
        %get3A_1036 = arith.constant 3 : i32
        %get3A_1037 = arith.index_cast %get3A_1036 : i32 to index
        %get3A_1038 = arith.constant 0 : index
        %get3A_1039 = tpu.vector_load %arg10[%get3A_1037, %get3A_1038] {strides = array<i32>} : memref<4x128xf32, #tpu.memory_space<vmem>>, vector<1x16xf32>,
        %get3A_1040 = vector.shape_cast %get3A_1039 : vector<1x16xf32> to vector<16xf32>
        %add3A_1041 = arith.addf %get3A_1025, %get3A_1035 : vector<16xf32>
        %mul3A_1042 = arith.constant 5.000000e-01 : f32
        %mul3A_1043 = vector.broadcast %mul3A_1042 : f32 to vector<16xf32>
        %mul3A_1044 = arith.mulf %add3A_1041, %mul3A_1043 : vector<16xf32>
        %mul3A_1045 = vector.broadcast %scan3A_809 : f32 to vector<16xf32>
        %mul3A_1046 = arith.mulf %mul3A_1044, %mul3A_1045 : vector<16xf32>
        %convert_element_type3A_1047 = arith.fptosi %mul3A_1046 : vector<16xf32> to vector<16xi32>
        %add3A_1048 = arith.addf %get3A_1030, %get3A_1040 : vector<16xf32>
        %mul3A_1049 = arith.constant 5.000000e-01 : f32
        %mul3A_1050 = vector.broadcast %mul3A_1049 : f32 to vector<16xf32>
        %mul3A_1051 = arith.mulf %add3A_1048, %mul3A_1050 : vector<16xf32>
        %mul3A_1052 = vector.broadcast %scan3A_809 : f32 to vector<16xf32>
        %mul3A_1053 = arith.mulf %mul3A_1051, %mul3A_1052 : vector<16xf32>
        %convert_element_type3A_1054 = arith.fptosi %mul3A_1053 : vector<16xf32> to vector<16xi32>
        %max3A_1055 = arith.maxsi %convert_element_type3A_1047, %broadcast_in_dim3A_5 : vector<16xi32>
        %min3A_1056 = arith.minsi %max3A_1055, %broadcast_in_dim3A_7 : vector<16xi32>
        %swap3A_1057 = arith.constant 0 : index
        %swap3A_1058 = tpu.vector_load %arg15[%swap3A_1057] {strides = array<i32>} : memref<128xi32, #tpu.memory_space<vmem>>, vector<16xi32>,
        %swap3A_1059 = vector.shape_cast %swap3A_1058 : vector<16xi32> to vector<16xi32>
        %swap3A_1060 = vector.shape_cast %min3A_1056 : vector<16xi32> to vector<16xi32>
        tpu.vector_store %arg15[%swap3A_1057], %swap3A_1060 {strides = array<i32>} : memref<128xi32, #tpu.memory_space<vmem>>, vector<16xi32>,
        %max3A_1061 = arith.maxsi %convert_element_type3A_1054, %broadcast_in_dim3A_5 : vector<16xi32>
        %min3A_1062 = arith.minsi %max3A_1061, %broadcast_in_dim3A_7 : vector<16xi32>
        %swap3A_1063 = arith.constant 0 : index
        %swap3A_1064 = tpu.vector_load %arg20[%swap3A_1063] {strides = array<i32>} : memref<128xi32, #tpu.memory_space<vmem>>, vector<16xi32>,
        %swap3A_1065 = vector.shape_cast %swap3A_1064 : vector<16xi32> to vector<16xi32>
        %swap3A_1066 = vector.shape_cast %min3A_1062 : vector<16xi32> to vector<16xi32>
        tpu.vector_store %arg20[%swap3A_1063], %swap3A_1066 {strides = array<i32>} : memref<128xi32, #tpu.memory_space<vmem>>, vector<16xi32>,
        %get3A_1067 = arith.constant 0 : i32
        %get3A_1068 = arith.index_cast %get3A_1067 : i32 to index
        %get3A_1069 = arith.constant 16 : index
        %get3A_1070 = tpu.vector_load %arg10[%get3A_1068, %get3A_1069] {strides = array<i32>} : memref<4x128xf32, #tpu.memory_space<vmem>>, vector<1x16xf32>,
        %get3A_1071 = vector.shape_cast %get3A_1070 : vector<1x16xf32> to vector<16xf32>
        %get3A_1072 = arith.constant 1 : i32
        %get3A_1073 = arith.index_cast %get3A_1072 : i32 to index
        %get3A_1074 = arith.constant 16 : index
        %get3A_1075 = tpu.vector_load %arg10[%get3A_1073, %get3A_1074] {strides = array<i32>} : memref<4x128xf32, #tpu.memory_space<vmem>>, vector<1x16xf32>,
        %get3A_1076 = vector.shape_cast %get3A_1075 : vector<1x16xf32> to vector<16xf32>
        %get3A_1077 = arith.constant 2 : i32
        %get3A_1078 = arith.index_cast %get3A_1077 : i32 to index
        %get3A_1079 = arith.constant 16 : index
        %get3A_1080 = tpu.vector_load %arg10[%get3A_1078, %get3A_1079] {strides = array<i32>} : memref<4x128xf32, #tpu.memory_space<vmem>>, vector<1x16xf32>,
        %get3A_1081 = vector.shape_cast %get3A_1080 : vector<1x16xf32> to vector<16xf32>
        %get3A_1082 = arith.constant 3 : i32
        %get3A_1083 = arith.index_cast %get3A_1082 : i32 to index
        %get3A_1084 = arith.constant 16 : index
        %get3A_1085 = tpu.vector_load %arg10[%get3A_1083, %get3A_1084] {strides = array<i32>} : memref<4x128xf32, #tpu.memory_space<vmem>>, vector<1x16xf32>,
        %get3A_1086 = vector.shape_cast %get3A_1085 : vector<1x16xf32> to vector<16xf32>
        %add3A_1087 = arith.addf %get3A_1071, %get3A_1081 : vector<16xf32>
        %mul3A_1088 = arith.constant 5.000000e-01 : f32
        %mul3A_1089 = vector.broadcast %mul3A_1088 : f32 to vector<16xf32>
        %mul3A_1090 = arith.mulf %add3A_1087, %mul3A_1089 : vector<16xf32>
        %mul3A_1091 = vector.broadcast %scan3A_809 : f32 to vector<16xf32>
        %mul3A_1092 = arith.mulf %mul3A_1090, %mul3A_1091 : vector<16xf32>
        %convert_element_type3A_1093 = arith.fptosi %mul3A_1092 : vector<16xf32> to vector<16xi32>
        %add3A_1094 = arith.addf %get3A_1076, %get3A_1086 : vector<16xf32>
        %mul3A_1095 = arith.constant 5.000000e-01 : f32
        %mul3A_1096 = vector.broadcast %mul3A_1095 : f32 to vector<16xf32>
        %mul3A_1097 = arith.mulf %add3A_1094, %mul3A_1096 : vector<16xf32>
        %mul3A_1098 = vector.broadcast %scan3A_809 : f32 to vector<16xf32>
        %mul3A_1099 = arith.mulf %mul3A_1097, %mul3A_1098 : vector<16xf32>
        %convert_element_type3A_1100 = arith.fptosi %mul3A_1099 : vector<16xf32> to vector<16xi32>
        %max3A_1101 = arith.maxsi %convert_element_type3A_1093, %broadcast_in_dim3A_5 : vector<16xi32>
        %min3A_1102 = arith.minsi %max3A_1101, %broadcast_in_dim3A_7 : vector<16xi32>
        %swap3A_1103 = arith.constant 16 : index
        %swap3A_1104 = tpu.vector_load %arg15[%swap3A_1103] {strides = array<i32>} : memref<128xi32, #tpu.memory_space<vmem>>, vector<16xi32>,
        %swap3A_1105 = vector.shape_cast %swap3A_1104 : vector<16xi32> to vector<16xi32>
        %swap3A_1106 = vector.shape_cast %min3A_1102 : vector<16xi32> to vector<16xi32>
        tpu.vector_store %arg15[%swap3A_1103], %swap3A_1106 {strides = array<i32>} : memref<128xi32, #tpu.memory_space<vmem>>, vector<16xi32>,
        %max3A_1107 = arith.maxsi %convert_element_type3A_1100, %broadcast_in_dim3A_5 : vector<16xi32>
        %min3A_1108 = arith.minsi %max3A_1107, %broadcast_in_dim3A_7 : vector<16xi32>
        %swap3A_1109 = arith.constant 16 : index
        %swap3A_1110 = tpu.vector_load %arg20[%swap3A_1109] {strides = array<i32>} : memref<128xi32, #tpu.memory_space<vmem>>, vector<16xi32>,
        %swap3A_1111 = vector.shape_cast %swap3A_1110 : vector<16xi32> to vector<16xi32>
        %swap3A_1112 = vector.shape_cast %min3A_1108 : vector<16xi32> to vector<16xi32>
        tpu.vector_store %arg20[%swap3A_1109], %swap3A_1112 {strides = array<i32>} : memref<128xi32, #tpu.memory_space<vmem>>, vector<16xi32>,
        %get3A_1113 = arith.constant 0 : i32
        %get3A_1114 = arith.index_cast %get3A_1113 : i32 to index
        %get3A_1115 = arith.constant 32 : index
        %get3A_1116 = tpu.vector_load %arg10[%get3A_1114, %get3A_1115] {strides = array<i32>} : memref<4x128xf32, #tpu.memory_space<vmem>>, vector<1x16xf32>,
        %get3A_1117 = vector.shape_cast %get3A_1116 : vector<1x16xf32> to vector<16xf32>
        %get3A_1118 = arith.constant 1 : i32
        %get3A_1119 = arith.index_cast %get3A_1118 : i32 to index
        %get3A_1120 = arith.constant 32 : index
        %get3A_1121 = tpu.vector_load %arg10[%get3A_1119, %get3A_1120] {strides = array<i32>} : memref<4x128xf32, #tpu.memory_space<vmem>>, vector<1x16xf32>,
        %get3A_1122 = vector.shape_cast %get3A_1121 : vector<1x16xf32> to vector<16xf32>
        %get3A_1123 = arith.constant 2 : i32
        %get3A_1124 = arith.index_cast %get3A_1123 : i32 to index
        %get3A_1125 = arith.constant 32 : index
        %get3A_1126 = tpu.vector_load %arg10[%get3A_1124, %get3A_1125] {strides = array<i32>} : memref<4x128xf32, #tpu.memory_space<vmem>>, vector<1x16xf32>,
        %get3A_1127 = vector.shape_cast %get3A_1126 : vector<1x16xf32> to vector<16xf32>
        %get3A_1128 = arith.constant 3 : i32
        %get3A_1129 = arith.index_cast %get3A_1128 : i32 to index
        %get3A_1130 = arith.constant 32 : index
        %get3A_1131 = tpu.vector_load %arg10[%get3A_1129, %get3A_1130] {strides = array<i32>} : memref<4x128xf32, #tpu.memory_space<vmem>>, vector<1x16xf32>,
        %get3A_1132 = vector.shape_cast %get3A_1131 : vector<1x16xf32> to vector<16xf32>
        %add3A_1133 = arith.addf %get3A_1117, %get3A_1127 : vector<16xf32>
        %mul3A_1134 = arith.constant 5.000000e-01 : f32
        %mul3A_1135 = vector.broadcast %mul3A_1134 : f32 to vector<16xf32>
        %mul3A_1136 = arith.mulf %add3A_1133, %mul3A_1135 : vector<16xf32>
        %mul3A_1137 = vector.broadcast %scan3A_809 : f32 to vector<16xf32>
        %mul3A_1138 = arith.mulf %mul3A_1136, %mul3A_1137 : vector<16xf32>
        %convert_element_type3A_1139 = arith.fptosi %mul3A_1138 : vector<16xf32> to vector<16xi32>
        %add3A_1140 = arith.addf %get3A_1122, %get3A_1132 : vector<16xf32>
        %mul3A_1141 = arith.constant 5.000000e-01 : f32
        %mul3A_1142 = vector.broadcast %mul3A_1141 : f32 to vector<16xf32>
        %mul3A_1143 = arith.mulf %add3A_1140, %mul3A_1142 : vector<16xf32>
        %mul3A_1144 = vector.broadcast %scan3A_809 : f32 to vector<16xf32>
        %mul3A_1145 = arith.mulf %mul3A_1143, %mul3A_1144 : vector<16xf32>
        %convert_element_type3A_1146 = arith.fptosi %mul3A_1145 : vector<16xf32> to vector<16xi32>
        %max3A_1147 = arith.maxsi %convert_element_type3A_1139, %broadcast_in_dim3A_5 : vector<16xi32>
        %min3A_1148 = arith.minsi %max3A_1147, %broadcast_in_dim3A_7 : vector<16xi32>
        %swap3A_1149 = arith.constant 32 : index
        %swap3A_1150 = tpu.vector_load %arg15[%swap3A_1149] {strides = array<i32>} : memref<128xi32, #tpu.memory_space<vmem>>, vector<16xi32>,
        %swap3A_1151 = vector.shape_cast %swap3A_1150 : vector<16xi32> to vector<16xi32>
        %swap3A_1152 = vector.shape_cast %min3A_1148 : vector<16xi32> to vector<16xi32>
        tpu.vector_store %arg15[%swap3A_1149], %swap3A_1152 {strides = array<i32>} : memref<128xi32, #tpu.memory_space<vmem>>, vector<16xi32>,
        %max3A_1153 = arith.maxsi %convert_element_type3A_1146, %broadcast_in_dim3A_5 : vector<16xi32>
        %min3A_1154 = arith.minsi %max3A_1153, %broadcast_in_dim3A_7 : vector<16xi32>
        %swap3A_1155 = arith.constant 32 : index
        %swap3A_1156 = tpu.vector_load %arg20[%swap3A_1155] {strides = array<i32>} : memref<128xi32, #tpu.memory_space<vmem>>, vector<16xi32>,
        %swap3A_1157 = vector.shape_cast %swap3A_1156 : vector<16xi32> to vector<16xi32>
        %swap3A_1158 = vector.shape_cast %min3A_1154 : vector<16xi32> to vector<16xi32>
        tpu.vector_store %arg20[%swap3A_1155], %swap3A_1158 {strides = array<i32>} : memref<128xi32, #tpu.memory_space<vmem>>, vector<16xi32>,
        %get3A_1159 = arith.constant 0 : i32
        %get3A_1160 = arith.index_cast %get3A_1159 : i32 to index
        %get3A_1161 = arith.constant 48 : index
        %get3A_1162 = tpu.vector_load %arg10[%get3A_1160, %get3A_1161] {strides = array<i32>} : memref<4x128xf32, #tpu.memory_space<vmem>>, vector<1x16xf32>,
        %get3A_1163 = vector.shape_cast %get3A_1162 : vector<1x16xf32> to vector<16xf32>
        %get3A_1164 = arith.constant 1 : i32
        %get3A_1165 = arith.index_cast %get3A_1164 : i32 to index
        %get3A_1166 = arith.constant 48 : index
        %get3A_1167 = tpu.vector_load %arg10[%get3A_1165, %get3A_1166] {strides = array<i32>} : memref<4x128xf32, #tpu.memory_space<vmem>>, vector<1x16xf32>,
        %get3A_1168 = vector.shape_cast %get3A_1167 : vector<1x16xf32> to vector<16xf32>
        %get3A_1169 = arith.constant 2 : i32
        %get3A_1170 = arith.index_cast %get3A_1169 : i32 to index
        %get3A_1171 = arith.constant 48 : index
        %get3A_1172 = tpu.vector_load %arg10[%get3A_1170, %get3A_1171] {strides = array<i32>} : memref<4x128xf32, #tpu.memory_space<vmem>>, vector<1x16xf32>,
        %get3A_1173 = vector.shape_cast %get3A_1172 : vector<1x16xf32> to vector<16xf32>
        %get3A_1174 = arith.constant 3 : i32
        %get3A_1175 = arith.index_cast %get3A_1174 : i32 to index
        %get3A_1176 = arith.constant 48 : index
        %get3A_1177 = tpu.vector_load %arg10[%get3A_1175, %get3A_1176] {strides = array<i32>} : memref<4x128xf32, #tpu.memory_space<vmem>>, vector<1x16xf32>,
        %get3A_1178 = vector.shape_cast %get3A_1177 : vector<1x16xf32> to vector<16xf32>
        %add3A_1179 = arith.addf %get3A_1163, %get3A_1173 : vector<16xf32>
        %mul3A_1180 = arith.constant 5.000000e-01 : f32
        %mul3A_1181 = vector.broadcast %mul3A_1180 : f32 to vector<16xf32>
        %mul3A_1182 = arith.mulf %add3A_1179, %mul3A_1181 : vector<16xf32>
        %mul3A_1183 = vector.broadcast %scan3A_809 : f32 to vector<16xf32>
        %mul3A_1184 = arith.mulf %mul3A_1182, %mul3A_1183 : vector<16xf32>
        %convert_element_type3A_1185 = arith.fptosi %mul3A_1184 : vector<16xf32> to vector<16xi32>
        %add3A_1186 = arith.addf %get3A_1168, %get3A_1178 : vector<16xf32>
        %mul3A_1187 = arith.constant 5.000000e-01 : f32
        %mul3A_1188 = vector.broadcast %mul3A_1187 : f32 to vector<16xf32>
        %mul3A_1189 = arith.mulf %add3A_1186, %mul3A_1188 : vector<16xf32>
        %mul3A_1190 = vector.broadcast %scan3A_809 : f32 to vector<16xf32>
        %mul3A_1191 = arith.mulf %mul3A_1189, %mul3A_1190 : vector<16xf32>
        %convert_element_type3A_1192 = arith.fptosi %mul3A_1191 : vector<16xf32> to vector<16xi32>
        %max3A_1193 = arith.maxsi %convert_element_type3A_1185, %broadcast_in_dim3A_5 : vector<16xi32>
        %min3A_1194 = arith.minsi %max3A_1193, %broadcast_in_dim3A_7 : vector<16xi32>
        %swap3A_1195 = arith.constant 48 : index
        %swap3A_1196 = tpu.vector_load %arg15[%swap3A_1195] {strides = array<i32>} : memref<128xi32, #tpu.memory_space<vmem>>, vector<16xi32>,
        %swap3A_1197 = vector.shape_cast %swap3A_1196 : vector<16xi32> to vector<16xi32>
        %swap3A_1198 = vector.shape_cast %min3A_1194 : vector<16xi32> to vector<16xi32>
        tpu.vector_store %arg15[%swap3A_1195], %swap3A_1198 {strides = array<i32>} : memref<128xi32, #tpu.memory_space<vmem>>, vector<16xi32>,
        %max3A_1199 = arith.maxsi %convert_element_type3A_1192, %broadcast_in_dim3A_5 : vector<16xi32>
        %min3A_1200 = arith.minsi %max3A_1199, %broadcast_in_dim3A_7 : vector<16xi32>
        %swap3A_1201 = arith.constant 48 : index
        %swap3A_1202 = tpu.vector_load %arg20[%swap3A_1201] {strides = array<i32>} : memref<128xi32, #tpu.memory_space<vmem>>, vector<16xi32>,
        %swap3A_1203 = vector.shape_cast %swap3A_1202 : vector<16xi32> to vector<16xi32>
        %swap3A_1204 = vector.shape_cast %min3A_1200 : vector<16xi32> to vector<16xi32>
        tpu.vector_store %arg20[%swap3A_1201], %swap3A_1204 {strides = array<i32>} : memref<128xi32, #tpu.memory_space<vmem>>, vector<16xi32>,
        %get3A_1205 = arith.constant 0 : i32
        %get3A_1206 = arith.index_cast %get3A_1205 : i32 to index
        %get3A_1207 = arith.constant 64 : index
        %get3A_1208 = tpu.vector_load %arg10[%get3A_1206, %get3A_1207] {strides = array<i32>} : memref<4x128xf32, #tpu.memory_space<vmem>>, vector<1x16xf32>,
        %get3A_1209 = vector.shape_cast %get3A_1208 : vector<1x16xf32> to vector<16xf32>
        %get3A_1210 = arith.constant 1 : i32
        %get3A_1211 = arith.index_cast %get3A_1210 : i32 to index
        %get3A_1212 = arith.constant 64 : index
        %get3A_1213 = tpu.vector_load %arg10[%get3A_1211, %get3A_1212] {strides = array<i32>} : memref<4x128xf32, #tpu.memory_space<vmem>>, vector<1x16xf32>,
        %get3A_1214 = vector.shape_cast %get3A_1213 : vector<1x16xf32> to vector<16xf32>
        %get3A_1215 = arith.constant 2 : i32
        %get3A_1216 = arith.index_cast %get3A_1215 : i32 to index
        %get3A_1217 = arith.constant 64 : index
        %get3A_1218 = tpu.vector_load %arg10[%get3A_1216, %get3A_1217] {strides = array<i32>} : memref<4x128xf32, #tpu.memory_space<vmem>>, vector<1x16xf32>,
        %get3A_1219 = vector.shape_cast %get3A_1218 : vector<1x16xf32> to vector<16xf32>
        %get3A_1220 = arith.constant 3 : i32
        %get3A_1221 = arith.index_cast %get3A_1220 : i32 to index
        %get3A_1222 = arith.constant 64 : index
        %get3A_1223 = tpu.vector_load %arg10[%get3A_1221, %get3A_1222] {strides = array<i32>} : memref<4x128xf32, #tpu.memory_space<vmem>>, vector<1x16xf32>,
        %get3A_1224 = vector.shape_cast %get3A_1223 : vector<1x16xf32> to vector<16xf32>
        %add3A_1225 = arith.addf %get3A_1209, %get3A_1219 : vector<16xf32>
        %mul3A_1226 = arith.constant 5.000000e-01 : f32
        %mul3A_1227 = vector.broadcast %mul3A_1226 : f32 to vector<16xf32>
        %mul3A_1228 = arith.mulf %add3A_1225, %mul3A_1227 : vector<16xf32>
        %mul3A_1229 = vector.broadcast %scan3A_809 : f32 to vector<16xf32>
        %mul3A_1230 = arith.mulf %mul3A_1228, %mul3A_1229 : vector<16xf32>
        %convert_element_type3A_1231 = arith.fptosi %mul3A_1230 : vector<16xf32> to vector<16xi32>
        %add3A_1232 = arith.addf %get3A_1214, %get3A_1224 : vector<16xf32>
        %mul3A_1233 = arith.constant 5.000000e-01 : f32
        %mul3A_1234 = vector.broadcast %mul3A_1233 : f32 to vector<16xf32>
        %mul3A_1235 = arith.mulf %add3A_1232, %mul3A_1234 : vector<16xf32>
        %mul3A_1236 = vector.broadcast %scan3A_809 : f32 to vector<16xf32>
        %mul3A_1237 = arith.mulf %mul3A_1235, %mul3A_1236 : vector<16xf32>
        %convert_element_type3A_1238 = arith.fptosi %mul3A_1237 : vector<16xf32> to vector<16xi32>
        %max3A_1239 = arith.maxsi %convert_element_type3A_1231, %broadcast_in_dim3A_5 : vector<16xi32>
        %min3A_1240 = arith.minsi %max3A_1239, %broadcast_in_dim3A_7 : vector<16xi32>
        %swap3A_1241 = arith.constant 64 : index
        %swap3A_1242 = tpu.vector_load %arg15[%swap3A_1241] {strides = array<i32>} : memref<128xi32, #tpu.memory_space<vmem>>, vector<16xi32>,
        %swap3A_1243 = vector.shape_cast %swap3A_1242 : vector<16xi32> to vector<16xi32>
        %swap3A_1244 = vector.shape_cast %min3A_1240 : vector<16xi32> to vector<16xi32>
        tpu.vector_store %arg15[%swap3A_1241], %swap3A_1244 {strides = array<i32>} : memref<128xi32, #tpu.memory_space<vmem>>, vector<16xi32>,
        %max3A_1245 = arith.maxsi %convert_element_type3A_1238, %broadcast_in_dim3A_5 : vector<16xi32>
        %min3A_1246 = arith.minsi %max3A_1245, %broadcast_in_dim3A_7 : vector<16xi32>
        %swap3A_1247 = arith.constant 64 : index
        %swap3A_1248 = tpu.vector_load %arg20[%swap3A_1247] {strides = array<i32>} : memref<128xi32, #tpu.memory_space<vmem>>, vector<16xi32>,
        %swap3A_1249 = vector.shape_cast %swap3A_1248 : vector<16xi32> to vector<16xi32>
        %swap3A_1250 = vector.shape_cast %min3A_1246 : vector<16xi32> to vector<16xi32>
        tpu.vector_store %arg20[%swap3A_1247], %swap3A_1250 {strides = array<i32>} : memref<128xi32, #tpu.memory_space<vmem>>, vector<16xi32>,
        %get3A_1251 = arith.constant 0 : i32
        %get3A_1252 = arith.index_cast %get3A_1251 : i32 to index
        %get3A_1253 = arith.constant 80 : index
        %get3A_1254 = tpu.vector_load %arg10[%get3A_1252, %get3A_1253] {strides = array<i32>} : memref<4x128xf32, #tpu.memory_space<vmem>>, vector<1x16xf32>,
        %get3A_1255 = vector.shape_cast %get3A_1254 : vector<1x16xf32> to vector<16xf32>
        %get3A_1256 = arith.constant 1 : i32
        %get3A_1257 = arith.index_cast %get3A_1256 : i32 to index
        %get3A_1258 = arith.constant 80 : index
        %get3A_1259 = tpu.vector_load %arg10[%get3A_1257, %get3A_1258] {strides = array<i32>} : memref<4x128xf32, #tpu.memory_space<vmem>>, vector<1x16xf32>,
        %get3A_1260 = vector.shape_cast %get3A_1259 : vector<1x16xf32> to vector<16xf32>
        %get3A_1261 = arith.constant 2 : i32
        %get3A_1262 = arith.index_cast %get3A_1261 : i32 to index
        %get3A_1263 = arith.constant 80 : index
        %get3A_1264 = tpu.vector_load %arg10[%get3A_1262, %get3A_1263] {strides = array<i32>} : memref<4x128xf32, #tpu.memory_space<vmem>>, vector<1x16xf32>,
        %get3A_1265 = vector.shape_cast %get3A_1264 : vector<1x16xf32> to vector<16xf32>
        %get3A_1266 = arith.constant 3 : i32
        %get3A_1267 = arith.index_cast %get3A_1266 : i32 to index
        %get3A_1268 = arith.constant 80 : index
        %get3A_1269 = tpu.vector_load %arg10[%get3A_1267, %get3A_1268] {strides = array<i32>} : memref<4x128xf32, #tpu.memory_space<vmem>>, vector<1x16xf32>,
        %get3A_1270 = vector.shape_cast %get3A_1269 : vector<1x16xf32> to vector<16xf32>
        %add3A_1271 = arith.addf %get3A_1255, %get3A_1265 : vector<16xf32>
        %mul3A_1272 = arith.constant 5.000000e-01 : f32
        %mul3A_1273 = vector.broadcast %mul3A_1272 : f32 to vector<16xf32>
        %mul3A_1274 = arith.mulf %add3A_1271, %mul3A_1273 : vector<16xf32>
        %mul3A_1275 = vector.broadcast %scan3A_809 : f32 to vector<16xf32>
        %mul3A_1276 = arith.mulf %mul3A_1274, %mul3A_1275 : vector<16xf32>
        %convert_element_type3A_1277 = arith.fptosi %mul3A_1276 : vector<16xf32> to vector<16xi32>
        %add3A_1278 = arith.addf %get3A_1260, %get3A_1270 : vector<16xf32>
        %mul3A_1279 = arith.constant 5.000000e-01 : f32
        %mul3A_1280 = vector.broadcast %mul3A_1279 : f32 to vector<16xf32>
        %mul3A_1281 = arith.mulf %add3A_1278, %mul3A_1280 : vector<16xf32>
        %mul3A_1282 = vector.broadcast %scan3A_809 : f32 to vector<16xf32>
        %mul3A_1283 = arith.mulf %mul3A_1281, %mul3A_1282 : vector<16xf32>
        %convert_element_type3A_1284 = arith.fptosi %mul3A_1283 : vector<16xf32> to vector<16xi32>
        %max3A_1285 = arith.maxsi %convert_element_type3A_1277, %broadcast_in_dim3A_5 : vector<16xi32>
        %min3A_1286 = arith.minsi %max3A_1285, %broadcast_in_dim3A_7 : vector<16xi32>
        %swap3A_1287 = arith.constant 80 : index
        %swap3A_1288 = tpu.vector_load %arg15[%swap3A_1287] {strides = array<i32>} : memref<128xi32, #tpu.memory_space<vmem>>, vector<16xi32>,
        %swap3A_1289 = vector.shape_cast %swap3A_1288 : vector<16xi32> to vector<16xi32>
        %swap3A_1290 = vector.shape_cast %min3A_1286 : vector<16xi32> to vector<16xi32>
        tpu.vector_store %arg15[%swap3A_1287], %swap3A_1290 {strides = array<i32>} : memref<128xi32, #tpu.memory_space<vmem>>, vector<16xi32>,
        %max3A_1291 = arith.maxsi %convert_element_type3A_1284, %broadcast_in_dim3A_5 : vector<16xi32>
        %min3A_1292 = arith.minsi %max3A_1291, %broadcast_in_dim3A_7 : vector<16xi32>
        %swap3A_1293 = arith.constant 80 : index
        %swap3A_1294 = tpu.vector_load %arg20[%swap3A_1293] {strides = array<i32>} : memref<128xi32, #tpu.memory_space<vmem>>, vector<16xi32>,
        %swap3A_1295 = vector.shape_cast %swap3A_1294 : vector<16xi32> to vector<16xi32>
        %swap3A_1296 = vector.shape_cast %min3A_1292 : vector<16xi32> to vector<16xi32>
        tpu.vector_store %arg20[%swap3A_1293], %swap3A_1296 {strides = array<i32>} : memref<128xi32, #tpu.memory_space<vmem>>, vector<16xi32>,
        %get3A_1297 = arith.constant 0 : i32
        %get3A_1298 = arith.index_cast %get3A_1297 : i32 to index
        %get3A_1299 = arith.constant 96 : index
        %get3A_1300 = tpu.vector_load %arg10[%get3A_1298, %get3A_1299] {strides = array<i32>} : memref<4x128xf32, #tpu.memory_space<vmem>>, vector<1x16xf32>,
        %get3A_1301 = vector.shape_cast %get3A_1300 : vector<1x16xf32> to vector<16xf32>
        %get3A_1302 = arith.constant 1 : i32
        %get3A_1303 = arith.index_cast %get3A_1302 : i32 to index
        %get3A_1304 = arith.constant 96 : index
        %get3A_1305 = tpu.vector_load %arg10[%get3A_1303, %get3A_1304] {strides = array<i32>} : memref<4x128xf32, #tpu.memory_space<vmem>>, vector<1x16xf32>,
        %get3A_1306 = vector.shape_cast %get3A_1305 : vector<1x16xf32> to vector<16xf32>
        %get3A_1307 = arith.constant 2 : i32
        %get3A_1308 = arith.index_cast %get3A_1307 : i32 to index
        %get3A_1309 = arith.constant 96 : index
        %get3A_1310 = tpu.vector_load %arg10[%get3A_1308, %get3A_1309] {strides = array<i32>} : memref<4x128xf32, #tpu.memory_space<vmem>>, vector<1x16xf32>,
        %get3A_1311 = vector.shape_cast %get3A_1310 : vector<1x16xf32> to vector<16xf32>
        %get3A_1312 = arith.constant 3 : i32
        %get3A_1313 = arith.index_cast %get3A_1312 : i32 to index
        %get3A_1314 = arith.constant 96 : index
        %get3A_1315 = tpu.vector_load %arg10[%get3A_1313, %get3A_1314] {strides = array<i32>} : memref<4x128xf32, #tpu.memory_space<vmem>>, vector<1x16xf32>,
        %get3A_1316 = vector.shape_cast %get3A_1315 : vector<1x16xf32> to vector<16xf32>
        %add3A_1317 = arith.addf %get3A_1301, %get3A_1311 : vector<16xf32>
        %mul3A_1318 = arith.constant 5.000000e-01 : f32
        %mul3A_1319 = vector.broadcast %mul3A_1318 : f32 to vector<16xf32>
        %mul3A_1320 = arith.mulf %add3A_1317, %mul3A_1319 : vector<16xf32>
        %mul3A_1321 = vector.broadcast %scan3A_809 : f32 to vector<16xf32>
        %mul3A_1322 = arith.mulf %mul3A_1320, %mul3A_1321 : vector<16xf32>
        %convert_element_type3A_1323 = arith.fptosi %mul3A_1322 : vector<16xf32> to vector<16xi32>
        %add3A_1324 = arith.addf %get3A_1306, %get3A_1316 : vector<16xf32>
        %mul3A_1325 = arith.constant 5.000000e-01 : f32
        %mul3A_1326 = vector.broadcast %mul3A_1325 : f32 to vector<16xf32>
        %mul3A_1327 = arith.mulf %add3A_1324, %mul3A_1326 : vector<16xf32>
        %mul3A_1328 = vector.broadcast %scan3A_809 : f32 to vector<16xf32>
        %mul3A_1329 = arith.mulf %mul3A_1327, %mul3A_1328 : vector<16xf32>
        %convert_element_type3A_1330 = arith.fptosi %mul3A_1329 : vector<16xf32> to vector<16xi32>
        %max3A_1331 = arith.maxsi %convert_element_type3A_1323, %broadcast_in_dim3A_5 : vector<16xi32>
        %min3A_1332 = arith.minsi %max3A_1331, %broadcast_in_dim3A_7 : vector<16xi32>
        %swap3A_1333 = arith.constant 96 : index
        %swap3A_1334 = tpu.vector_load %arg15[%swap3A_1333] {strides = array<i32>} : memref<128xi32, #tpu.memory_space<vmem>>, vector<16xi32>,
        %swap3A_1335 = vector.shape_cast %swap3A_1334 : vector<16xi32> to vector<16xi32>
        %swap3A_1336 = vector.shape_cast %min3A_1332 : vector<16xi32> to vector<16xi32>
        tpu.vector_store %arg15[%swap3A_1333], %swap3A_1336 {strides = array<i32>} : memref<128xi32, #tpu.memory_space<vmem>>, vector<16xi32>,
        %max3A_1337 = arith.maxsi %convert_element_type3A_1330, %broadcast_in_dim3A_5 : vector<16xi32>
        %min3A_1338 = arith.minsi %max3A_1337, %broadcast_in_dim3A_7 : vector<16xi32>
        %swap3A_1339 = arith.constant 96 : index
        %swap3A_1340 = tpu.vector_load %arg20[%swap3A_1339] {strides = array<i32>} : memref<128xi32, #tpu.memory_space<vmem>>, vector<16xi32>,
        %swap3A_1341 = vector.shape_cast %swap3A_1340 : vector<16xi32> to vector<16xi32>
        %swap3A_1342 = vector.shape_cast %min3A_1338 : vector<16xi32> to vector<16xi32>
        tpu.vector_store %arg20[%swap3A_1339], %swap3A_1342 {strides = array<i32>} : memref<128xi32, #tpu.memory_space<vmem>>, vector<16xi32>,
        %get3A_1343 = arith.constant 0 : i32
        %get3A_1344 = arith.index_cast %get3A_1343 : i32 to index
        %get3A_1345 = arith.constant 112 : index
        %get3A_1346 = tpu.vector_load %arg10[%get3A_1344, %get3A_1345] {strides = array<i32>} : memref<4x128xf32, #tpu.memory_space<vmem>>, vector<1x16xf32>,
        %get3A_1347 = vector.shape_cast %get3A_1346 : vector<1x16xf32> to vector<16xf32>
        %get3A_1348 = arith.constant 1 : i32
        %get3A_1349 = arith.index_cast %get3A_1348 : i32 to index
        %get3A_1350 = arith.constant 112 : index
        %get3A_1351 = tpu.vector_load %arg10[%get3A_1349, %get3A_1350] {strides = array<i32>} : memref<4x128xf32, #tpu.memory_space<vmem>>, vector<1x16xf32>,
        %get3A_1352 = vector.shape_cast %get3A_1351 : vector<1x16xf32> to vector<16xf32>
        %get3A_1353 = arith.constant 2 : i32
        %get3A_1354 = arith.index_cast %get3A_1353 : i32 to index
        %get3A_1355 = arith.constant 112 : index
        %get3A_1356 = tpu.vector_load %arg10[%get3A_1354, %get3A_1355] {strides = array<i32>} : memref<4x128xf32, #tpu.memory_space<vmem>>, vector<1x16xf32>,
        %get3A_1357 = vector.shape_cast %get3A_1356 : vector<1x16xf32> to vector<16xf32>
        %get3A_1358 = arith.constant 3 : i32
        %get3A_1359 = arith.index_cast %get3A_1358 : i32 to index
        %get3A_1360 = arith.constant 112 : index
        %get3A_1361 = tpu.vector_load %arg10[%get3A_1359, %get3A_1360] {strides = array<i32>} : memref<4x128xf32, #tpu.memory_space<vmem>>, vector<1x16xf32>,
        %get3A_1362 = vector.shape_cast %get3A_1361 : vector<1x16xf32> to vector<16xf32>
        %add3A_1363 = arith.addf %get3A_1347, %get3A_1357 : vector<16xf32>
        %mul3A_1364 = arith.constant 5.000000e-01 : f32
        %mul3A_1365 = vector.broadcast %mul3A_1364 : f32 to vector<16xf32>
        %mul3A_1366 = arith.mulf %add3A_1363, %mul3A_1365 : vector<16xf32>
        %mul3A_1367 = vector.broadcast %scan3A_809 : f32 to vector<16xf32>
        %mul3A_1368 = arith.mulf %mul3A_1366, %mul3A_1367 : vector<16xf32>
        %convert_element_type3A_1369 = arith.fptosi %mul3A_1368 : vector<16xf32> to vector<16xi32>
        %add3A_1370 = arith.addf %get3A_1352, %get3A_1362 : vector<16xf32>
        %mul3A_1371 = arith.constant 5.000000e-01 : f32
        %mul3A_1372 = vector.broadcast %mul3A_1371 : f32 to vector<16xf32>
        %mul3A_1373 = arith.mulf %add3A_1370, %mul3A_1372 : vector<16xf32>
        %mul3A_1374 = vector.broadcast %scan3A_809 : f32 to vector<16xf32>
        %mul3A_1375 = arith.mulf %mul3A_1373, %mul3A_1374 : vector<16xf32>
        %convert_element_type3A_1376 = arith.fptosi %mul3A_1375 : vector<16xf32> to vector<16xi32>
        %max3A_1377 = arith.maxsi %convert_element_type3A_1369, %broadcast_in_dim3A_5 : vector<16xi32>
        %min3A_1378 = arith.minsi %max3A_1377, %broadcast_in_dim3A_7 : vector<16xi32>
        %swap3A_1379 = arith.constant 112 : index
        %swap3A_1380 = tpu.vector_load %arg15[%swap3A_1379] {strides = array<i32>} : memref<128xi32, #tpu.memory_space<vmem>>, vector<16xi32>,
        %swap3A_1381 = vector.shape_cast %swap3A_1380 : vector<16xi32> to vector<16xi32>
        %swap3A_1382 = vector.shape_cast %min3A_1378 : vector<16xi32> to vector<16xi32>
        tpu.vector_store %arg15[%swap3A_1379], %swap3A_1382 {strides = array<i32>} : memref<128xi32, #tpu.memory_space<vmem>>, vector<16xi32>,
        %max3A_1383 = arith.maxsi %convert_element_type3A_1376, %broadcast_in_dim3A_5 : vector<16xi32>
        %min3A_1384 = arith.minsi %max3A_1383, %broadcast_in_dim3A_7 : vector<16xi32>
        %swap3A_1385 = arith.constant 112 : index
        %swap3A_1386 = tpu.vector_load %arg20[%swap3A_1385] {strides = array<i32>} : memref<128xi32, #tpu.memory_space<vmem>>, vector<16xi32>,
        %swap3A_1387 = vector.shape_cast %swap3A_1386 : vector<16xi32> to vector<16xi32>
        %swap3A_1388 = vector.shape_cast %min3A_1384 : vector<16xi32> to vector<16xi32>
        tpu.vector_store %arg20[%swap3A_1385], %swap3A_1388 {strides = array<i32>} : memref<128xi32, #tpu.memory_space<vmem>>, vector<16xi32>,
        %add3A_1389 = arith.constant 4 : i32
        %add3A_1390 = arith.addi %add3A_950, %add3A_1389 : i32
        %lt3A_1391 = arith.constant 50 : i32
        %lt3A_1392 = arith.cmpi slt, %add3A_1390, %lt3A_1391 : i32
        %convert_element_type3A_1393 = arith.extui %lt3A_1392 : i1 to i32
        %cond3A_1394 = arith.constant 0 : i32
        %cond3A_1395 = arith.cmpi ne, %convert_element_type3A_1393, %cond3A_1394 : i32
        scf.if %cond3A_1395 {
          %add3A_1396 = arith.constant 4 : i32
          %add3A_1397 = arith.addi %add3A_950, %add3A_1396 : i32
          %mul3A_1398 = arith.constant 128 : i32
          %mul3A_1399 = arith.muli %add3A_1397, %mul3A_1398 : i32
          %add3A_1400 = arith.addi %mul3A_2, %mul3A_1399 : i32
          %dma_start3A_1401 = arith.constant 0 : i32
          %dma_start3A_1402 = tpu.memref_slice %arg2[%dma_start3A_1401, %add3A_1400] : memref<4x204800xf32, #tpu.memory_space<hbm>> -> memref<4x128xf32, #tpu.memory_space<hbm>>
          %dma_start3A_1403 = arith.constant 0 : i32
          %dma_start3A_1404 = tpu.memref_slice %arg2[%dma_start3A_1403, %add3A_1400] : memref<4x204800xf32, #tpu.memory_space<hbm>> -> memref<4x128xf32, #tpu.memory_space<hbm>>
          tpu.enqueue_dma source(%dma_start3A_1404 : memref<4x128xf32, #tpu.memory_space<hbm>>) target(%arg12 : memref<4x128xf32, #tpu.memory_space<vmem>>) target_semaphore(%arg43 : memref<!tpu.dma_semaphore, #tpu.memory_space<semaphore_mem>>)
        } else {
        }
      } else {
      }
      %dma_wait3A_971 = arith.constant 0 : i32
      %dma_wait3A_972 = arith.constant 0 : i32
      %dma_wait3A_973 = tpu.memref_slice %arg25[%dma_wait3A_971, %dma_wait3A_972] : memref<1000x128xf32, #tpu.memory_space<vmem_shared>> -> memref<1000x128xf32, #tpu.memory_space<vmem_shared>>
      tpu.wait_indirect_dma semaphore(%arg34 : memref<!tpu.dma_semaphore, #tpu.memory_space<semaphore_mem>>) src(%dma_wait3A_973 : memref<1000x128xf32, #tpu.memory_space<vmem_shared>>) dst(%arg8 : memref<128x128xf32, #tpu.memory_space<vmem>>)
      %mul3A_974 = arith.constant 128 : i32
      %mul3A_975 = arith.muli %add3A_950, %mul3A_974 : i32
      %add3A_976 = arith.addi %mul3A_2, %mul3A_975 : i32
      %dma_start3A_977 = arith.constant 0 : i32
      %dma_start3A_978 = tpu.memref_slice %arg4[%add3A_976, %dma_start3A_977] : memref<204800x128xf32, #tpu.memory_space<hbm>> -> memref<128x128xf32, #tpu.memory_space<hbm>>
      %dma_start3A_979 = arith.constant 0 : i32
      %dma_start3A_980 = tpu.memref_slice %arg4[%add3A_976, %dma_start3A_979] : memref<204800x128xf32, #tpu.memory_space<hbm>> -> memref<128x128xf32, #tpu.memory_space<hbm>>
      tpu.enqueue_dma source(%arg8 : memref<128x128xf32, #tpu.memory_space<vmem>>) target(%dma_start3A_980 : memref<128x128xf32, #tpu.memory_space<hbm>>) target_semaphore(%arg39 : memref<!tpu.dma_semaphore, #tpu.memory_space<semaphore_mem>>)
      %mul3A_981 = arith.constant 5 : i32
      %mul3A_982 = arith.muli %scan3A_845, %mul3A_981 : i32
      %add3A_983 = arith.constant 4 : i32
      %add3A_984 = arith.addi %mul3A_982, %add3A_983 : i32
      %dma_wait3A_985 = arith.constant 0 : i32
      %dma_wait3A_986 = arith.constant 0 : i32
      %dma_wait3A_987 = tpu.memref_slice %arg25[%dma_wait3A_985, %dma_wait3A_986] : memref<1000x128xf32, #tpu.memory_space<vmem_shared>> -> memref<1000x128xf32, #tpu.memory_space<vmem_shared>>
      tpu.wait_indirect_dma semaphore(%arg30 : memref<!tpu.dma_semaphore, #tpu.memory_space<semaphore_mem>>) src(%dma_wait3A_987 : memref<1000x128xf32, #tpu.memory_space<vmem_shared>>) dst(%arg9 : memref<128x128xf32, #tpu.memory_space<vmem>>)
      %dma_start3A_988 = arith.constant 0 : i32
      %dma_start3A_989 = arith.constant 0 : i32
      %dma_start3A_990 = tpu.memref_slice %arg25[%dma_start3A_988, %dma_start3A_989] : memref<1000x128xf32, #tpu.memory_space<vmem_shared>> -> memref<1000x128xf32, #tpu.memory_space<vmem_shared>>
      tpu.enqueue_indirect_dma source(%dma_start3A_990 : memref<1000x128xf32, #tpu.memory_space<vmem_shared>>) target(%arg9 : memref<128x128xf32, #tpu.memory_space<vmem>>) offsets(%arg24 : memref<128xi32, #tpu.memory_space<vmem>>) semaphore(%arg35 : memref<!tpu.dma_semaphore, #tpu.memory_space<semaphore_mem>>) {add = true}
      %add3A_991 = arith.constant 1 : i32
      %add3A_992 = arith.addi %add3A_984, %add3A_991 : i32
      %lt3A_993 = arith.constant 50 : i32
      %lt3A_994 = arith.cmpi slt, %add3A_992, %lt3A_993 : i32
      %convert_element_type3A_995 = arith.extui %lt3A_994 : i1 to i32
      %cond3A_996 = arith.constant 0 : i32
      %cond3A_997 = arith.cmpi ne, %convert_element_type3A_995, %cond3A_996 : i32
      scf.if %cond3A_997 {
        %add3A_1015 = arith.constant 1 : i32
        %add3A_1016 = arith.addi %add3A_984, %add3A_1015 : i32
        %ge3A = arith.constant 5 : i32
        %ge3A_1017 = arith.cmpi sge, %add3A_1016, %ge3A : i32
        %convert_element_type3A_1018 = arith.extui %ge3A_1017 : i1 to i32
        %cond3A_1019 = arith.constant 0 : i32
        %cond3A_1020 = arith.cmpi ne, %convert_element_type3A_1018, %cond3A_1019 : i32
        scf.if %cond3A_1020 {
          %dma_wait3A_1024 = arith.constant 0 : i32
          %dma_wait3A_1025 = arith.constant 0 : i32
          %dma_wait3A_1026 = tpu.memref_slice %arg4[%dma_wait3A_1024, %dma_wait3A_1025] : memref<204800x128xf32, #tpu.memory_space<hbm>> -> memref<128x128xf32, #tpu.memory_space<hbm>>
          %dma_wait3A_1027 = arith.constant 0 : i32
          %dma_wait3A_1028 = arith.constant 0 : i32
          %dma_wait3A_1029 = tpu.memref_slice %arg4[%dma_wait3A_1027, %dma_wait3A_1028] : memref<204800x128xf32, #tpu.memory_space<hbm>> -> memref<128x128xf32, #tpu.memory_space<hbm>>
          tpu.wait_dma2 semaphore(%arg36 : memref<!tpu.dma_semaphore, #tpu.memory_space<semaphore_mem>>) src(%arg5 : memref<128x128xf32, #tpu.memory_space<vmem>>) dst(%dma_wait3A_1029 : memref<128x128xf32, #tpu.memory_space<hbm>>)
        } else {
        }
        %dma_start3A_1021 = arith.constant 0 : i32
        %dma_start3A_1022 = arith.constant 0 : i32
        %dma_start3A_1023 = tpu.memref_slice %arg25[%dma_start3A_1021, %dma_start3A_1022] : memref<1000x128xf32, #tpu.memory_space<vmem_shared>> -> memref<1000x128xf32, #tpu.memory_space<vmem_shared>>
        tpu.enqueue_indirect_dma source(%dma_start3A_1023 : memref<1000x128xf32, #tpu.memory_space<vmem_shared>>) target(%arg5 : memref<128x128xf32, #tpu.memory_space<vmem>>) offsets(%arg15 : memref<128xi32, #tpu.memory_space<vmem>>) semaphore(%arg26 : memref<!tpu.dma_semaphore, #tpu.memory_space<semaphore_mem>>)
      } else {
      }
      %add3A_998 = arith.constant 2 : i32
      %add3A_999 = arith.addi %add3A_984, %add3A_998 : i32
      %lt3A_1000 = arith.constant 50 : i32
      %lt3A_1001 = arith.cmpi slt, %add3A_999, %lt3A_1000 : i32
      %convert_element_type3A_1002 = arith.extui %lt3A_1001 : i1 to i32
      %cond3A_1003 = arith.constant 0 : i32
      %cond3A_1004 = arith.cmpi ne, %convert_element_type3A_1002, %cond3A_1003 : i32
      scf.if %cond3A_1004 {
        %dma_wait3A_1015 = arith.constant 0 : i32
        %dma_wait3A_1016 = arith.constant 0 : i32
        %dma_wait3A_1017 = tpu.memref_slice %arg2[%dma_wait3A_1015, %dma_wait3A_1016] : memref<4x204800xf32, #tpu.memory_space<hbm>> -> memref<4x128xf32, #tpu.memory_space<hbm>>
        %dma_wait3A_1018 = arith.constant 0 : i32
        %dma_wait3A_1019 = arith.constant 0 : i32
        %dma_wait3A_1020 = tpu.memref_slice %arg2[%dma_wait3A_1018, %dma_wait3A_1019] : memref<4x204800xf32, #tpu.memory_space<hbm>> -> memref<4x128xf32, #tpu.memory_space<hbm>>
        tpu.wait_dma2 semaphore(%arg42 : memref<!tpu.dma_semaphore, #tpu.memory_space<semaphore_mem>>) src(%dma_wait3A_1020 : memref<4x128xf32, #tpu.memory_space<hbm>>) dst(%arg11 : memref<4x128xf32, #tpu.memory_space<vmem>>)
        %get3A_1021 = arith.constant 0 : i32
        %get3A_1022 = arith.index_cast %get3A_1021 : i32 to index
        %get3A_1023 = arith.constant 0 : index
        %get3A_1024 = tpu.vector_load %arg11[%get3A_1022, %get3A_1023] {strides = array<i32>} : memref<4x128xf32, #tpu.memory_space<vmem>>, vector<1x16xf32>,
        %get3A_1025 = vector.shape_cast %get3A_1024 : vector<1x16xf32> to vector<16xf32>
        %get3A_1026 = arith.constant 1 : i32
        %get3A_1027 = arith.index_cast %get3A_1026 : i32 to index
        %get3A_1028 = arith.constant 0 : index
        %get3A_1029 = tpu.vector_load %arg11[%get3A_1027, %get3A_1028] {strides = array<i32>} : memref<4x128xf32, #tpu.memory_space<vmem>>, vector<1x16xf32>,
        %get3A_1030 = vector.shape_cast %get3A_1029 : vector<1x16xf32> to vector<16xf32>
        %get3A_1031 = arith.constant 2 : i32
        %get3A_1032 = arith.index_cast %get3A_1031 : i32 to index
        %get3A_1033 = arith.constant 0 : index
        %get3A_1034 = tpu.vector_load %arg11[%get3A_1032, %get3A_1033] {strides = array<i32>} : memref<4x128xf32, #tpu.memory_space<vmem>>, vector<1x16xf32>,
        %get3A_1035 = vector.shape_cast %get3A_1034 : vector<1x16xf32> to vector<16xf32>
        %get3A_1036 = arith.constant 3 : i32
        %get3A_1037 = arith.index_cast %get3A_1036 : i32 to index
        %get3A_1038 = arith.constant 0 : index
        %get3A_1039 = tpu.vector_load %arg11[%get3A_1037, %get3A_1038] {strides = array<i32>} : memref<4x128xf32, #tpu.memory_space<vmem>>, vector<1x16xf32>,
        %get3A_1040 = vector.shape_cast %get3A_1039 : vector<1x16xf32> to vector<16xf32>
        %add3A_1041 = arith.addf %get3A_1025, %get3A_1035 : vector<16xf32>
        %mul3A_1042 = arith.constant 5.000000e-01 : f32
        %mul3A_1043 = vector.broadcast %mul3A_1042 : f32 to vector<16xf32>
        %mul3A_1044 = arith.mulf %add3A_1041, %mul3A_1043 : vector<16xf32>
        %mul3A_1045 = vector.broadcast %scan3A_809 : f32 to vector<16xf32>
        %mul3A_1046 = arith.mulf %mul3A_1044, %mul3A_1045 : vector<16xf32>
        %convert_element_type3A_1047 = arith.fptosi %mul3A_1046 : vector<16xf32> to vector<16xi32>
        %add3A_1048 = arith.addf %get3A_1030, %get3A_1040 : vector<16xf32>
        %mul3A_1049 = arith.constant 5.000000e-01 : f32
        %mul3A_1050 = vector.broadcast %mul3A_1049 : f32 to vector<16xf32>
        %mul3A_1051 = arith.mulf %add3A_1048, %mul3A_1050 : vector<16xf32>
        %mul3A_1052 = vector.broadcast %scan3A_809 : f32 to vector<16xf32>
        %mul3A_1053 = arith.mulf %mul3A_1051, %mul3A_1052 : vector<16xf32>
        %convert_element_type3A_1054 = arith.fptosi %mul3A_1053 : vector<16xf32> to vector<16xi32>
        %max3A_1055 = arith.maxsi %convert_element_type3A_1047, %broadcast_in_dim3A_5 : vector<16xi32>
        %min3A_1056 = arith.minsi %max3A_1055, %broadcast_in_dim3A_7 : vector<16xi32>
        %swap3A_1057 = arith.constant 0 : index
        %swap3A_1058 = tpu.vector_load %arg16[%swap3A_1057] {strides = array<i32>} : memref<128xi32, #tpu.memory_space<vmem>>, vector<16xi32>,
        %swap3A_1059 = vector.shape_cast %swap3A_1058 : vector<16xi32> to vector<16xi32>
        %swap3A_1060 = vector.shape_cast %min3A_1056 : vector<16xi32> to vector<16xi32>
        tpu.vector_store %arg16[%swap3A_1057], %swap3A_1060 {strides = array<i32>} : memref<128xi32, #tpu.memory_space<vmem>>, vector<16xi32>,
        %max3A_1061 = arith.maxsi %convert_element_type3A_1054, %broadcast_in_dim3A_5 : vector<16xi32>
        %min3A_1062 = arith.minsi %max3A_1061, %broadcast_in_dim3A_7 : vector<16xi32>
        %swap3A_1063 = arith.constant 0 : index
        %swap3A_1064 = tpu.vector_load %arg21[%swap3A_1063] {strides = array<i32>} : memref<128xi32, #tpu.memory_space<vmem>>, vector<16xi32>,
        %swap3A_1065 = vector.shape_cast %swap3A_1064 : vector<16xi32> to vector<16xi32>
        %swap3A_1066 = vector.shape_cast %min3A_1062 : vector<16xi32> to vector<16xi32>
        tpu.vector_store %arg21[%swap3A_1063], %swap3A_1066 {strides = array<i32>} : memref<128xi32, #tpu.memory_space<vmem>>, vector<16xi32>,
        %get3A_1067 = arith.constant 0 : i32
        %get3A_1068 = arith.index_cast %get3A_1067 : i32 to index
        %get3A_1069 = arith.constant 16 : index
        %get3A_1070 = tpu.vector_load %arg11[%get3A_1068, %get3A_1069] {strides = array<i32>} : memref<4x128xf32, #tpu.memory_space<vmem>>, vector<1x16xf32>,
        %get3A_1071 = vector.shape_cast %get3A_1070 : vector<1x16xf32> to vector<16xf32>
        %get3A_1072 = arith.constant 1 : i32
        %get3A_1073 = arith.index_cast %get3A_1072 : i32 to index
        %get3A_1074 = arith.constant 16 : index
        %get3A_1075 = tpu.vector_load %arg11[%get3A_1073, %get3A_1074] {strides = array<i32>} : memref<4x128xf32, #tpu.memory_space<vmem>>, vector<1x16xf32>,
        %get3A_1076 = vector.shape_cast %get3A_1075 : vector<1x16xf32> to vector<16xf32>
        %get3A_1077 = arith.constant 2 : i32
        %get3A_1078 = arith.index_cast %get3A_1077 : i32 to index
        %get3A_1079 = arith.constant 16 : index
        %get3A_1080 = tpu.vector_load %arg11[%get3A_1078, %get3A_1079] {strides = array<i32>} : memref<4x128xf32, #tpu.memory_space<vmem>>, vector<1x16xf32>,
        %get3A_1081 = vector.shape_cast %get3A_1080 : vector<1x16xf32> to vector<16xf32>
        %get3A_1082 = arith.constant 3 : i32
        %get3A_1083 = arith.index_cast %get3A_1082 : i32 to index
        %get3A_1084 = arith.constant 16 : index
        %get3A_1085 = tpu.vector_load %arg11[%get3A_1083, %get3A_1084] {strides = array<i32>} : memref<4x128xf32, #tpu.memory_space<vmem>>, vector<1x16xf32>,
        %get3A_1086 = vector.shape_cast %get3A_1085 : vector<1x16xf32> to vector<16xf32>
        %add3A_1087 = arith.addf %get3A_1071, %get3A_1081 : vector<16xf32>
        %mul3A_1088 = arith.constant 5.000000e-01 : f32
        %mul3A_1089 = vector.broadcast %mul3A_1088 : f32 to vector<16xf32>
        %mul3A_1090 = arith.mulf %add3A_1087, %mul3A_1089 : vector<16xf32>
        %mul3A_1091 = vector.broadcast %scan3A_809 : f32 to vector<16xf32>
        %mul3A_1092 = arith.mulf %mul3A_1090, %mul3A_1091 : vector<16xf32>
        %convert_element_type3A_1093 = arith.fptosi %mul3A_1092 : vector<16xf32> to vector<16xi32>
        %add3A_1094 = arith.addf %get3A_1076, %get3A_1086 : vector<16xf32>
        %mul3A_1095 = arith.constant 5.000000e-01 : f32
        %mul3A_1096 = vector.broadcast %mul3A_1095 : f32 to vector<16xf32>
        %mul3A_1097 = arith.mulf %add3A_1094, %mul3A_1096 : vector<16xf32>
        %mul3A_1098 = vector.broadcast %scan3A_809 : f32 to vector<16xf32>
        %mul3A_1099 = arith.mulf %mul3A_1097, %mul3A_1098 : vector<16xf32>
        %convert_element_type3A_1100 = arith.fptosi %mul3A_1099 : vector<16xf32> to vector<16xi32>
        %max3A_1101 = arith.maxsi %convert_element_type3A_1093, %broadcast_in_dim3A_5 : vector<16xi32>
        %min3A_1102 = arith.minsi %max3A_1101, %broadcast_in_dim3A_7 : vector<16xi32>
        %swap3A_1103 = arith.constant 16 : index
        %swap3A_1104 = tpu.vector_load %arg16[%swap3A_1103] {strides = array<i32>} : memref<128xi32, #tpu.memory_space<vmem>>, vector<16xi32>,
        %swap3A_1105 = vector.shape_cast %swap3A_1104 : vector<16xi32> to vector<16xi32>
        %swap3A_1106 = vector.shape_cast %min3A_1102 : vector<16xi32> to vector<16xi32>
        tpu.vector_store %arg16[%swap3A_1103], %swap3A_1106 {strides = array<i32>} : memref<128xi32, #tpu.memory_space<vmem>>, vector<16xi32>,
        %max3A_1107 = arith.maxsi %convert_element_type3A_1100, %broadcast_in_dim3A_5 : vector<16xi32>
        %min3A_1108 = arith.minsi %max3A_1107, %broadcast_in_dim3A_7 : vector<16xi32>
        %swap3A_1109 = arith.constant 16 : index
        %swap3A_1110 = tpu.vector_load %arg21[%swap3A_1109] {strides = array<i32>} : memref<128xi32, #tpu.memory_space<vmem>>, vector<16xi32>,
        %swap3A_1111 = vector.shape_cast %swap3A_1110 : vector<16xi32> to vector<16xi32>
        %swap3A_1112 = vector.shape_cast %min3A_1108 : vector<16xi32> to vector<16xi32>
        tpu.vector_store %arg21[%swap3A_1109], %swap3A_1112 {strides = array<i32>} : memref<128xi32, #tpu.memory_space<vmem>>, vector<16xi32>,
        %get3A_1113 = arith.constant 0 : i32
        %get3A_1114 = arith.index_cast %get3A_1113 : i32 to index
        %get3A_1115 = arith.constant 32 : index
        %get3A_1116 = tpu.vector_load %arg11[%get3A_1114, %get3A_1115] {strides = array<i32>} : memref<4x128xf32, #tpu.memory_space<vmem>>, vector<1x16xf32>,
        %get3A_1117 = vector.shape_cast %get3A_1116 : vector<1x16xf32> to vector<16xf32>
        %get3A_1118 = arith.constant 1 : i32
        %get3A_1119 = arith.index_cast %get3A_1118 : i32 to index
        %get3A_1120 = arith.constant 32 : index
        %get3A_1121 = tpu.vector_load %arg11[%get3A_1119, %get3A_1120] {strides = array<i32>} : memref<4x128xf32, #tpu.memory_space<vmem>>, vector<1x16xf32>,
        %get3A_1122 = vector.shape_cast %get3A_1121 : vector<1x16xf32> to vector<16xf32>
        %get3A_1123 = arith.constant 2 : i32
        %get3A_1124 = arith.index_cast %get3A_1123 : i32 to index
        %get3A_1125 = arith.constant 32 : index
        %get3A_1126 = tpu.vector_load %arg11[%get3A_1124, %get3A_1125] {strides = array<i32>} : memref<4x128xf32, #tpu.memory_space<vmem>>, vector<1x16xf32>,
        %get3A_1127 = vector.shape_cast %get3A_1126 : vector<1x16xf32> to vector<16xf32>
        %get3A_1128 = arith.constant 3 : i32
        %get3A_1129 = arith.index_cast %get3A_1128 : i32 to index
        %get3A_1130 = arith.constant 32 : index
        %get3A_1131 = tpu.vector_load %arg11[%get3A_1129, %get3A_1130] {strides = array<i32>} : memref<4x128xf32, #tpu.memory_space<vmem>>, vector<1x16xf32>,
        %get3A_1132 = vector.shape_cast %get3A_1131 : vector<1x16xf32> to vector<16xf32>
        %add3A_1133 = arith.addf %get3A_1117, %get3A_1127 : vector<16xf32>
        %mul3A_1134 = arith.constant 5.000000e-01 : f32
        %mul3A_1135 = vector.broadcast %mul3A_1134 : f32 to vector<16xf32>
        %mul3A_1136 = arith.mulf %add3A_1133, %mul3A_1135 : vector<16xf32>
        %mul3A_1137 = vector.broadcast %scan3A_809 : f32 to vector<16xf32>
        %mul3A_1138 = arith.mulf %mul3A_1136, %mul3A_1137 : vector<16xf32>
        %convert_element_type3A_1139 = arith.fptosi %mul3A_1138 : vector<16xf32> to vector<16xi32>
        %add3A_1140 = arith.addf %get3A_1122, %get3A_1132 : vector<16xf32>
        %mul3A_1141 = arith.constant 5.000000e-01 : f32
        %mul3A_1142 = vector.broadcast %mul3A_1141 : f32 to vector<16xf32>
        %mul3A_1143 = arith.mulf %add3A_1140, %mul3A_1142 : vector<16xf32>
        %mul3A_1144 = vector.broadcast %scan3A_809 : f32 to vector<16xf32>
        %mul3A_1145 = arith.mulf %mul3A_1143, %mul3A_1144 : vector<16xf32>
        %convert_element_type3A_1146 = arith.fptosi %mul3A_1145 : vector<16xf32> to vector<16xi32>
        %max3A_1147 = arith.maxsi %convert_element_type3A_1139, %broadcast_in_dim3A_5 : vector<16xi32>
        %min3A_1148 = arith.minsi %max3A_1147, %broadcast_in_dim3A_7 : vector<16xi32>
        %swap3A_1149 = arith.constant 32 : index
        %swap3A_1150 = tpu.vector_load %arg16[%swap3A_1149] {strides = array<i32>} : memref<128xi32, #tpu.memory_space<vmem>>, vector<16xi32>,
        %swap3A_1151 = vector.shape_cast %swap3A_1150 : vector<16xi32> to vector<16xi32>
        %swap3A_1152 = vector.shape_cast %min3A_1148 : vector<16xi32> to vector<16xi32>
        tpu.vector_store %arg16[%swap3A_1149], %swap3A_1152 {strides = array<i32>} : memref<128xi32, #tpu.memory_space<vmem>>, vector<16xi32>,
        %max3A_1153 = arith.maxsi %convert_element_type3A_1146, %broadcast_in_dim3A_5 : vector<16xi32>
        %min3A_1154 = arith.minsi %max3A_1153, %broadcast_in_dim3A_7 : vector<16xi32>
        %swap3A_1155 = arith.constant 32 : index
        %swap3A_1156 = tpu.vector_load %arg21[%swap3A_1155] {strides = array<i32>} : memref<128xi32, #tpu.memory_space<vmem>>, vector<16xi32>,
        %swap3A_1157 = vector.shape_cast %swap3A_1156 : vector<16xi32> to vector<16xi32>
        %swap3A_1158 = vector.shape_cast %min3A_1154 : vector<16xi32> to vector<16xi32>
        tpu.vector_store %arg21[%swap3A_1155], %swap3A_1158 {strides = array<i32>} : memref<128xi32, #tpu.memory_space<vmem>>, vector<16xi32>,
        %get3A_1159 = arith.constant 0 : i32
        %get3A_1160 = arith.index_cast %get3A_1159 : i32 to index
        %get3A_1161 = arith.constant 48 : index
        %get3A_1162 = tpu.vector_load %arg11[%get3A_1160, %get3A_1161] {strides = array<i32>} : memref<4x128xf32, #tpu.memory_space<vmem>>, vector<1x16xf32>,
        %get3A_1163 = vector.shape_cast %get3A_1162 : vector<1x16xf32> to vector<16xf32>
        %get3A_1164 = arith.constant 1 : i32
        %get3A_1165 = arith.index_cast %get3A_1164 : i32 to index
        %get3A_1166 = arith.constant 48 : index
        %get3A_1167 = tpu.vector_load %arg11[%get3A_1165, %get3A_1166] {strides = array<i32>} : memref<4x128xf32, #tpu.memory_space<vmem>>, vector<1x16xf32>,
        %get3A_1168 = vector.shape_cast %get3A_1167 : vector<1x16xf32> to vector<16xf32>
        %get3A_1169 = arith.constant 2 : i32
        %get3A_1170 = arith.index_cast %get3A_1169 : i32 to index
        %get3A_1171 = arith.constant 48 : index
        %get3A_1172 = tpu.vector_load %arg11[%get3A_1170, %get3A_1171] {strides = array<i32>} : memref<4x128xf32, #tpu.memory_space<vmem>>, vector<1x16xf32>,
        %get3A_1173 = vector.shape_cast %get3A_1172 : vector<1x16xf32> to vector<16xf32>
        %get3A_1174 = arith.constant 3 : i32
        %get3A_1175 = arith.index_cast %get3A_1174 : i32 to index
        %get3A_1176 = arith.constant 48 : index
        %get3A_1177 = tpu.vector_load %arg11[%get3A_1175, %get3A_1176] {strides = array<i32>} : memref<4x128xf32, #tpu.memory_space<vmem>>, vector<1x16xf32>,
        %get3A_1178 = vector.shape_cast %get3A_1177 : vector<1x16xf32> to vector<16xf32>
        %add3A_1179 = arith.addf %get3A_1163, %get3A_1173 : vector<16xf32>
        %mul3A_1180 = arith.constant 5.000000e-01 : f32
        %mul3A_1181 = vector.broadcast %mul3A_1180 : f32 to vector<16xf32>
        %mul3A_1182 = arith.mulf %add3A_1179, %mul3A_1181 : vector<16xf32>
        %mul3A_1183 = vector.broadcast %scan3A_809 : f32 to vector<16xf32>
        %mul3A_1184 = arith.mulf %mul3A_1182, %mul3A_1183 : vector<16xf32>
        %convert_element_type3A_1185 = arith.fptosi %mul3A_1184 : vector<16xf32> to vector<16xi32>
        %add3A_1186 = arith.addf %get3A_1168, %get3A_1178 : vector<16xf32>
        %mul3A_1187 = arith.constant 5.000000e-01 : f32
        %mul3A_1188 = vector.broadcast %mul3A_1187 : f32 to vector<16xf32>
        %mul3A_1189 = arith.mulf %add3A_1186, %mul3A_1188 : vector<16xf32>
        %mul3A_1190 = vector.broadcast %scan3A_809 : f32 to vector<16xf32>
        %mul3A_1191 = arith.mulf %mul3A_1189, %mul3A_1190 : vector<16xf32>
        %convert_element_type3A_1192 = arith.fptosi %mul3A_1191 : vector<16xf32> to vector<16xi32>
        %max3A_1193 = arith.maxsi %convert_element_type3A_1185, %broadcast_in_dim3A_5 : vector<16xi32>
        %min3A_1194 = arith.minsi %max3A_1193, %broadcast_in_dim3A_7 : vector<16xi32>
        %swap3A_1195 = arith.constant 48 : index
        %swap3A_1196 = tpu.vector_load %arg16[%swap3A_1195] {strides = array<i32>} : memref<128xi32, #tpu.memory_space<vmem>>, vector<16xi32>,
        %swap3A_1197 = vector.shape_cast %swap3A_1196 : vector<16xi32> to vector<16xi32>
        %swap3A_1198 = vector.shape_cast %min3A_1194 : vector<16xi32> to vector<16xi32>
        tpu.vector_store %arg16[%swap3A_1195], %swap3A_1198 {strides = array<i32>} : memref<128xi32, #tpu.memory_space<vmem>>, vector<16xi32>,
        %max3A_1199 = arith.maxsi %convert_element_type3A_1192, %broadcast_in_dim3A_5 : vector<16xi32>
        %min3A_1200 = arith.minsi %max3A_1199, %broadcast_in_dim3A_7 : vector<16xi32>
        %swap3A_1201 = arith.constant 48 : index
        %swap3A_1202 = tpu.vector_load %arg21[%swap3A_1201] {strides = array<i32>} : memref<128xi32, #tpu.memory_space<vmem>>, vector<16xi32>,
        %swap3A_1203 = vector.shape_cast %swap3A_1202 : vector<16xi32> to vector<16xi32>
        %swap3A_1204 = vector.shape_cast %min3A_1200 : vector<16xi32> to vector<16xi32>
        tpu.vector_store %arg21[%swap3A_1201], %swap3A_1204 {strides = array<i32>} : memref<128xi32, #tpu.memory_space<vmem>>, vector<16xi32>,
        %get3A_1205 = arith.constant 0 : i32
        %get3A_1206 = arith.index_cast %get3A_1205 : i32 to index
        %get3A_1207 = arith.constant 64 : index
        %get3A_1208 = tpu.vector_load %arg11[%get3A_1206, %get3A_1207] {strides = array<i32>} : memref<4x128xf32, #tpu.memory_space<vmem>>, vector<1x16xf32>,
        %get3A_1209 = vector.shape_cast %get3A_1208 : vector<1x16xf32> to vector<16xf32>
        %get3A_1210 = arith.constant 1 : i32
        %get3A_1211 = arith.index_cast %get3A_1210 : i32 to index
        %get3A_1212 = arith.constant 64 : index
        %get3A_1213 = tpu.vector_load %arg11[%get3A_1211, %get3A_1212] {strides = array<i32>} : memref<4x128xf32, #tpu.memory_space<vmem>>, vector<1x16xf32>,
        %get3A_1214 = vector.shape_cast %get3A_1213 : vector<1x16xf32> to vector<16xf32>
        %get3A_1215 = arith.constant 2 : i32
        %get3A_1216 = arith.index_cast %get3A_1215 : i32 to index
        %get3A_1217 = arith.constant 64 : index
        %get3A_1218 = tpu.vector_load %arg11[%get3A_1216, %get3A_1217] {strides = array<i32>} : memref<4x128xf32, #tpu.memory_space<vmem>>, vector<1x16xf32>,
        %get3A_1219 = vector.shape_cast %get3A_1218 : vector<1x16xf32> to vector<16xf32>
        %get3A_1220 = arith.constant 3 : i32
        %get3A_1221 = arith.index_cast %get3A_1220 : i32 to index
        %get3A_1222 = arith.constant 64 : index
        %get3A_1223 = tpu.vector_load %arg11[%get3A_1221, %get3A_1222] {strides = array<i32>} : memref<4x128xf32, #tpu.memory_space<vmem>>, vector<1x16xf32>,
        %get3A_1224 = vector.shape_cast %get3A_1223 : vector<1x16xf32> to vector<16xf32>
        %add3A_1225 = arith.addf %get3A_1209, %get3A_1219 : vector<16xf32>
        %mul3A_1226 = arith.constant 5.000000e-01 : f32
        %mul3A_1227 = vector.broadcast %mul3A_1226 : f32 to vector<16xf32>
        %mul3A_1228 = arith.mulf %add3A_1225, %mul3A_1227 : vector<16xf32>
        %mul3A_1229 = vector.broadcast %scan3A_809 : f32 to vector<16xf32>
        %mul3A_1230 = arith.mulf %mul3A_1228, %mul3A_1229 : vector<16xf32>
        %convert_element_type3A_1231 = arith.fptosi %mul3A_1230 : vector<16xf32> to vector<16xi32>
        %add3A_1232 = arith.addf %get3A_1214, %get3A_1224 : vector<16xf32>
        %mul3A_1233 = arith.constant 5.000000e-01 : f32
        %mul3A_1234 = vector.broadcast %mul3A_1233 : f32 to vector<16xf32>
        %mul3A_1235 = arith.mulf %add3A_1232, %mul3A_1234 : vector<16xf32>
        %mul3A_1236 = vector.broadcast %scan3A_809 : f32 to vector<16xf32>
        %mul3A_1237 = arith.mulf %mul3A_1235, %mul3A_1236 : vector<16xf32>
        %convert_element_type3A_1238 = arith.fptosi %mul3A_1237 : vector<16xf32> to vector<16xi32>
        %max3A_1239 = arith.maxsi %convert_element_type3A_1231, %broadcast_in_dim3A_5 : vector<16xi32>
        %min3A_1240 = arith.minsi %max3A_1239, %broadcast_in_dim3A_7 : vector<16xi32>
        %swap3A_1241 = arith.constant 64 : index
        %swap3A_1242 = tpu.vector_load %arg16[%swap3A_1241] {strides = array<i32>} : memref<128xi32, #tpu.memory_space<vmem>>, vector<16xi32>,
        %swap3A_1243 = vector.shape_cast %swap3A_1242 : vector<16xi32> to vector<16xi32>
        %swap3A_1244 = vector.shape_cast %min3A_1240 : vector<16xi32> to vector<16xi32>
        tpu.vector_store %arg16[%swap3A_1241], %swap3A_1244 {strides = array<i32>} : memref<128xi32, #tpu.memory_space<vmem>>, vector<16xi32>,
        %max3A_1245 = arith.maxsi %convert_element_type3A_1238, %broadcast_in_dim3A_5 : vector<16xi32>
        %min3A_1246 = arith.minsi %max3A_1245, %broadcast_in_dim3A_7 : vector<16xi32>
        %swap3A_1247 = arith.constant 64 : index
        %swap3A_1248 = tpu.vector_load %arg21[%swap3A_1247] {strides = array<i32>} : memref<128xi32, #tpu.memory_space<vmem>>, vector<16xi32>,
        %swap3A_1249 = vector.shape_cast %swap3A_1248 : vector<16xi32> to vector<16xi32>
        %swap3A_1250 = vector.shape_cast %min3A_1246 : vector<16xi32> to vector<16xi32>
        tpu.vector_store %arg21[%swap3A_1247], %swap3A_1250 {strides = array<i32>} : memref<128xi32, #tpu.memory_space<vmem>>, vector<16xi32>,
        %get3A_1251 = arith.constant 0 : i32
        %get3A_1252 = arith.index_cast %get3A_1251 : i32 to index
        %get3A_1253 = arith.constant 80 : index
        %get3A_1254 = tpu.vector_load %arg11[%get3A_1252, %get3A_1253] {strides = array<i32>} : memref<4x128xf32, #tpu.memory_space<vmem>>, vector<1x16xf32>,
        %get3A_1255 = vector.shape_cast %get3A_1254 : vector<1x16xf32> to vector<16xf32>
        %get3A_1256 = arith.constant 1 : i32
        %get3A_1257 = arith.index_cast %get3A_1256 : i32 to index
        %get3A_1258 = arith.constant 80 : index
        %get3A_1259 = tpu.vector_load %arg11[%get3A_1257, %get3A_1258] {strides = array<i32>} : memref<4x128xf32, #tpu.memory_space<vmem>>, vector<1x16xf32>,
        %get3A_1260 = vector.shape_cast %get3A_1259 : vector<1x16xf32> to vector<16xf32>
        %get3A_1261 = arith.constant 2 : i32
        %get3A_1262 = arith.index_cast %get3A_1261 : i32 to index
        %get3A_1263 = arith.constant 80 : index
        %get3A_1264 = tpu.vector_load %arg11[%get3A_1262, %get3A_1263] {strides = array<i32>} : memref<4x128xf32, #tpu.memory_space<vmem>>, vector<1x16xf32>,
        %get3A_1265 = vector.shape_cast %get3A_1264 : vector<1x16xf32> to vector<16xf32>
        %get3A_1266 = arith.constant 3 : i32
        %get3A_1267 = arith.index_cast %get3A_1266 : i32 to index
        %get3A_1268 = arith.constant 80 : index
        %get3A_1269 = tpu.vector_load %arg11[%get3A_1267, %get3A_1268] {strides = array<i32>} : memref<4x128xf32, #tpu.memory_space<vmem>>, vector<1x16xf32>,
        %get3A_1270 = vector.shape_cast %get3A_1269 : vector<1x16xf32> to vector<16xf32>
        %add3A_1271 = arith.addf %get3A_1255, %get3A_1265 : vector<16xf32>
        %mul3A_1272 = arith.constant 5.000000e-01 : f32
        %mul3A_1273 = vector.broadcast %mul3A_1272 : f32 to vector<16xf32>
        %mul3A_1274 = arith.mulf %add3A_1271, %mul3A_1273 : vector<16xf32>
        %mul3A_1275 = vector.broadcast %scan3A_809 : f32 to vector<16xf32>
        %mul3A_1276 = arith.mulf %mul3A_1274, %mul3A_1275 : vector<16xf32>
        %convert_element_type3A_1277 = arith.fptosi %mul3A_1276 : vector<16xf32> to vector<16xi32>
        %add3A_1278 = arith.addf %get3A_1260, %get3A_1270 : vector<16xf32>
        %mul3A_1279 = arith.constant 5.000000e-01 : f32
        %mul3A_1280 = vector.broadcast %mul3A_1279 : f32 to vector<16xf32>
        %mul3A_1281 = arith.mulf %add3A_1278, %mul3A_1280 : vector<16xf32>
        %mul3A_1282 = vector.broadcast %scan3A_809 : f32 to vector<16xf32>
        %mul3A_1283 = arith.mulf %mul3A_1281, %mul3A_1282 : vector<16xf32>
        %convert_element_type3A_1284 = arith.fptosi %mul3A_1283 : vector<16xf32> to vector<16xi32>
        %max3A_1285 = arith.maxsi %convert_element_type3A_1277, %broadcast_in_dim3A_5 : vector<16xi32>
        %min3A_1286 = arith.minsi %max3A_1285, %broadcast_in_dim3A_7 : vector<16xi32>
        %swap3A_1287 = arith.constant 80 : index
        %swap3A_1288 = tpu.vector_load %arg16[%swap3A_1287] {strides = array<i32>} : memref<128xi32, #tpu.memory_space<vmem>>, vector<16xi32>,
        %swap3A_1289 = vector.shape_cast %swap3A_1288 : vector<16xi32> to vector<16xi32>
        %swap3A_1290 = vector.shape_cast %min3A_1286 : vector<16xi32> to vector<16xi32>
        tpu.vector_store %arg16[%swap3A_1287], %swap3A_1290 {strides = array<i32>} : memref<128xi32, #tpu.memory_space<vmem>>, vector<16xi32>,
        %max3A_1291 = arith.maxsi %convert_element_type3A_1284, %broadcast_in_dim3A_5 : vector<16xi32>
        %min3A_1292 = arith.minsi %max3A_1291, %broadcast_in_dim3A_7 : vector<16xi32>
        %swap3A_1293 = arith.constant 80 : index
        %swap3A_1294 = tpu.vector_load %arg21[%swap3A_1293] {strides = array<i32>} : memref<128xi32, #tpu.memory_space<vmem>>, vector<16xi32>,
        %swap3A_1295 = vector.shape_cast %swap3A_1294 : vector<16xi32> to vector<16xi32>
        %swap3A_1296 = vector.shape_cast %min3A_1292 : vector<16xi32> to vector<16xi32>
        tpu.vector_store %arg21[%swap3A_1293], %swap3A_1296 {strides = array<i32>} : memref<128xi32, #tpu.memory_space<vmem>>, vector<16xi32>,
        %get3A_1297 = arith.constant 0 : i32
        %get3A_1298 = arith.index_cast %get3A_1297 : i32 to index
        %get3A_1299 = arith.constant 96 : index
        %get3A_1300 = tpu.vector_load %arg11[%get3A_1298, %get3A_1299] {strides = array<i32>} : memref<4x128xf32, #tpu.memory_space<vmem>>, vector<1x16xf32>,
        %get3A_1301 = vector.shape_cast %get3A_1300 : vector<1x16xf32> to vector<16xf32>
        %get3A_1302 = arith.constant 1 : i32
        %get3A_1303 = arith.index_cast %get3A_1302 : i32 to index
        %get3A_1304 = arith.constant 96 : index
        %get3A_1305 = tpu.vector_load %arg11[%get3A_1303, %get3A_1304] {strides = array<i32>} : memref<4x128xf32, #tpu.memory_space<vmem>>, vector<1x16xf32>,
        %get3A_1306 = vector.shape_cast %get3A_1305 : vector<1x16xf32> to vector<16xf32>
        %get3A_1307 = arith.constant 2 : i32
        %get3A_1308 = arith.index_cast %get3A_1307 : i32 to index
        %get3A_1309 = arith.constant 96 : index
        %get3A_1310 = tpu.vector_load %arg11[%get3A_1308, %get3A_1309] {strides = array<i32>} : memref<4x128xf32, #tpu.memory_space<vmem>>, vector<1x16xf32>,
        %get3A_1311 = vector.shape_cast %get3A_1310 : vector<1x16xf32> to vector<16xf32>
        %get3A_1312 = arith.constant 3 : i32
        %get3A_1313 = arith.index_cast %get3A_1312 : i32 to index
        %get3A_1314 = arith.constant 96 : index
        %get3A_1315 = tpu.vector_load %arg11[%get3A_1313, %get3A_1314] {strides = array<i32>} : memref<4x128xf32, #tpu.memory_space<vmem>>, vector<1x16xf32>,
        %get3A_1316 = vector.shape_cast %get3A_1315 : vector<1x16xf32> to vector<16xf32>
        %add3A_1317 = arith.addf %get3A_1301, %get3A_1311 : vector<16xf32>
        %mul3A_1318 = arith.constant 5.000000e-01 : f32
        %mul3A_1319 = vector.broadcast %mul3A_1318 : f32 to vector<16xf32>
        %mul3A_1320 = arith.mulf %add3A_1317, %mul3A_1319 : vector<16xf32>
        %mul3A_1321 = vector.broadcast %scan3A_809 : f32 to vector<16xf32>
        %mul3A_1322 = arith.mulf %mul3A_1320, %mul3A_1321 : vector<16xf32>
        %convert_element_type3A_1323 = arith.fptosi %mul3A_1322 : vector<16xf32> to vector<16xi32>
        %add3A_1324 = arith.addf %get3A_1306, %get3A_1316 : vector<16xf32>
        %mul3A_1325 = arith.constant 5.000000e-01 : f32
        %mul3A_1326 = vector.broadcast %mul3A_1325 : f32 to vector<16xf32>
        %mul3A_1327 = arith.mulf %add3A_1324, %mul3A_1326 : vector<16xf32>
        %mul3A_1328 = vector.broadcast %scan3A_809 : f32 to vector<16xf32>
        %mul3A_1329 = arith.mulf %mul3A_1327, %mul3A_1328 : vector<16xf32>
        %convert_element_type3A_1330 = arith.fptosi %mul3A_1329 : vector<16xf32> to vector<16xi32>
        %max3A_1331 = arith.maxsi %convert_element_type3A_1323, %broadcast_in_dim3A_5 : vector<16xi32>
        %min3A_1332 = arith.minsi %max3A_1331, %broadcast_in_dim3A_7 : vector<16xi32>
        %swap3A_1333 = arith.constant 96 : index
        %swap3A_1334 = tpu.vector_load %arg16[%swap3A_1333] {strides = array<i32>} : memref<128xi32, #tpu.memory_space<vmem>>, vector<16xi32>,
        %swap3A_1335 = vector.shape_cast %swap3A_1334 : vector<16xi32> to vector<16xi32>
        %swap3A_1336 = vector.shape_cast %min3A_1332 : vector<16xi32> to vector<16xi32>
        tpu.vector_store %arg16[%swap3A_1333], %swap3A_1336 {strides = array<i32>} : memref<128xi32, #tpu.memory_space<vmem>>, vector<16xi32>,
        %max3A_1337 = arith.maxsi %convert_element_type3A_1330, %broadcast_in_dim3A_5 : vector<16xi32>
        %min3A_1338 = arith.minsi %max3A_1337, %broadcast_in_dim3A_7 : vector<16xi32>
        %swap3A_1339 = arith.constant 96 : index
        %swap3A_1340 = tpu.vector_load %arg21[%swap3A_1339] {strides = array<i32>} : memref<128xi32, #tpu.memory_space<vmem>>, vector<16xi32>,
        %swap3A_1341 = vector.shape_cast %swap3A_1340 : vector<16xi32> to vector<16xi32>
        %swap3A_1342 = vector.shape_cast %min3A_1338 : vector<16xi32> to vector<16xi32>
        tpu.vector_store %arg21[%swap3A_1339], %swap3A_1342 {strides = array<i32>} : memref<128xi32, #tpu.memory_space<vmem>>, vector<16xi32>,
        %get3A_1343 = arith.constant 0 : i32
        %get3A_1344 = arith.index_cast %get3A_1343 : i32 to index
        %get3A_1345 = arith.constant 112 : index
        %get3A_1346 = tpu.vector_load %arg11[%get3A_1344, %get3A_1345] {strides = array<i32>} : memref<4x128xf32, #tpu.memory_space<vmem>>, vector<1x16xf32>,
        %get3A_1347 = vector.shape_cast %get3A_1346 : vector<1x16xf32> to vector<16xf32>
        %get3A_1348 = arith.constant 1 : i32
        %get3A_1349 = arith.index_cast %get3A_1348 : i32 to index
        %get3A_1350 = arith.constant 112 : index
        %get3A_1351 = tpu.vector_load %arg11[%get3A_1349, %get3A_1350] {strides = array<i32>} : memref<4x128xf32, #tpu.memory_space<vmem>>, vector<1x16xf32>,
        %get3A_1352 = vector.shape_cast %get3A_1351 : vector<1x16xf32> to vector<16xf32>
        %get3A_1353 = arith.constant 2 : i32
        %get3A_1354 = arith.index_cast %get3A_1353 : i32 to index
        %get3A_1355 = arith.constant 112 : index
        %get3A_1356 = tpu.vector_load %arg11[%get3A_1354, %get3A_1355] {strides = array<i32>} : memref<4x128xf32, #tpu.memory_space<vmem>>, vector<1x16xf32>,
        %get3A_1357 = vector.shape_cast %get3A_1356 : vector<1x16xf32> to vector<16xf32>
        %get3A_1358 = arith.constant 3 : i32
        %get3A_1359 = arith.index_cast %get3A_1358 : i32 to index
        %get3A_1360 = arith.constant 112 : index
        %get3A_1361 = tpu.vector_load %arg11[%get3A_1359, %get3A_1360] {strides = array<i32>} : memref<4x128xf32, #tpu.memory_space<vmem>>, vector<1x16xf32>,
        %get3A_1362 = vector.shape_cast %get3A_1361 : vector<1x16xf32> to vector<16xf32>
        %add3A_1363 = arith.addf %get3A_1347, %get3A_1357 : vector<16xf32>
        %mul3A_1364 = arith.constant 5.000000e-01 : f32
        %mul3A_1365 = vector.broadcast %mul3A_1364 : f32 to vector<16xf32>
        %mul3A_1366 = arith.mulf %add3A_1363, %mul3A_1365 : vector<16xf32>
        %mul3A_1367 = vector.broadcast %scan3A_809 : f32 to vector<16xf32>
        %mul3A_1368 = arith.mulf %mul3A_1366, %mul3A_1367 : vector<16xf32>
        %convert_element_type3A_1369 = arith.fptosi %mul3A_1368 : vector<16xf32> to vector<16xi32>
        %add3A_1370 = arith.addf %get3A_1352, %get3A_1362 : vector<16xf32>
        %mul3A_1371 = arith.constant 5.000000e-01 : f32
        %mul3A_1372 = vector.broadcast %mul3A_1371 : f32 to vector<16xf32>
        %mul3A_1373 = arith.mulf %add3A_1370, %mul3A_1372 : vector<16xf32>
        %mul3A_1374 = vector.broadcast %scan3A_809 : f32 to vector<16xf32>
        %mul3A_1375 = arith.mulf %mul3A_1373, %mul3A_1374 : vector<16xf32>
        %convert_element_type3A_1376 = arith.fptosi %mul3A_1375 : vector<16xf32> to vector<16xi32>
        %max3A_1377 = arith.maxsi %convert_element_type3A_1369, %broadcast_in_dim3A_5 : vector<16xi32>
        %min3A_1378 = arith.minsi %max3A_1377, %broadcast_in_dim3A_7 : vector<16xi32>
        %swap3A_1379 = arith.constant 112 : index
        %swap3A_1380 = tpu.vector_load %arg16[%swap3A_1379] {strides = array<i32>} : memref<128xi32, #tpu.memory_space<vmem>>, vector<16xi32>,
        %swap3A_1381 = vector.shape_cast %swap3A_1380 : vector<16xi32> to vector<16xi32>
        %swap3A_1382 = vector.shape_cast %min3A_1378 : vector<16xi32> to vector<16xi32>
        tpu.vector_store %arg16[%swap3A_1379], %swap3A_1382 {strides = array<i32>} : memref<128xi32, #tpu.memory_space<vmem>>, vector<16xi32>,
        %max3A_1383 = arith.maxsi %convert_element_type3A_1376, %broadcast_in_dim3A_5 : vector<16xi32>
        %min3A_1384 = arith.minsi %max3A_1383, %broadcast_in_dim3A_7 : vector<16xi32>
        %swap3A_1385 = arith.constant 112 : index
        %swap3A_1386 = tpu.vector_load %arg21[%swap3A_1385] {strides = array<i32>} : memref<128xi32, #tpu.memory_space<vmem>>, vector<16xi32>,
        %swap3A_1387 = vector.shape_cast %swap3A_1386 : vector<16xi32> to vector<16xi32>
        %swap3A_1388 = vector.shape_cast %min3A_1384 : vector<16xi32> to vector<16xi32>
        tpu.vector_store %arg21[%swap3A_1385], %swap3A_1388 {strides = array<i32>} : memref<128xi32, #tpu.memory_space<vmem>>, vector<16xi32>,
        %add3A_1389 = arith.constant 4 : i32
        %add3A_1390 = arith.addi %add3A_984, %add3A_1389 : i32
        %lt3A_1391 = arith.constant 50 : i32
        %lt3A_1392 = arith.cmpi slt, %add3A_1390, %lt3A_1391 : i32
        %convert_element_type3A_1393 = arith.extui %lt3A_1392 : i1 to i32
        %cond3A_1394 = arith.constant 0 : i32
        %cond3A_1395 = arith.cmpi ne, %convert_element_type3A_1393, %cond3A_1394 : i32
        scf.if %cond3A_1395 {
          %add3A_1396 = arith.constant 4 : i32
          %add3A_1397 = arith.addi %add3A_984, %add3A_1396 : i32
          %mul3A_1398 = arith.constant 128 : i32
          %mul3A_1399 = arith.muli %add3A_1397, %mul3A_1398 : i32
          %add3A_1400 = arith.addi %mul3A_2, %mul3A_1399 : i32
          %dma_start3A_1401 = arith.constant 0 : i32
          %dma_start3A_1402 = tpu.memref_slice %arg2[%dma_start3A_1401, %add3A_1400] : memref<4x204800xf32, #tpu.memory_space<hbm>> -> memref<4x128xf32, #tpu.memory_space<hbm>>
          %dma_start3A_1403 = arith.constant 0 : i32
          %dma_start3A_1404 = tpu.memref_slice %arg2[%dma_start3A_1403, %add3A_1400] : memref<4x204800xf32, #tpu.memory_space<hbm>> -> memref<4x128xf32, #tpu.memory_space<hbm>>
          tpu.enqueue_dma source(%dma_start3A_1404 : memref<4x128xf32, #tpu.memory_space<hbm>>) target(%arg13 : memref<4x128xf32, #tpu.memory_space<vmem>>) target_semaphore(%arg44 : memref<!tpu.dma_semaphore, #tpu.memory_space<semaphore_mem>>)
        } else {
        }
      } else {
      }
      %dma_wait3A_1005 = arith.constant 0 : i32
      %dma_wait3A_1006 = arith.constant 0 : i32
      %dma_wait3A_1007 = tpu.memref_slice %arg25[%dma_wait3A_1005, %dma_wait3A_1006] : memref<1000x128xf32, #tpu.memory_space<vmem_shared>> -> memref<1000x128xf32, #tpu.memory_space<vmem_shared>>
      tpu.wait_indirect_dma semaphore(%arg35 : memref<!tpu.dma_semaphore, #tpu.memory_space<semaphore_mem>>) src(%dma_wait3A_1007 : memref<1000x128xf32, #tpu.memory_space<vmem_shared>>) dst(%arg9 : memref<128x128xf32, #tpu.memory_space<vmem>>)
      %mul3A_1008 = arith.constant 128 : i32
      %mul3A_1009 = arith.muli %add3A_984, %mul3A_1008 : i32
      %add3A_1010 = arith.addi %mul3A_2, %mul3A_1009 : i32
      %dma_start3A_1011 = arith.constant 0 : i32
      %dma_start3A_1012 = tpu.memref_slice %arg4[%add3A_1010, %dma_start3A_1011] : memref<204800x128xf32, #tpu.memory_space<hbm>> -> memref<128x128xf32, #tpu.memory_space<hbm>>
      %dma_start3A_1013 = arith.constant 0 : i32
      %dma_start3A_1014 = tpu.memref_slice %arg4[%add3A_1010, %dma_start3A_1013] : memref<204800x128xf32, #tpu.memory_space<hbm>> -> memref<128x128xf32, #tpu.memory_space<hbm>>
      tpu.enqueue_dma source(%arg9 : memref<128x128xf32, #tpu.memory_space<vmem>>) target(%dma_start3A_1014 : memref<128x128xf32, #tpu.memory_space<hbm>>) target_semaphore(%arg40 : memref<!tpu.dma_semaphore, #tpu.memory_space<semaphore_mem>>)
    }
    %scan3A_814 = arith.constant 10 : i32
    %dma_wait3A_815 = arith.constant 0 : i32
    %dma_wait3A_816 = arith.constant 0 : i32
    %dma_wait3A_817 = tpu.memref_slice %arg4[%dma_wait3A_815, %dma_wait3A_816] : memref<204800x128xf32, #tpu.memory_space<hbm>> -> memref<128x128xf32, #tpu.memory_space<hbm>>
    %dma_wait3A_818 = arith.constant 0 : i32
    %dma_wait3A_819 = arith.constant 0 : i32
    %dma_wait3A_820 = tpu.memref_slice %arg4[%dma_wait3A_818, %dma_wait3A_819] : memref<204800x128xf32, #tpu.memory_space<hbm>> -> memref<128x128xf32, #tpu.memory_space<hbm>>
    tpu.wait_dma2 semaphore(%arg36 : memref<!tpu.dma_semaphore, #tpu.memory_space<semaphore_mem>>) src(%arg5 : memref<128x128xf32, #tpu.memory_space<vmem>>) dst(%dma_wait3A_820 : memref<128x128xf32, #tpu.memory_space<hbm>>)
    %dma_wait3A_821 = arith.constant 0 : i32
    %dma_wait3A_822 = arith.constant 0 : i32
    %dma_wait3A_823 = tpu.memref_slice %arg4[%dma_wait3A_821, %dma_wait3A_822] : memref<204800x128xf32, #tpu.memory_space<hbm>> -> memref<128x128xf32, #tpu.memory_space<hbm>>
    %dma_wait3A_824 = arith.constant 0 : i32
    %dma_wait3A_825 = arith.constant 0 : i32
    %dma_wait3A_826 = tpu.memref_slice %arg4[%dma_wait3A_824, %dma_wait3A_825] : memref<204800x128xf32, #tpu.memory_space<hbm>> -> memref<128x128xf32, #tpu.memory_space<hbm>>
    tpu.wait_dma2 semaphore(%arg37 : memref<!tpu.dma_semaphore, #tpu.memory_space<semaphore_mem>>) src(%arg6 : memref<128x128xf32, #tpu.memory_space<vmem>>) dst(%dma_wait3A_826 : memref<128x128xf32, #tpu.memory_space<hbm>>)
    %dma_wait3A_827 = arith.constant 0 : i32
    %dma_wait3A_828 = arith.constant 0 : i32
    %dma_wait3A_829 = tpu.memref_slice %arg4[%dma_wait3A_827, %dma_wait3A_828] : memref<204800x128xf32, #tpu.memory_space<hbm>> -> memref<128x128xf32, #tpu.memory_space<hbm>>
    %dma_wait3A_830 = arith.constant 0 : i32
    %dma_wait3A_831 = arith.constant 0 : i32
    %dma_wait3A_832 = tpu.memref_slice %arg4[%dma_wait3A_830, %dma_wait3A_831] : memref<204800x128xf32, #tpu.memory_space<hbm>> -> memref<128x128xf32, #tpu.memory_space<hbm>>
    tpu.wait_dma2 semaphore(%arg38 : memref<!tpu.dma_semaphore, #tpu.memory_space<semaphore_mem>>) src(%arg7 : memref<128x128xf32, #tpu.memory_space<vmem>>) dst(%dma_wait3A_832 : memref<128x128xf32, #tpu.memory_space<hbm>>)
    %dma_wait3A_833 = arith.constant 0 : i32
    %dma_wait3A_834 = arith.constant 0 : i32
    %dma_wait3A_835 = tpu.memref_slice %arg4[%dma_wait3A_833, %dma_wait3A_834] : memref<204800x128xf32, #tpu.memory_space<hbm>> -> memref<128x128xf32, #tpu.memory_space<hbm>>
    %dma_wait3A_836 = arith.constant 0 : i32
    %dma_wait3A_837 = arith.constant 0 : i32
    %dma_wait3A_838 = tpu.memref_slice %arg4[%dma_wait3A_836, %dma_wait3A_837] : memref<204800x128xf32, #tpu.memory_space<hbm>> -> memref<128x128xf32, #tpu.memory_space<hbm>>
    tpu.wait_dma2 semaphore(%arg39 : memref<!tpu.dma_semaphore, #tpu.memory_space<semaphore_mem>>) src(%arg8 : memref<128x128xf32, #tpu.memory_space<vmem>>) dst(%dma_wait3A_838 : memref<128x128xf32, #tpu.memory_space<hbm>>)
    %dma_wait3A_839 = arith.constant 0 : i32
    %dma_wait3A_840 = arith.constant 0 : i32
    %dma_wait3A_841 = tpu.memref_slice %arg4[%dma_wait3A_839, %dma_wait3A_840] : memref<204800x128xf32, #tpu.memory_space<hbm>> -> memref<128x128xf32, #tpu.memory_space<hbm>>
    %dma_wait3A_842 = arith.constant 0 : i32
    %dma_wait3A_843 = arith.constant 0 : i32
    %dma_wait3A_844 = tpu.memref_slice %arg4[%dma_wait3A_842, %dma_wait3A_843] : memref<204800x128xf32, #tpu.memory_space<hbm>> -> memref<128x128xf32, #tpu.memory_space<hbm>>
    tpu.wait_dma2 semaphore(%arg40 : memref<!tpu.dma_semaphore, #tpu.memory_space<semaphore_mem>>) src(%arg9 : memref<128x128xf32, #tpu.memory_space<vmem>>) dst(%dma_wait3A_844 : memref<128x128xf32, #tpu.memory_space<hbm>>)
    return
  }
}

</mosaic_0001>

<sc_bundles>
// kernel: kernel.3.cloned.1.call-start
scs
__scs_entry_jumppad:
0x0: {  	(pc) =	sbr.rel $0x88, $3  }
0x1: {  	(tag) =	ssettag $0x0;
	lr =	simm.s32 $0x1  }
0x2: {  	[smem:$0x3F9F] =	sst lr;
	_ =	strace $0xD0000000  }
0x3: {  	_ = 	snop  }
0x4: {  	_ = 	snop  }
0x5: {  	_ = 	snop  }
0x6: {  	_ = 	snop  }
0x7: {  	_ = 	snop  }
__scs_overlays_trampoline_lowered:
0x8: {  	[smem:$0x3FAE] =	sst s0  }
0x9: {  	[smem:$0x3FAF] =	sst s1  }
0xa: {  	[smem:$0x3FB0] =	sst s2  }
0xb: {  	[smem:$0x3FB1] =	sst s3  }
0xc: {  	[smem:$0x3FB2] =	sst s4  }
0xd: {  	[smem:$0x3FB3] =	sst s5  }
0xe: {  	[smem:$0x3FB4] =	sst s6  }
0xf: {  	[smem:$0x3FB5] =	sst s7  }
0x10: {  	[smem:$0x3FB6] =	sst s8  }
0x11: {  	[smem:$0x3FB7] =	sst s9;
	s0 =	simm.s32 @!p0 $0x0  }
0x12: {  	s1 =	sld [smem:$0x3F9D];
	s0 =	simm.s32 @p0 $0x1  }
0x13: {  	[smem:$0x3FB8] =	sst s0;
	s0 =	simm.s32 @!p1 $0x0  }
0x14: {  	s2 =	sld [smem:$0x3F9C];
	s0 =	simm.s32 @p1 $0x1  }
0x15: {  	[smem:$0x3FB9] =	sst s0;
	s0 =	simm.s32 @!p2 $0x0  }
0x16: {  	s3 =	sld [smem:$0x3FDB];
	s0 =	simm.s32 @p2 $0x1  }
0x17: {  	s4 =	simm.s32 $0x1BF5;
	[smem:$0x3FBB] =	sst s0  }
0x18: {  	s0 =	sld [smem:$0x3F9E];
	_ =	swait.ge [sflag:s4], $0x0  }
0x19: {  	s7 =	sld [smem:$0x3F9F]  }
0x1a: {  	s8 =	sadd.s32 $0xFFFFE003, lr  }
0x1b: {  	s9 =	sadd.s32 $0xFFFFFEF7, lr;
	s5 =	simm.s32 $0xFFFFFFFF;
	p2 =	slt.u32 s8, $0xFFFFF086  }
0x1c: {  	p1 =	slt.u32 s9, $0xF7A;
	s5 =	simm.s32 @!p2 $0x0  }
0x1d: {  	s5 =	simm.s32 @p1 $0x1;
	p0 =	seq.s32 s7, s2  }
0x1e: {  	s7 =	smul.u32 @!p0 $0xF7A, s2;
	p2 =	seq.s32 @!p0 s5, $0x0  }
0x1f: {  	s9 =	smul.u32 $0xF7A, s1;
	s8 =	simm.s32 @!p0 $0x1BF5;
	p2 =	por !p2, p0  }
0x20: {  	[sflag:s8] =	ssyncset.s32 @!p0 $0xFFFFF086;
	s6 =	sadd.s32 @!p0 s3, s7;
	s7 =	simm.s32 @!p0 $0x108  }
0x21: {  	s3 =	sadd.s32 s3, s9;
	s6 =	sadd.s32 @!p0 $0x88, s6;
	s7 =	simm.s32 @p2 $0x1082  }
0x22: {  	[simem:s7], [sflag:s8] =	dma.local @!p0 [hbm:s6], $0xF7A  }
0x23: {  	s9 =	sor.u32 $0xD0000000, s2;
	s6 =	simm.s32 $0x108;
	_ =	swait.ge @!p0 [sflag:s8], $0x0  }
0x24: {  	s3 =	sadd.s32 $0x88, s3;
	s6 =	simm.s32 @!p1 $0x1082;
	[sflag:s4] =	ssyncset.s32 $0xFFFFF086  }
0x25: {  	[simem:s6], [sflag:s4] =	dma.local [hbm:s3], $0xF7A  }
0x26: {  	[smem:$0x3F9F] =	sst s1;
	(tag) =	ssettag s2;
	_ =	strace s9  }
0x27: {  	s1 =	sld [smem:$0x3FAF]  }
0x28: {  	s2 =	sld [smem:$0x3FB0]  }
0x29: {  	s4 =	sld [smem:$0x3FB2]  }
0x2a: {  	p0 =	seq.s32 s5, $0x0;
	s5 =	sld [smem:$0x3FB3]  }
0x2b: {  	s6 =	sld [smem:$0x3FB4]  }
0x2c: {  	s7 =	sld [smem:$0x3FB5]  }
0x2d: {  	s3 =	simm.s32 $0x108;
	s8 =	sld [smem:$0x3FB6]  }
0x2e: {  	s3 =	simm.s32 @!p0 $0x1082;
	s9 =	sld [smem:$0x3FB7]  }
0x2f: {  	lr =	sadd.s32 s0, s3;
	s0 =	sld [smem:$0x3FAE]  }
0x30: {  	s3 =	sld [smem:$0x3FB1]  }
0x31: {  	[smem:$0x3FBA] =	sst s10  }
0x32: {  	s10 =	sld [smem:$0x3FB8];
	_ =	sdelay $0x3  }
0x33: {  	p0 =	seq.s32 s10, $0x1;
	s10 =	sld [smem:$0x3FBA];
	_ =	sdelay $0x3  }
0x34: {  	[smem:$0x3FBA] =	sst s10  }
0x35: {  	s10 =	sld [smem:$0x3FB9];
	_ =	sdelay $0x3  }
0x36: {  	p1 =	seq.s32 s10, $0x1;
	s10 =	sld [smem:$0x3FBA];
	_ =	sdelay $0x3  }
0x37: {  	[smem:$0x3FBA] =	sst s10  }
0x38: {  	s10 =	sld [smem:$0x3FBB]  }
0x39: {  	_ = 	snop;
	(pc) =	sbr.ind lr, $3  }
0x3a: {  	_ = 	snop  }
0x3b: {  	_ = 	snop  }
0x3c: {  	p2 =	seq.s32 s10, $0x1;
	s10 =	sld [smem:$0x3FBA]  }
0x3d: {  	_ =	shalt  }
0x3e: {  	_ =	shalt  }
0x3f: {  	_ =	shalt  }
0x40: {  	_ =	shalt  }
0x41: {  	_ =	shalt  }
0x42: {  	_ =	shalt  }
0x43: {  	_ =	shalt  }
0x44: {  	_ =	shalt  }
0x45: {  	_ =	shalt  }
0x46: {  	_ =	shalt  }
0x47: {  	_ =	shalt  }
0x48: {  	_ =	shalt  }
0x49: {  	_ =	shalt  }
0x4a: {  	_ =	shalt  }
0x4b: {  	_ =	shalt  }
0x4c: {  	_ =	shalt  }
0x4d: {  	_ =	shalt  }
0x4e: {  	_ =	shalt  }
0x4f: {  	_ =	shalt  }
0x50: {  	_ =	shalt  }
0x51: {  	_ =	shalt  }
0x52: {  	_ =	shalt  }
0x53: {  	_ =	shalt  }
0x54: {  	_ =	shalt  }
0x55: {  	_ =	shalt  }
0x56: {  	_ =	shalt  }
0x57: {  	_ =	shalt  }
0x58: {  	_ =	shalt  }
0x59: {  	_ =	shalt  }
0x5a: {  	_ =	shalt  }
0x5b: {  	_ =	shalt  }
0x5c: {  	_ =	shalt  }
0x5d: {  	_ =	shalt  }
0x5e: {  	_ =	shalt  }
0x5f: {  	_ =	shalt  }
0x60: {  	_ =	shalt  }
0x61: {  	_ =	shalt  }
0x62: {  	_ =	shalt  }
0x63: {  	_ =	shalt  }
0x64: {  	_ =	shalt  }
0x65: {  	_ =	shalt  }
0x66: {  	_ =	shalt  }
0x67: {  	_ =	shalt  }
0x68: {  	_ =	shalt  }
0x69: {  	_ =	shalt  }
0x6a: {  	_ =	shalt  }
0x6b: {  	_ =	shalt  }
0x6c: {  	_ =	shalt  }
0x6d: {  	_ =	shalt  }
0x6e: {  	_ =	shalt  }
0x6f: {  	_ =	shalt  }
0x70: {  	_ =	shalt  }
0x71: {  	_ =	shalt  }
0x72: {  	_ =	shalt  }
0x73: {  	_ =	shalt  }
0x74: {  	_ =	shalt  }
0x75: {  	_ =	shalt  }
0x76: {  	_ =	shalt  }
0x77: {  	_ =	shalt  }
0x78: {  	_ =	shalt  }
0x79: {  	_ =	shalt  }
0x7a: {  	_ =	shalt  }
0x7b: {  	_ =	shalt  }
0x7c: {  	_ =	shalt  }
0x7d: {  	_ =	shalt  }
0x7e: {  	_ =	shalt  }
0x7f: {  	_ =	shalt  }
0x80: {  	_ =	shalt  }
0x81: {  	_ =	shalt  }
0x82: {  	_ =	shalt  }
0x83: {  	_ =	shalt  }
0x84: {  	_ =	shalt  }
0x85: {  	_ =	shalt  }
0x86: {  	_ =	shalt  }
0x87: {  	_ =	shalt  }
.Lfunc_end0:
.L_simem_size_0:
called_computation_lowered:
.L_overlay_start_0:
0x88: {  	s2 =	sld [smem:$0x3FD9]  }
0x89: {  	s3 =	sld [smem:$0x3FFE];
	_ =	sdelay $0x1  }
0x8a: {  	s1 =	srdreg.scid  }
0x8b: {  	s0 =	sand.u32 $0x1, s1  }
0x8c: {  	s17 =	sshll.u32 s0, $0xA;
	s2 =	sadd.s32 s3, s2  }
0x8d: {  	s2 =	sadd.s32 s2, s17  }
0x8e: {  	[smem:$0x3FC6] =	sst s2  }
0x8f: {  	_ = 	snop  }
0x90: {  	s2 =	sld [smem:$0x3FC8]  }
0x91: {  	s18 =	sld [smem:$0x3FD0];
	(tm) =	ssettm $0x1  }
0x92: {  	s4 =	sld [smem:$0x3FFB];
	_ =	sdelay $0x3  }
0x93: {  	_ =	strace s4  }
0x94: {  	s4 =	sld [smem:$0x3FFC];
	_ =	sdelay $0x3  }
0x95: {  	_ =	strace s4  }
0x96: {  	s4 =	sld [smem:$0x3FFD];
	_ =	sdelay $0x3  }
0x97: {  	_ =	strace s4  }
0x98: {  	_ =	strace $0x8FFFFFFF  }
0x99: {  	s19 =	sld [smem:$0x3FDB];
	_ =	sdelay $0x1  }
0x9a: {  	s5 =	simm.s32 $_scs_section_size  }
0x9b: {  	s6 =	simm.s32 $_size__tile_overlayer_lowered;
	s7 =	simm.s32 $_tile_overlayer_lowered  }
0x9c: {  	s22 =	simm.s32 $0x1BFF;
	s21 =	sshll.u32 s7, $0x1;
	s4 =	sadd.s32 s5, s19  }
0x9d: {  	s8 =	simm.s32 $0x0;
	s20 =	sshll.u32 s6, $0x1;
	s6 =	sadd.s32 s21, s4  }
0x9e: {  	[timem:s8], [sflag:s22] =	dma.local [hbm:s6], s20  }
0x9f: {  	_ =	swait.ge [sflag:s22], s20  }
0xa0: {  	s5 =	ssub.s32 $0x0, s20;
	[sflag:s22] =	ssyncset.done $0x0  }
0xa1: {  	[sflag:s22] =	ssyncadd.s32 s5;
	_ =	sdelay $0x1  }
0xa2: {  	s23 =	simm.s32 $0x1B8B  }
0xa3: {  	_ =	swait.ge [sflag:s23], $0x1  }
0xa4: {  	[sflag:s23] =	ssyncset.done $0x0  }
0xa5: {  	s25 =	simm.s32 $0x1B8E;
	s24 =	sld [smem:$0x3FFE];
	[sflag:s23] =	ssyncadd.s32 $0xFFFFFFFF  }
0xa6: {  	s26 =	simm.s32 $execute0_lowered;
	[smem:$0x3FD2] =	sst s25  }
0xa7: {  	s6 =	sshll.u32 s26, $0x1;
	_ =	strace $0x80000046;
	[dreg:$0x1] =	wrdreg $0xFFFFFFFF  }
0xa8: {  	s28 =	simm.s32 $_size_execute0_lowered;
	s4 =	sadd.s32 s4, s6;
	[dreg:$0x0] =	wrdreg $0x0  }
0xa9: {  	s6 =	sshll.u32 s28, $0x1;
	[dreg:$0x2] =	wrdreg s4  }
0xaa: {  	[dreg:$0x3] =	wrdreg s6  }
0xab: {  	[dreg:$0x4] =	wrdreg $0xC0  }
0xac: {  	_ =	task [dreg:s8], $0x5FFFF  }
0xad: {  	[dreg:$0x1] =	wrdreg $0xFFFFFFFF  }
0xae: {  	[dreg:$0x0] =	wrdreg $0x60  }
0xaf: {  	[dreg:$0x2] =	wrdreg s24  }
0xb0: {  	[dreg:$0x3] =	wrdreg s2  }
0xb1: {  	[dreg:$0x4] =	wrdreg s18  }
0xb2: {  	[dreg:$0x5] =	wrdreg $0x14F000  }
0xb3: {  	[dreg:$0x6] =	wrdreg $0x9  }
0xb4: {  	_ =	task.clear_ibuf [dreg:s8], $0x7FFFF;
	_ =	strace $0x90000046  }
0xb5: {  	s29 =	simm.s32 $0x9;
	_ =	strace $0x80000048  }
0xb6: {  	_ =	swait.ge [sflag:s29], $0x1  }
0xb7: {  	[sflag:s29] =	ssyncadd.s32 $0xFFFFFFFF  }
0xb8: {  	_ =	strace $0x90000048  }
0xb9: {  	_ =	sfence  }
0xba: {  	s30 =	sld [smem:$0x0];
	_ =	sdelay $0x2  }
0xbb: {  	s31 =	sshll.u32 s1, $0xD;
	s1 =	sshrl.u32 s1, $0x2  }
0xbc: {  	s3 =	sand.u32 $0x4000, s31;
	s1 =	sadd.s32 s1, s30  }
0xbd: {  	s0 =	sor.u32 s3, s0;
	s1 =	sshll.u32 s1, $0x11  }
0xbe: {  	s0 =	sor.u32 s1, s0  }
0xbf: {  	s0 =	sadd.s32 $0x8F2B, s0  }
0xc0: {  	[sflag:s0] =	ssyncadd.remote.s32 $0x1  }
0xc1: {  	_ =	sfence.sel $0xFFFF  }
0xc2: {  	[dreg:$0x0] =	wrdreg $0xFFFFFFFF;
	(pc) =	sbr.abs _section_cstart, $3  }
0xc3: {  	[dreg:$0x1] =	wrdreg $0xFFFFFFFF  }
0xc4: {  	_ =	task.clear_ibuf [dreg:s8], $0x2FFFF;
	_ =	strace $0x9FFFFFFF  }
0xc5: {  	(tm) =	ssettm $0x7FFFFFFF  }
tec
execute0_lowered:
.L_overlay_start_1:
0x0: {  	(tag) =	ssettag $0x1  }
0x1: {  	s0 =	rddreg [dreg:$0x0]  }
0x2: {  	s1 =	srdreg.scid;
	s4 =	stileid.u32  }
0x3: {  	s5 =	rddreg [dreg:$0x2];
	s9 =	smul.u32 $0x32000, s4  }
0x4: {  	s2 =	rddreg [dreg:$0x3];
	s29 =	simm.s32 $0x1;
	s13 =	smul.u32 $0x3200, s4  }
0x5: {  	s28 =	simm.s32 $0x4;
	s1 =	sand.u32 $0x1, s1;
	s16 =	smul.u32 $0x190000, s4  }
0x6: {  	s31 =	simm.s32 $0x10000;
	s3 =	sshll.u32 s4, $0x1;
	s11 =	smul.u32 $0x19000, s1  }
0x7: {  	s0 =	sadd.s32 $0x400, s0;
	p0 =	sne.s32 s4, $0x0;
	s14 =	smul.u32 $0x1900, s1  }
0x8: {  	s6 =	sor.u32 s1, s3;
	s8 =	ssub.s32 $0x2, s1;
	s1 =	smul.u32 $0xC8000, s1  }
0x9: {  	s4 =	simm.s32 $0x14;
	s3 =	simm.s32 $0x0;
	s7 =	smul.u32 $0xC80, s6  }
0xa: {  	[smem:$0x7FF] =	sst s3;
	s6 =	smul.u32 $0x6400, s6;
	s10 =	sshrl.u32 s8, $0x1  }
0xb: {  	s19 =	sadd.s32 s9, s5;
	s9 =	simm.s32 $0x0;
	_ =	strace $0x80000047  }
0xc: {  	s8 =	ssub.s32 s8, s10;
	s17 =	sadd.s32 s14, s13;
	s1 =	sadd.s32 s1, s16  }
0xd: {  	s10 =	simm.s32 $0x13;
	s14 =	simm.s32 $0xC000;
	s6 =	sshrl.u32 s6, $0x3  }
0xe: {  	s12 =	sadd.s32 s0, s7;
	s18 =	smax.u32 s8, $0x1;
	s7 =	sadd.s32 s11, s19  }
0xf: {  	s21 =	sadd.s32 $0x10000, s1;
	s25 =	sadd.s32 $0xC000, s1;
	s26 =	sadd.s32 $0x8000, s1  }
0x10: {  	s1 =	sor.u32 $0x4000, s1;
	s8 =	simm.s32 $0x8000;
	[dreg:$0x5] =	wrdreg s12  }
0x11: {  	s11 =	simm.s32 $0x7;
	s6 =	sadd.s32 s0, s6;
	[dreg:$0x9] =	wrdreg s18  }
0x12: {  	[dreg:$0xa] =	wrdreg s7;
	s15 =	sadd.s32 $0x80, s6;
	s6 =	sadd.s32 $0xC0, s6  }
0x13: {  	s12 =	sadd.s32 $0x40, s12;
	[dreg:$0x8] =	wrdreg s6;
	s6 =	sshrl.u32 s17, $0x1  }
0x14: {  	s19 =	simm.s32 $0xA;
	[dreg:$0x6] =	wrdreg s12;
	s0 =	sadd.s32 s0, s6  }
0x15: {  	s30 =	sshrl.u32 s26, $0x3;
	[dreg:$0x7] =	wrdreg s15;
	s6 =	sadd.s32 $0x200, s0  }
0x16: {  	s1 =	sshrl.u32 s1, $0x3;
	s20 =	sadd.s32 $0x1C0, s0;
	[dreg:$0xb] =	wrdreg s6  }
0x17: {  	s26 =	simm.s32 $0x80;
	s22 =	sadd.s32 $0x180, s0;
	[dreg:$0xc] =	wrdreg s20  }
0x18: {  	s18 =	sadd.s32 s1, s5;
	s23 =	sadd.s32 $0x140, s0;
	[dreg:$0xd] =	wrdreg s22  }
0x19: {  	s1 =	simm.s32 $0x4000;
	s0 =	sadd.s32 $0x100, s0;
	[dreg:$0xe] =	wrdreg s23  }
0x1a: {  	s12 =	simm.s32 $0x3;
	s6 =	sshrl.u32 s21, $0x3;
	[dreg:$0xf] =	wrdreg s0  }
0x1b: {  	s0 =	sshrl.u32 s25, $0x3;
	s21 =	simm.s32 $0x6;
	s23 =	simm.s32 $0x8  }
.Ltmp0:
0x1c: {  	s20 =	simm.s32 $0x9;
	s24 =	sadd.s32 s6, s5;
	(pc) =	sbr.rel .LBB2_1-.Ltmp0, $4  }
0x1d: {  	s22 =	simm.s32 $0xF;
	s0 =	sadd.s32 s0, s5;
	[dreg:$0x10] =	wrdreg s24  }
0x1e: {  	s6 =	simm.s32 $0x5;
	[dreg:$0x11] =	wrdreg s0;
	s0 =	sadd.s32 s30, s5  }
0x1f: {  	s24 =	simm.s32 $0x10;
	[dreg:$0x12] =	wrdreg s0;
	s0 =	sshrl.u32 @!p0 s2, $0x3  }
0x20: {  	s5 =	simm.s32 $0x2;
	[dreg:$0x13] =	wrdreg s0;
	s0 =	simm.s32 $0x12  }
.LBB2_9:
0x21: {  	s7 =	simm.s32 $0xB  }
0x22: {  	_ =	swait.ge [sflag:s7], $0x4000  }
0x23: {  	[sflag:s7] =	ssyncset.done $0x0  }
0x24: {  	s16 =	simm.s32 $0xC;
	[sflag:s7] =	ssyncadd.s32 $0xFFFFC000  }
0x25: {  	_ =	swait.ge [sflag:s16], $0x4000  }
0x26: {  	[sflag:s16] =	ssyncset.done $0x0  }
0x27: {  	s17 =	simm.s32 $0xD;
	[sflag:s16] =	ssyncadd.s32 $0xFFFFC000  }
0x28: {  	_ =	swait.ge [sflag:s17], $0x4000  }
0x29: {  	[sflag:s17] =	ssyncset.done $0x0  }
0x2a: {  	s25 =	simm.s32 $0xE;
	[sflag:s17] =	ssyncadd.s32 $0xFFFFC000  }
0x2b: {  	_ =	swait.ge [sflag:s25], $0x4000  }
0x2c: {  	[sflag:s25] =	ssyncset.done $0x0  }
0x2d: {  	[sflag:s25] =	ssyncadd.s32 $0xFFFFC000  }
0x2e: {  	_ =	swait.ge [sflag:s22], $0x4000  }
0x2f: {  	s9 =	rddreg [dreg:$0x14]  }
0x30: {  	s30 =	rddreg [dreg:$0x9];
	s9 =	sadd.s32 $0x1, s9  }
0x31: {  	p1 =	sne.s32 s9, s30  }
.Ltmp1:
0x32: {  	_ = 	snop;
	(pc) =	sbr.rel @!p1 .LBB2_10-.Ltmp1, $3  }
0x33: {  	_ =	sdelay $0x1  }
0x34: {  	[sflag:s22] =	ssyncset.done $0x0  }
0x35: {  	[sflag:s22] =	ssyncadd.s32 $0xFFFFC000  }
.LBB2_1:
0x36: {  	[dreg:$0x14] =	wrdreg s9  }
0x37: {  	s9 =	rddreg [dreg:$0x1]  }
0x38: {  	s7 =	simm.s32 @!p0 $0x1C15;
	s13 =	rddreg [dreg:$0x13]  }
0x39: {  	[spmem:s13], [sflag:s7] =	dma.local @!p0 [hbm:s9], $0x3E80  }
0x3a: {  	s7 =	simm.s32 @!p0 $0x15  }
0x3b: {  	_ =	swait.ge @!p0 [sflag:s7], $0x3E80  }
0x3c: {  	[sflag:s7] =	ssyncset.done @!p0 $0x0  }
0x3d: {  	[sflag:s7] =	ssyncadd.s32 @!p0 $0xFFFFC180  }
0x3e: {  	[bflag:$0x0] =	sbarrier.arrive $0xFFFF  }
0x3f: {  	s16 =	simm.s32 $0x14000;
	s15 =	rddreg [dreg:$0x5]  }
0x40: {  	[tilespmem:s16], [sflag:$0x10] =	stream.linear.gather [hbm4b:s15+s3], $0x200, $0x38;
	[tilespmem:$0x16E40] =	vst v63  }
0x41: {  	s25 =	simm.s32 $0x14200;
	s17 =	rddreg [dreg:$0x6]  }
0x42: {  	[tilespmem:s25], [sflag:$0x11] =	stream.linear.gather [hbm4b:s17+s3], $0x200, $0x38;
	[tilespmem:$0x16E40] =	vst v63  }
0x43: {  	s13 =	simm.s32 $0x14400;
	s9 =	rddreg [dreg:$0x7]  }
0x44: {  	[tilespmem:s13], [sflag:$0x12] =	stream.linear.gather [hbm4b:s9+s3], $0x200, $0x38;
	[tilespmem:$0x16E40] =	vst v63  }
0x45: {  	s15 =	rddreg [dreg:$0x8];
	s16 =	simm.s32 $0x14600  }
0x46: {  	[tilespmem:s16], [sflag:$0x13] =	stream.linear.gather [hbm4b:s15+s3], $0x200, $0x38;
	[tilespmem:$0x16E40] =	vst v63  }
0x47: {  	_ =	swait.ge [sflag:s24], $0x200  }
0x48: {  	[sflag:s24] =	ssyncset.done $0x0  }
0x49: {  	[sflag:s24] =	ssyncadd.s32 $0xFFFFFE00  }
0x4a: {  	v0 =	vld [tilespmem:$0x14000]  }
0x4b: {  	v1 =	vld [tilespmem:$0x14100]  }
0x4c: {  	v2 =	vld [tilespmem:$0x14080]  }
0x4d: {  	v3 =	vld [tilespmem:$0x14180]  }
0x4e: {  	v4 =	vld [tilespmem:$0x14010]  }
0x4f: {  	v24 =	vld [tilespmem:$0x14110]  }
0x50: {  	v5 =	vld [tilespmem:$0x14090]  }
0x51: {  	v25 =	vld [tilespmem:$0x14190]  }
0x52: {  	v26 =	vld [tilespmem:$0x14020]  }
0x53: {  	v6 =	vld [tilespmem:$0x140A0]  }
0x54: {  	v27 =	vld [tilespmem:$0x14120]  }
0x55: {  	v7 =	vld [tilespmem:$0x141A0]  }
0x56: {  	v8 =	vld [tilespmem:$0x14030]  }
0x57: {  	v9 =	vld [tilespmem:$0x140B0]  }
0x58: {  	v10 =	vld [tilespmem:$0x14130]  }
0x59: {  	v28 =	vld [tilespmem:$0x141B0]  }
0x5a: {  	v29 =	vld [tilespmem:$0x14040]  }
0x5b: {  	v11 =	vld [tilespmem:$0x140C0]  }
0x5c: {  	v12 =	vld [tilespmem:$0x14140]  }
0x5d: {  	v30 =	vld [tilespmem:$0x141C0]  }
0x5e: {  	v32 =	vld [tilespmem:$0x14050]  }
0x5f: {  	v33 =	vld [tilespmem:$0x140D0]  }
0x60: {  	v34 =	vld [tilespmem:$0x14150]  }
0x61: {  	v13 =	vld [tilespmem:$0x141D0]  }
0x62: {  	v14 =	vld [tilespmem:$0x14060]  }
0x63: {  	v15 =	vld [tilespmem:$0x140E0]  }
0x64: {  	v16 =	vld [tilespmem:$0x14160];
	v0 =	vadd.f32 v1, v0;
	v2 =	vadd.f32 v3, v2  }
0x65: {  	v35 =	vld [tilespmem:$0x141E0];
	v1 =	vadd.f32 v24, v4;
	v3 =	vadd.f32 v25, v5  }
0x66: {  	v36 =	vld [tilespmem:$0x14070];
	v4 =	vadd.f32 v27, v26;
	v6 =	vadd.f32 v7, v6  }
0x67: {  	v17 =	vld [tilespmem:$0x140F0];
	v8 =	vadd.f32 v10, v8;
	v5 =	vadd.f32 v28, v9  }
0x68: {  	v18 =	vld [tilespmem:$0x14170];
	v7 =	vadd.f32 v12, v29;
	v31 =	vadd.f32 v30, v11  }
0x69: {  	v37 =	vld [tilespmem:$0x141F0];
	v10 =	vadd.f32 v34, v32;
	v0 =	vmul.f32 $5.000000000e-01, v0;
	v2 =	vmul.f32 $5.000000000e-01, v2  }
0x6a: {  	v11 =	vadd.f32 v13, v33;
	v1 =	vmul.f32 $5.000000000e-01, v1;
	v3 =	vmul.f32 $5.000000000e-01, v3  }
0x6b: {  	v14 =	vadd.f32 v16, v14;
	v4 =	vmul.f32 $5.000000000e-01, v4;
	v6 =	vmul.f32 $5.000000000e-01, v6  }
0x6c: {  	v43 =	vadd.f32 v35, v15;
	v8 =	vmul.f32 $5.000000000e-01, v8;
	v5 =	vmul.f32 $5.000000000e-01, v5  }
0x6d: {  	v46 =	vadd.f32 v18, v36;
	v7 =	vmul.f32 $5.000000000e-01, v7;
	v9 =	vmul.f32 $5.000000000e-01, v31  }
0x6e: {  	v48 =	vadd.f32 v37, v17;
	v10 =	vmul.f32 $5.000000000e-01, v10;
	v11 =	vmul.f32 $5.000000000e-01, v11  }
0x6f: {  	v40 =	vmul.f32 $5.000000000e-01, v14;
	v47 =	vmul.f32 $5.000000000e-01, v43  }
0x70: {  	v50 =	vmul.f32 $5.000000000e-01, v46;
	v51 =	vmul.f32 $5.000000000e-01, v48  }
0x71: {  	v0 =	vmul.f32 $9.990000000e+02, v0;
	v2 =	vmul.f32 $9.990000000e+02, v2  }
0x72: {  	v1 =	vmul.f32 $9.990000000e+02, v1;
	v3 =	vmul.f32 $9.990000000e+02, v3  }
0x73: {  	v4 =	vmul.f32 $9.990000000e+02, v4;
	v6 =	vmul.f32 $9.990000000e+02, v6  }
0x74: {  	v8 =	vmul.f32 $9.990000000e+02, v8;
	v5 =	vmul.f32 $9.990000000e+02, v5  }
0x75: {  	v7 =	vmul.f32 $9.990000000e+02, v7;
	v9 =	vmul.f32 $9.990000000e+02, v9  }
0x76: {  	v10 =	vmul.f32 $9.990000000e+02, v10;
	v11 =	vmul.f32 $9.990000000e+02, v11  }
0x77: {  	v45 =	vmul.f32 $9.990000000e+02, v40;
	v52 =	vmul.f32 $9.990000000e+02, v50  }
0x78: {  	v53 =	vmul.f32 $9.990000000e+02, v51;
	v0 =	vtrunc.f32 v0  }
0x79: {  	v2 =	vtrunc.f32 v2;
	v1 =	vtrunc.f32 v1  }
0x7a: {  	v3 =	vtrunc.f32 v3;
	v4 =	vtrunc.f32 v4  }
0x7b: {  	v6 =	vtrunc.f32 v6;
	v8 =	vtrunc.f32 v8  }
0x7c: {  	v5 =	vtrunc.f32 v5;
	v7 =	vtrunc.f32 v7  }
0x7d: {  	v9 =	vtrunc.f32 v9;
	v39 =	vtrunc.f32 v10  }
0x7e: {  	v42 =	vtrunc.f32 v11;
	v49 =	vtrunc.f32 v45  }
0x7f: {  	v54 =	vtrunc.f32 v52;
	v0 =	vcvt.f32.s32 v0  }
0x80: {  	v2 =	vcvt.f32.s32 v2;
	v1 =	vcvt.f32.s32 v1  }
0x81: {  	v3 =	vcvt.f32.s32 v3;
	v4 =	vcvt.f32.s32 v4  }
0x82: {  	v6 =	vcvt.f32.s32 v6;
	v8 =	vcvt.f32.s32 v8  }
0x83: {  	v5 =	vcvt.f32.s32 v5;
	v7 =	vcvt.f32.s32 v7  }
0x84: {  	v9 =	vcvt.f32.s32 v9;
	v41 =	vcvt.f32.s32 v39  }
0x85: {  	v44 =	vcvt.f32.s32 v42;
	v55 =	vcvt.f32.s32 v54  }
0x86: {  	vm0 =	vgt.s32 v0, $0x0;
	vm10 =	vgt.s32 v2, $0x0;
	vm11 =	vgt.s32 v1, $0x0  }
0x87: {  	vm12 =	vgt.s32 v3, $0x0;
	vm13 =	vgt.s32 v4, $0x0;
	vm14 =	vgt.s32 v6, $0x0  }
0x88: {  	vm15 =	vgt.s32 v8, $0x0;
	vm4 =	vgt.s32 v5, $0x0;
	v0 =	vnsel vm0, $0x0, v0  }
0x89: {  	vm5 =	vgt.s32 v7, $0x0;
	v2 =	vnsel vm10, $0x0, v2;
	v0 =	vmin.u32 v0, $0x3E7  }
0x8a: {  	vm6 =	vgt.s32 v9, $0x0;
	v1 =	vnsel vm11, $0x0, v1;
	v2 =	vmin.u32 v2, $0x3E7;
	[tilespmem:$0x14A00] =	vst v0  }
0x8b: {  	vm7 =	vgt.s32 v41, $0x0;
	v3 =	vnsel vm12, $0x0, v3;
	v1 =	vmin.u32 v1, $0x3E7;
	[tilespmem:$0x14C80] =	vst v2  }
0x8c: {  	vm8 =	vgt.s32 v44, $0x0;
	v4 =	vnsel vm13, $0x0, v4;
	v3 =	vmin.u32 v3, $0x3E7;
	[tilespmem:$0x14A10] =	vst v1  }
0x8d: {  	v6 =	vnsel vm14, $0x0, v6;
	v8 =	vnsel vm15, $0x0, v8;
	v4 =	vmin.u32 v4, $0x3E7;
	[tilespmem:$0x14C90] =	vst v3  }
0x8e: {  	v5 =	vnsel vm4, $0x0, v5;
	v7 =	vnsel vm5, $0x0, v7;
	v6 =	vmin.u32 v6, $0x3E7;
	[tilespmem:$0x14A20] =	vst v4  }
0x8f: {  	v9 =	vnsel vm6, $0x0, v9;
	vm11 =	vgt.s32 v55, $0x0;
	v8 =	vmin.u32 v8, $0x3E7;
	[tilespmem:$0x14CA0] =	vst v6  }
0x90: {  	v5 =	vmin.u32 v5, $0x3E7;
	v7 =	vmin.u32 v7, $0x3E7;
	v38 =	vmin.u32 v9, $0x3E7;
	[tilespmem:$0x14A30] =	vst v8  }
0x91: {  	v2 =	vnsel vm7, $0x0, v41;
	v3 =	vmul.f32 $9.990000000e+02, v47;
	v4 =	vcvt.f32.s32 v49;
	[tilespmem:$0x14CB0] =	vst v5  }
0x92: {  	v1 =	vnsel vm8, $0x0, v44;
	[tilespmem:$0x14A40] =	vst v7;
	v5 =	vtrunc.f32 v53;
	v0 =	vnsel vm11, $0x0, v55  }
0x93: {  	[tilespmem:$0x14CC0] =	vst v38;
	v2 =	vmin.u32 v2, $0x3E7;
	v57 =	vcvt.f32.s32 v5;
	v3 =	vtrunc.f32 v3  }
0x94: {  	v1 =	vmin.u32 v1, $0x3E7;
	vm9 =	vgt.s32 v4, $0x0;
	[tilespmem:$0x14A50] =	vst v2;
	v3 =	vcvt.f32.s32 v3  }
0x95: {  	v0 =	vmin.u32 v0, $0x3E7;
	[tilespmem:$0x14CD0] =	vst v1;
	v56 =	vnsel vm9, $0x0, v4;
	vm12 =	vgt.s32 v57, $0x0  }
0x96: {  	[tilespmem:$0x14A70] =	vst v0;
	v58 =	vmin.u32 v56, $0x3E7;
	v61 =	vnsel vm12, $0x0, v57;
	vm10 =	vgt.s32 v3, $0x0  }
0x97: {  	[tilespmem:$0x14A60] =	vst v58;
	v62 =	vmin.u32 v61, $0x3E7;
	v59 =	vnsel vm10, $0x0, v3  }
0x98: {  	[tilespmem:$0x14CF0] =	vst v62;
	v60 =	vmin.u32 v59, $0x3E7  }
0x99: {  	s17 =	simm.s32 $0x11;
	[tilespmem:$0x14CE0] =	vst v60  }
0x9a: {  	_ =	swait.ge [sflag:s17], $0x200  }
0x9b: {  	[sflag:s17] =	ssyncset.done $0x0  }
0x9c: {  	[sflag:s17] =	ssyncadd.s32 $0xFFFFFE00  }
0x9d: {  	v63 =	vld [tilespmem:$0x14200]  }
0x9e: {  	v8 =	vld [tilespmem:$0x14300]  }
0x9f: {  	v9 =	vld [tilespmem:$0x14280]  }
0xa0: {  	v10 =	vld [tilespmem:$0x14380]  }
0xa1: {  	v11 =	vld [tilespmem:$0x14210]  }
0xa2: {  	v12 =	vld [tilespmem:$0x14290]  }
0xa3: {  	v13 =	vld [tilespmem:$0x14310]  }
0xa4: {  	v14 =	vld [tilespmem:$0x14390]  }
0xa5: {  	v15 =	vld [tilespmem:$0x14220]  }
0xa6: {  	v16 =	vld [tilespmem:$0x14320]  }
0xa7: {  	v17 =	vld [tilespmem:$0x142A0]  }
0xa8: {  	v18 =	vld [tilespmem:$0x143A0]  }
0xa9: {  	v19 =	vld [tilespmem:$0x14230]  }
0xaa: {  	v20 =	vld [tilespmem:$0x142B0]  }
0xab: {  	v21 =	vld [tilespmem:$0x14330]  }
0xac: {  	v22 =	vld [tilespmem:$0x143B0]  }
0xad: {  	v23 =	vld [tilespmem:$0x14240]  }
0xae: {  	v24 =	vld [tilespmem:$0x142C0]  }
0xaf: {  	v25 =	vld [tilespmem:$0x14340]  }
0xb0: {  	v26 =	vld [tilespmem:$0x143C0]  }
0xb1: {  	v27 =	vld [tilespmem:$0x14250]  }
0xb2: {  	v28 =	vld [tilespmem:$0x142D0]  }
0xb3: {  	v29 =	vld [tilespmem:$0x14350]  }
0xb4: {  	v30 =	vld [tilespmem:$0x143D0]  }
0xb5: {  	v31 =	vld [tilespmem:$0x14260]  }
0xb6: {  	v32 =	vld [tilespmem:$0x14360];
	v0 =	vadd.f32 v8, v63;
	v2 =	vadd.f32 v10, v9  }
0xb7: {  	v33 =	vld [tilespmem:$0x142E0];
	v1 =	vadd.f32 v13, v11;
	v5 =	vadd.f32 v14, v12  }
0xb8: {  	v34 =	vld [tilespmem:$0x143E0];
	v3 =	vadd.f32 v16, v15;
	v4 =	vadd.f32 v18, v17  }
0xb9: {  	v35 =	vld [tilespmem:$0x14270];
	v7 =	vadd.f32 v21, v19;
	v9 =	vadd.f32 v22, v20  }
0xba: {  	v36 =	vld [tilespmem:$0x14370];
	v6 =	vadd.f32 v25, v23;
	v11 =	vadd.f32 v26, v24;
	v0 =	vmul.f32 $5.000000000e-01, v0  }
0xbb: {  	v10 =	vadd.f32 v29, v27;
	v2 =	vmul.f32 $5.000000000e-01, v2;
	v1 =	vmul.f32 $5.000000000e-01, v1  }
0xbc: {  	v8 =	vadd.f32 v30, v28;
	v5 =	vmul.f32 $5.000000000e-01, v5;
	v3 =	vmul.f32 $5.000000000e-01, v3  }
0xbd: {  	v12 =	vadd.f32 v32, v31;
	v4 =	vmul.f32 $5.000000000e-01, v4;
	v7 =	vmul.f32 $5.000000000e-01, v7  }
0xbe: {  	v13 =	vadd.f32 v34, v33;
	v9 =	vmul.f32 $5.000000000e-01, v9;
	v6 =	vmul.f32 $5.000000000e-01, v6  }
0xbf: {  	v15 =	vadd.f32 v36, v35;
	v11 =	vmul.f32 $5.000000000e-01, v11;
	v10 =	vmul.f32 $5.000000000e-01, v10  }
0xc0: {  	v8 =	vmul.f32 $5.000000000e-01, v8;
	v40 =	vmul.f32 $5.000000000e-01, v12  }
0xc1: {  	v46 =	vmul.f32 $5.000000000e-01, v13;
	v48 =	vmul.f32 $5.000000000e-01, v15  }
0xc2: {  	v0 =	vmul.f32 $9.990000000e+02, v0;
	v2 =	vmul.f32 $9.990000000e+02, v2  }
0xc3: {  	v1 =	vmul.f32 $9.990000000e+02, v1;
	v5 =	vmul.f32 $9.990000000e+02, v5  }
0xc4: {  	v3 =	vmul.f32 $9.990000000e+02, v3;
	v4 =	vmul.f32 $9.990000000e+02, v4  }
0xc5: {  	v7 =	vmul.f32 $9.990000000e+02, v7;
	v9 =	vmul.f32 $9.990000000e+02, v9  }
0xc6: {  	v6 =	vmul.f32 $9.990000000e+02, v6;
	v11 =	vmul.f32 $9.990000000e+02, v11  }
0xc7: {  	v10 =	vmul.f32 $9.990000000e+02, v10;
	v8 =	vmul.f32 $9.990000000e+02, v8  }
0xc8: {  	v43 =	vmul.f32 $9.990000000e+02, v40;
	v50 =	vmul.f32 $9.990000000e+02, v46  }
0xc9: {  	v52 =	vmul.f32 $9.990000000e+02, v48;
	v0 =	vtrunc.f32 v0  }
0xca: {  	v2 =	vtrunc.f32 v2;
	v1 =	vtrunc.f32 v1  }
0xcb: {  	v5 =	vtrunc.f32 v5;
	v3 =	vtrunc.f32 v3  }
0xcc: {  	v4 =	vtrunc.f32 v4;
	v7 =	vtrunc.f32 v7  }
0xcd: {  	v9 =	vtrunc.f32 v9;
	v6 =	vtrunc.f32 v6  }
0xce: {  	v11 =	vtrunc.f32 v11;
	v10 =	vtrunc.f32 v10  }
0xcf: {  	v37 =	vld [tilespmem:$0x142F0];
	v8 =	vtrunc.f32 v8;
	v53 =	vtrunc.f32 v50  }
0xd0: {  	v38 =	vld [tilespmem:$0x143F0];
	v55 =	vtrunc.f32 v52;
	v0 =	vcvt.f32.s32 v0  }
0xd1: {  	v2 =	vcvt.f32.s32 v2;
	v1 =	vcvt.f32.s32 v1  }
0xd2: {  	v5 =	vcvt.f32.s32 v5;
	v3 =	vcvt.f32.s32 v3  }
0xd3: {  	v4 =	vcvt.f32.s32 v4;
	v7 =	vcvt.f32.s32 v7  }
0xd4: {  	v9 =	vcvt.f32.s32 v9;
	v6 =	vcvt.f32.s32 v6  }
0xd5: {  	v41 =	vadd.f32 v38, v37;
	v11 =	vcvt.f32.s32 v11;
	v10 =	vcvt.f32.s32 v10  }
0xd6: {  	v8 =	vcvt.f32.s32 v8;
	v56 =	vcvt.f32.s32 v55;
	vm13 =	vgt.s32 v0, $0x0  }
0xd7: {  	vm1 =	vgt.s32 v2, $0x0;
	vm14 =	vgt.s32 v1, $0x0;
	vm15 =	vgt.s32 v5, $0x0  }
0xd8: {  	vm4 =	vgt.s32 v3, $0x0;
	vm5 =	vgt.s32 v4, $0x0;
	vm6 =	vgt.s32 v7, $0x0  }
0xd9: {  	vm7 =	vgt.s32 v9, $0x0;
	vm8 =	vgt.s32 v6, $0x0;
	v0 =	vnsel vm13, $0x0, v0  }
0xda: {  	vm9 =	vgt.s32 v11, $0x0;
	v2 =	vnsel vm1, $0x0, v2;
	v0 =	vmin.u32 v0, $0x3E7  }
0xdb: {  	vm10 =	vgt.s32 v10, $0x0;
	v1 =	vnsel vm14, $0x0, v1;
	v2 =	vmin.u32 v2, $0x3E7;
	[tilespmem:$0x14A80] =	vst v0  }
0xdc: {  	vm11 =	vgt.s32 v8, $0x0;
	v5 =	vnsel vm15, $0x0, v5;
	v1 =	vmin.u32 v1, $0x3E7;
	[tilespmem:$0x14D00] =	vst v2  }
0xdd: {  	v3 =	vnsel vm4, $0x0, v3;
	v4 =	vnsel vm5, $0x0, v4;
	v42 =	vmin.u32 v5, $0x3E7;
	[tilespmem:$0x14A90] =	vst v1  }
0xde: {  	v7 =	vnsel vm6, $0x0, v7;
	v9 =	vnsel vm7, $0x0, v9;
	v3 =	vmin.u32 v3, $0x3E7;
	[tilespmem:$0x14D10] =	vst v42  }
0xdf: {  	v6 =	vnsel vm8, $0x0, v6;
	v11 =	vnsel vm9, $0x0, v11;
	v44 =	vmin.u32 v4, $0x3E7;
	[tilespmem:$0x14AA0] =	vst v3  }
0xe0: {  	v39 =	vnsel vm10, $0x0, v10;
	v45 =	vmin.u32 v7, $0x3E7;
	[tilespmem:$0x14D20] =	vst v44;
	v2 =	vmul.f32 $5.000000000e-01, v41  }
0xe1: {  	v8 =	vnsel vm11, $0x0, v8;
	vm14 =	vgt.s32 v56, $0x0;
	v47 =	vmin.u32 v9, $0x3E7;
	[tilespmem:$0x14AB0] =	vst v45  }
0xe2: {  	v5 =	vtrunc.f32 v43;
	v49 =	vmin.u32 v6, $0x3E7;
	[tilespmem:$0x14D30] =	vst v47;
	v2 =	vmul.f32 $9.990000000e+02, v2  }
0xe3: {  	v51 =	vmin.u32 v11, $0x3E7;
	v54 =	vmin.u32 v8, $0x3E7;
	v5 =	vcvt.f32.s32 v5;
	[tilespmem:$0x14AC0] =	vst v49  }
0xe4: {  	v60 =	vnsel vm14, $0x0, v56;
	v3 =	vcvt.f32.s32 v53;
	[tilespmem:$0x14D40] =	vst v51;
	v2 =	vtrunc.f32 v2  }
0xe5: {  	v0 =	vmin.u32 v39, $0x3E7;
	[tilespmem:$0x14D50] =	vst v54;
	vm12 =	vgt.s32 v5, $0x0;
	v2 =	vcvt.f32.s32 v2  }
0xe6: {  	v61 =	vmin.u32 v60, $0x3E7;
	[tilespmem:$0x14AD0] =	vst v0;
	vm13 =	vgt.s32 v3, $0x0;
	v57 =	vnsel vm12, $0x0, v5  }
0xe7: {  	s30 =	rddreg [dreg:$0xf];
	[tilespmem:$0x14AF0] =	vst v61;
	v58 =	vnsel vm13, $0x0, v3;
	v0 =	vmin.u32 v57, $0x3E7;
	vm15 =	vgt.s32 v2, $0x0  }
.Ltmp2:
0xe8: {  	s7 =	rddreg [dreg:$0xe];
	v59 =	vmin.u32 v58, $0x3E7;
	[tilespmem:$0x14AE0] =	vst v0;
	v62 =	vnsel vm15, $0x0, v2;
	(pc) =	sbr.rel .LBB2_2-.Ltmp2, $4  }
0xe9: {  	s13 =	rddreg [dreg:$0xc];
	[tilespmem:$0x14D60] =	vst v59;
	v63 =	vmin.u32 v62, $0x3E7  }
0xea: {  	s25 =	simm.s32 $0x14A00;
	s9 =	rddreg [dreg:$0xb];
	[tilespmem:$0x14D70] =	vst v63  }
0xeb: {  	[tilespmem:s3], [sflag:$0x1] =	stream.indirect.gather [spmem:s2], $0x80, s25, s26, $0xb8;
	[tilespmem:$0x16E40] =	vst v63  }
0xec: {  	s15 =	simm.s32 $0x0;
	s25 =	rddreg [dreg:$0xd]  }
.LBB2_8:
0xed: {  	_ =	swait.ge [sflag:s19], $0x4000  }
0xee: {  	s16 =	rddreg [dreg:$0x10]  }
0xef: {  	s16 =	sadd.s32 s15, s16;
	s15 =	sadd.s32 $0x2800, s15  }
0xf0: {  	p1 =	sne.s32 s15, $0x19000  }
.Ltmp3:
0xf1: {  	_ = 	snop;
	(pc) =	sbr.rel @!p1 .LBB2_9-.Ltmp3, $4  }
0xf2: {  	s9 =	sadd.s32 $0x140, s9  }
0xf3: {  	s13 =	sadd.s32 $0x140, s13;
	s25 =	sadd.s32 $0x140, s25;
	[sflag:s19] =	ssyncset.done $0x0  }
0xf4: {  	s7 =	sadd.s32 $0x140, s7;
	s30 =	sadd.s32 $0x140, s30;
	[sflag:s19] =	ssyncadd.s32 $0xFFFFC000  }
0xf5: {  	[hbm4b:s16+s3] =	stream.linear.scatter [tilespmem:s31], [sflag:$0xF], $0x4000, $0x38;
	[tilespmem:$0x16E40] =	vst v63  }
.LBB2_2:
0xf6: {  	_ =	swait.ge [sflag:s29], $0x4000  }
0xf7: {  	[sflag:s29] =	ssyncset.done $0x0  }
0xf8: {  	s16 =	simm.s32 $0x14C80;
	p2 =	seq.s32 s15, $0x0;
	[sflag:s29] =	ssyncadd.s32 $0xFFFFC000  }
0xf9: {  	[tilespmem:s3], [sflag:$0x6] =	stream.indirect.gather.add.f32 [spmem:s2], $0x80, s16, s26, $0xb8;
	[tilespmem:$0x16E40] =	vst v63  }
0xfa: {  	s16 =	simm.s32 @!p2 $0xC  }
0xfb: {  	_ =	swait.ge @!p2 [sflag:s16], $0x4000  }
0xfc: {  	[sflag:s16] =	ssyncset.done @!p2 $0x0  }
0xfd: {  	s17 =	simm.s32 $0x14A80;
	[sflag:s16] =	ssyncadd.s32 @!p2 $0xFFFFC000  }
0xfe: {  	[tilespmem:s1], [sflag:$0x2] =	stream.indirect.gather [spmem:s2], $0x80, s17, s26, $0xb8;
	[tilespmem:$0x16E40] =	vst v63  }
0xff: {  	_ =	swait.ge [sflag:s0], $0x200  }
0x100: {  	[sflag:s0] =	ssyncset.done $0x0  }
0x101: {  	[sflag:s0] =	ssyncadd.s32 $0xFFFFFE00  }
0x102: {  	v0 =	vld [tilespmem:$0x14400]  }
0x103: {  	v1 =	vld [tilespmem:$0x14500]  }
0x104: {  	v2 =	vld [tilespmem:$0x14480]  }
0x105: {  	v3 =	vld [tilespmem:$0x14580]  }
0x106: {  	v4 =	vld [tilespmem:$0x14410]  }
0x107: {  	v22 =	vld [tilespmem:$0x14510]  }
0x108: {  	v5 =	vld [tilespmem:$0x14490]  }
0x109: {  	v23 =	vld [tilespmem:$0x14590]  }
0x10a: {  	v24 =	vld [tilespmem:$0x14420]  }
0x10b: {  	v6 =	vld [tilespmem:$0x144A0]  }
0x10c: {  	v25 =	vld [tilespmem:$0x14520]  }
0x10d: {  	v7 =	vld [tilespmem:$0x145A0]  }
0x10e: {  	v8 =	vld [tilespmem:$0x14430]  }
0x10f: {  	v9 =	vld [tilespmem:$0x144B0]  }
0x110: {  	v10 =	vld [tilespmem:$0x14530]  }
0x111: {  	v26 =	vld [tilespmem:$0x145B0]  }
0x112: {  	v27 =	vld [tilespmem:$0x14440]  }
0x113: {  	v11 =	vld [tilespmem:$0x144C0]  }
0x114: {  	v12 =	vld [tilespmem:$0x14540]  }
0x115: {  	v28 =	vld [tilespmem:$0x145C0]  }
0x116: {  	v30 =	vld [tilespmem:$0x14450]  }
0x117: {  	v31 =	vld [tilespmem:$0x144D0]  }
0x118: {  	v32 =	vld [tilespmem:$0x14550]  }
0x119: {  	v13 =	vld [tilespmem:$0x145D0]  }
0x11a: {  	v14 =	vld [tilespmem:$0x14460]  }
0x11b: {  	v15 =	vld [tilespmem:$0x144E0]  }
0x11c: {  	v16 =	vld [tilespmem:$0x14560];
	v0 =	vadd.f32 v1, v0;
	v2 =	vadd.f32 v3, v2  }
0x11d: {  	v33 =	vld [tilespmem:$0x145E0];
	v1 =	vadd.f32 v22, v4;
	v3 =	vadd.f32 v23, v5  }
0x11e: {  	v34 =	vld [tilespmem:$0x14470];
	v4 =	vadd.f32 v25, v24;
	v6 =	vadd.f32 v7, v6  }
0x11f: {  	v17 =	vld [tilespmem:$0x144F0];
	v8 =	vadd.f32 v10, v8;
	v5 =	vadd.f32 v26, v9  }
0x120: {  	v18 =	vld [tilespmem:$0x14570];
	v7 =	vadd.f32 v12, v27;
	v29 =	vadd.f32 v28, v11  }
0x121: {  	v35 =	vld [tilespmem:$0x145F0];
	v10 =	vadd.f32 v32, v30;
	v0 =	vmul.f32 $5.000000000e-01, v0;
	v2 =	vmul.f32 $5.000000000e-01, v2  }
0x122: {  	v11 =	vadd.f32 v13, v31;
	v1 =	vmul.f32 $5.000000000e-01, v1;
	v3 =	vmul.f32 $5.000000000e-01, v3  }
0x123: {  	v14 =	vadd.f32 v16, v14;
	v4 =	vmul.f32 $5.000000000e-01, v4;
	v6 =	vmul.f32 $5.000000000e-01, v6  }
0x124: {  	v41 =	vadd.f32 v33, v15;
	v8 =	vmul.f32 $5.000000000e-01, v8;
	v5 =	vmul.f32 $5.000000000e-01, v5  }
0x125: {  	v44 =	vadd.f32 v18, v34;
	v7 =	vmul.f32 $5.000000000e-01, v7;
	v9 =	vmul.f32 $5.000000000e-01, v29  }
0x126: {  	v46 =	vadd.f32 v35, v17;
	v10 =	vmul.f32 $5.000000000e-01, v10;
	v11 =	vmul.f32 $5.000000000e-01, v11  }
0x127: {  	v38 =	vmul.f32 $5.000000000e-01, v14;
	v45 =	vmul.f32 $5.000000000e-01, v41  }
0x128: {  	v48 =	vmul.f32 $5.000000000e-01, v44;
	v49 =	vmul.f32 $5.000000000e-01, v46  }
0x129: {  	v0 =	vmul.f32 $9.990000000e+02, v0;
	v2 =	vmul.f32 $9.990000000e+02, v2  }
0x12a: {  	v1 =	vmul.f32 $9.990000000e+02, v1;
	v3 =	vmul.f32 $9.990000000e+02, v3  }
0x12b: {  	v4 =	vmul.f32 $9.990000000e+02, v4;
	v6 =	vmul.f32 $9.990000000e+02, v6  }
0x12c: {  	v8 =	vmul.f32 $9.990000000e+02, v8;
	v5 =	vmul.f32 $9.990000000e+02, v5  }
0x12d: {  	v7 =	vmul.f32 $9.990000000e+02, v7;
	v9 =	vmul.f32 $9.990000000e+02, v9  }
0x12e: {  	v10 =	vmul.f32 $9.990000000e+02, v10;
	v11 =	vmul.f32 $9.990000000e+02, v11  }
0x12f: {  	v43 =	vmul.f32 $9.990000000e+02, v38;
	v50 =	vmul.f32 $9.990000000e+02, v48  }
0x130: {  	v51 =	vmul.f32 $9.990000000e+02, v49;
	v0 =	vtrunc.f32 v0  }
0x131: {  	v2 =	vtrunc.f32 v2;
	v1 =	vtrunc.f32 v1  }
0x132: {  	v3 =	vtrunc.f32 v3;
	v4 =	vtrunc.f32 v4  }
0x133: {  	v6 =	vtrunc.f32 v6;
	v8 =	vtrunc.f32 v8  }
0x134: {  	v5 =	vtrunc.f32 v5;
	v7 =	vtrunc.f32 v7  }
0x135: {  	v9 =	vtrunc.f32 v9;
	v37 =	vtrunc.f32 v10  }
0x136: {  	v40 =	vtrunc.f32 v11;
	v47 =	vtrunc.f32 v43  }
0x137: {  	v52 =	vtrunc.f32 v50;
	v0 =	vcvt.f32.s32 v0  }
0x138: {  	v2 =	vcvt.f32.s32 v2;
	v1 =	vcvt.f32.s32 v1  }
0x139: {  	v3 =	vcvt.f32.s32 v3;
	v4 =	vcvt.f32.s32 v4  }
0x13a: {  	v6 =	vcvt.f32.s32 v6;
	v8 =	vcvt.f32.s32 v8  }
0x13b: {  	v5 =	vcvt.f32.s32 v5;
	v7 =	vcvt.f32.s32 v7  }
0x13c: {  	v9 =	vcvt.f32.s32 v9;
	v39 =	vcvt.f32.s32 v37  }
0x13d: {  	v42 =	vcvt.f32.s32 v40;
	v53 =	vcvt.f32.s32 v52  }
0x13e: {  	vm0 =	vgt.s32 v0, $0x0;
	vm6 =	vgt.s32 v2, $0x0;
	vm7 =	vgt.s32 v1, $0x0  }
0x13f: {  	vm8 =	vgt.s32 v3, $0x0;
	vm9 =	vgt.s32 v4, $0x0;
	vm10 =	vgt.s32 v6, $0x0  }
0x140: {  	vm11 =	vgt.s32 v8, $0x0;
	vm12 =	vgt.s32 v5, $0x0;
	v0 =	vnsel vm0, $0x0, v0  }
0x141: {  	vm13 =	vgt.s32 v7, $0x0;
	v2 =	vnsel vm6, $0x0, v2;
	v0 =	vmin.u32 v0, $0x3E7  }
0x142: {  	vm14 =	vgt.s32 v9, $0x0;
	v1 =	vnsel vm7, $0x0, v1;
	v2 =	vmin.u32 v2, $0x3E7;
	[tilespmem:$0x14B00] =	vst v0  }
0x143: {  	vm15 =	vgt.s32 v39, $0x0;
	v3 =	vnsel vm8, $0x0, v3;
	v1 =	vmin.u32 v1, $0x3E7;
	[tilespmem:$0x14D80] =	vst v2  }
0x144: {  	vm4 =	vgt.s32 v42, $0x0;
	v4 =	vnsel vm9, $0x0, v4;
	v3 =	vmin.u32 v3, $0x3E7;
	[tilespmem:$0x14B10] =	vst v1  }
0x145: {  	v6 =	vnsel vm10, $0x0, v6;
	v8 =	vnsel vm11, $0x0, v8;
	v4 =	vmin.u32 v4, $0x3E7;
	[tilespmem:$0x14D90] =	vst v3  }
0x146: {  	v5 =	vnsel vm12, $0x0, v5;
	v7 =	vnsel vm13, $0x0, v7;
	v6 =	vmin.u32 v6, $0x3E7;
	[tilespmem:$0x14B20] =	vst v4  }
0x147: {  	v9 =	vnsel vm14, $0x0, v9;
	vm7 =	vgt.s32 v53, $0x0;
	v8 =	vmin.u32 v8, $0x3E7;
	[tilespmem:$0x14DA0] =	vst v6  }
0x148: {  	v5 =	vmin.u32 v5, $0x3E7;
	v7 =	vmin.u32 v7, $0x3E7;
	v36 =	vmin.u32 v9, $0x3E7;
	[tilespmem:$0x14B30] =	vst v8  }
0x149: {  	v2 =	vnsel vm15, $0x0, v39;
	v3 =	vmul.f32 $9.990000000e+02, v45;
	v4 =	vcvt.f32.s32 v47;
	[tilespmem:$0x14DB0] =	vst v5  }
0x14a: {  	v1 =	vnsel vm4, $0x0, v42;
	[tilespmem:$0x14B40] =	vst v7;
	v5 =	vtrunc.f32 v51;
	v0 =	vnsel vm7, $0x0, v53  }
0x14b: {  	[tilespmem:$0x14DC0] =	vst v36;
	v2 =	vmin.u32 v2, $0x3E7;
	v55 =	vcvt.f32.s32 v5;
	v3 =	vtrunc.f32 v3  }
0x14c: {  	v1 =	vmin.u32 v1, $0x3E7;
	vm5 =	vgt.s32 v4, $0x0;
	[tilespmem:$0x14B50] =	vst v2;
	v3 =	vcvt.f32.s32 v3  }
0x14d: {  	v0 =	vmin.u32 v0, $0x3E7;
	[tilespmem:$0x14DD0] =	vst v1;
	v54 =	vnsel vm5, $0x0, v4;
	vm8 =	vgt.s32 v55, $0x0  }
0x14e: {  	[tilespmem:$0x14B70] =	vst v0;
	v56 =	vmin.u32 v54, $0x3E7;
	v59 =	vnsel vm8, $0x0, v55;
	vm6 =	vgt.s32 v3, $0x0  }
0x14f: {  	[tilespmem:$0x14B60] =	vst v56;
	v60 =	vmin.u32 v59, $0x3E7;
	v57 =	vnsel vm6, $0x0, v3  }
0x150: {  	[tilespmem:$0x14DF0] =	vst v60;
	v58 =	vmin.u32 v57, $0x3E7  }
0x151: {  	s17 =	simm.s32 $0x14800;
	[tilespmem:$0x14DE0] =	vst v58  }
0x152: {  	[tilespmem:s17], [sflag:$0x14] =	stream.linear.gather [hbm4b:s30+s3], $0x200, $0x38;
	[tilespmem:$0x16E40] =	vst v63  }
0x153: {  	_ =	swait.ge [sflag:s21], $0x4000  }
0x154: {  	[sflag:s21] =	ssyncset.done $0x0;
	s17 =	rddreg [dreg:$0xa]  }
0x155: {  	[sflag:s21] =	ssyncadd.s32 $0xFFFFC000;
	s16 =	sadd.s32 s15, s17  }
0x156: {  	[hbm4b:s16+s3] =	stream.linear.scatter [tilespmem:s3], [sflag:$0xB], $0x4000, $0x38;
	[tilespmem:$0x16E40] =	vst v63  }
0x157: {  	_ =	swait.ge [sflag:s5], $0x4000  }
0x158: {  	[sflag:s5] =	ssyncset.done $0x0  }
0x159: {  	s17 =	simm.s32 $0x14D00;
	s16 =	simm.s32 @!p2 $0xD;
	[sflag:s5] =	ssyncadd.s32 $0xFFFFC000  }
0x15a: {  	[tilespmem:s1], [sflag:$0x7] =	stream.indirect.gather.add.f32 [spmem:s2], $0x80, s17, s26, $0xb8;
	[tilespmem:$0x16E40] =	vst v63  }
0x15b: {  	_ =	swait.ge @!p2 [sflag:s16], $0x4000  }
0x15c: {  	[sflag:s16] =	ssyncset.done @!p2 $0x0  }
0x15d: {  	s17 =	simm.s32 $0x14B00;
	[sflag:s16] =	ssyncadd.s32 @!p2 $0xFFFFC000  }
0x15e: {  	[tilespmem:s8], [sflag:$0x3] =	stream.indirect.gather [spmem:s2], $0x80, s17, s26, $0xb8;
	[tilespmem:$0x16E40] =	vst v63  }
0x15f: {  	_ =	swait.ge [sflag:s10], $0x200  }
0x160: {  	[sflag:s10] =	ssyncset.done $0x0  }
0x161: {  	[sflag:s10] =	ssyncadd.s32 $0xFFFFFE00  }
0x162: {  	v61 =	vld [tilespmem:$0x14600]  }
0x163: {  	v62 =	vld [tilespmem:$0x14700]  }
0x164: {  	v63 =	vld [tilespmem:$0x14680]  }
0x165: {  	v8 =	vld [tilespmem:$0x14780]  }
0x166: {  	v9 =	vld [tilespmem:$0x14610]  }
0x167: {  	v10 =	vld [tilespmem:$0x14710]  }
0x168: {  	v11 =	vld [tilespmem:$0x14690]  }
0x169: {  	v12 =	vld [tilespmem:$0x14790]  }
0x16a: {  	v13 =	vld [tilespmem:$0x14620]  }
0x16b: {  	v14 =	vld [tilespmem:$0x146A0]  }
0x16c: {  	v15 =	vld [tilespmem:$0x14720]  }
0x16d: {  	v16 =	vld [tilespmem:$0x147A0]  }
0x16e: {  	v17 =	vld [tilespmem:$0x14630]  }
0x16f: {  	v18 =	vld [tilespmem:$0x146B0]  }
0x170: {  	v19 =	vld [tilespmem:$0x14730]  }
0x171: {  	v20 =	vld [tilespmem:$0x147B0]  }
0x172: {  	v21 =	vld [tilespmem:$0x14640]  }
0x173: {  	v22 =	vld [tilespmem:$0x146C0]  }
0x174: {  	v23 =	vld [tilespmem:$0x14740]  }
0x175: {  	v24 =	vld [tilespmem:$0x147C0]  }
0x176: {  	v26 =	vld [tilespmem:$0x14650]  }
0x177: {  	v27 =	vld [tilespmem:$0x146D0]  }
0x178: {  	v28 =	vld [tilespmem:$0x14750]  }
0x179: {  	v29 =	vld [tilespmem:$0x147D0]  }
0x17a: {  	v30 =	vld [tilespmem:$0x14660]  }
0x17b: {  	v31 =	vld [tilespmem:$0x146E0]  }
0x17c: {  	v32 =	vld [tilespmem:$0x14760];
	v0 =	vadd.f32 v62, v61;
	v2 =	vadd.f32 v8, v63  }
0x17d: {  	v33 =	vld [tilespmem:$0x147E0];
	v1 =	vadd.f32 v10, v9;
	v3 =	vadd.f32 v12, v11  }
0x17e: {  	v34 =	vld [tilespmem:$0x14670];
	v4 =	vadd.f32 v15, v13;
	v6 =	vadd.f32 v16, v14  }
0x17f: {  	v35 =	vld [tilespmem:$0x146F0];
	v8 =	vadd.f32 v19, v17;
	v5 =	vadd.f32 v20, v18  }
0x180: {  	v36 =	vld [tilespmem:$0x14770];
	v7 =	vadd.f32 v23, v21;
	v25 =	vadd.f32 v24, v22  }
0x181: {  	v37 =	vld [tilespmem:$0x147F0];
	v10 =	vadd.f32 v28, v26;
	v0 =	vmul.f32 $5.000000000e-01, v0;
	v2 =	vmul.f32 $5.000000000e-01, v2  }
0x182: {  	v11 =	vadd.f32 v29, v27;
	v1 =	vmul.f32 $5.000000000e-01, v1;
	v3 =	vmul.f32 $5.000000000e-01, v3  }
0x183: {  	v14 =	vadd.f32 v32, v30;
	v4 =	vmul.f32 $5.000000000e-01, v4;
	v6 =	vmul.f32 $5.000000000e-01, v6  }
0x184: {  	v43 =	vadd.f32 v33, v31;
	v8 =	vmul.f32 $5.000000000e-01, v8;
	v5 =	vmul.f32 $5.000000000e-01, v5  }
0x185: {  	v46 =	vadd.f32 v36, v34;
	v7 =	vmul.f32 $5.000000000e-01, v7;
	v9 =	vmul.f32 $5.000000000e-01, v25  }
0x186: {  	v48 =	vadd.f32 v37, v35;
	v10 =	vmul.f32 $5.000000000e-01, v10;
	v11 =	vmul.f32 $5.000000000e-01, v11  }
0x187: {  	v40 =	vmul.f32 $5.000000000e-01, v14;
	v47 =	vmul.f32 $5.000000000e-01, v43  }
0x188: {  	v50 =	vmul.f32 $5.000000000e-01, v46;
	v51 =	vmul.f32 $5.000000000e-01, v48  }
0x189: {  	v0 =	vmul.f32 $9.990000000e+02, v0;
	v2 =	vmul.f32 $9.990000000e+02, v2  }
0x18a: {  	v1 =	vmul.f32 $9.990000000e+02, v1;
	v3 =	vmul.f32 $9.990000000e+02, v3  }
0x18b: {  	v4 =	vmul.f32 $9.990000000e+02, v4;
	v6 =	vmul.f32 $9.990000000e+02, v6  }
0x18c: {  	v8 =	vmul.f32 $9.990000000e+02, v8;
	v5 =	vmul.f32 $9.990000000e+02, v5  }
0x18d: {  	v7 =	vmul.f32 $9.990000000e+02, v7;
	v9 =	vmul.f32 $9.990000000e+02, v9  }
0x18e: {  	v10 =	vmul.f32 $9.990000000e+02, v10;
	v11 =	vmul.f32 $9.990000000e+02, v11  }
0x18f: {  	v45 =	vmul.f32 $9.990000000e+02, v40;
	v52 =	vmul.f32 $9.990000000e+02, v50  }
0x190: {  	v53 =	vmul.f32 $9.990000000e+02, v51;
	v0 =	vtrunc.f32 v0  }
0x191: {  	v2 =	vtrunc.f32 v2;
	v1 =	vtrunc.f32 v1  }
0x192: {  	v3 =	vtrunc.f32 v3;
	v4 =	vtrunc.f32 v4  }
0x193: {  	v6 =	vtrunc.f32 v6;
	v8 =	vtrunc.f32 v8  }
0x194: {  	v5 =	vtrunc.f32 v5;
	v7 =	vtrunc.f32 v7  }
0x195: {  	v9 =	vtrunc.f32 v9;
	v39 =	vtrunc.f32 v10  }
0x196: {  	v42 =	vtrunc.f32 v11;
	v49 =	vtrunc.f32 v45  }
0x197: {  	v54 =	vtrunc.f32 v52;
	v0 =	vcvt.f32.s32 v0  }
0x198: {  	v2 =	vcvt.f32.s32 v2;
	v1 =	vcvt.f32.s32 v1  }
0x199: {  	v3 =	vcvt.f32.s32 v3;
	v4 =	vcvt.f32.s32 v4  }
0x19a: {  	v6 =	vcvt.f32.s32 v6;
	v8 =	vcvt.f32.s32 v8  }
0x19b: {  	v5 =	vcvt.f32.s32 v5;
	v7 =	vcvt.f32.s32 v7  }
0x19c: {  	v9 =	vcvt.f32.s32 v9;
	v41 =	vcvt.f32.s32 v39  }
0x19d: {  	v44 =	vcvt.f32.s32 v42;
	v55 =	vcvt.f32.s32 v54  }
0x19e: {  	vm9 =	vgt.s32 v0, $0x0;
	vm10 =	vgt.s32 v2, $0x0;
	vm11 =	vgt.s32 v1, $0x0  }
0x19f: {  	vm12 =	vgt.s32 v3, $0x0;
	vm13 =	vgt.s32 v4, $0x0;
	vm14 =	vgt.s32 v6, $0x0  }
0x1a0: {  	vm15 =	vgt.s32 v8, $0x0;
	vm4 =	vgt.s32 v5, $0x0;
	v0 =	vnsel vm9, $0x0, v0  }
0x1a1: {  	vm5 =	vgt.s32 v7, $0x0;
	v2 =	vnsel vm10, $0x0, v2;
	v0 =	vmin.u32 v0, $0x3E7  }
0x1a2: {  	vm6 =	vgt.s32 v9, $0x0;
	v1 =	vnsel vm11, $0x0, v1;
	v2 =	vmin.u32 v2, $0x3E7;
	[tilespmem:$0x14B80] =	vst v0  }
0x1a3: {  	vm7 =	vgt.s32 v41, $0x0;
	v3 =	vnsel vm12, $0x0, v3;
	v1 =	vmin.u32 v1, $0x3E7;
	[tilespmem:$0x14E00] =	vst v2  }
0x1a4: {  	vm8 =	vgt.s32 v44, $0x0;
	v4 =	vnsel vm13, $0x0, v4;
	v3 =	vmin.u32 v3, $0x3E7;
	[tilespmem:$0x14B90] =	vst v1  }
0x1a5: {  	v6 =	vnsel vm14, $0x0, v6;
	v8 =	vnsel vm15, $0x0, v8;
	v4 =	vmin.u32 v4, $0x3E7;
	[tilespmem:$0x14E10] =	vst v3  }
0x1a6: {  	v5 =	vnsel vm4, $0x0, v5;
	v7 =	vnsel vm5, $0x0, v7;
	v6 =	vmin.u32 v6, $0x3E7;
	[tilespmem:$0x14BA0] =	vst v4  }
0x1a7: {  	v9 =	vnsel vm6, $0x0, v9;
	vm11 =	vgt.s32 v55, $0x0;
	v8 =	vmin.u32 v8, $0x3E7;
	[tilespmem:$0x14E20] =	vst v6  }
0x1a8: {  	v5 =	vmin.u32 v5, $0x3E7;
	v7 =	vmin.u32 v7, $0x3E7;
	v38 =	vmin.u32 v9, $0x3E7;
	[tilespmem:$0x14BB0] =	vst v8  }
0x1a9: {  	v2 =	vnsel vm7, $0x0, v41;
	v3 =	vmul.f32 $9.990000000e+02, v47;
	v4 =	vcvt.f32.s32 v49;
	[tilespmem:$0x14E30] =	vst v5  }
0x1aa: {  	v1 =	vnsel vm8, $0x0, v44;
	[tilespmem:$0x14BC0] =	vst v7;
	v5 =	vtrunc.f32 v53;
	v0 =	vnsel vm11, $0x0, v55  }
0x1ab: {  	[tilespmem:$0x14E40] =	vst v38;
	v2 =	vmin.u32 v2, $0x3E7;
	v57 =	vcvt.f32.s32 v5;
	v3 =	vtrunc.f32 v3  }
0x1ac: {  	v1 =	vmin.u32 v1, $0x3E7;
	vm9 =	vgt.s32 v4, $0x0;
	[tilespmem:$0x14BD0] =	vst v2;
	v3 =	vcvt.f32.s32 v3  }
0x1ad: {  	v0 =	vmin.u32 v0, $0x3E7;
	[tilespmem:$0x14E50] =	vst v1;
	v56 =	vnsel vm9, $0x0, v4;
	vm12 =	vgt.s32 v57, $0x0  }
0x1ae: {  	[tilespmem:$0x14BF0] =	vst v0;
	v58 =	vmin.u32 v56, $0x3E7;
	v61 =	vnsel vm12, $0x0, v57;
	vm10 =	vgt.s32 v3, $0x0  }
0x1af: {  	[tilespmem:$0x14BE0] =	vst v58;
	v62 =	vmin.u32 v61, $0x3E7;
	v59 =	vnsel vm10, $0x0, v3  }
0x1b0: {  	p1 =	seq.s32 s15, $0x16800;
	[tilespmem:$0x14E70] =	vst v62;
	v60 =	vmin.u32 v59, $0x3E7  }
0x1b1: {  	s16 =	simm.s32 @!p1 $0x0;
	s17 =	simm.s32 @!p1 $0x14000;
	[tilespmem:$0x14E60] =	vst v60  }
0x1b2: {  	[tilespmem:s17], [sflag:$0x10] =	stream.linear.gather @!p1 [hbm4b:s7+s16], $0x200, $0x38;
	[tilespmem:$0x16E40] =	vst v63  }
0x1b3: {  	_ =	swait.ge [sflag:s11], $0x4000  }
0x1b4: {  	[sflag:s11] =	ssyncset.done $0x0  }
0x1b5: {  	s17 =	sadd.s32 s15, s18;
	[sflag:s11] =	ssyncadd.s32 $0xFFFFC000  }
0x1b6: {  	[hbm4b:s17+s3] =	stream.linear.scatter [tilespmem:s1], [sflag:$0xC], $0x4000, $0x38;
	[tilespmem:$0x16E40] =	vst v63  }
0x1b7: {  	_ =	swait.ge [sflag:s12], $0x4000  }
0x1b8: {  	[sflag:s12] =	ssyncset.done $0x0  }
0x1b9: {  	s17 =	simm.s32 $0x14D80;
	[sflag:s12] =	ssyncadd.s32 $0xFFFFC000  }
0x1ba: {  	[tilespmem:s8], [sflag:$0x8] =	stream.indirect.gather.add.f32 [spmem:s2], $0x80, s17, s26, $0xb8;
	[tilespmem:$0x16E40] =	vst v63  }
0x1bb: {  	s17 =	simm.s32 @!p2 $0xE  }
0x1bc: {  	_ =	swait.ge @!p2 [sflag:s17], $0x4000  }
0x1bd: {  	[sflag:s17] =	ssyncset.done @!p2 $0x0  }
0x1be: {  	[sflag:s17] =	ssyncadd.s32 @!p2 $0xFFFFC000;
	s17 =	simm.s32 $0x14B80  }
0x1bf: {  	[tilespmem:s14], [sflag:$0x4] =	stream.indirect.gather [spmem:s2], $0x80, s17, s26, $0xb8;
	[tilespmem:$0x16E40] =	vst v63  }
0x1c0: {  	_ =	swait.ge [sflag:s4], $0x200  }
0x1c1: {  	[sflag:s4] =	ssyncset.done $0x0  }
0x1c2: {  	[sflag:s4] =	ssyncadd.s32 $0xFFFFFE00  }
0x1c3: {  	v63 =	vld [tilespmem:$0x14800]  }
0x1c4: {  	v8 =	vld [tilespmem:$0x14900]  }
0x1c5: {  	v9 =	vld [tilespmem:$0x14880]  }
0x1c6: {  	v10 =	vld [tilespmem:$0x14980]  }
0x1c7: {  	v11 =	vld [tilespmem:$0x14810]  }
0x1c8: {  	v12 =	vld [tilespmem:$0x14890]  }
0x1c9: {  	v13 =	vld [tilespmem:$0x14910]  }
0x1ca: {  	v14 =	vld [tilespmem:$0x14990]  }
0x1cb: {  	v15 =	vld [tilespmem:$0x14820]  }
0x1cc: {  	v16 =	vld [tilespmem:$0x14920]  }
0x1cd: {  	v17 =	vld [tilespmem:$0x148A0]  }
0x1ce: {  	v18 =	vld [tilespmem:$0x149A0]  }
0x1cf: {  	v19 =	vld [tilespmem:$0x14830]  }
0x1d0: {  	v20 =	vld [tilespmem:$0x148B0]  }
0x1d1: {  	v21 =	vld [tilespmem:$0x14930]  }
0x1d2: {  	v22 =	vld [tilespmem:$0x149B0]  }
0x1d3: {  	v23 =	vld [tilespmem:$0x14840]  }
0x1d4: {  	v24 =	vld [tilespmem:$0x148C0]  }
0x1d5: {  	v25 =	vld [tilespmem:$0x14940]  }
0x1d6: {  	v26 =	vld [tilespmem:$0x149C0]  }
0x1d7: {  	v27 =	vld [tilespmem:$0x14850]  }
0x1d8: {  	v28 =	vld [tilespmem:$0x148D0]  }
0x1d9: {  	v29 =	vld [tilespmem:$0x14950]  }
0x1da: {  	v30 =	vld [tilespmem:$0x149D0]  }
0x1db: {  	v31 =	vld [tilespmem:$0x14860]  }
0x1dc: {  	v32 =	vld [tilespmem:$0x14960];
	v0 =	vadd.f32 v8, v63;
	v2 =	vadd.f32 v10, v9  }
0x1dd: {  	v33 =	vld [tilespmem:$0x148E0];
	v1 =	vadd.f32 v13, v11;
	v5 =	vadd.f32 v14, v12  }
0x1de: {  	v34 =	vld [tilespmem:$0x149E0];
	v3 =	vadd.f32 v16, v15;
	v4 =	vadd.f32 v18, v17  }
0x1df: {  	v35 =	vld [tilespmem:$0x14870];
	v7 =	vadd.f32 v21, v19;
	v9 =	vadd.f32 v22, v20  }
0x1e0: {  	v36 =	vld [tilespmem:$0x14970];
	v6 =	vadd.f32 v25, v23;
	v11 =	vadd.f32 v26, v24;
	v0 =	vmul.f32 $5.000000000e-01, v0  }
0x1e1: {  	v10 =	vadd.f32 v29, v27;
	v2 =	vmul.f32 $5.000000000e-01, v2;
	v1 =	vmul.f32 $5.000000000e-01, v1  }
0x1e2: {  	v8 =	vadd.f32 v30, v28;
	v5 =	vmul.f32 $5.000000000e-01, v5;
	v3 =	vmul.f32 $5.000000000e-01, v3  }
0x1e3: {  	v12 =	vadd.f32 v32, v31;
	v4 =	vmul.f32 $5.000000000e-01, v4;
	v7 =	vmul.f32 $5.000000000e-01, v7  }
0x1e4: {  	v13 =	vadd.f32 v34, v33;
	v9 =	vmul.f32 $5.000000000e-01, v9;
	v6 =	vmul.f32 $5.000000000e-01, v6  }
0x1e5: {  	v15 =	vadd.f32 v36, v35;
	v11 =	vmul.f32 $5.000000000e-01, v11;
	v10 =	vmul.f32 $5.000000000e-01, v10  }
0x1e6: {  	v8 =	vmul.f32 $5.000000000e-01, v8;
	v40 =	vmul.f32 $5.000000000e-01, v12  }
0x1e7: {  	v46 =	vmul.f32 $5.000000000e-01, v13;
	v48 =	vmul.f32 $5.000000000e-01, v15  }
0x1e8: {  	v0 =	vmul.f32 $9.990000000e+02, v0;
	v2 =	vmul.f32 $9.990000000e+02, v2  }
0x1e9: {  	v1 =	vmul.f32 $9.990000000e+02, v1;
	v5 =	vmul.f32 $9.990000000e+02, v5  }
0x1ea: {  	v3 =	vmul.f32 $9.990000000e+02, v3;
	v4 =	vmul.f32 $9.990000000e+02, v4  }
0x1eb: {  	v7 =	vmul.f32 $9.990000000e+02, v7;
	v9 =	vmul.f32 $9.990000000e+02, v9  }
0x1ec: {  	v6 =	vmul.f32 $9.990000000e+02, v6;
	v11 =	vmul.f32 $9.990000000e+02, v11  }
0x1ed: {  	v10 =	vmul.f32 $9.990000000e+02, v10;
	v8 =	vmul.f32 $9.990000000e+02, v8  }
0x1ee: {  	v43 =	vmul.f32 $9.990000000e+02, v40;
	v50 =	vmul.f32 $9.990000000e+02, v46  }
0x1ef: {  	v52 =	vmul.f32 $9.990000000e+02, v48;
	v0 =	vtrunc.f32 v0  }
0x1f0: {  	v2 =	vtrunc.f32 v2;
	v1 =	vtrunc.f32 v1  }
0x1f1: {  	v5 =	vtrunc.f32 v5;
	v3 =	vtrunc.f32 v3  }
0x1f2: {  	v4 =	vtrunc.f32 v4;
	v7 =	vtrunc.f32 v7  }
0x1f3: {  	v9 =	vtrunc.f32 v9;
	v6 =	vtrunc.f32 v6  }
0x1f4: {  	v11 =	vtrunc.f32 v11;
	v10 =	vtrunc.f32 v10  }
0x1f5: {  	v37 =	vld [tilespmem:$0x148F0];
	v8 =	vtrunc.f32 v8;
	v53 =	vtrunc.f32 v50  }
0x1f6: {  	v38 =	vld [tilespmem:$0x149F0];
	v55 =	vtrunc.f32 v52;
	v0 =	vcvt.f32.s32 v0  }
0x1f7: {  	v2 =	vcvt.f32.s32 v2;
	v1 =	vcvt.f32.s32 v1  }
0x1f8: {  	v5 =	vcvt.f32.s32 v5;
	v3 =	vcvt.f32.s32 v3  }
0x1f9: {  	v4 =	vcvt.f32.s32 v4;
	v7 =	vcvt.f32.s32 v7  }
0x1fa: {  	v9 =	vcvt.f32.s32 v9;
	v6 =	vcvt.f32.s32 v6  }
0x1fb: {  	v41 =	vadd.f32 v38, v37;
	v11 =	vcvt.f32.s32 v11;
	v10 =	vcvt.f32.s32 v10  }
0x1fc: {  	v8 =	vcvt.f32.s32 v8;
	v56 =	vcvt.f32.s32 v55;
	vm13 =	vgt.s32 v0, $0x0  }
0x1fd: {  	vm1 =	vgt.s32 v2, $0x0;
	vm14 =	vgt.s32 v1, $0x0;
	vm15 =	vgt.s32 v5, $0x0  }
0x1fe: {  	vm4 =	vgt.s32 v3, $0x0;
	vm5 =	vgt.s32 v4, $0x0;
	vm6 =	vgt.s32 v7, $0x0  }
0x1ff: {  	vm7 =	vgt.s32 v9, $0x0;
	vm8 =	vgt.s32 v6, $0x0;
	v0 =	vnsel vm13, $0x0, v0  }
0x200: {  	vm9 =	vgt.s32 v11, $0x0;
	v2 =	vnsel vm1, $0x0, v2;
	v0 =	vmin.u32 v0, $0x3E7  }
0x201: {  	vm10 =	vgt.s32 v10, $0x0;
	v1 =	vnsel vm14, $0x0, v1;
	v2 =	vmin.u32 v2, $0x3E7;
	[tilespmem:$0x14C00] =	vst v0  }
0x202: {  	vm11 =	vgt.s32 v8, $0x0;
	v5 =	vnsel vm15, $0x0, v5;
	v1 =	vmin.u32 v1, $0x3E7;
	[tilespmem:$0x14E80] =	vst v2  }
0x203: {  	v3 =	vnsel vm4, $0x0, v3;
	v4 =	vnsel vm5, $0x0, v4;
	v42 =	vmin.u32 v5, $0x3E7;
	[tilespmem:$0x14C10] =	vst v1  }
0x204: {  	v7 =	vnsel vm6, $0x0, v7;
	v9 =	vnsel vm7, $0x0, v9;
	v3 =	vmin.u32 v3, $0x3E7;
	[tilespmem:$0x14E90] =	vst v42  }
0x205: {  	v6 =	vnsel vm8, $0x0, v6;
	v11 =	vnsel vm9, $0x0, v11;
	v44 =	vmin.u32 v4, $0x3E7;
	[tilespmem:$0x14C20] =	vst v3  }
0x206: {  	v39 =	vnsel vm10, $0x0, v10;
	v45 =	vmin.u32 v7, $0x3E7;
	[tilespmem:$0x14EA0] =	vst v44;
	v2 =	vmul.f32 $5.000000000e-01, v41  }
0x207: {  	v8 =	vnsel vm11, $0x0, v8;
	vm14 =	vgt.s32 v56, $0x0;
	v47 =	vmin.u32 v9, $0x3E7;
	[tilespmem:$0x14C30] =	vst v45  }
0x208: {  	v5 =	vtrunc.f32 v43;
	v49 =	vmin.u32 v6, $0x3E7;
	[tilespmem:$0x14EB0] =	vst v47;
	v2 =	vmul.f32 $9.990000000e+02, v2  }
0x209: {  	v51 =	vmin.u32 v11, $0x3E7;
	v54 =	vmin.u32 v8, $0x3E7;
	v5 =	vcvt.f32.s32 v5;
	[tilespmem:$0x14C40] =	vst v49  }
0x20a: {  	v60 =	vnsel vm14, $0x0, v56;
	v3 =	vcvt.f32.s32 v53;
	[tilespmem:$0x14EC0] =	vst v51;
	v2 =	vtrunc.f32 v2  }
0x20b: {  	v0 =	vmin.u32 v39, $0x3E7;
	[tilespmem:$0x14ED0] =	vst v54;
	vm12 =	vgt.s32 v5, $0x0;
	v2 =	vcvt.f32.s32 v2  }
0x20c: {  	v61 =	vmin.u32 v60, $0x3E7;
	[tilespmem:$0x14C50] =	vst v0;
	vm13 =	vgt.s32 v3, $0x0;
	v57 =	vnsel vm12, $0x0, v5  }
0x20d: {  	[tilespmem:$0x14C70] =	vst v61;
	v58 =	vnsel vm13, $0x0, v3;
	v0 =	vmin.u32 v57, $0x3E7;
	vm15 =	vgt.s32 v2, $0x0  }
0x20e: {  	v59 =	vmin.u32 v58, $0x3E7;
	[tilespmem:$0x14C60] =	vst v0;
	v62 =	vnsel vm15, $0x0, v2  }
0x20f: {  	[tilespmem:$0x14EE0] =	vst v59;
	v63 =	vmin.u32 v62, $0x3E7  }
0x210: {  	s17 =	simm.s32 @!p1 $0x14200;
	[tilespmem:$0x14EF0] =	vst v63  }
0x211: {  	[tilespmem:s17], [sflag:$0x11] =	stream.linear.gather @!p1 [hbm4b:s25+s16], $0x200, $0x38;
	[tilespmem:$0x16E40] =	vst v63  }
0x212: {  	_ =	swait.ge [sflag:s23], $0x4000  }
0x213: {  	[sflag:s23] =	ssyncset.done $0x0;
	s17 =	rddreg [dreg:$0x12]  }
0x214: {  	p2 =	sne.s32 s15, $0x0;
	[sflag:s23] =	ssyncadd.s32 $0xFFFFC000;
	s16 =	sadd.s32 s15, s17  }
0x215: {  	[hbm4b:s16+s3] =	stream.linear.scatter [tilespmem:s8], [sflag:$0xD], $0x4000, $0x38;
	[tilespmem:$0x16E40] =	vst v63  }
.Ltmp4:
0x216: {  	_ = 	snop;
	(pc) =	sbr.rel @!p2 .LBB2_3-.Ltmp4, $4  }
0x217: {  	_ =	swait.ge [sflag:s28], $0x4000  }
0x218: {  	[sflag:s28] =	ssyncset.done $0x0  }
0x219: {  	s17 =	simm.s32 $0x14E00;
	[sflag:s28] =	ssyncadd.s32 $0xFFFFC000  }
0x21a: {  	[tilespmem:s14], [sflag:$0x9] =	stream.indirect.gather.add.f32 [spmem:s2], $0x80, s17, s26, $0xb8;
	[tilespmem:$0x16E40] =	vst v63  }
.Ltmp5:
0x21b: {  	(pc) =	sbr.rel @p1 .LBB2_6-.Ltmp5, $4  }
.Ltmp6:
0x21c: {  	_ =	swait.ge [sflag:s22], $0x4000;
	(pc) =	sbr.rel @!p1 .LBB2_5-.Ltmp6, $4  }
0x21d: {  	[sflag:s22] =	ssyncset.done $0x0  }
0x21e: {  	s16 =	simm.s32 $0x14C00;
	[sflag:s22] =	ssyncadd.s32 $0xFFFFC000  }
0x21f: {  	[tilespmem:s31], [sflag:$0x5] =	stream.indirect.gather [spmem:s2], $0x80, s16, s26, $0xb8;
	[tilespmem:$0x16E40] =	vst v63  }
0x220: {  	_ = 	snop  }
.LBB2_3:
0x221: {  	s16 =	simm.s32 $0x14C00  }
0x222: {  	[tilespmem:s31], [sflag:$0x5] =	stream.indirect.gather [spmem:s2], $0x80, s16, s26, $0xb8;
	[tilespmem:$0x16E40] =	vst v63  }
.LBB2_5:
0x223: {  	_ =	swait.ge [sflag:s24], $0x200  }
0x224: {  	[sflag:s24] =	ssyncset.done $0x0  }
0x225: {  	[sflag:s24] =	ssyncadd.s32 $0xFFFFFE00  }
0x226: {  	v0 =	vld [tilespmem:$0x14000]  }
0x227: {  	v1 =	vld [tilespmem:$0x14100]  }
0x228: {  	v2 =	vld [tilespmem:$0x14080]  }
0x229: {  	v3 =	vld [tilespmem:$0x14180]  }
0x22a: {  	v4 =	vld [tilespmem:$0x14010]  }
0x22b: {  	v5 =	vld [tilespmem:$0x14090]  }
0x22c: {  	v24 =	vld [tilespmem:$0x14110]  }
0x22d: {  	v6 =	vld [tilespmem:$0x14190]  }
0x22e: {  	v25 =	vld [tilespmem:$0x14020]  }
0x22f: {  	v7 =	vld [tilespmem:$0x14120]  }
0x230: {  	v26 =	vld [tilespmem:$0x140A0]  }
0x231: {  	v27 =	vld [tilespmem:$0x141A0]  }
0x232: {  	v8 =	vld [tilespmem:$0x14030]  }
0x233: {  	v9 =	vld [tilespmem:$0x140B0]  }
0x234: {  	v28 =	vld [tilespmem:$0x14130]  }
0x235: {  	v10 =	vld [tilespmem:$0x141B0]  }
0x236: {  	v29 =	vld [tilespmem:$0x14040]  }
0x237: {  	v11 =	vld [tilespmem:$0x140C0]  }
0x238: {  	v12 =	vld [tilespmem:$0x14140]  }
0x239: {  	v13 =	vld [tilespmem:$0x141C0]  }
0x23a: {  	v14 =	vld [tilespmem:$0x14050]  }
0x23b: {  	v30 =	vld [tilespmem:$0x140D0]  }
0x23c: {  	v31 =	vld [tilespmem:$0x14150]  }
0x23d: {  	v15 =	vld [tilespmem:$0x141D0]  }
0x23e: {  	v16 =	vld [tilespmem:$0x14060]  }
0x23f: {  	v32 =	vld [tilespmem:$0x14160];
	v0 =	vadd.f32 v1, v0;
	v2 =	vadd.f32 v3, v2  }
0x240: {  	v33 =	vld [tilespmem:$0x140E0];
	v1 =	vadd.f32 v24, v4;
	v5 =	vadd.f32 v6, v5  }
0x241: {  	v34 =	vld [tilespmem:$0x141E0];
	v3 =	vadd.f32 v7, v25;
	v4 =	vadd.f32 v27, v26  }
0x242: {  	v35 =	vld [tilespmem:$0x14070];
	v7 =	vadd.f32 v28, v8;
	v9 =	vadd.f32 v10, v9  }
0x243: {  	v36 =	vld [tilespmem:$0x14170];
	v6 =	vadd.f32 v12, v29;
	v11 =	vadd.f32 v13, v11;
	v0 =	vmul.f32 $5.000000000e-01, v0  }
0x244: {  	v10 =	vadd.f32 v31, v14;
	v2 =	vmul.f32 $5.000000000e-01, v2;
	v1 =	vmul.f32 $5.000000000e-01, v1  }
0x245: {  	v8 =	vadd.f32 v15, v30;
	v5 =	vmul.f32 $5.000000000e-01, v5;
	v3 =	vmul.f32 $5.000000000e-01, v3  }
0x246: {  	v12 =	vadd.f32 v32, v16;
	v4 =	vmul.f32 $5.000000000e-01, v4;
	v7 =	vmul.f32 $5.000000000e-01, v7  }
0x247: {  	v13 =	vadd.f32 v34, v33;
	v9 =	vmul.f32 $5.000000000e-01, v9;
	v6 =	vmul.f32 $5.000000000e-01, v6  }
0x248: {  	v15 =	vadd.f32 v36, v35;
	v11 =	vmul.f32 $5.000000000e-01, v11;
	v10 =	vmul.f32 $5.000000000e-01, v10  }
0x249: {  	v8 =	vmul.f32 $5.000000000e-01, v8;
	v40 =	vmul.f32 $5.000000000e-01, v12  }
0x24a: {  	v46 =	vmul.f32 $5.000000000e-01, v13;
	v48 =	vmul.f32 $5.000000000e-01, v15  }
0x24b: {  	v0 =	vmul.f32 $9.990000000e+02, v0;
	v2 =	vmul.f32 $9.990000000e+02, v2  }
0x24c: {  	v1 =	vmul.f32 $9.990000000e+02, v1;
	v5 =	vmul.f32 $9.990000000e+02, v5  }
0x24d: {  	v3 =	vmul.f32 $9.990000000e+02, v3;
	v4 =	vmul.f32 $9.990000000e+02, v4  }
0x24e: {  	v7 =	vmul.f32 $9.990000000e+02, v7;
	v9 =	vmul.f32 $9.990000000e+02, v9  }
0x24f: {  	v6 =	vmul.f32 $9.990000000e+02, v6;
	v11 =	vmul.f32 $9.990000000e+02, v11  }
0x250: {  	v10 =	vmul.f32 $9.990000000e+02, v10;
	v8 =	vmul.f32 $9.990000000e+02, v8  }
0x251: {  	v43 =	vmul.f32 $9.990000000e+02, v40;
	v50 =	vmul.f32 $9.990000000e+02, v46  }
0x252: {  	v52 =	vmul.f32 $9.990000000e+02, v48;
	v0 =	vtrunc.f32 v0  }
0x253: {  	v2 =	vtrunc.f32 v2;
	v1 =	vtrunc.f32 v1  }
0x254: {  	v5 =	vtrunc.f32 v5;
	v3 =	vtrunc.f32 v3  }
0x255: {  	v4 =	vtrunc.f32 v4;
	v7 =	vtrunc.f32 v7  }
0x256: {  	v9 =	vtrunc.f32 v9;
	v6 =	vtrunc.f32 v6  }
0x257: {  	v11 =	vtrunc.f32 v11;
	v10 =	vtrunc.f32 v10  }
0x258: {  	v37 =	vld [tilespmem:$0x140F0];
	v8 =	vtrunc.f32 v8;
	v53 =	vtrunc.f32 v50  }
0x259: {  	v38 =	vld [tilespmem:$0x141F0];
	v55 =	vtrunc.f32 v52;
	v0 =	vcvt.f32.s32 v0  }
0x25a: {  	v2 =	vcvt.f32.s32 v2;
	v1 =	vcvt.f32.s32 v1  }
0x25b: {  	v5 =	vcvt.f32.s32 v5;
	v3 =	vcvt.f32.s32 v3  }
0x25c: {  	v4 =	vcvt.f32.s32 v4;
	v7 =	vcvt.f32.s32 v7  }
0x25d: {  	v9 =	vcvt.f32.s32 v9;
	v6 =	vcvt.f32.s32 v6  }
0x25e: {  	v41 =	vadd.f32 v38, v37;
	v11 =	vcvt.f32.s32 v11;
	v10 =	vcvt.f32.s32 v10  }
0x25f: {  	v8 =	vcvt.f32.s32 v8;
	v56 =	vcvt.f32.s32 v55;
	vm0 =	vgt.s32 v0, $0x0  }
0x260: {  	vm1 =	vgt.s32 v2, $0x0;
	vm14 =	vgt.s32 v1, $0x0;
	vm15 =	vgt.s32 v5, $0x0  }
0x261: {  	vm4 =	vgt.s32 v3, $0x0;
	vm5 =	vgt.s32 v4, $0x0;
	vm6 =	vgt.s32 v7, $0x0  }
0x262: {  	vm7 =	vgt.s32 v9, $0x0;
	vm8 =	vgt.s32 v6, $0x0;
	v0 =	vnsel vm0, $0x0, v0  }
0x263: {  	vm9 =	vgt.s32 v11, $0x0;
	v2 =	vnsel vm1, $0x0, v2;
	v0 =	vmin.u32 v0, $0x3E7  }
0x264: {  	vm10 =	vgt.s32 v10, $0x0;
	v1 =	vnsel vm14, $0x0, v1;
	v2 =	vmin.u32 v2, $0x3E7;
	[tilespmem:$0x14A00] =	vst v0  }
0x265: {  	vm11 =	vgt.s32 v8, $0x0;
	v5 =	vnsel vm15, $0x0, v5;
	v1 =	vmin.u32 v1, $0x3E7;
	[tilespmem:$0x14C80] =	vst v2  }
0x266: {  	v3 =	vnsel vm4, $0x0, v3;
	v4 =	vnsel vm5, $0x0, v4;
	v42 =	vmin.u32 v5, $0x3E7;
	[tilespmem:$0x14A10] =	vst v1  }
0x267: {  	v7 =	vnsel vm6, $0x0, v7;
	v9 =	vnsel vm7, $0x0, v9;
	v3 =	vmin.u32 v3, $0x3E7;
	[tilespmem:$0x14C90] =	vst v42  }
0x268: {  	v6 =	vnsel vm8, $0x0, v6;
	v11 =	vnsel vm9, $0x0, v11;
	v44 =	vmin.u32 v4, $0x3E7;
	[tilespmem:$0x14A20] =	vst v3  }
0x269: {  	v39 =	vnsel vm10, $0x0, v10;
	v45 =	vmin.u32 v7, $0x3E7;
	[tilespmem:$0x14CA0] =	vst v44;
	v2 =	vmul.f32 $5.000000000e-01, v41  }
0x26a: {  	v8 =	vnsel vm11, $0x0, v8;
	vm14 =	vgt.s32 v56, $0x0;
	v47 =	vmin.u32 v9, $0x3E7;
	[tilespmem:$0x14A30] =	vst v45  }
0x26b: {  	v5 =	vtrunc.f32 v43;
	v49 =	vmin.u32 v6, $0x3E7;
	[tilespmem:$0x14CB0] =	vst v47;
	v2 =	vmul.f32 $9.990000000e+02, v2  }
0x26c: {  	v51 =	vmin.u32 v11, $0x3E7;
	v54 =	vmin.u32 v8, $0x3E7;
	v5 =	vcvt.f32.s32 v5;
	[tilespmem:$0x14A40] =	vst v49  }
0x26d: {  	v60 =	vnsel vm14, $0x0, v56;
	v3 =	vcvt.f32.s32 v53;
	[tilespmem:$0x14CC0] =	vst v51;
	v2 =	vtrunc.f32 v2  }
0x26e: {  	v0 =	vmin.u32 v39, $0x3E7;
	[tilespmem:$0x14CD0] =	vst v54;
	vm12 =	vgt.s32 v5, $0x0;
	v2 =	vcvt.f32.s32 v2  }
0x26f: {  	v61 =	vmin.u32 v60, $0x3E7;
	[tilespmem:$0x14A50] =	vst v0;
	vm13 =	vgt.s32 v3, $0x0;
	v57 =	vnsel vm12, $0x0, v5  }
0x270: {  	[tilespmem:$0x14A70] =	vst v61;
	v58 =	vnsel vm13, $0x0, v3;
	v0 =	vmin.u32 v57, $0x3E7;
	vm15 =	vgt.s32 v2, $0x0  }
0x271: {  	v59 =	vmin.u32 v58, $0x3E7;
	[tilespmem:$0x14A60] =	vst v0;
	v62 =	vnsel vm15, $0x0, v2  }
0x272: {  	[tilespmem:$0x14CE0] =	vst v59;
	v63 =	vmin.u32 v62, $0x3E7  }
0x273: {  	s16 =	simm.s32 $0x14400;
	[tilespmem:$0x14CF0] =	vst v63  }
0x274: {  	[tilespmem:s16], [sflag:$0x12] =	stream.linear.gather [hbm4b:s13+s3], $0x200, $0x38;
	[tilespmem:$0x16E40] =	vst v63  }
.LBB2_6:
0x275: {  	_ =	swait.ge [sflag:s20], $0x4000  }
0x276: {  	[sflag:s20] =	ssyncset.done $0x0;
	s16 =	rddreg [dreg:$0x11]  }
0x277: {  	[sflag:s20] =	ssyncadd.s32 $0xFFFFC000;
	s16 =	sadd.s32 s15, s16  }
0x278: {  	[hbm4b:s16+s3] =	stream.linear.scatter [tilespmem:s14], [sflag:$0xE], $0x4000, $0x38;
	[tilespmem:$0x16E40] =	vst v63  }
.Ltmp7:
0x279: {  	_ = 	snop;
	(pc) =	sbr.rel @p1 .LBB2_8-.Ltmp7, $4  }
0x27a: {  	_ =	swait.ge [sflag:s6], $0x4000  }
0x27b: {  	[sflag:s6] =	ssyncset.done $0x0  }
0x27c: {  	s17 =	simm.s32 $0x14E80;
	[sflag:s6] =	ssyncadd.s32 $0xFFFFC000  }
0x27d: {  	[tilespmem:s31], [sflag:$0xA] =	stream.indirect.gather.add.f32 [spmem:s2], $0x80, s17, s26, $0xb8;
	[tilespmem:$0x16E40] =	vst v63  }
0x27e: {  	s16 =	simm.s32 $0xB  }
0x27f: {  	_ =	swait.ge [sflag:s16], $0x4000  }
0x280: {  	[sflag:s16] =	ssyncset.done $0x0  }
0x281: {  	s17 =	simm.s32 $0x14A00;
	[sflag:s16] =	ssyncadd.s32 $0xFFFFC000  }
0x282: {  	[tilespmem:s3], [sflag:$0x1] =	stream.indirect.gather [spmem:s2], $0x80, s17, s26, $0xb8;
	[tilespmem:$0x16E40] =	vst v63  }
0x283: {  	s17 =	simm.s32 $0x11  }
0x284: {  	_ =	swait.ge [sflag:s17], $0x200  }
0x285: {  	[sflag:s17] =	ssyncset.done $0x0  }
0x286: {  	[sflag:s17] =	ssyncadd.s32 $0xFFFFFE00  }
0x287: {  	v0 =	vld [tilespmem:$0x14200]  }
0x288: {  	v1 =	vld [tilespmem:$0x14300]  }
0x289: {  	v2 =	vld [tilespmem:$0x14280]  }
0x28a: {  	v3 =	vld [tilespmem:$0x14380]  }
0x28b: {  	v4 =	vld [tilespmem:$0x14210]  }
0x28c: {  	v5 =	vld [tilespmem:$0x14290]  }
0x28d: {  	v24 =	vld [tilespmem:$0x14310]  }
0x28e: {  	v6 =	vld [tilespmem:$0x14390]  }
0x28f: {  	v25 =	vld [tilespmem:$0x14220]  }
0x290: {  	v7 =	vld [tilespmem:$0x14320]  }
0x291: {  	v26 =	vld [tilespmem:$0x142A0]  }
0x292: {  	v27 =	vld [tilespmem:$0x143A0]  }
0x293: {  	v8 =	vld [tilespmem:$0x14230]  }
0x294: {  	v9 =	vld [tilespmem:$0x142B0]  }
0x295: {  	v28 =	vld [tilespmem:$0x14330]  }
0x296: {  	v10 =	vld [tilespmem:$0x143B0]  }
0x297: {  	v29 =	vld [tilespmem:$0x14240]  }
0x298: {  	v11 =	vld [tilespmem:$0x142C0]  }
0x299: {  	v12 =	vld [tilespmem:$0x14340]  }
0x29a: {  	v13 =	vld [tilespmem:$0x143C0]  }
0x29b: {  	v14 =	vld [tilespmem:$0x14250]  }
0x29c: {  	v30 =	vld [tilespmem:$0x142D0]  }
0x29d: {  	v31 =	vld [tilespmem:$0x14350]  }
0x29e: {  	v15 =	vld [tilespmem:$0x143D0]  }
0x29f: {  	v16 =	vld [tilespmem:$0x14260]  }
0x2a0: {  	v32 =	vld [tilespmem:$0x14360];
	v0 =	vadd.f32 v1, v0;
	v2 =	vadd.f32 v3, v2  }
0x2a1: {  	v33 =	vld [tilespmem:$0x142E0];
	v1 =	vadd.f32 v24, v4;
	v5 =	vadd.f32 v6, v5  }
0x2a2: {  	v34 =	vld [tilespmem:$0x143E0];
	v3 =	vadd.f32 v7, v25;
	v4 =	vadd.f32 v27, v26  }
0x2a3: {  	v35 =	vld [tilespmem:$0x14270];
	v7 =	vadd.f32 v28, v8;
	v9 =	vadd.f32 v10, v9  }
0x2a4: {  	v36 =	vld [tilespmem:$0x14370];
	v6 =	vadd.f32 v12, v29;
	v11 =	vadd.f32 v13, v11;
	v0 =	vmul.f32 $5.000000000e-01, v0  }
0x2a5: {  	v10 =	vadd.f32 v31, v14;
	v2 =	vmul.f32 $5.000000000e-01, v2;
	v1 =	vmul.f32 $5.000000000e-01, v1  }
0x2a6: {  	v8 =	vadd.f32 v15, v30;
	v5 =	vmul.f32 $5.000000000e-01, v5;
	v3 =	vmul.f32 $5.000000000e-01, v3  }
0x2a7: {  	v12 =	vadd.f32 v32, v16;
	v4 =	vmul.f32 $5.000000000e-01, v4;
	v7 =	vmul.f32 $5.000000000e-01, v7  }
0x2a8: {  	v13 =	vadd.f32 v34, v33;
	v9 =	vmul.f32 $5.000000000e-01, v9;
	v6 =	vmul.f32 $5.000000000e-01, v6  }
0x2a9: {  	v15 =	vadd.f32 v36, v35;
	v11 =	vmul.f32 $5.000000000e-01, v11;
	v10 =	vmul.f32 $5.000000000e-01, v10  }
0x2aa: {  	v8 =	vmul.f32 $5.000000000e-01, v8;
	v40 =	vmul.f32 $5.000000000e-01, v12  }
0x2ab: {  	v46 =	vmul.f32 $5.000000000e-01, v13;
	v48 =	vmul.f32 $5.000000000e-01, v15  }
0x2ac: {  	v0 =	vmul.f32 $9.990000000e+02, v0;
	v2 =	vmul.f32 $9.990000000e+02, v2  }
0x2ad: {  	v1 =	vmul.f32 $9.990000000e+02, v1;
	v5 =	vmul.f32 $9.990000000e+02, v5  }
0x2ae: {  	v3 =	vmul.f32 $9.990000000e+02, v3;
	v4 =	vmul.f32 $9.990000000e+02, v4  }
0x2af: {  	v7 =	vmul.f32 $9.990000000e+02, v7;
	v9 =	vmul.f32 $9.990000000e+02, v9  }
0x2b0: {  	v6 =	vmul.f32 $9.990000000e+02, v6;
	v11 =	vmul.f32 $9.990000000e+02, v11  }
0x2b1: {  	v10 =	vmul.f32 $9.990000000e+02, v10;
	v8 =	vmul.f32 $9.990000000e+02, v8  }
0x2b2: {  	v43 =	vmul.f32 $9.990000000e+02, v40;
	v50 =	vmul.f32 $9.990000000e+02, v46  }
0x2b3: {  	v52 =	vmul.f32 $9.990000000e+02, v48;
	v0 =	vtrunc.f32 v0  }
0x2b4: {  	v2 =	vtrunc.f32 v2;
	v1 =	vtrunc.f32 v1  }
0x2b5: {  	v5 =	vtrunc.f32 v5;
	v3 =	vtrunc.f32 v3  }
0x2b6: {  	v4 =	vtrunc.f32 v4;
	v7 =	vtrunc.f32 v7  }
0x2b7: {  	v9 =	vtrunc.f32 v9;
	v6 =	vtrunc.f32 v6  }
0x2b8: {  	v11 =	vtrunc.f32 v11;
	v10 =	vtrunc.f32 v10  }
0x2b9: {  	v37 =	vld [tilespmem:$0x142F0];
	v8 =	vtrunc.f32 v8;
	v53 =	vtrunc.f32 v50  }
0x2ba: {  	v38 =	vld [tilespmem:$0x143F0];
	v55 =	vtrunc.f32 v52;
	v0 =	vcvt.f32.s32 v0  }
0x2bb: {  	v2 =	vcvt.f32.s32 v2;
	v1 =	vcvt.f32.s32 v1  }
0x2bc: {  	v5 =	vcvt.f32.s32 v5;
	v3 =	vcvt.f32.s32 v3  }
0x2bd: {  	v4 =	vcvt.f32.s32 v4;
	v7 =	vcvt.f32.s32 v7  }
0x2be: {  	v9 =	vcvt.f32.s32 v9;
	v6 =	vcvt.f32.s32 v6  }
0x2bf: {  	v41 =	vadd.f32 v38, v37;
	v11 =	vcvt.f32.s32 v11;
	v10 =	vcvt.f32.s32 v10  }
0x2c0: {  	v8 =	vcvt.f32.s32 v8;
	v56 =	vcvt.f32.s32 v55;
	vm0 =	vgt.s32 v0, $0x0  }
0x2c1: {  	vm1 =	vgt.s32 v2, $0x0;
	vm14 =	vgt.s32 v1, $0x0;
	vm15 =	vgt.s32 v5, $0x0  }
0x2c2: {  	vm4 =	vgt.s32 v3, $0x0;
	vm5 =	vgt.s32 v4, $0x0;
	vm6 =	vgt.s32 v7, $0x0  }
0x2c3: {  	vm7 =	vgt.s32 v9, $0x0;
	vm8 =	vgt.s32 v6, $0x0;
	v0 =	vnsel vm0, $0x0, v0  }
0x2c4: {  	vm9 =	vgt.s32 v11, $0x0;
	v2 =	vnsel vm1, $0x0, v2;
	v0 =	vmin.u32 v0, $0x3E7  }
0x2c5: {  	vm10 =	vgt.s32 v10, $0x0;
	v1 =	vnsel vm14, $0x0, v1;
	v2 =	vmin.u32 v2, $0x3E7;
	[tilespmem:$0x14A80] =	vst v0  }
0x2c6: {  	vm11 =	vgt.s32 v8, $0x0;
	v5 =	vnsel vm15, $0x0, v5;
	v1 =	vmin.u32 v1, $0x3E7;
	[tilespmem:$0x14D00] =	vst v2  }
0x2c7: {  	v3 =	vnsel vm4, $0x0, v3;
	v4 =	vnsel vm5, $0x0, v4;
	v42 =	vmin.u32 v5, $0x3E7;
	[tilespmem:$0x14A90] =	vst v1  }
0x2c8: {  	v7 =	vnsel vm6, $0x0, v7;
	v9 =	vnsel vm7, $0x0, v9;
	v3 =	vmin.u32 v3, $0x3E7;
	[tilespmem:$0x14D10] =	vst v42  }
0x2c9: {  	v6 =	vnsel vm8, $0x0, v6;
	v11 =	vnsel vm9, $0x0, v11;
	v44 =	vmin.u32 v4, $0x3E7;
	[tilespmem:$0x14AA0] =	vst v3  }
0x2ca: {  	v39 =	vnsel vm10, $0x0, v10;
	v45 =	vmin.u32 v7, $0x3E7;
	[tilespmem:$0x14D20] =	vst v44;
	v2 =	vmul.f32 $5.000000000e-01, v41  }
0x2cb: {  	v8 =	vnsel vm11, $0x0, v8;
	vm14 =	vgt.s32 v56, $0x0;
	v47 =	vmin.u32 v9, $0x3E7;
	[tilespmem:$0x14AB0] =	vst v45  }
0x2cc: {  	v5 =	vtrunc.f32 v43;
	v49 =	vmin.u32 v6, $0x3E7;
	[tilespmem:$0x14D30] =	vst v47;
	v2 =	vmul.f32 $9.990000000e+02, v2  }
0x2cd: {  	v51 =	vmin.u32 v11, $0x3E7;
	v54 =	vmin.u32 v8, $0x3E7;
	v5 =	vcvt.f32.s32 v5;
	[tilespmem:$0x14AC0] =	vst v49  }
0x2ce: {  	v60 =	vnsel vm14, $0x0, v56;
	v3 =	vcvt.f32.s32 v53;
	[tilespmem:$0x14D40] =	vst v51;
	v2 =	vtrunc.f32 v2  }
0x2cf: {  	v0 =	vmin.u32 v39, $0x3E7;
	[tilespmem:$0x14D50] =	vst v54;
	vm12 =	vgt.s32 v5, $0x0;
	v2 =	vcvt.f32.s32 v2  }
0x2d0: {  	v61 =	vmin.u32 v60, $0x3E7;
	[tilespmem:$0x14AD0] =	vst v0;
	vm13 =	vgt.s32 v3, $0x0;
	v57 =	vnsel vm12, $0x0, v5  }
.Ltmp8:
0x2d1: {  	[tilespmem:$0x14AF0] =	vst v61;
	v58 =	vnsel vm13, $0x0, v3;
	v0 =	vmin.u32 v57, $0x3E7;
	vm15 =	vgt.s32 v2, $0x0;
	(pc) =	sbr.rel .LBB2_8-.Ltmp8, $4  }
0x2d2: {  	v59 =	vmin.u32 v58, $0x3E7;
	[tilespmem:$0x14AE0] =	vst v0;
	v62 =	vnsel vm15, $0x0, v2  }
0x2d3: {  	[tilespmem:$0x14D60] =	vst v59;
	v63 =	vmin.u32 v62, $0x3E7  }
0x2d4: {  	s17 =	simm.s32 $0x14600;
	[tilespmem:$0x14D70] =	vst v63  }
0x2d5: {  	[tilespmem:s17], [sflag:$0x13] =	stream.linear.gather [hbm4b:s9+s3], $0x200, $0x38;
	[tilespmem:$0x16E40] =	vst v63  }
.LBB2_10:
0x2d6: {  	_ =	sfence.sel $0x180000  }
0x2d7: {  	[bflag:$0x0] =	sbarrier.arrive $0xFFFF  }
0x2d8: {  	_ =	strace $0x90000047  }
0x2d9: {  	[bflag:$0x2] =	sbarrier.arrive $0xFFFF  }
0x2da: {  	s0 =	rddreg [dreg:$0x4]  }
0x2db: {  	s0 =	sadd.s32 @!p0 $0x100000, s0  }
0x2dc: {  	[sflag:s0] =	ssyncadd.tile.s32 @!p0 $0x1;
	_ =	shalt  }
.Lfunc_end2:
_tile_overlayer_lowered:
.L_overlay_start_2:
0x2dd: {  	(tag) =	ssettag $0x2  }
0x2de: {  	s0 =	rddreg [dreg:$0x0];
	s2 =	stileid.u32  }
0x2df: {  	s1 =	rddreg [dreg:$0x1];
	p0 =	sne.s32 s2, $0x0  }
0x2e0: {  	s3 =	rddreg [dreg:$0x2];
	[bflag:$0x3] =	sbarrier.arrive $0xFFFF;
	s2 =	simm.s32 @!p0 $0x1C15  }
0x2e1: {  	[timem:s3], [sflag:s2] =	dma.local @!p0 [hbm:s0], s1  }
0x2e2: {  	s0 =	simm.s32 @!p0 $0x15  }
0x2e3: {  	_ =	swait.ge @!p0 [sflag:s0], s1  }
0x2e4: {  	s1 =	ssub.s32 @!p0 $0x0, s1;
	[sflag:s0] =	ssyncset.done @!p0 $0x0  }
0x2e5: {  	[sflag:s0] =	ssyncadd.s32 @!p0 s1  }
0x2e6: {  	[bflag:$0x3] =	sbarrier.arrive $0xFFFF  }
0x2e7: {  	_ =	shalt  }

</sc_bundles>
